<compile_context>
chip_gen: v7x
topology: tpu7x:2x2x1
jax: 0.10.2.dev20260603
libtpu: 0.0.44.dev20260713+nightly
codegen_flags: <defaults>
</compile_context>

<pallas_src>
import jax
import jax.numpy as jnp
from jax import lax
from jax.experimental import pallas as pl
from jax.experimental.pallas import tpu as pltpu
from jax.experimental.pallas import tpu_sc as plsc
import functools

VOCAB = 1000000
DIM = 64
NC = 2
NS = 16
NW = NC * NS

BLK = 128


def _make_gather(n_seq: int, n_batch: int):
    nblk = n_seq * (n_batch // BLK)
    assert nblk % NW == 0
    bpw = nblk // NW
    assert bpw % 2 == 0
    bt_per_l = n_batch // BLK

    mesh = plsc.VectorSubcoreMesh(core_axis_name="c", subcore_axis_name="s")

    @functools.partial(
        pl.kernel,
        out_type=jax.ShapeDtypeStruct((n_seq, 8, bt_per_l, 8, BLK),
                                      jnp.float32),
        mesh=mesh,
        scratch_types=[
            pltpu.VMEM((bpw, BLK), jnp.int32),
            pltpu.VMEM((2, BLK, DIM), jnp.float32),
            pltpu.VMEM((2, 8, 8, BLK), jnp.float32),
            [pltpu.SemaphoreType.DMA] * 2,
            [pltpu.SemaphoreType.DMA] * 2,
        ],
        compiler_params=pltpu.CompilerParams(use_tc_tiling_on_sc=False,
                                             needs_layout_passes=False),
    )
    def gather_kernel(idx_hbm, table_hbm, out_hbm, idx_v, rows_v,
                      outb_v, gsems, osems):
        wid = lax.axis_index("s") * NC + lax.axis_index("c")
        blk0 = wid * bpw

        pltpu.sync_copy(idx_hbm.at[pl.ds(blk0, bpw)], idx_v)

        iot = lax.iota(jnp.int32, 16)

        def issue_gather(j, b):
            pltpu.async_copy(table_hbm.at[idx_v.at[j]], rows_v.at[b],
                             gsems[b])

        def out_dst(j):
            blk = blk0 + j
            l = blk // bt_per_l
            bt = blk - l * bt_per_l
            return out_hbm.at[l, :, bt, :, :]

        issue_gather(0, 0)

        @pl.loop(0, bpw, step=2)
        def _pair(j0):
            for b in range(2):
                j = j0 + b
                pltpu.make_async_copy(
                    table_hbm.at[idx_v.at[j]], rows_v.at[b],
                    gsems[b]).wait()
                @pl.when(j + 1 < bpw)
                def _():
                    issue_gather(j + 1, 1 - b)
                @pl.when(j0 > 0)
                def _():
                    pltpu.make_async_copy(
                        outb_v.at[b], out_dst(j - 2), osems[b]).wait()
                rowvs = [iot + bg * 16 for bg in range(8)]

                @pl.loop(0, DIM, step=8)
                def _diag(d0):
                    for dd in range(8):
                        colv = (d0 + dd + iot) & (DIM - 1)
                        ftv = lax.shift_right_logical(colv, 3)
                        fiv = colv & 7
                        for bg in range(8):
                            v = plsc.load_gather(
                                rows_v.at[b], [rowvs[bg], colv])
                            plsc.store_scatter(
                                outb_v.at[b], [ftv, fiv, rowvs[bg]], v)
                pltpu.async_copy(outb_v.at[b], out_dst(j), osems[b])

        for b in range(2):
            pltpu.make_async_copy(
                outb_v.at[b], out_dst(bpw - 2 + b), osems[b]).wait()

    return gather_kernel


def kernel(corpus, table):
    n_batch, n_seq = corpus.shape
    idx = corpus.T.reshape(n_seq * (n_batch // BLK), BLK).astype(jnp.int32)
    out5 = _make_gather(n_seq, n_batch)(idx, table)
    return out5.transpose(2, 4, 0, 1, 3).reshape(n_batch, n_seq, DIM)

# --- scband reference (transcript-rebuilt; emitter-appended) ---
"""Pipeline reference for scband-embedding-fast-text-54133767799483 (READ-ONLY COPY).

The authoritative reference and input builder live on the scoring server;
editing this copy changes nothing except your own understanding.
"""

import jax, jax.numpy as jnp
import numpy as np

VOCAB = 1000000
DIM = 64
B = 16384
L = 50

def setup_inputs(seed: int = 0) -> dict:
    key = jax.random.key(seed)
    k_idx, k_tab = jax.random.split(key)
    corpus = jax.random.randint(k_idx, (B, L), 0, VOCAB, dtype=jnp.int64)
    table = jax.random.normal(k_tab, (VOCAB, DIM), dtype=jnp.float32) * 0.02
    return {"corpus": corpus, "table": table}

def reference(corpus, table):
    # Faithful translation of EmbeddingFastText.forward: self.model.wv[corpus]
    # i.e. a plain embedding-table row gather keyed by token indices.
    return jnp.take(table, corpus, axis=0)

if __name__ == "__main__":
    import jax
    _d = setup_inputs()
    print(jax.jit(kernel)(*tuple(_d.values())))

</pallas_src>

<mosaic_0001>
#map = affine_map<(d0, d1) -> (0, 0)>
#map1 = affine_map<(d0, d1) -> (0, 0, 0, 0, 0)>
module attributes {stable_mosaic.version = 14 : i64} {
  func.func @gather_kernel(%arg0: i32, %arg1: i32, %arg2: memref<6400x128xi32, #tpu.memory_space<hbm>>, %arg3: memref<1000000x64xf32, #tpu.memory_space<hbm>>, %arg4: memref<50x8x128x8x128xf32, #tpu.memory_space<hbm>>, %arg5: memref<200x128xi32, #tpu.memory_space<vmem>>, %arg6: memref<2x128x64xf32, #tpu.memory_space<vmem>>, %arg7: memref<2x8x8x128xf32, #tpu.memory_space<vmem>>, %arg8: memref<!tpu.dma_semaphore, #tpu.memory_space<semaphore_mem>>, %arg9: memref<!tpu.dma_semaphore, #tpu.memory_space<semaphore_mem>>, %arg10: memref<!tpu.dma_semaphore, #tpu.memory_space<semaphore_mem>>, %arg11: memref<!tpu.dma_semaphore, #tpu.memory_space<semaphore_mem>>) attributes {dimension_semantics = [#tpu.dimension_semantics<core_parallel>, #tpu.dimension_semantics<subcore_parallel>], iteration_bounds = array<i64: 2, 16>, scalar_prefetch = 0 : i64, scratch_operands = 7 : i64, tpu.core_type = #tpu.core_type<sc_vector_subcore>, window_params = [{transform_indices = #map}, {transform_indices = #map}, {transform_indices = #map1}]} {
    %mul3A = arith.constant 2 : i32
    %mul3A_0 = arith.muli %arg1, %mul3A : i32
    %add3A = arith.addi %mul3A_0, %arg0 : i32
    %mul3A_1 = arith.constant 200 : i32
    %mul3A_2 = arith.muli %add3A, %mul3A_1 : i32
    "tpu.region"() ({
      %run_scoped3A = tpu.sem_alloc : memref<!tpu.dma_semaphore, #tpu.memory_space<semaphore_mem>>
      %dma_start3A_109 = arith.constant 0 : i32
      %dma_start3A_110 = tpu.memref_slice %arg2[%mul3A_2, %dma_start3A_109] : memref<6400x128xi32, #tpu.memory_space<hbm>> -> memref<200x128xi32, #tpu.memory_space<hbm>>
      %dma_start3A_111 = arith.constant 0 : i32
      %dma_start3A_112 = tpu.memref_slice %arg2[%mul3A_2, %dma_start3A_111] : memref<6400x128xi32, #tpu.memory_space<hbm>> -> memref<200x128xi32, #tpu.memory_space<hbm>>
      tpu.enqueue_dma source(%dma_start3A_112 : memref<200x128xi32, #tpu.memory_space<hbm>>) target(%arg5 : memref<200x128xi32, #tpu.memory_space<vmem>>) target_semaphore(%run_scoped3A : memref<!tpu.dma_semaphore, #tpu.memory_space<semaphore_mem>>)
      %dma_wait3A_113 = arith.constant 0 : i32
      %dma_wait3A_114 = tpu.memref_slice %arg2[%mul3A_2, %dma_wait3A_113] : memref<6400x128xi32, #tpu.memory_space<hbm>> -> memref<200x128xi32, #tpu.memory_space<hbm>>
      %dma_wait3A_115 = arith.constant 0 : i32
      %dma_wait3A_116 = tpu.memref_slice %arg2[%mul3A_2, %dma_wait3A_115] : memref<6400x128xi32, #tpu.memory_space<hbm>> -> memref<200x128xi32, #tpu.memory_space<hbm>>
      tpu.wait_dma2 semaphore(%run_scoped3A : memref<!tpu.dma_semaphore, #tpu.memory_space<semaphore_mem>>) src(%dma_wait3A_116 : memref<200x128xi32, #tpu.memory_space<hbm>>) dst(%arg5 : memref<200x128xi32, #tpu.memory_space<vmem>>)
      tpu.yield
    }) : () -> ()
    %iota3A = tpu.iota {dimensions = array<i32: 0>} : vector<16xi32>
    %dma_start3A = arith.constant 0 : i32
    %dma_start3A_3 = arith.constant 0 : i32
    %dma_start3A_4 = arith.constant 0 : i32
    %dma_start3A_5 = arith.constant 0 : i32
    %dma_start3A_6 = tpu.memref_slice %arg6[%dma_start3A_3, %dma_start3A_4, %dma_start3A_5] : memref<2x128x64xf32, #tpu.memory_space<vmem>> -> memref<1x128x64xf32, #tpu.memory_space<vmem>>
    %dma_start3A_7 = tpu.memref_squeeze %dma_start3A_6 : memref<1x128x64xf32, #tpu.memory_space<vmem>> -> memref<128x64xf32, #tpu.memory_space<vmem>>
    %dma_start3A_8 = arith.constant 0 : i32
    %dma_start3A_9 = tpu.memref_slice %arg5[%dma_start3A, %dma_start3A_8] : memref<200x128xi32, #tpu.memory_space<vmem>> -> memref<1x128xi32, #tpu.memory_space<vmem>>
    %dma_start3A_10 = tpu.memref_squeeze %dma_start3A_9 : memref<1x128xi32, #tpu.memory_space<vmem>> -> memref<128xi32, #tpu.memory_space<vmem>>
    %dma_start3A_11 = arith.constant 0 : i32
    %dma_start3A_12 = arith.constant 0 : i32
    %dma_start3A_13 = tpu.memref_slice %arg3[%dma_start3A_11, %dma_start3A_12] : memref<1000000x64xf32, #tpu.memory_space<hbm>> -> memref<1000000x64xf32, #tpu.memory_space<hbm>>
    tpu.enqueue_indirect_dma source(%dma_start3A_13 : memref<1000000x64xf32, #tpu.memory_space<hbm>>) target(%dma_start3A_7 : memref<128x64xf32, #tpu.memory_space<vmem>>) offsets(%dma_start3A_10 : memref<128xi32, #tpu.memory_space<vmem>>) semaphore(%arg8 : memref<!tpu.dma_semaphore, #tpu.memory_space<semaphore_mem>>)
    %scan3A = arith.constant 0 : i32
    %scan3A_14 = arith.constant 100 : i32
    %scan3A_15 = arith.addi %scan3A, %scan3A_14 : i32
    %scan3A_16 = arith.constant 1 : i32
    scf.for %scan3A_109 = %scan3A to %scan3A_15 step %scan3A_16  : i32 {
      %mul3A_110 = arith.constant 2 : i32
      %mul3A_111 = arith.muli %scan3A_109, %mul3A_110 : i32
      %add3A_112 = arith.constant 0 : i32
      %add3A_113 = arith.addi %add3A_112, %mul3A_111 : i32
      %add3A_114 = arith.constant 0 : i32
      %add3A_115 = arith.addi %add3A_113, %add3A_114 : i32
      %dma_wait3A_116 = arith.constant 0 : i32
      %dma_wait3A_117 = arith.constant 0 : i32
      %dma_wait3A_118 = arith.constant 0 : i32
      %dma_wait3A_119 = tpu.memref_slice %arg6[%dma_wait3A_116, %dma_wait3A_117, %dma_wait3A_118] : memref<2x128x64xf32, #tpu.memory_space<vmem>> -> memref<1x128x64xf32, #tpu.memory_space<vmem>>
      %dma_wait3A_120 = tpu.memref_squeeze %dma_wait3A_119 : memref<1x128x64xf32, #tpu.memory_space<vmem>> -> memref<128x64xf32, #tpu.memory_space<vmem>>
      %dma_wait3A_121 = arith.constant 0 : i32
      %dma_wait3A_122 = tpu.memref_slice %arg5[%add3A_115, %dma_wait3A_121] : memref<200x128xi32, #tpu.memory_space<vmem>> -> memref<1x128xi32, #tpu.memory_space<vmem>>
      %dma_wait3A_123 = tpu.memref_squeeze %dma_wait3A_122 : memref<1x128xi32, #tpu.memory_space<vmem>> -> memref<128xi32, #tpu.memory_space<vmem>>
      %dma_wait3A_124 = arith.constant 0 : i32
      %dma_wait3A_125 = arith.constant 0 : i32
      %dma_wait3A_126 = tpu.memref_slice %arg3[%dma_wait3A_124, %dma_wait3A_125] : memref<1000000x64xf32, #tpu.memory_space<hbm>> -> memref<1000000x64xf32, #tpu.memory_space<hbm>>
      tpu.wait_indirect_dma semaphore(%arg8 : memref<!tpu.dma_semaphore, #tpu.memory_space<semaphore_mem>>) src(%dma_wait3A_126 : memref<1000000x64xf32, #tpu.memory_space<hbm>>) dst(%dma_wait3A_120 : memref<128x64xf32, #tpu.memory_space<vmem>>)
      %add3A_127 = arith.constant 1 : i32
      %add3A_128 = arith.addi %add3A_115, %add3A_127 : i32
      %lt3A = arith.constant 200 : i32
      %lt3A_129 = arith.cmpi slt, %add3A_128, %lt3A : i32
      %convert_element_type3A = arith.extui %lt3A_129 : i1 to i32
      %cond3A = arith.constant 0 : i32
      %cond3A_130 = arith.cmpi ne, %convert_element_type3A, %cond3A : i32
      scf.if %cond3A_130 {
        %add3A_316 = arith.constant 1 : i32
        %add3A_317 = arith.addi %add3A_115, %add3A_316 : i32
        %dma_start3A_318 = arith.constant 1 : i32
        %dma_start3A_319 = arith.constant 0 : i32
        %dma_start3A_320 = arith.constant 0 : i32
        %dma_start3A_321 = tpu.memref_slice %arg6[%dma_start3A_318, %dma_start3A_319, %dma_start3A_320] : memref<2x128x64xf32, #tpu.memory_space<vmem>> -> memref<1x128x64xf32, #tpu.memory_space<vmem>>
        %dma_start3A_322 = tpu.memref_squeeze %dma_start3A_321 : memref<1x128x64xf32, #tpu.memory_space<vmem>> -> memref<128x64xf32, #tpu.memory_space<vmem>>
        %dma_start3A_323 = arith.constant 0 : i32
        %dma_start3A_324 = tpu.memref_slice %arg5[%add3A_317, %dma_start3A_323] : memref<200x128xi32, #tpu.memory_space<vmem>> -> memref<1x128xi32, #tpu.memory_space<vmem>>
        %dma_start3A_325 = tpu.memref_squeeze %dma_start3A_324 : memref<1x128xi32, #tpu.memory_space<vmem>> -> memref<128xi32, #tpu.memory_space<vmem>>
        %dma_start3A_326 = arith.constant 0 : i32
        %dma_start3A_327 = arith.constant 0 : i32
        %dma_start3A_328 = tpu.memref_slice %arg3[%dma_start3A_326, %dma_start3A_327] : memref<1000000x64xf32, #tpu.memory_space<hbm>> -> memref<1000000x64xf32, #tpu.memory_space<hbm>>
        tpu.enqueue_indirect_dma source(%dma_start3A_328 : memref<1000000x64xf32, #tpu.memory_space<hbm>>) target(%dma_start3A_322 : memref<128x64xf32, #tpu.memory_space<vmem>>) offsets(%dma_start3A_325 : memref<128xi32, #tpu.memory_space<vmem>>) semaphore(%arg9 : memref<!tpu.dma_semaphore, #tpu.memory_space<semaphore_mem>>)
      } else {
      }
      %gt3A = arith.constant 0 : i32
      %gt3A_131 = arith.cmpi sgt, %add3A_113, %gt3A : i32
      %convert_element_type3A_132 = arith.extui %gt3A_131 : i1 to i32
      %cond3A_133 = arith.constant 0 : i32
      %cond3A_134 = arith.cmpi ne, %convert_element_type3A_132, %cond3A_133 : i32
      scf.if %cond3A_134 {
        %sub3A_316 = arith.constant 2 : i32
        %sub3A_317 = arith.subi %add3A_115, %sub3A_316 : i32
        %add3A_318 = arith.addi %mul3A_2, %sub3A_317 : i32
        %jit3A_319 = arith.constant 128 : i32
        %div3A_320 = arith.divsi %add3A_318, %jit3A_319 : i32
        %sign3A_321 = arith.constant 0 : i32
        %sign3A_322 = arith.cmpi sgt, %add3A_318, %sign3A_321 : i32
        %sign3A_323 = arith.extui %sign3A_322 : i1 to i32
        %sign3A_324 = arith.constant 0 : i32
        %sign3A_325 = arith.cmpi slt, %add3A_318, %sign3A_324 : i32
        %sign3A_326 = arith.extui %sign3A_325 : i1 to i32
        %sign3A_327 = arith.subi %sign3A_323, %sign3A_326 : i32
        %sign3A_328 = arith.constant 0 : i32
        %sign3A_329 = arith.cmpi sgt, %jit3A_319, %sign3A_328 : i32
        %sign3A_330 = arith.extui %sign3A_329 : i1 to i32
        %sign3A_331 = arith.constant 0 : i32
        %sign3A_332 = arith.cmpi slt, %jit3A_319, %sign3A_331 : i32
        %sign3A_333 = arith.extui %sign3A_332 : i1 to i32
        %sign3A_334 = arith.subi %sign3A_330, %sign3A_333 : i32
        %ne3A_335 = arith.cmpi ne, %sign3A_327, %sign3A_334 : i32
        %rem3A_336 = arith.remsi %add3A_318, %jit3A_319 : i32
        %ne3A_337 = arith.constant 0 : i32
        %ne3A_338 = arith.cmpi ne, %rem3A_336, %ne3A_337 : i32
        %and3A_339 = arith.andi %ne3A_335, %ne3A_338 : i1
        %sub3A_340 = arith.constant 1 : i32
        %sub3A_341 = arith.subi %div3A_320, %sub3A_340 : i32
        %select_n3A_342 = arith.select %and3A_339, %sub3A_341, %div3A_320 : i32
        %mul3A_343 = arith.constant 128 : i32
        %mul3A_344 = arith.muli %select_n3A_342, %mul3A_343 : i32
        %sub3A_345 = arith.subi %add3A_318, %mul3A_344 : i32
        %dma_wait3A_346 = arith.constant 0 : i32
        %dma_wait3A_347 = arith.constant 0 : i32
        %dma_wait3A_348 = arith.constant 0 : i32
        %dma_wait3A_349 = arith.constant 0 : i32
        %dma_wait3A_350 = tpu.memref_slice %arg7[%dma_wait3A_346, %dma_wait3A_347, %dma_wait3A_348, %dma_wait3A_349] : memref<2x8x8x128xf32, #tpu.memory_space<vmem>> -> memref<1x8x8x128xf32, #tpu.memory_space<vmem>>
        %dma_wait3A_351 = tpu.memref_squeeze %dma_wait3A_350 : memref<1x8x8x128xf32, #tpu.memory_space<vmem>> -> memref<8x8x128xf32, #tpu.memory_space<vmem>>
        %dma_wait3A_352 = arith.constant 0 : i32
        %dma_wait3A_353 = arith.constant 0 : i32
        %dma_wait3A_354 = arith.constant 0 : i32
        %dma_wait3A_355 = tpu.memref_slice %arg4[%select_n3A_342, %dma_wait3A_352, %sub3A_345, %dma_wait3A_353, %dma_wait3A_354] : memref<50x8x128x8x128xf32, #tpu.memory_space<hbm>> -> memref<1x8x1x8x128xf32, #tpu.memory_space<hbm>>
        %dma_wait3A_356 = tpu.memref_squeeze %dma_wait3A_355 : memref<1x8x1x8x128xf32, #tpu.memory_space<hbm>> -> memref<8x8x128xf32, #tpu.memory_space<hbm>>
        %dma_wait3A_357 = arith.constant 0 : i32
        %dma_wait3A_358 = arith.constant 0 : i32
        %dma_wait3A_359 = arith.constant 0 : i32
        %dma_wait3A_360 = tpu.memref_slice %arg4[%select_n3A_342, %dma_wait3A_357, %sub3A_345, %dma_wait3A_358, %dma_wait3A_359] : memref<50x8x128x8x128xf32, #tpu.memory_space<hbm>> -> memref<1x8x1x8x128xf32, #tpu.memory_space<hbm>>
        %dma_wait3A_361 = tpu.memref_squeeze %dma_wait3A_360 : memref<1x8x1x8x128xf32, #tpu.memory_space<hbm>> -> memref<8x8x128xf32, #tpu.memory_space<hbm>>
        %dma_wait3A_362 = arith.constant 0 : i32
        %dma_wait3A_363 = arith.constant 0 : i32
        %dma_wait3A_364 = arith.constant 0 : i32
        %dma_wait3A_365 = tpu.memref_slice %arg7[%dma_wait3A_346, %dma_wait3A_362, %dma_wait3A_363, %dma_wait3A_364] : memref<2x8x8x128xf32, #tpu.memory_space<vmem>> -> memref<1x8x8x128xf32, #tpu.memory_space<vmem>>
        %dma_wait3A_366 = tpu.memref_squeeze %dma_wait3A_365 : memref<1x8x8x128xf32, #tpu.memory_space<vmem>> -> memref<8x8x128xf32, #tpu.memory_space<vmem>>
        tpu.wait_dma2 semaphore(%arg10 : memref<!tpu.dma_semaphore, #tpu.memory_space<semaphore_mem>>) src(%dma_wait3A_366 : memref<8x8x128xf32, #tpu.memory_space<vmem>>) dst(%dma_wait3A_361 : memref<8x8x128xf32, #tpu.memory_space<hbm>>)
      } else {
      }
      %add3A_135 = arith.constant 0 : i32
      %add3A_136 = vector.broadcast %add3A_135 : i32 to vector<16xi32>
      %add3A_137 = arith.addi %iota3A, %add3A_136 : vector<16xi32>
      %add3A_138 = arith.constant 16 : i32
      %add3A_139 = vector.broadcast %add3A_138 : i32 to vector<16xi32>
      %add3A_140 = arith.addi %iota3A, %add3A_139 : vector<16xi32>
      %add3A_141 = arith.constant 32 : i32
      %add3A_142 = vector.broadcast %add3A_141 : i32 to vector<16xi32>
      %add3A_143 = arith.addi %iota3A, %add3A_142 : vector<16xi32>
      %add3A_144 = arith.constant 48 : i32
      %add3A_145 = vector.broadcast %add3A_144 : i32 to vector<16xi32>
      %add3A_146 = arith.addi %iota3A, %add3A_145 : vector<16xi32>
      %add3A_147 = arith.constant 64 : i32
      %add3A_148 = vector.broadcast %add3A_147 : i32 to vector<16xi32>
      %add3A_149 = arith.addi %iota3A, %add3A_148 : vector<16xi32>
      %add3A_150 = arith.constant 80 : i32
      %add3A_151 = vector.broadcast %add3A_150 : i32 to vector<16xi32>
      %add3A_152 = arith.addi %iota3A, %add3A_151 : vector<16xi32>
      %add3A_153 = arith.constant 96 : i32
      %add3A_154 = vector.broadcast %add3A_153 : i32 to vector<16xi32>
      %add3A_155 = arith.addi %iota3A, %add3A_154 : vector<16xi32>
      %add3A_156 = arith.constant 112 : i32
      %add3A_157 = vector.broadcast %add3A_156 : i32 to vector<16xi32>
      %add3A_158 = arith.addi %iota3A, %add3A_157 : vector<16xi32>
      %scan3A_159 = arith.constant 0 : i32
      %scan3A_160 = arith.constant 8 : i32
      %scan3A_161 = arith.addi %scan3A_159, %scan3A_160 : i32
      %scan3A_162 = arith.constant 1 : i32
      scf.for %scan3A_316 = %scan3A_159 to %scan3A_161 step %scan3A_162  : i32 {
        %mul3A_317 = arith.constant 8 : i32
        %mul3A_318 = arith.muli %scan3A_316, %mul3A_317 : i32
        %add3A_319 = arith.constant 0 : i32
        %add3A_320 = arith.addi %add3A_319, %mul3A_318 : i32
        %add3A_321 = arith.constant 0 : i32
        %add3A_322 = arith.addi %add3A_320, %add3A_321 : i32
        %add3A_323 = vector.broadcast %add3A_322 : i32 to vector<16xi32>
        %add3A_324 = arith.addi %add3A_323, %iota3A : vector<16xi32>
        %and3A_325 = arith.constant 63 : i32
        %and3A_326 = vector.broadcast %and3A_325 : i32 to vector<16xi32>
        %and3A_327 = arith.andi %add3A_324, %and3A_326 : vector<16xi32>
        %shift_right_logical3A = arith.constant 3 : i32
        %shift_right_logical3A_328 = vector.broadcast %shift_right_logical3A : i32 to vector<16xi32>
        %shift_right_logical3A_329 = arith.shrui %and3A_327, %shift_right_logical3A_328 : vector<16xi32>
        %and3A_330 = arith.constant 7 : i32
        %and3A_331 = vector.broadcast %and3A_330 : i32 to vector<16xi32>
        %and3A_332 = arith.andi %and3A_327, %and3A_331 : vector<16xi32>
        %gather3A = arith.constant 0 : i32
        %gather3A_333 = arith.constant 0 : i32
        %gather3A_334 = arith.constant 0 : i32
        %gather3A_335 = tpu.memref_slice %arg6[%gather3A, %gather3A_333, %gather3A_334] : memref<2x128x64xf32, #tpu.memory_space<vmem>> -> memref<1x128x64xf32, #tpu.memory_space<vmem>>
        %gather3A_336 = tpu.memref_squeeze %gather3A_335 : memref<1x128x64xf32, #tpu.memory_space<vmem>> -> memref<128x64xf32, #tpu.memory_space<vmem>>
        %gather3A_337 = tpu.vector_load_idx %gather3A_336[%add3A_137, %and3A_327] : memref<128x64xf32, #tpu.memory_space<vmem>>[vector<16xi32>, vector<16xi32>], vector<16xf32>,
        %scatter3A = arith.constant 0 : i32
        %scatter3A_338 = arith.constant 0 : i32
        %scatter3A_339 = arith.constant 0 : i32
        %scatter3A_340 = arith.constant 0 : i32
        %scatter3A_341 = tpu.memref_slice %arg7[%scatter3A, %scatter3A_338, %scatter3A_339, %scatter3A_340] : memref<2x8x8x128xf32, #tpu.memory_space<vmem>> -> memref<1x8x8x128xf32, #tpu.memory_space<vmem>>
        %scatter3A_342 = tpu.memref_squeeze %scatter3A_341 : memref<1x8x8x128xf32, #tpu.memory_space<vmem>> -> memref<8x8x128xf32, #tpu.memory_space<vmem>>
        tpu.vector_store_idx %scatter3A_342[%shift_right_logical3A_329, %and3A_332, %add3A_137], %gather3A_337 : memref<8x8x128xf32, #tpu.memory_space<vmem>>[vector<16xi32>, vector<16xi32>, vector<16xi32>], vector<16xf32>,
        %gather3A_343 = arith.constant 0 : i32
        %gather3A_344 = arith.constant 0 : i32
        %gather3A_345 = arith.constant 0 : i32
        %gather3A_346 = tpu.memref_slice %arg6[%gather3A_343, %gather3A_344, %gather3A_345] : memref<2x128x64xf32, #tpu.memory_space<vmem>> -> memref<1x128x64xf32, #tpu.memory_space<vmem>>
        %gather3A_347 = tpu.memref_squeeze %gather3A_346 : memref<1x128x64xf32, #tpu.memory_space<vmem>> -> memref<128x64xf32, #tpu.memory_space<vmem>>
        %gather3A_348 = tpu.vector_load_idx %gather3A_347[%add3A_140, %and3A_327] : memref<128x64xf32, #tpu.memory_space<vmem>>[vector<16xi32>, vector<16xi32>], vector<16xf32>,
        %scatter3A_349 = arith.constant 0 : i32
        %scatter3A_350 = arith.constant 0 : i32
        %scatter3A_351 = arith.constant 0 : i32
        %scatter3A_352 = arith.constant 0 : i32
        %scatter3A_353 = tpu.memref_slice %arg7[%scatter3A_349, %scatter3A_350, %scatter3A_351, %scatter3A_352] : memref<2x8x8x128xf32, #tpu.memory_space<vmem>> -> memref<1x8x8x128xf32, #tpu.memory_space<vmem>>
        %scatter3A_354 = tpu.memref_squeeze %scatter3A_353 : memref<1x8x8x128xf32, #tpu.memory_space<vmem>> -> memref<8x8x128xf32, #tpu.memory_space<vmem>>
        tpu.vector_store_idx %scatter3A_354[%shift_right_logical3A_329, %and3A_332, %add3A_140], %gather3A_348 : memref<8x8x128xf32, #tpu.memory_space<vmem>>[vector<16xi32>, vector<16xi32>, vector<16xi32>], vector<16xf32>,
        %gather3A_355 = arith.constant 0 : i32
        %gather3A_356 = arith.constant 0 : i32
        %gather3A_357 = arith.constant 0 : i32
        %gather3A_358 = tpu.memref_slice %arg6[%gather3A_355, %gather3A_356, %gather3A_357] : memref<2x128x64xf32, #tpu.memory_space<vmem>> -> memref<1x128x64xf32, #tpu.memory_space<vmem>>
        %gather3A_359 = tpu.memref_squeeze %gather3A_358 : memref<1x128x64xf32, #tpu.memory_space<vmem>> -> memref<128x64xf32, #tpu.memory_space<vmem>>
        %gather3A_360 = tpu.vector_load_idx %gather3A_359[%add3A_143, %and3A_327] : memref<128x64xf32, #tpu.memory_space<vmem>>[vector<16xi32>, vector<16xi32>], vector<16xf32>,
        %scatter3A_361 = arith.constant 0 : i32
        %scatter3A_362 = arith.constant 0 : i32
        %scatter3A_363 = arith.constant 0 : i32
        %scatter3A_364 = arith.constant 0 : i32
        %scatter3A_365 = tpu.memref_slice %arg7[%scatter3A_361, %scatter3A_362, %scatter3A_363, %scatter3A_364] : memref<2x8x8x128xf32, #tpu.memory_space<vmem>> -> memref<1x8x8x128xf32, #tpu.memory_space<vmem>>
        %scatter3A_366 = tpu.memref_squeeze %scatter3A_365 : memref<1x8x8x128xf32, #tpu.memory_space<vmem>> -> memref<8x8x128xf32, #tpu.memory_space<vmem>>
        tpu.vector_store_idx %scatter3A_366[%shift_right_logical3A_329, %and3A_332, %add3A_143], %gather3A_360 : memref<8x8x128xf32, #tpu.memory_space<vmem>>[vector<16xi32>, vector<16xi32>, vector<16xi32>], vector<16xf32>,
        %gather3A_367 = arith.constant 0 : i32
        %gather3A_368 = arith.constant 0 : i32
        %gather3A_369 = arith.constant 0 : i32
        %gather3A_370 = tpu.memref_slice %arg6[%gather3A_367, %gather3A_368, %gather3A_369] : memref<2x128x64xf32, #tpu.memory_space<vmem>> -> memref<1x128x64xf32, #tpu.memory_space<vmem>>
        %gather3A_371 = tpu.memref_squeeze %gather3A_370 : memref<1x128x64xf32, #tpu.memory_space<vmem>> -> memref<128x64xf32, #tpu.memory_space<vmem>>
        %gather3A_372 = tpu.vector_load_idx %gather3A_371[%add3A_146, %and3A_327] : memref<128x64xf32, #tpu.memory_space<vmem>>[vector<16xi32>, vector<16xi32>], vector<16xf32>,
        %scatter3A_373 = arith.constant 0 : i32
        %scatter3A_374 = arith.constant 0 : i32
        %scatter3A_375 = arith.constant 0 : i32
        %scatter3A_376 = arith.constant 0 : i32
        %scatter3A_377 = tpu.memref_slice %arg7[%scatter3A_373, %scatter3A_374, %scatter3A_375, %scatter3A_376] : memref<2x8x8x128xf32, #tpu.memory_space<vmem>> -> memref<1x8x8x128xf32, #tpu.memory_space<vmem>>
        %scatter3A_378 = tpu.memref_squeeze %scatter3A_377 : memref<1x8x8x128xf32, #tpu.memory_space<vmem>> -> memref<8x8x128xf32, #tpu.memory_space<vmem>>
        tpu.vector_store_idx %scatter3A_378[%shift_right_logical3A_329, %and3A_332, %add3A_146], %gather3A_372 : memref<8x8x128xf32, #tpu.memory_space<vmem>>[vector<16xi32>, vector<16xi32>, vector<16xi32>], vector<16xf32>,
        %gather3A_379 = arith.constant 0 : i32
        %gather3A_380 = arith.constant 0 : i32
        %gather3A_381 = arith.constant 0 : i32
        %gather3A_382 = tpu.memref_slice %arg6[%gather3A_379, %gather3A_380, %gather3A_381] : memref<2x128x64xf32, #tpu.memory_space<vmem>> -> memref<1x128x64xf32, #tpu.memory_space<vmem>>
        %gather3A_383 = tpu.memref_squeeze %gather3A_382 : memref<1x128x64xf32, #tpu.memory_space<vmem>> -> memref<128x64xf32, #tpu.memory_space<vmem>>
        %gather3A_384 = tpu.vector_load_idx %gather3A_383[%add3A_149, %and3A_327] : memref<128x64xf32, #tpu.memory_space<vmem>>[vector<16xi32>, vector<16xi32>], vector<16xf32>,
        %scatter3A_385 = arith.constant 0 : i32
        %scatter3A_386 = arith.constant 0 : i32
        %scatter3A_387 = arith.constant 0 : i32
        %scatter3A_388 = arith.constant 0 : i32
        %scatter3A_389 = tpu.memref_slice %arg7[%scatter3A_385, %scatter3A_386, %scatter3A_387, %scatter3A_388] : memref<2x8x8x128xf32, #tpu.memory_space<vmem>> -> memref<1x8x8x128xf32, #tpu.memory_space<vmem>>
        %scatter3A_390 = tpu.memref_squeeze %scatter3A_389 : memref<1x8x8x128xf32, #tpu.memory_space<vmem>> -> memref<8x8x128xf32, #tpu.memory_space<vmem>>
        tpu.vector_store_idx %scatter3A_390[%shift_right_logical3A_329, %and3A_332, %add3A_149], %gather3A_384 : memref<8x8x128xf32, #tpu.memory_space<vmem>>[vector<16xi32>, vector<16xi32>, vector<16xi32>], vector<16xf32>,
        %gather3A_391 = arith.constant 0 : i32
        %gather3A_392 = arith.constant 0 : i32
        %gather3A_393 = arith.constant 0 : i32
        %gather3A_394 = tpu.memref_slice %arg6[%gather3A_391, %gather3A_392, %gather3A_393] : memref<2x128x64xf32, #tpu.memory_space<vmem>> -> memref<1x128x64xf32, #tpu.memory_space<vmem>>
        %gather3A_395 = tpu.memref_squeeze %gather3A_394 : memref<1x128x64xf32, #tpu.memory_space<vmem>> -> memref<128x64xf32, #tpu.memory_space<vmem>>
        %gather3A_396 = tpu.vector_load_idx %gather3A_395[%add3A_152, %and3A_327] : memref<128x64xf32, #tpu.memory_space<vmem>>[vector<16xi32>, vector<16xi32>], vector<16xf32>,
        %scatter3A_397 = arith.constant 0 : i32
        %scatter3A_398 = arith.constant 0 : i32
        %scatter3A_399 = arith.constant 0 : i32
        %scatter3A_400 = arith.constant 0 : i32
        %scatter3A_401 = tpu.memref_slice %arg7[%scatter3A_397, %scatter3A_398, %scatter3A_399, %scatter3A_400] : memref<2x8x8x128xf32, #tpu.memory_space<vmem>> -> memref<1x8x8x128xf32, #tpu.memory_space<vmem>>
        %scatter3A_402 = tpu.memref_squeeze %scatter3A_401 : memref<1x8x8x128xf32, #tpu.memory_space<vmem>> -> memref<8x8x128xf32, #tpu.memory_space<vmem>>
        tpu.vector_store_idx %scatter3A_402[%shift_right_logical3A_329, %and3A_332, %add3A_152], %gather3A_396 : memref<8x8x128xf32, #tpu.memory_space<vmem>>[vector<16xi32>, vector<16xi32>, vector<16xi32>], vector<16xf32>,
        %gather3A_403 = arith.constant 0 : i32
        %gather3A_404 = arith.constant 0 : i32
        %gather3A_405 = arith.constant 0 : i32
        %gather3A_406 = tpu.memref_slice %arg6[%gather3A_403, %gather3A_404, %gather3A_405] : memref<2x128x64xf32, #tpu.memory_space<vmem>> -> memref<1x128x64xf32, #tpu.memory_space<vmem>>
        %gather3A_407 = tpu.memref_squeeze %gather3A_406 : memref<1x128x64xf32, #tpu.memory_space<vmem>> -> memref<128x64xf32, #tpu.memory_space<vmem>>
        %gather3A_408 = tpu.vector_load_idx %gather3A_407[%add3A_155, %and3A_327] : memref<128x64xf32, #tpu.memory_space<vmem>>[vector<16xi32>, vector<16xi32>], vector<16xf32>,
        %scatter3A_409 = arith.constant 0 : i32
        %scatter3A_410 = arith.constant 0 : i32
        %scatter3A_411 = arith.constant 0 : i32
        %scatter3A_412 = arith.constant 0 : i32
        %scatter3A_413 = tpu.memref_slice %arg7[%scatter3A_409, %scatter3A_410, %scatter3A_411, %scatter3A_412] : memref<2x8x8x128xf32, #tpu.memory_space<vmem>> -> memref<1x8x8x128xf32, #tpu.memory_space<vmem>>
        %scatter3A_414 = tpu.memref_squeeze %scatter3A_413 : memref<1x8x8x128xf32, #tpu.memory_space<vmem>> -> memref<8x8x128xf32, #tpu.memory_space<vmem>>
        tpu.vector_store_idx %scatter3A_414[%shift_right_logical3A_329, %and3A_332, %add3A_155], %gather3A_408 : memref<8x8x128xf32, #tpu.memory_space<vmem>>[vector<16xi32>, vector<16xi32>, vector<16xi32>], vector<16xf32>,
        %gather3A_415 = arith.constant 0 : i32
        %gather3A_416 = arith.constant 0 : i32
        %gather3A_417 = arith.constant 0 : i32
        %gather3A_418 = tpu.memref_slice %arg6[%gather3A_415, %gather3A_416, %gather3A_417] : memref<2x128x64xf32, #tpu.memory_space<vmem>> -> memref<1x128x64xf32, #tpu.memory_space<vmem>>
        %gather3A_419 = tpu.memref_squeeze %gather3A_418 : memref<1x128x64xf32, #tpu.memory_space<vmem>> -> memref<128x64xf32, #tpu.memory_space<vmem>>
        %gather3A_420 = tpu.vector_load_idx %gather3A_419[%add3A_158, %and3A_327] : memref<128x64xf32, #tpu.memory_space<vmem>>[vector<16xi32>, vector<16xi32>], vector<16xf32>,
        %scatter3A_421 = arith.constant 0 : i32
        %scatter3A_422 = arith.constant 0 : i32
        %scatter3A_423 = arith.constant 0 : i32
        %scatter3A_424 = arith.constant 0 : i32
        %scatter3A_425 = tpu.memref_slice %arg7[%scatter3A_421, %scatter3A_422, %scatter3A_423, %scatter3A_424] : memref<2x8x8x128xf32, #tpu.memory_space<vmem>> -> memref<1x8x8x128xf32, #tpu.memory_space<vmem>>
        %scatter3A_426 = tpu.memref_squeeze %scatter3A_425 : memref<1x8x8x128xf32, #tpu.memory_space<vmem>> -> memref<8x8x128xf32, #tpu.memory_space<vmem>>
        tpu.vector_store_idx %scatter3A_426[%shift_right_logical3A_329, %and3A_332, %add3A_158], %gather3A_420 : memref<8x8x128xf32, #tpu.memory_space<vmem>>[vector<16xi32>, vector<16xi32>, vector<16xi32>], vector<16xf32>,
        %add3A_427 = arith.constant 1 : i32
        %add3A_428 = arith.addi %add3A_320, %add3A_427 : i32
        %add3A_429 = vector.broadcast %add3A_428 : i32 to vector<16xi32>
        %add3A_430 = arith.addi %add3A_429, %iota3A : vector<16xi32>
        %and3A_431 = arith.constant 63 : i32
        %and3A_432 = vector.broadcast %and3A_431 : i32 to vector<16xi32>
        %and3A_433 = arith.andi %add3A_430, %and3A_432 : vector<16xi32>
        %shift_right_logical3A_434 = arith.constant 3 : i32
        %shift_right_logical3A_435 = vector.broadcast %shift_right_logical3A_434 : i32 to vector<16xi32>
        %shift_right_logical3A_436 = arith.shrui %and3A_433, %shift_right_logical3A_435 : vector<16xi32>
        %and3A_437 = arith.constant 7 : i32
        %and3A_438 = vector.broadcast %and3A_437 : i32 to vector<16xi32>
        %and3A_439 = arith.andi %and3A_433, %and3A_438 : vector<16xi32>
        %gather3A_440 = arith.constant 0 : i32
        %gather3A_441 = arith.constant 0 : i32
        %gather3A_442 = arith.constant 0 : i32
        %gather3A_443 = tpu.memref_slice %arg6[%gather3A_440, %gather3A_441, %gather3A_442] : memref<2x128x64xf32, #tpu.memory_space<vmem>> -> memref<1x128x64xf32, #tpu.memory_space<vmem>>
        %gather3A_444 = tpu.memref_squeeze %gather3A_443 : memref<1x128x64xf32, #tpu.memory_space<vmem>> -> memref<128x64xf32, #tpu.memory_space<vmem>>
        %gather3A_445 = tpu.vector_load_idx %gather3A_444[%add3A_137, %and3A_433] : memref<128x64xf32, #tpu.memory_space<vmem>>[vector<16xi32>, vector<16xi32>], vector<16xf32>,
        %scatter3A_446 = arith.constant 0 : i32
        %scatter3A_447 = arith.constant 0 : i32
        %scatter3A_448 = arith.constant 0 : i32
        %scatter3A_449 = arith.constant 0 : i32
        %scatter3A_450 = tpu.memref_slice %arg7[%scatter3A_446, %scatter3A_447, %scatter3A_448, %scatter3A_449] : memref<2x8x8x128xf32, #tpu.memory_space<vmem>> -> memref<1x8x8x128xf32, #tpu.memory_space<vmem>>
        %scatter3A_451 = tpu.memref_squeeze %scatter3A_450 : memref<1x8x8x128xf32, #tpu.memory_space<vmem>> -> memref<8x8x128xf32, #tpu.memory_space<vmem>>
        tpu.vector_store_idx %scatter3A_451[%shift_right_logical3A_436, %and3A_439, %add3A_137], %gather3A_445 : memref<8x8x128xf32, #tpu.memory_space<vmem>>[vector<16xi32>, vector<16xi32>, vector<16xi32>], vector<16xf32>,
        %gather3A_452 = arith.constant 0 : i32
        %gather3A_453 = arith.constant 0 : i32
        %gather3A_454 = arith.constant 0 : i32
        %gather3A_455 = tpu.memref_slice %arg6[%gather3A_452, %gather3A_453, %gather3A_454] : memref<2x128x64xf32, #tpu.memory_space<vmem>> -> memref<1x128x64xf32, #tpu.memory_space<vmem>>
        %gather3A_456 = tpu.memref_squeeze %gather3A_455 : memref<1x128x64xf32, #tpu.memory_space<vmem>> -> memref<128x64xf32, #tpu.memory_space<vmem>>
        %gather3A_457 = tpu.vector_load_idx %gather3A_456[%add3A_140, %and3A_433] : memref<128x64xf32, #tpu.memory_space<vmem>>[vector<16xi32>, vector<16xi32>], vector<16xf32>,
        %scatter3A_458 = arith.constant 0 : i32
        %scatter3A_459 = arith.constant 0 : i32
        %scatter3A_460 = arith.constant 0 : i32
        %scatter3A_461 = arith.constant 0 : i32
        %scatter3A_462 = tpu.memref_slice %arg7[%scatter3A_458, %scatter3A_459, %scatter3A_460, %scatter3A_461] : memref<2x8x8x128xf32, #tpu.memory_space<vmem>> -> memref<1x8x8x128xf32, #tpu.memory_space<vmem>>
        %scatter3A_463 = tpu.memref_squeeze %scatter3A_462 : memref<1x8x8x128xf32, #tpu.memory_space<vmem>> -> memref<8x8x128xf32, #tpu.memory_space<vmem>>
        tpu.vector_store_idx %scatter3A_463[%shift_right_logical3A_436, %and3A_439, %add3A_140], %gather3A_457 : memref<8x8x128xf32, #tpu.memory_space<vmem>>[vector<16xi32>, vector<16xi32>, vector<16xi32>], vector<16xf32>,
        %gather3A_464 = arith.constant 0 : i32
        %gather3A_465 = arith.constant 0 : i32
        %gather3A_466 = arith.constant 0 : i32
        %gather3A_467 = tpu.memref_slice %arg6[%gather3A_464, %gather3A_465, %gather3A_466] : memref<2x128x64xf32, #tpu.memory_space<vmem>> -> memref<1x128x64xf32, #tpu.memory_space<vmem>>
        %gather3A_468 = tpu.memref_squeeze %gather3A_467 : memref<1x128x64xf32, #tpu.memory_space<vmem>> -> memref<128x64xf32, #tpu.memory_space<vmem>>
        %gather3A_469 = tpu.vector_load_idx %gather3A_468[%add3A_143, %and3A_433] : memref<128x64xf32, #tpu.memory_space<vmem>>[vector<16xi32>, vector<16xi32>], vector<16xf32>,
        %scatter3A_470 = arith.constant 0 : i32
        %scatter3A_471 = arith.constant 0 : i32
        %scatter3A_472 = arith.constant 0 : i32
        %scatter3A_473 = arith.constant 0 : i32
        %scatter3A_474 = tpu.memref_slice %arg7[%scatter3A_470, %scatter3A_471, %scatter3A_472, %scatter3A_473] : memref<2x8x8x128xf32, #tpu.memory_space<vmem>> -> memref<1x8x8x128xf32, #tpu.memory_space<vmem>>
        %scatter3A_475 = tpu.memref_squeeze %scatter3A_474 : memref<1x8x8x128xf32, #tpu.memory_space<vmem>> -> memref<8x8x128xf32, #tpu.memory_space<vmem>>
        tpu.vector_store_idx %scatter3A_475[%shift_right_logical3A_436, %and3A_439, %add3A_143], %gather3A_469 : memref<8x8x128xf32, #tpu.memory_space<vmem>>[vector<16xi32>, vector<16xi32>, vector<16xi32>], vector<16xf32>,
        %gather3A_476 = arith.constant 0 : i32
        %gather3A_477 = arith.constant 0 : i32
        %gather3A_478 = arith.constant 0 : i32
        %gather3A_479 = tpu.memref_slice %arg6[%gather3A_476, %gather3A_477, %gather3A_478] : memref<2x128x64xf32, #tpu.memory_space<vmem>> -> memref<1x128x64xf32, #tpu.memory_space<vmem>>
        %gather3A_480 = tpu.memref_squeeze %gather3A_479 : memref<1x128x64xf32, #tpu.memory_space<vmem>> -> memref<128x64xf32, #tpu.memory_space<vmem>>
        %gather3A_481 = tpu.vector_load_idx %gather3A_480[%add3A_146, %and3A_433] : memref<128x64xf32, #tpu.memory_space<vmem>>[vector<16xi32>, vector<16xi32>], vector<16xf32>,
        %scatter3A_482 = arith.constant 0 : i32
        %scatter3A_483 = arith.constant 0 : i32
        %scatter3A_484 = arith.constant 0 : i32
        %scatter3A_485 = arith.constant 0 : i32
        %scatter3A_486 = tpu.memref_slice %arg7[%scatter3A_482, %scatter3A_483, %scatter3A_484, %scatter3A_485] : memref<2x8x8x128xf32, #tpu.memory_space<vmem>> -> memref<1x8x8x128xf32, #tpu.memory_space<vmem>>
        %scatter3A_487 = tpu.memref_squeeze %scatter3A_486 : memref<1x8x8x128xf32, #tpu.memory_space<vmem>> -> memref<8x8x128xf32, #tpu.memory_space<vmem>>
        tpu.vector_store_idx %scatter3A_487[%shift_right_logical3A_436, %and3A_439, %add3A_146], %gather3A_481 : memref<8x8x128xf32, #tpu.memory_space<vmem>>[vector<16xi32>, vector<16xi32>, vector<16xi32>], vector<16xf32>,
        %gather3A_488 = arith.constant 0 : i32
        %gather3A_489 = arith.constant 0 : i32
        %gather3A_490 = arith.constant 0 : i32
        %gather3A_491 = tpu.memref_slice %arg6[%gather3A_488, %gather3A_489, %gather3A_490] : memref<2x128x64xf32, #tpu.memory_space<vmem>> -> memref<1x128x64xf32, #tpu.memory_space<vmem>>
        %gather3A_492 = tpu.memref_squeeze %gather3A_491 : memref<1x128x64xf32, #tpu.memory_space<vmem>> -> memref<128x64xf32, #tpu.memory_space<vmem>>
        %gather3A_493 = tpu.vector_load_idx %gather3A_492[%add3A_149, %and3A_433] : memref<128x64xf32, #tpu.memory_space<vmem>>[vector<16xi32>, vector<16xi32>], vector<16xf32>,
        %scatter3A_494 = arith.constant 0 : i32
        %scatter3A_495 = arith.constant 0 : i32
        %scatter3A_496 = arith.constant 0 : i32
        %scatter3A_497 = arith.constant 0 : i32
        %scatter3A_498 = tpu.memref_slice %arg7[%scatter3A_494, %scatter3A_495, %scatter3A_496, %scatter3A_497] : memref<2x8x8x128xf32, #tpu.memory_space<vmem>> -> memref<1x8x8x128xf32, #tpu.memory_space<vmem>>
        %scatter3A_499 = tpu.memref_squeeze %scatter3A_498 : memref<1x8x8x128xf32, #tpu.memory_space<vmem>> -> memref<8x8x128xf32, #tpu.memory_space<vmem>>
        tpu.vector_store_idx %scatter3A_499[%shift_right_logical3A_436, %and3A_439, %add3A_149], %gather3A_493 : memref<8x8x128xf32, #tpu.memory_space<vmem>>[vector<16xi32>, vector<16xi32>, vector<16xi32>], vector<16xf32>,
        %gather3A_500 = arith.constant 0 : i32
        %gather3A_501 = arith.constant 0 : i32
        %gather3A_502 = arith.constant 0 : i32
        %gather3A_503 = tpu.memref_slice %arg6[%gather3A_500, %gather3A_501, %gather3A_502] : memref<2x128x64xf32, #tpu.memory_space<vmem>> -> memref<1x128x64xf32, #tpu.memory_space<vmem>>
        %gather3A_504 = tpu.memref_squeeze %gather3A_503 : memref<1x128x64xf32, #tpu.memory_space<vmem>> -> memref<128x64xf32, #tpu.memory_space<vmem>>
        %gather3A_505 = tpu.vector_load_idx %gather3A_504[%add3A_152, %and3A_433] : memref<128x64xf32, #tpu.memory_space<vmem>>[vector<16xi32>, vector<16xi32>], vector<16xf32>,
        %scatter3A_506 = arith.constant 0 : i32
        %scatter3A_507 = arith.constant 0 : i32
        %scatter3A_508 = arith.constant 0 : i32
        %scatter3A_509 = arith.constant 0 : i32
        %scatter3A_510 = tpu.memref_slice %arg7[%scatter3A_506, %scatter3A_507, %scatter3A_508, %scatter3A_509] : memref<2x8x8x128xf32, #tpu.memory_space<vmem>> -> memref<1x8x8x128xf32, #tpu.memory_space<vmem>>
        %scatter3A_511 = tpu.memref_squeeze %scatter3A_510 : memref<1x8x8x128xf32, #tpu.memory_space<vmem>> -> memref<8x8x128xf32, #tpu.memory_space<vmem>>
        tpu.vector_store_idx %scatter3A_511[%shift_right_logical3A_436, %and3A_439, %add3A_152], %gather3A_505 : memref<8x8x128xf32, #tpu.memory_space<vmem>>[vector<16xi32>, vector<16xi32>, vector<16xi32>], vector<16xf32>,
        %gather3A_512 = arith.constant 0 : i32
        %gather3A_513 = arith.constant 0 : i32
        %gather3A_514 = arith.constant 0 : i32
        %gather3A_515 = tpu.memref_slice %arg6[%gather3A_512, %gather3A_513, %gather3A_514] : memref<2x128x64xf32, #tpu.memory_space<vmem>> -> memref<1x128x64xf32, #tpu.memory_space<vmem>>
        %gather3A_516 = tpu.memref_squeeze %gather3A_515 : memref<1x128x64xf32, #tpu.memory_space<vmem>> -> memref<128x64xf32, #tpu.memory_space<vmem>>
        %gather3A_517 = tpu.vector_load_idx %gather3A_516[%add3A_155, %and3A_433] : memref<128x64xf32, #tpu.memory_space<vmem>>[vector<16xi32>, vector<16xi32>], vector<16xf32>,
        %scatter3A_518 = arith.constant 0 : i32
        %scatter3A_519 = arith.constant 0 : i32
        %scatter3A_520 = arith.constant 0 : i32
        %scatter3A_521 = arith.constant 0 : i32
        %scatter3A_522 = tpu.memref_slice %arg7[%scatter3A_518, %scatter3A_519, %scatter3A_520, %scatter3A_521] : memref<2x8x8x128xf32, #tpu.memory_space<vmem>> -> memref<1x8x8x128xf32, #tpu.memory_space<vmem>>
        %scatter3A_523 = tpu.memref_squeeze %scatter3A_522 : memref<1x8x8x128xf32, #tpu.memory_space<vmem>> -> memref<8x8x128xf32, #tpu.memory_space<vmem>>
        tpu.vector_store_idx %scatter3A_523[%shift_right_logical3A_436, %and3A_439, %add3A_155], %gather3A_517 : memref<8x8x128xf32, #tpu.memory_space<vmem>>[vector<16xi32>, vector<16xi32>, vector<16xi32>], vector<16xf32>,
        %gather3A_524 = arith.constant 0 : i32
        %gather3A_525 = arith.constant 0 : i32
        %gather3A_526 = arith.constant 0 : i32
        %gather3A_527 = tpu.memref_slice %arg6[%gather3A_524, %gather3A_525, %gather3A_526] : memref<2x128x64xf32, #tpu.memory_space<vmem>> -> memref<1x128x64xf32, #tpu.memory_space<vmem>>
        %gather3A_528 = tpu.memref_squeeze %gather3A_527 : memref<1x128x64xf32, #tpu.memory_space<vmem>> -> memref<128x64xf32, #tpu.memory_space<vmem>>
        %gather3A_529 = tpu.vector_load_idx %gather3A_528[%add3A_158, %and3A_433] : memref<128x64xf32, #tpu.memory_space<vmem>>[vector<16xi32>, vector<16xi32>], vector<16xf32>,
        %scatter3A_530 = arith.constant 0 : i32
        %scatter3A_531 = arith.constant 0 : i32
        %scatter3A_532 = arith.constant 0 : i32
        %scatter3A_533 = arith.constant 0 : i32
        %scatter3A_534 = tpu.memref_slice %arg7[%scatter3A_530, %scatter3A_531, %scatter3A_532, %scatter3A_533] : memref<2x8x8x128xf32, #tpu.memory_space<vmem>> -> memref<1x8x8x128xf32, #tpu.memory_space<vmem>>
        %scatter3A_535 = tpu.memref_squeeze %scatter3A_534 : memref<1x8x8x128xf32, #tpu.memory_space<vmem>> -> memref<8x8x128xf32, #tpu.memory_space<vmem>>
        tpu.vector_store_idx %scatter3A_535[%shift_right_logical3A_436, %and3A_439, %add3A_158], %gather3A_529 : memref<8x8x128xf32, #tpu.memory_space<vmem>>[vector<16xi32>, vector<16xi32>, vector<16xi32>], vector<16xf32>,
        %add3A_536 = arith.constant 2 : i32
        %add3A_537 = arith.addi %add3A_320, %add3A_536 : i32
        %add3A_538 = vector.broadcast %add3A_537 : i32 to vector<16xi32>
        %add3A_539 = arith.addi %add3A_538, %iota3A : vector<16xi32>
        %and3A_540 = arith.constant 63 : i32
        %and3A_541 = vector.broadcast %and3A_540 : i32 to vector<16xi32>
        %and3A_542 = arith.andi %add3A_539, %and3A_541 : vector<16xi32>
        %shift_right_logical3A_543 = arith.constant 3 : i32
        %shift_right_logical3A_544 = vector.broadcast %shift_right_logical3A_543 : i32 to vector<16xi32>
        %shift_right_logical3A_545 = arith.shrui %and3A_542, %shift_right_logical3A_544 : vector<16xi32>
        %and3A_546 = arith.constant 7 : i32
        %and3A_547 = vector.broadcast %and3A_546 : i32 to vector<16xi32>
        %and3A_548 = arith.andi %and3A_542, %and3A_547 : vector<16xi32>
        %gather3A_549 = arith.constant 0 : i32
        %gather3A_550 = arith.constant 0 : i32
        %gather3A_551 = arith.constant 0 : i32
        %gather3A_552 = tpu.memref_slice %arg6[%gather3A_549, %gather3A_550, %gather3A_551] : memref<2x128x64xf32, #tpu.memory_space<vmem>> -> memref<1x128x64xf32, #tpu.memory_space<vmem>>
        %gather3A_553 = tpu.memref_squeeze %gather3A_552 : memref<1x128x64xf32, #tpu.memory_space<vmem>> -> memref<128x64xf32, #tpu.memory_space<vmem>>
        %gather3A_554 = tpu.vector_load_idx %gather3A_553[%add3A_137, %and3A_542] : memref<128x64xf32, #tpu.memory_space<vmem>>[vector<16xi32>, vector<16xi32>], vector<16xf32>,
        %scatter3A_555 = arith.constant 0 : i32
        %scatter3A_556 = arith.constant 0 : i32
        %scatter3A_557 = arith.constant 0 : i32
        %scatter3A_558 = arith.constant 0 : i32
        %scatter3A_559 = tpu.memref_slice %arg7[%scatter3A_555, %scatter3A_556, %scatter3A_557, %scatter3A_558] : memref<2x8x8x128xf32, #tpu.memory_space<vmem>> -> memref<1x8x8x128xf32, #tpu.memory_space<vmem>>
        %scatter3A_560 = tpu.memref_squeeze %scatter3A_559 : memref<1x8x8x128xf32, #tpu.memory_space<vmem>> -> memref<8x8x128xf32, #tpu.memory_space<vmem>>
        tpu.vector_store_idx %scatter3A_560[%shift_right_logical3A_545, %and3A_548, %add3A_137], %gather3A_554 : memref<8x8x128xf32, #tpu.memory_space<vmem>>[vector<16xi32>, vector<16xi32>, vector<16xi32>], vector<16xf32>,
        %gather3A_561 = arith.constant 0 : i32
        %gather3A_562 = arith.constant 0 : i32
        %gather3A_563 = arith.constant 0 : i32
        %gather3A_564 = tpu.memref_slice %arg6[%gather3A_561, %gather3A_562, %gather3A_563] : memref<2x128x64xf32, #tpu.memory_space<vmem>> -> memref<1x128x64xf32, #tpu.memory_space<vmem>>
        %gather3A_565 = tpu.memref_squeeze %gather3A_564 : memref<1x128x64xf32, #tpu.memory_space<vmem>> -> memref<128x64xf32, #tpu.memory_space<vmem>>
        %gather3A_566 = tpu.vector_load_idx %gather3A_565[%add3A_140, %and3A_542] : memref<128x64xf32, #tpu.memory_space<vmem>>[vector<16xi32>, vector<16xi32>], vector<16xf32>,
        %scatter3A_567 = arith.constant 0 : i32
        %scatter3A_568 = arith.constant 0 : i32
        %scatter3A_569 = arith.constant 0 : i32
        %scatter3A_570 = arith.constant 0 : i32
        %scatter3A_571 = tpu.memref_slice %arg7[%scatter3A_567, %scatter3A_568, %scatter3A_569, %scatter3A_570] : memref<2x8x8x128xf32, #tpu.memory_space<vmem>> -> memref<1x8x8x128xf32, #tpu.memory_space<vmem>>
        %scatter3A_572 = tpu.memref_squeeze %scatter3A_571 : memref<1x8x8x128xf32, #tpu.memory_space<vmem>> -> memref<8x8x128xf32, #tpu.memory_space<vmem>>
        tpu.vector_store_idx %scatter3A_572[%shift_right_logical3A_545, %and3A_548, %add3A_140], %gather3A_566 : memref<8x8x128xf32, #tpu.memory_space<vmem>>[vector<16xi32>, vector<16xi32>, vector<16xi32>], vector<16xf32>,
        %gather3A_573 = arith.constant 0 : i32
        %gather3A_574 = arith.constant 0 : i32
        %gather3A_575 = arith.constant 0 : i32
        %gather3A_576 = tpu.memref_slice %arg6[%gather3A_573, %gather3A_574, %gather3A_575] : memref<2x128x64xf32, #tpu.memory_space<vmem>> -> memref<1x128x64xf32, #tpu.memory_space<vmem>>
        %gather3A_577 = tpu.memref_squeeze %gather3A_576 : memref<1x128x64xf32, #tpu.memory_space<vmem>> -> memref<128x64xf32, #tpu.memory_space<vmem>>
        %gather3A_578 = tpu.vector_load_idx %gather3A_577[%add3A_143, %and3A_542] : memref<128x64xf32, #tpu.memory_space<vmem>>[vector<16xi32>, vector<16xi32>], vector<16xf32>,
        %scatter3A_579 = arith.constant 0 : i32
        %scatter3A_580 = arith.constant 0 : i32
        %scatter3A_581 = arith.constant 0 : i32
        %scatter3A_582 = arith.constant 0 : i32
        %scatter3A_583 = tpu.memref_slice %arg7[%scatter3A_579, %scatter3A_580, %scatter3A_581, %scatter3A_582] : memref<2x8x8x128xf32, #tpu.memory_space<vmem>> -> memref<1x8x8x128xf32, #tpu.memory_space<vmem>>
        %scatter3A_584 = tpu.memref_squeeze %scatter3A_583 : memref<1x8x8x128xf32, #tpu.memory_space<vmem>> -> memref<8x8x128xf32, #tpu.memory_space<vmem>>
        tpu.vector_store_idx %scatter3A_584[%shift_right_logical3A_545, %and3A_548, %add3A_143], %gather3A_578 : memref<8x8x128xf32, #tpu.memory_space<vmem>>[vector<16xi32>, vector<16xi32>, vector<16xi32>], vector<16xf32>,
        %gather3A_585 = arith.constant 0 : i32
        %gather3A_586 = arith.constant 0 : i32
        %gather3A_587 = arith.constant 0 : i32
        %gather3A_588 = tpu.memref_slice %arg6[%gather3A_585, %gather3A_586, %gather3A_587] : memref<2x128x64xf32, #tpu.memory_space<vmem>> -> memref<1x128x64xf32, #tpu.memory_space<vmem>>
        %gather3A_589 = tpu.memref_squeeze %gather3A_588 : memref<1x128x64xf32, #tpu.memory_space<vmem>> -> memref<128x64xf32, #tpu.memory_space<vmem>>
        %gather3A_590 = tpu.vector_load_idx %gather3A_589[%add3A_146, %and3A_542] : memref<128x64xf32, #tpu.memory_space<vmem>>[vector<16xi32>, vector<16xi32>], vector<16xf32>,
        %scatter3A_591 = arith.constant 0 : i32
        %scatter3A_592 = arith.constant 0 : i32
        %scatter3A_593 = arith.constant 0 : i32
        %scatter3A_594 = arith.constant 0 : i32
        %scatter3A_595 = tpu.memref_slice %arg7[%scatter3A_591, %scatter3A_592, %scatter3A_593, %scatter3A_594] : memref<2x8x8x128xf32, #tpu.memory_space<vmem>> -> memref<1x8x8x128xf32, #tpu.memory_space<vmem>>
        %scatter3A_596 = tpu.memref_squeeze %scatter3A_595 : memref<1x8x8x128xf32, #tpu.memory_space<vmem>> -> memref<8x8x128xf32, #tpu.memory_space<vmem>>
        tpu.vector_store_idx %scatter3A_596[%shift_right_logical3A_545, %and3A_548, %add3A_146], %gather3A_590 : memref<8x8x128xf32, #tpu.memory_space<vmem>>[vector<16xi32>, vector<16xi32>, vector<16xi32>], vector<16xf32>,
        %gather3A_597 = arith.constant 0 : i32
        %gather3A_598 = arith.constant 0 : i32
        %gather3A_599 = arith.constant 0 : i32
        %gather3A_600 = tpu.memref_slice %arg6[%gather3A_597, %gather3A_598, %gather3A_599] : memref<2x128x64xf32, #tpu.memory_space<vmem>> -> memref<1x128x64xf32, #tpu.memory_space<vmem>>
        %gather3A_601 = tpu.memref_squeeze %gather3A_600 : memref<1x128x64xf32, #tpu.memory_space<vmem>> -> memref<128x64xf32, #tpu.memory_space<vmem>>
        %gather3A_602 = tpu.vector_load_idx %gather3A_601[%add3A_149, %and3A_542] : memref<128x64xf32, #tpu.memory_space<vmem>>[vector<16xi32>, vector<16xi32>], vector<16xf32>,
        %scatter3A_603 = arith.constant 0 : i32
        %scatter3A_604 = arith.constant 0 : i32
        %scatter3A_605 = arith.constant 0 : i32
        %scatter3A_606 = arith.constant 0 : i32
        %scatter3A_607 = tpu.memref_slice %arg7[%scatter3A_603, %scatter3A_604, %scatter3A_605, %scatter3A_606] : memref<2x8x8x128xf32, #tpu.memory_space<vmem>> -> memref<1x8x8x128xf32, #tpu.memory_space<vmem>>
        %scatter3A_608 = tpu.memref_squeeze %scatter3A_607 : memref<1x8x8x128xf32, #tpu.memory_space<vmem>> -> memref<8x8x128xf32, #tpu.memory_space<vmem>>
        tpu.vector_store_idx %scatter3A_608[%shift_right_logical3A_545, %and3A_548, %add3A_149], %gather3A_602 : memref<8x8x128xf32, #tpu.memory_space<vmem>>[vector<16xi32>, vector<16xi32>, vector<16xi32>], vector<16xf32>,
        %gather3A_609 = arith.constant 0 : i32
        %gather3A_610 = arith.constant 0 : i32
        %gather3A_611 = arith.constant 0 : i32
        %gather3A_612 = tpu.memref_slice %arg6[%gather3A_609, %gather3A_610, %gather3A_611] : memref<2x128x64xf32, #tpu.memory_space<vmem>> -> memref<1x128x64xf32, #tpu.memory_space<vmem>>
        %gather3A_613 = tpu.memref_squeeze %gather3A_612 : memref<1x128x64xf32, #tpu.memory_space<vmem>> -> memref<128x64xf32, #tpu.memory_space<vmem>>
        %gather3A_614 = tpu.vector_load_idx %gather3A_613[%add3A_152, %and3A_542] : memref<128x64xf32, #tpu.memory_space<vmem>>[vector<16xi32>, vector<16xi32>], vector<16xf32>,
        %scatter3A_615 = arith.constant 0 : i32
        %scatter3A_616 = arith.constant 0 : i32
        %scatter3A_617 = arith.constant 0 : i32
        %scatter3A_618 = arith.constant 0 : i32
        %scatter3A_619 = tpu.memref_slice %arg7[%scatter3A_615, %scatter3A_616, %scatter3A_617, %scatter3A_618] : memref<2x8x8x128xf32, #tpu.memory_space<vmem>> -> memref<1x8x8x128xf32, #tpu.memory_space<vmem>>
        %scatter3A_620 = tpu.memref_squeeze %scatter3A_619 : memref<1x8x8x128xf32, #tpu.memory_space<vmem>> -> memref<8x8x128xf32, #tpu.memory_space<vmem>>
        tpu.vector_store_idx %scatter3A_620[%shift_right_logical3A_545, %and3A_548, %add3A_152], %gather3A_614 : memref<8x8x128xf32, #tpu.memory_space<vmem>>[vector<16xi32>, vector<16xi32>, vector<16xi32>], vector<16xf32>,
        %gather3A_621 = arith.constant 0 : i32
        %gather3A_622 = arith.constant 0 : i32
        %gather3A_623 = arith.constant 0 : i32
        %gather3A_624 = tpu.memref_slice %arg6[%gather3A_621, %gather3A_622, %gather3A_623] : memref<2x128x64xf32, #tpu.memory_space<vmem>> -> memref<1x128x64xf32, #tpu.memory_space<vmem>>
        %gather3A_625 = tpu.memref_squeeze %gather3A_624 : memref<1x128x64xf32, #tpu.memory_space<vmem>> -> memref<128x64xf32, #tpu.memory_space<vmem>>
        %gather3A_626 = tpu.vector_load_idx %gather3A_625[%add3A_155, %and3A_542] : memref<128x64xf32, #tpu.memory_space<vmem>>[vector<16xi32>, vector<16xi32>], vector<16xf32>,
        %scatter3A_627 = arith.constant 0 : i32
        %scatter3A_628 = arith.constant 0 : i32
        %scatter3A_629 = arith.constant 0 : i32
        %scatter3A_630 = arith.constant 0 : i32
        %scatter3A_631 = tpu.memref_slice %arg7[%scatter3A_627, %scatter3A_628, %scatter3A_629, %scatter3A_630] : memref<2x8x8x128xf32, #tpu.memory_space<vmem>> -> memref<1x8x8x128xf32, #tpu.memory_space<vmem>>
        %scatter3A_632 = tpu.memref_squeeze %scatter3A_631 : memref<1x8x8x128xf32, #tpu.memory_space<vmem>> -> memref<8x8x128xf32, #tpu.memory_space<vmem>>
        tpu.vector_store_idx %scatter3A_632[%shift_right_logical3A_545, %and3A_548, %add3A_155], %gather3A_626 : memref<8x8x128xf32, #tpu.memory_space<vmem>>[vector<16xi32>, vector<16xi32>, vector<16xi32>], vector<16xf32>,
        %gather3A_633 = arith.constant 0 : i32
        %gather3A_634 = arith.constant 0 : i32
        %gather3A_635 = arith.constant 0 : i32
        %gather3A_636 = tpu.memref_slice %arg6[%gather3A_633, %gather3A_634, %gather3A_635] : memref<2x128x64xf32, #tpu.memory_space<vmem>> -> memref<1x128x64xf32, #tpu.memory_space<vmem>>
        %gather3A_637 = tpu.memref_squeeze %gather3A_636 : memref<1x128x64xf32, #tpu.memory_space<vmem>> -> memref<128x64xf32, #tpu.memory_space<vmem>>
        %gather3A_638 = tpu.vector_load_idx %gather3A_637[%add3A_158, %and3A_542] : memref<128x64xf32, #tpu.memory_space<vmem>>[vector<16xi32>, vector<16xi32>], vector<16xf32>,
        %scatter3A_639 = arith.constant 0 : i32
        %scatter3A_640 = arith.constant 0 : i32
        %scatter3A_641 = arith.constant 0 : i32
        %scatter3A_642 = arith.constant 0 : i32
        %scatter3A_643 = tpu.memref_slice %arg7[%scatter3A_639, %scatter3A_640, %scatter3A_641, %scatter3A_642] : memref<2x8x8x128xf32, #tpu.memory_space<vmem>> -> memref<1x8x8x128xf32, #tpu.memory_space<vmem>>
        %scatter3A_644 = tpu.memref_squeeze %scatter3A_643 : memref<1x8x8x128xf32, #tpu.memory_space<vmem>> -> memref<8x8x128xf32, #tpu.memory_space<vmem>>
        tpu.vector_store_idx %scatter3A_644[%shift_right_logical3A_545, %and3A_548, %add3A_158], %gather3A_638 : memref<8x8x128xf32, #tpu.memory_space<vmem>>[vector<16xi32>, vector<16xi32>, vector<16xi32>], vector<16xf32>,
        %add3A_645 = arith.constant 3 : i32
        %add3A_646 = arith.addi %add3A_320, %add3A_645 : i32
        %add3A_647 = vector.broadcast %add3A_646 : i32 to vector<16xi32>
        %add3A_648 = arith.addi %add3A_647, %iota3A : vector<16xi32>
        %and3A_649 = arith.constant 63 : i32
        %and3A_650 = vector.broadcast %and3A_649 : i32 to vector<16xi32>
        %and3A_651 = arith.andi %add3A_648, %and3A_650 : vector<16xi32>
        %shift_right_logical3A_652 = arith.constant 3 : i32
        %shift_right_logical3A_653 = vector.broadcast %shift_right_logical3A_652 : i32 to vector<16xi32>
        %shift_right_logical3A_654 = arith.shrui %and3A_651, %shift_right_logical3A_653 : vector<16xi32>
        %and3A_655 = arith.constant 7 : i32
        %and3A_656 = vector.broadcast %and3A_655 : i32 to vector<16xi32>
        %and3A_657 = arith.andi %and3A_651, %and3A_656 : vector<16xi32>
        %gather3A_658 = arith.constant 0 : i32
        %gather3A_659 = arith.constant 0 : i32
        %gather3A_660 = arith.constant 0 : i32
        %gather3A_661 = tpu.memref_slice %arg6[%gather3A_658, %gather3A_659, %gather3A_660] : memref<2x128x64xf32, #tpu.memory_space<vmem>> -> memref<1x128x64xf32, #tpu.memory_space<vmem>>
        %gather3A_662 = tpu.memref_squeeze %gather3A_661 : memref<1x128x64xf32, #tpu.memory_space<vmem>> -> memref<128x64xf32, #tpu.memory_space<vmem>>
        %gather3A_663 = tpu.vector_load_idx %gather3A_662[%add3A_137, %and3A_651] : memref<128x64xf32, #tpu.memory_space<vmem>>[vector<16xi32>, vector<16xi32>], vector<16xf32>,
        %scatter3A_664 = arith.constant 0 : i32
        %scatter3A_665 = arith.constant 0 : i32
        %scatter3A_666 = arith.constant 0 : i32
        %scatter3A_667 = arith.constant 0 : i32
        %scatter3A_668 = tpu.memref_slice %arg7[%scatter3A_664, %scatter3A_665, %scatter3A_666, %scatter3A_667] : memref<2x8x8x128xf32, #tpu.memory_space<vmem>> -> memref<1x8x8x128xf32, #tpu.memory_space<vmem>>
        %scatter3A_669 = tpu.memref_squeeze %scatter3A_668 : memref<1x8x8x128xf32, #tpu.memory_space<vmem>> -> memref<8x8x128xf32, #tpu.memory_space<vmem>>
        tpu.vector_store_idx %scatter3A_669[%shift_right_logical3A_654, %and3A_657, %add3A_137], %gather3A_663 : memref<8x8x128xf32, #tpu.memory_space<vmem>>[vector<16xi32>, vector<16xi32>, vector<16xi32>], vector<16xf32>,
        %gather3A_670 = arith.constant 0 : i32
        %gather3A_671 = arith.constant 0 : i32
        %gather3A_672 = arith.constant 0 : i32
        %gather3A_673 = tpu.memref_slice %arg6[%gather3A_670, %gather3A_671, %gather3A_672] : memref<2x128x64xf32, #tpu.memory_space<vmem>> -> memref<1x128x64xf32, #tpu.memory_space<vmem>>
        %gather3A_674 = tpu.memref_squeeze %gather3A_673 : memref<1x128x64xf32, #tpu.memory_space<vmem>> -> memref<128x64xf32, #tpu.memory_space<vmem>>
        %gather3A_675 = tpu.vector_load_idx %gather3A_674[%add3A_140, %and3A_651] : memref<128x64xf32, #tpu.memory_space<vmem>>[vector<16xi32>, vector<16xi32>], vector<16xf32>,
        %scatter3A_676 = arith.constant 0 : i32
        %scatter3A_677 = arith.constant 0 : i32
        %scatter3A_678 = arith.constant 0 : i32
        %scatter3A_679 = arith.constant 0 : i32
        %scatter3A_680 = tpu.memref_slice %arg7[%scatter3A_676, %scatter3A_677, %scatter3A_678, %scatter3A_679] : memref<2x8x8x128xf32, #tpu.memory_space<vmem>> -> memref<1x8x8x128xf32, #tpu.memory_space<vmem>>
        %scatter3A_681 = tpu.memref_squeeze %scatter3A_680 : memref<1x8x8x128xf32, #tpu.memory_space<vmem>> -> memref<8x8x128xf32, #tpu.memory_space<vmem>>
        tpu.vector_store_idx %scatter3A_681[%shift_right_logical3A_654, %and3A_657, %add3A_140], %gather3A_675 : memref<8x8x128xf32, #tpu.memory_space<vmem>>[vector<16xi32>, vector<16xi32>, vector<16xi32>], vector<16xf32>,
        %gather3A_682 = arith.constant 0 : i32
        %gather3A_683 = arith.constant 0 : i32
        %gather3A_684 = arith.constant 0 : i32
        %gather3A_685 = tpu.memref_slice %arg6[%gather3A_682, %gather3A_683, %gather3A_684] : memref<2x128x64xf32, #tpu.memory_space<vmem>> -> memref<1x128x64xf32, #tpu.memory_space<vmem>>
        %gather3A_686 = tpu.memref_squeeze %gather3A_685 : memref<1x128x64xf32, #tpu.memory_space<vmem>> -> memref<128x64xf32, #tpu.memory_space<vmem>>
        %gather3A_687 = tpu.vector_load_idx %gather3A_686[%add3A_143, %and3A_651] : memref<128x64xf32, #tpu.memory_space<vmem>>[vector<16xi32>, vector<16xi32>], vector<16xf32>,
        %scatter3A_688 = arith.constant 0 : i32
        %scatter3A_689 = arith.constant 0 : i32
        %scatter3A_690 = arith.constant 0 : i32
        %scatter3A_691 = arith.constant 0 : i32
        %scatter3A_692 = tpu.memref_slice %arg7[%scatter3A_688, %scatter3A_689, %scatter3A_690, %scatter3A_691] : memref<2x8x8x128xf32, #tpu.memory_space<vmem>> -> memref<1x8x8x128xf32, #tpu.memory_space<vmem>>
        %scatter3A_693 = tpu.memref_squeeze %scatter3A_692 : memref<1x8x8x128xf32, #tpu.memory_space<vmem>> -> memref<8x8x128xf32, #tpu.memory_space<vmem>>
        tpu.vector_store_idx %scatter3A_693[%shift_right_logical3A_654, %and3A_657, %add3A_143], %gather3A_687 : memref<8x8x128xf32, #tpu.memory_space<vmem>>[vector<16xi32>, vector<16xi32>, vector<16xi32>], vector<16xf32>,
        %gather3A_694 = arith.constant 0 : i32
        %gather3A_695 = arith.constant 0 : i32
        %gather3A_696 = arith.constant 0 : i32
        %gather3A_697 = tpu.memref_slice %arg6[%gather3A_694, %gather3A_695, %gather3A_696] : memref<2x128x64xf32, #tpu.memory_space<vmem>> -> memref<1x128x64xf32, #tpu.memory_space<vmem>>
        %gather3A_698 = tpu.memref_squeeze %gather3A_697 : memref<1x128x64xf32, #tpu.memory_space<vmem>> -> memref<128x64xf32, #tpu.memory_space<vmem>>
        %gather3A_699 = tpu.vector_load_idx %gather3A_698[%add3A_146, %and3A_651] : memref<128x64xf32, #tpu.memory_space<vmem>>[vector<16xi32>, vector<16xi32>], vector<16xf32>,
        %scatter3A_700 = arith.constant 0 : i32
        %scatter3A_701 = arith.constant 0 : i32
        %scatter3A_702 = arith.constant 0 : i32
        %scatter3A_703 = arith.constant 0 : i32
        %scatter3A_704 = tpu.memref_slice %arg7[%scatter3A_700, %scatter3A_701, %scatter3A_702, %scatter3A_703] : memref<2x8x8x128xf32, #tpu.memory_space<vmem>> -> memref<1x8x8x128xf32, #tpu.memory_space<vmem>>
        %scatter3A_705 = tpu.memref_squeeze %scatter3A_704 : memref<1x8x8x128xf32, #tpu.memory_space<vmem>> -> memref<8x8x128xf32, #tpu.memory_space<vmem>>
        tpu.vector_store_idx %scatter3A_705[%shift_right_logical3A_654, %and3A_657, %add3A_146], %gather3A_699 : memref<8x8x128xf32, #tpu.memory_space<vmem>>[vector<16xi32>, vector<16xi32>, vector<16xi32>], vector<16xf32>,
        %gather3A_706 = arith.constant 0 : i32
        %gather3A_707 = arith.constant 0 : i32
        %gather3A_708 = arith.constant 0 : i32
        %gather3A_709 = tpu.memref_slice %arg6[%gather3A_706, %gather3A_707, %gather3A_708] : memref<2x128x64xf32, #tpu.memory_space<vmem>> -> memref<1x128x64xf32, #tpu.memory_space<vmem>>
        %gather3A_710 = tpu.memref_squeeze %gather3A_709 : memref<1x128x64xf32, #tpu.memory_space<vmem>> -> memref<128x64xf32, #tpu.memory_space<vmem>>
        %gather3A_711 = tpu.vector_load_idx %gather3A_710[%add3A_149, %and3A_651] : memref<128x64xf32, #tpu.memory_space<vmem>>[vector<16xi32>, vector<16xi32>], vector<16xf32>,
        %scatter3A_712 = arith.constant 0 : i32
        %scatter3A_713 = arith.constant 0 : i32
        %scatter3A_714 = arith.constant 0 : i32
        %scatter3A_715 = arith.constant 0 : i32
        %scatter3A_716 = tpu.memref_slice %arg7[%scatter3A_712, %scatter3A_713, %scatter3A_714, %scatter3A_715] : memref<2x8x8x128xf32, #tpu.memory_space<vmem>> -> memref<1x8x8x128xf32, #tpu.memory_space<vmem>>
        %scatter3A_717 = tpu.memref_squeeze %scatter3A_716 : memref<1x8x8x128xf32, #tpu.memory_space<vmem>> -> memref<8x8x128xf32, #tpu.memory_space<vmem>>
        tpu.vector_store_idx %scatter3A_717[%shift_right_logical3A_654, %and3A_657, %add3A_149], %gather3A_711 : memref<8x8x128xf32, #tpu.memory_space<vmem>>[vector<16xi32>, vector<16xi32>, vector<16xi32>], vector<16xf32>,
        %gather3A_718 = arith.constant 0 : i32
        %gather3A_719 = arith.constant 0 : i32
        %gather3A_720 = arith.constant 0 : i32
        %gather3A_721 = tpu.memref_slice %arg6[%gather3A_718, %gather3A_719, %gather3A_720] : memref<2x128x64xf32, #tpu.memory_space<vmem>> -> memref<1x128x64xf32, #tpu.memory_space<vmem>>
        %gather3A_722 = tpu.memref_squeeze %gather3A_721 : memref<1x128x64xf32, #tpu.memory_space<vmem>> -> memref<128x64xf32, #tpu.memory_space<vmem>>
        %gather3A_723 = tpu.vector_load_idx %gather3A_722[%add3A_152, %and3A_651] : memref<128x64xf32, #tpu.memory_space<vmem>>[vector<16xi32>, vector<16xi32>], vector<16xf32>,
        %scatter3A_724 = arith.constant 0 : i32
        %scatter3A_725 = arith.constant 0 : i32
        %scatter3A_726 = arith.constant 0 : i32
        %scatter3A_727 = arith.constant 0 : i32
        %scatter3A_728 = tpu.memref_slice %arg7[%scatter3A_724, %scatter3A_725, %scatter3A_726, %scatter3A_727] : memref<2x8x8x128xf32, #tpu.memory_space<vmem>> -> memref<1x8x8x128xf32, #tpu.memory_space<vmem>>
        %scatter3A_729 = tpu.memref_squeeze %scatter3A_728 : memref<1x8x8x128xf32, #tpu.memory_space<vmem>> -> memref<8x8x128xf32, #tpu.memory_space<vmem>>
        tpu.vector_store_idx %scatter3A_729[%shift_right_logical3A_654, %and3A_657, %add3A_152], %gather3A_723 : memref<8x8x128xf32, #tpu.memory_space<vmem>>[vector<16xi32>, vector<16xi32>, vector<16xi32>], vector<16xf32>,
        %gather3A_730 = arith.constant 0 : i32
        %gather3A_731 = arith.constant 0 : i32
        %gather3A_732 = arith.constant 0 : i32
        %gather3A_733 = tpu.memref_slice %arg6[%gather3A_730, %gather3A_731, %gather3A_732] : memref<2x128x64xf32, #tpu.memory_space<vmem>> -> memref<1x128x64xf32, #tpu.memory_space<vmem>>
        %gather3A_734 = tpu.memref_squeeze %gather3A_733 : memref<1x128x64xf32, #tpu.memory_space<vmem>> -> memref<128x64xf32, #tpu.memory_space<vmem>>
        %gather3A_735 = tpu.vector_load_idx %gather3A_734[%add3A_155, %and3A_651] : memref<128x64xf32, #tpu.memory_space<vmem>>[vector<16xi32>, vector<16xi32>], vector<16xf32>,
        %scatter3A_736 = arith.constant 0 : i32
        %scatter3A_737 = arith.constant 0 : i32
        %scatter3A_738 = arith.constant 0 : i32
        %scatter3A_739 = arith.constant 0 : i32
        %scatter3A_740 = tpu.memref_slice %arg7[%scatter3A_736, %scatter3A_737, %scatter3A_738, %scatter3A_739] : memref<2x8x8x128xf32, #tpu.memory_space<vmem>> -> memref<1x8x8x128xf32, #tpu.memory_space<vmem>>
        %scatter3A_741 = tpu.memref_squeeze %scatter3A_740 : memref<1x8x8x128xf32, #tpu.memory_space<vmem>> -> memref<8x8x128xf32, #tpu.memory_space<vmem>>
        tpu.vector_store_idx %scatter3A_741[%shift_right_logical3A_654, %and3A_657, %add3A_155], %gather3A_735 : memref<8x8x128xf32, #tpu.memory_space<vmem>>[vector<16xi32>, vector<16xi32>, vector<16xi32>], vector<16xf32>,
        %gather3A_742 = arith.constant 0 : i32
        %gather3A_743 = arith.constant 0 : i32
        %gather3A_744 = arith.constant 0 : i32
        %gather3A_745 = tpu.memref_slice %arg6[%gather3A_742, %gather3A_743, %gather3A_744] : memref<2x128x64xf32, #tpu.memory_space<vmem>> -> memref<1x128x64xf32, #tpu.memory_space<vmem>>
        %gather3A_746 = tpu.memref_squeeze %gather3A_745 : memref<1x128x64xf32, #tpu.memory_space<vmem>> -> memref<128x64xf32, #tpu.memory_space<vmem>>
        %gather3A_747 = tpu.vector_load_idx %gather3A_746[%add3A_158, %and3A_651] : memref<128x64xf32, #tpu.memory_space<vmem>>[vector<16xi32>, vector<16xi32>], vector<16xf32>,
        %scatter3A_748 = arith.constant 0 : i32
        %scatter3A_749 = arith.constant 0 : i32
        %scatter3A_750 = arith.constant 0 : i32
        %scatter3A_751 = arith.constant 0 : i32
        %scatter3A_752 = tpu.memref_slice %arg7[%scatter3A_748, %scatter3A_749, %scatter3A_750, %scatter3A_751] : memref<2x8x8x128xf32, #tpu.memory_space<vmem>> -> memref<1x8x8x128xf32, #tpu.memory_space<vmem>>
        %scatter3A_753 = tpu.memref_squeeze %scatter3A_752 : memref<1x8x8x128xf32, #tpu.memory_space<vmem>> -> memref<8x8x128xf32, #tpu.memory_space<vmem>>
        tpu.vector_store_idx %scatter3A_753[%shift_right_logical3A_654, %and3A_657, %add3A_158], %gather3A_747 : memref<8x8x128xf32, #tpu.memory_space<vmem>>[vector<16xi32>, vector<16xi32>, vector<16xi32>], vector<16xf32>,
        %add3A_754 = arith.constant 4 : i32
        %add3A_755 = arith.addi %add3A_320, %add3A_754 : i32
        %add3A_756 = vector.broadcast %add3A_755 : i32 to vector<16xi32>
        %add3A_757 = arith.addi %add3A_756, %iota3A : vector<16xi32>
        %and3A_758 = arith.constant 63 : i32
        %and3A_759 = vector.broadcast %and3A_758 : i32 to vector<16xi32>
        %and3A_760 = arith.andi %add3A_757, %and3A_759 : vector<16xi32>
        %shift_right_logical3A_761 = arith.constant 3 : i32
        %shift_right_logical3A_762 = vector.broadcast %shift_right_logical3A_761 : i32 to vector<16xi32>
        %shift_right_logical3A_763 = arith.shrui %and3A_760, %shift_right_logical3A_762 : vector<16xi32>
        %and3A_764 = arith.constant 7 : i32
        %and3A_765 = vector.broadcast %and3A_764 : i32 to vector<16xi32>
        %and3A_766 = arith.andi %and3A_760, %and3A_765 : vector<16xi32>
        %gather3A_767 = arith.constant 0 : i32
        %gather3A_768 = arith.constant 0 : i32
        %gather3A_769 = arith.constant 0 : i32
        %gather3A_770 = tpu.memref_slice %arg6[%gather3A_767, %gather3A_768, %gather3A_769] : memref<2x128x64xf32, #tpu.memory_space<vmem>> -> memref<1x128x64xf32, #tpu.memory_space<vmem>>
        %gather3A_771 = tpu.memref_squeeze %gather3A_770 : memref<1x128x64xf32, #tpu.memory_space<vmem>> -> memref<128x64xf32, #tpu.memory_space<vmem>>
        %gather3A_772 = tpu.vector_load_idx %gather3A_771[%add3A_137, %and3A_760] : memref<128x64xf32, #tpu.memory_space<vmem>>[vector<16xi32>, vector<16xi32>], vector<16xf32>,
        %scatter3A_773 = arith.constant 0 : i32
        %scatter3A_774 = arith.constant 0 : i32
        %scatter3A_775 = arith.constant 0 : i32
        %scatter3A_776 = arith.constant 0 : i32
        %scatter3A_777 = tpu.memref_slice %arg7[%scatter3A_773, %scatter3A_774, %scatter3A_775, %scatter3A_776] : memref<2x8x8x128xf32, #tpu.memory_space<vmem>> -> memref<1x8x8x128xf32, #tpu.memory_space<vmem>>
        %scatter3A_778 = tpu.memref_squeeze %scatter3A_777 : memref<1x8x8x128xf32, #tpu.memory_space<vmem>> -> memref<8x8x128xf32, #tpu.memory_space<vmem>>
        tpu.vector_store_idx %scatter3A_778[%shift_right_logical3A_763, %and3A_766, %add3A_137], %gather3A_772 : memref<8x8x128xf32, #tpu.memory_space<vmem>>[vector<16xi32>, vector<16xi32>, vector<16xi32>], vector<16xf32>,
        %gather3A_779 = arith.constant 0 : i32
        %gather3A_780 = arith.constant 0 : i32
        %gather3A_781 = arith.constant 0 : i32
        %gather3A_782 = tpu.memref_slice %arg6[%gather3A_779, %gather3A_780, %gather3A_781] : memref<2x128x64xf32, #tpu.memory_space<vmem>> -> memref<1x128x64xf32, #tpu.memory_space<vmem>>
        %gather3A_783 = tpu.memref_squeeze %gather3A_782 : memref<1x128x64xf32, #tpu.memory_space<vmem>> -> memref<128x64xf32, #tpu.memory_space<vmem>>
        %gather3A_784 = tpu.vector_load_idx %gather3A_783[%add3A_140, %and3A_760] : memref<128x64xf32, #tpu.memory_space<vmem>>[vector<16xi32>, vector<16xi32>], vector<16xf32>,
        %scatter3A_785 = arith.constant 0 : i32
        %scatter3A_786 = arith.constant 0 : i32
        %scatter3A_787 = arith.constant 0 : i32
        %scatter3A_788 = arith.constant 0 : i32
        %scatter3A_789 = tpu.memref_slice %arg7[%scatter3A_785, %scatter3A_786, %scatter3A_787, %scatter3A_788] : memref<2x8x8x128xf32, #tpu.memory_space<vmem>> -> memref<1x8x8x128xf32, #tpu.memory_space<vmem>>
        %scatter3A_790 = tpu.memref_squeeze %scatter3A_789 : memref<1x8x8x128xf32, #tpu.memory_space<vmem>> -> memref<8x8x128xf32, #tpu.memory_space<vmem>>
        tpu.vector_store_idx %scatter3A_790[%shift_right_logical3A_763, %and3A_766, %add3A_140], %gather3A_784 : memref<8x8x128xf32, #tpu.memory_space<vmem>>[vector<16xi32>, vector<16xi32>, vector<16xi32>], vector<16xf32>,
        %gather3A_791 = arith.constant 0 : i32
        %gather3A_792 = arith.constant 0 : i32
        %gather3A_793 = arith.constant 0 : i32
        %gather3A_794 = tpu.memref_slice %arg6[%gather3A_791, %gather3A_792, %gather3A_793] : memref<2x128x64xf32, #tpu.memory_space<vmem>> -> memref<1x128x64xf32, #tpu.memory_space<vmem>>
        %gather3A_795 = tpu.memref_squeeze %gather3A_794 : memref<1x128x64xf32, #tpu.memory_space<vmem>> -> memref<128x64xf32, #tpu.memory_space<vmem>>
        %gather3A_796 = tpu.vector_load_idx %gather3A_795[%add3A_143, %and3A_760] : memref<128x64xf32, #tpu.memory_space<vmem>>[vector<16xi32>, vector<16xi32>], vector<16xf32>,
        %scatter3A_797 = arith.constant 0 : i32
        %scatter3A_798 = arith.constant 0 : i32
        %scatter3A_799 = arith.constant 0 : i32
        %scatter3A_800 = arith.constant 0 : i32
        %scatter3A_801 = tpu.memref_slice %arg7[%scatter3A_797, %scatter3A_798, %scatter3A_799, %scatter3A_800] : memref<2x8x8x128xf32, #tpu.memory_space<vmem>> -> memref<1x8x8x128xf32, #tpu.memory_space<vmem>>
        %scatter3A_802 = tpu.memref_squeeze %scatter3A_801 : memref<1x8x8x128xf32, #tpu.memory_space<vmem>> -> memref<8x8x128xf32, #tpu.memory_space<vmem>>
        tpu.vector_store_idx %scatter3A_802[%shift_right_logical3A_763, %and3A_766, %add3A_143], %gather3A_796 : memref<8x8x128xf32, #tpu.memory_space<vmem>>[vector<16xi32>, vector<16xi32>, vector<16xi32>], vector<16xf32>,
        %gather3A_803 = arith.constant 0 : i32
        %gather3A_804 = arith.constant 0 : i32
        %gather3A_805 = arith.constant 0 : i32
        %gather3A_806 = tpu.memref_slice %arg6[%gather3A_803, %gather3A_804, %gather3A_805] : memref<2x128x64xf32, #tpu.memory_space<vmem>> -> memref<1x128x64xf32, #tpu.memory_space<vmem>>
        %gather3A_807 = tpu.memref_squeeze %gather3A_806 : memref<1x128x64xf32, #tpu.memory_space<vmem>> -> memref<128x64xf32, #tpu.memory_space<vmem>>
        %gather3A_808 = tpu.vector_load_idx %gather3A_807[%add3A_146, %and3A_760] : memref<128x64xf32, #tpu.memory_space<vmem>>[vector<16xi32>, vector<16xi32>], vector<16xf32>,
        %scatter3A_809 = arith.constant 0 : i32
        %scatter3A_810 = arith.constant 0 : i32
        %scatter3A_811 = arith.constant 0 : i32
        %scatter3A_812 = arith.constant 0 : i32
        %scatter3A_813 = tpu.memref_slice %arg7[%scatter3A_809, %scatter3A_810, %scatter3A_811, %scatter3A_812] : memref<2x8x8x128xf32, #tpu.memory_space<vmem>> -> memref<1x8x8x128xf32, #tpu.memory_space<vmem>>
        %scatter3A_814 = tpu.memref_squeeze %scatter3A_813 : memref<1x8x8x128xf32, #tpu.memory_space<vmem>> -> memref<8x8x128xf32, #tpu.memory_space<vmem>>
        tpu.vector_store_idx %scatter3A_814[%shift_right_logical3A_763, %and3A_766, %add3A_146], %gather3A_808 : memref<8x8x128xf32, #tpu.memory_space<vmem>>[vector<16xi32>, vector<16xi32>, vector<16xi32>], vector<16xf32>,
        %gather3A_815 = arith.constant 0 : i32
        %gather3A_816 = arith.constant 0 : i32
        %gather3A_817 = arith.constant 0 : i32
        %gather3A_818 = tpu.memref_slice %arg6[%gather3A_815, %gather3A_816, %gather3A_817] : memref<2x128x64xf32, #tpu.memory_space<vmem>> -> memref<1x128x64xf32, #tpu.memory_space<vmem>>
        %gather3A_819 = tpu.memref_squeeze %gather3A_818 : memref<1x128x64xf32, #tpu.memory_space<vmem>> -> memref<128x64xf32, #tpu.memory_space<vmem>>
        %gather3A_820 = tpu.vector_load_idx %gather3A_819[%add3A_149, %and3A_760] : memref<128x64xf32, #tpu.memory_space<vmem>>[vector<16xi32>, vector<16xi32>], vector<16xf32>,
        %scatter3A_821 = arith.constant 0 : i32
        %scatter3A_822 = arith.constant 0 : i32
        %scatter3A_823 = arith.constant 0 : i32
        %scatter3A_824 = arith.constant 0 : i32
        %scatter3A_825 = tpu.memref_slice %arg7[%scatter3A_821, %scatter3A_822, %scatter3A_823, %scatter3A_824] : memref<2x8x8x128xf32, #tpu.memory_space<vmem>> -> memref<1x8x8x128xf32, #tpu.memory_space<vmem>>
        %scatter3A_826 = tpu.memref_squeeze %scatter3A_825 : memref<1x8x8x128xf32, #tpu.memory_space<vmem>> -> memref<8x8x128xf32, #tpu.memory_space<vmem>>
        tpu.vector_store_idx %scatter3A_826[%shift_right_logical3A_763, %and3A_766, %add3A_149], %gather3A_820 : memref<8x8x128xf32, #tpu.memory_space<vmem>>[vector<16xi32>, vector<16xi32>, vector<16xi32>], vector<16xf32>,
        %gather3A_827 = arith.constant 0 : i32
        %gather3A_828 = arith.constant 0 : i32
        %gather3A_829 = arith.constant 0 : i32
        %gather3A_830 = tpu.memref_slice %arg6[%gather3A_827, %gather3A_828, %gather3A_829] : memref<2x128x64xf32, #tpu.memory_space<vmem>> -> memref<1x128x64xf32, #tpu.memory_space<vmem>>
        %gather3A_831 = tpu.memref_squeeze %gather3A_830 : memref<1x128x64xf32, #tpu.memory_space<vmem>> -> memref<128x64xf32, #tpu.memory_space<vmem>>
        %gather3A_832 = tpu.vector_load_idx %gather3A_831[%add3A_152, %and3A_760] : memref<128x64xf32, #tpu.memory_space<vmem>>[vector<16xi32>, vector<16xi32>], vector<16xf32>,
        %scatter3A_833 = arith.constant 0 : i32
        %scatter3A_834 = arith.constant 0 : i32
        %scatter3A_835 = arith.constant 0 : i32
        %scatter3A_836 = arith.constant 0 : i32
        %scatter3A_837 = tpu.memref_slice %arg7[%scatter3A_833, %scatter3A_834, %scatter3A_835, %scatter3A_836] : memref<2x8x8x128xf32, #tpu.memory_space<vmem>> -> memref<1x8x8x128xf32, #tpu.memory_space<vmem>>
        %scatter3A_838 = tpu.memref_squeeze %scatter3A_837 : memref<1x8x8x128xf32, #tpu.memory_space<vmem>> -> memref<8x8x128xf32, #tpu.memory_space<vmem>>
        tpu.vector_store_idx %scatter3A_838[%shift_right_logical3A_763, %and3A_766, %add3A_152], %gather3A_832 : memref<8x8x128xf32, #tpu.memory_space<vmem>>[vector<16xi32>, vector<16xi32>, vector<16xi32>], vector<16xf32>,
        %gather3A_839 = arith.constant 0 : i32
        %gather3A_840 = arith.constant 0 : i32
        %gather3A_841 = arith.constant 0 : i32
        %gather3A_842 = tpu.memref_slice %arg6[%gather3A_839, %gather3A_840, %gather3A_841] : memref<2x128x64xf32, #tpu.memory_space<vmem>> -> memref<1x128x64xf32, #tpu.memory_space<vmem>>
        %gather3A_843 = tpu.memref_squeeze %gather3A_842 : memref<1x128x64xf32, #tpu.memory_space<vmem>> -> memref<128x64xf32, #tpu.memory_space<vmem>>
        %gather3A_844 = tpu.vector_load_idx %gather3A_843[%add3A_155, %and3A_760] : memref<128x64xf32, #tpu.memory_space<vmem>>[vector<16xi32>, vector<16xi32>], vector<16xf32>,
        %scatter3A_845 = arith.constant 0 : i32
        %scatter3A_846 = arith.constant 0 : i32
        %scatter3A_847 = arith.constant 0 : i32
        %scatter3A_848 = arith.constant 0 : i32
        %scatter3A_849 = tpu.memref_slice %arg7[%scatter3A_845, %scatter3A_846, %scatter3A_847, %scatter3A_848] : memref<2x8x8x128xf32, #tpu.memory_space<vmem>> -> memref<1x8x8x128xf32, #tpu.memory_space<vmem>>
        %scatter3A_850 = tpu.memref_squeeze %scatter3A_849 : memref<1x8x8x128xf32, #tpu.memory_space<vmem>> -> memref<8x8x128xf32, #tpu.memory_space<vmem>>
        tpu.vector_store_idx %scatter3A_850[%shift_right_logical3A_763, %and3A_766, %add3A_155], %gather3A_844 : memref<8x8x128xf32, #tpu.memory_space<vmem>>[vector<16xi32>, vector<16xi32>, vector<16xi32>], vector<16xf32>,
        %gather3A_851 = arith.constant 0 : i32
        %gather3A_852 = arith.constant 0 : i32
        %gather3A_853 = arith.constant 0 : i32
        %gather3A_854 = tpu.memref_slice %arg6[%gather3A_851, %gather3A_852, %gather3A_853] : memref<2x128x64xf32, #tpu.memory_space<vmem>> -> memref<1x128x64xf32, #tpu.memory_space<vmem>>
        %gather3A_855 = tpu.memref_squeeze %gather3A_854 : memref<1x128x64xf32, #tpu.memory_space<vmem>> -> memref<128x64xf32, #tpu.memory_space<vmem>>
        %gather3A_856 = tpu.vector_load_idx %gather3A_855[%add3A_158, %and3A_760] : memref<128x64xf32, #tpu.memory_space<vmem>>[vector<16xi32>, vector<16xi32>], vector<16xf32>,
        %scatter3A_857 = arith.constant 0 : i32
        %scatter3A_858 = arith.constant 0 : i32
        %scatter3A_859 = arith.constant 0 : i32
        %scatter3A_860 = arith.constant 0 : i32
        %scatter3A_861 = tpu.memref_slice %arg7[%scatter3A_857, %scatter3A_858, %scatter3A_859, %scatter3A_860] : memref<2x8x8x128xf32, #tpu.memory_space<vmem>> -> memref<1x8x8x128xf32, #tpu.memory_space<vmem>>
        %scatter3A_862 = tpu.memref_squeeze %scatter3A_861 : memref<1x8x8x128xf32, #tpu.memory_space<vmem>> -> memref<8x8x128xf32, #tpu.memory_space<vmem>>
        tpu.vector_store_idx %scatter3A_862[%shift_right_logical3A_763, %and3A_766, %add3A_158], %gather3A_856 : memref<8x8x128xf32, #tpu.memory_space<vmem>>[vector<16xi32>, vector<16xi32>, vector<16xi32>], vector<16xf32>,
        %add3A_863 = arith.constant 5 : i32
        %add3A_864 = arith.addi %add3A_320, %add3A_863 : i32
        %add3A_865 = vector.broadcast %add3A_864 : i32 to vector<16xi32>
        %add3A_866 = arith.addi %add3A_865, %iota3A : vector<16xi32>
        %and3A_867 = arith.constant 63 : i32
        %and3A_868 = vector.broadcast %and3A_867 : i32 to vector<16xi32>
        %and3A_869 = arith.andi %add3A_866, %and3A_868 : vector<16xi32>
        %shift_right_logical3A_870 = arith.constant 3 : i32
        %shift_right_logical3A_871 = vector.broadcast %shift_right_logical3A_870 : i32 to vector<16xi32>
        %shift_right_logical3A_872 = arith.shrui %and3A_869, %shift_right_logical3A_871 : vector<16xi32>
        %and3A_873 = arith.constant 7 : i32
        %and3A_874 = vector.broadcast %and3A_873 : i32 to vector<16xi32>
        %and3A_875 = arith.andi %and3A_869, %and3A_874 : vector<16xi32>
        %gather3A_876 = arith.constant 0 : i32
        %gather3A_877 = arith.constant 0 : i32
        %gather3A_878 = arith.constant 0 : i32
        %gather3A_879 = tpu.memref_slice %arg6[%gather3A_876, %gather3A_877, %gather3A_878] : memref<2x128x64xf32, #tpu.memory_space<vmem>> -> memref<1x128x64xf32, #tpu.memory_space<vmem>>
        %gather3A_880 = tpu.memref_squeeze %gather3A_879 : memref<1x128x64xf32, #tpu.memory_space<vmem>> -> memref<128x64xf32, #tpu.memory_space<vmem>>
        %gather3A_881 = tpu.vector_load_idx %gather3A_880[%add3A_137, %and3A_869] : memref<128x64xf32, #tpu.memory_space<vmem>>[vector<16xi32>, vector<16xi32>], vector<16xf32>,
        %scatter3A_882 = arith.constant 0 : i32
        %scatter3A_883 = arith.constant 0 : i32
        %scatter3A_884 = arith.constant 0 : i32
        %scatter3A_885 = arith.constant 0 : i32
        %scatter3A_886 = tpu.memref_slice %arg7[%scatter3A_882, %scatter3A_883, %scatter3A_884, %scatter3A_885] : memref<2x8x8x128xf32, #tpu.memory_space<vmem>> -> memref<1x8x8x128xf32, #tpu.memory_space<vmem>>
        %scatter3A_887 = tpu.memref_squeeze %scatter3A_886 : memref<1x8x8x128xf32, #tpu.memory_space<vmem>> -> memref<8x8x128xf32, #tpu.memory_space<vmem>>
        tpu.vector_store_idx %scatter3A_887[%shift_right_logical3A_872, %and3A_875, %add3A_137], %gather3A_881 : memref<8x8x128xf32, #tpu.memory_space<vmem>>[vector<16xi32>, vector<16xi32>, vector<16xi32>], vector<16xf32>,
        %gather3A_888 = arith.constant 0 : i32
        %gather3A_889 = arith.constant 0 : i32
        %gather3A_890 = arith.constant 0 : i32
        %gather3A_891 = tpu.memref_slice %arg6[%gather3A_888, %gather3A_889, %gather3A_890] : memref<2x128x64xf32, #tpu.memory_space<vmem>> -> memref<1x128x64xf32, #tpu.memory_space<vmem>>
        %gather3A_892 = tpu.memref_squeeze %gather3A_891 : memref<1x128x64xf32, #tpu.memory_space<vmem>> -> memref<128x64xf32, #tpu.memory_space<vmem>>
        %gather3A_893 = tpu.vector_load_idx %gather3A_892[%add3A_140, %and3A_869] : memref<128x64xf32, #tpu.memory_space<vmem>>[vector<16xi32>, vector<16xi32>], vector<16xf32>,
        %scatter3A_894 = arith.constant 0 : i32
        %scatter3A_895 = arith.constant 0 : i32
        %scatter3A_896 = arith.constant 0 : i32
        %scatter3A_897 = arith.constant 0 : i32
        %scatter3A_898 = tpu.memref_slice %arg7[%scatter3A_894, %scatter3A_895, %scatter3A_896, %scatter3A_897] : memref<2x8x8x128xf32, #tpu.memory_space<vmem>> -> memref<1x8x8x128xf32, #tpu.memory_space<vmem>>
        %scatter3A_899 = tpu.memref_squeeze %scatter3A_898 : memref<1x8x8x128xf32, #tpu.memory_space<vmem>> -> memref<8x8x128xf32, #tpu.memory_space<vmem>>
        tpu.vector_store_idx %scatter3A_899[%shift_right_logical3A_872, %and3A_875, %add3A_140], %gather3A_893 : memref<8x8x128xf32, #tpu.memory_space<vmem>>[vector<16xi32>, vector<16xi32>, vector<16xi32>], vector<16xf32>,
        %gather3A_900 = arith.constant 0 : i32
        %gather3A_901 = arith.constant 0 : i32
        %gather3A_902 = arith.constant 0 : i32
        %gather3A_903 = tpu.memref_slice %arg6[%gather3A_900, %gather3A_901, %gather3A_902] : memref<2x128x64xf32, #tpu.memory_space<vmem>> -> memref<1x128x64xf32, #tpu.memory_space<vmem>>
        %gather3A_904 = tpu.memref_squeeze %gather3A_903 : memref<1x128x64xf32, #tpu.memory_space<vmem>> -> memref<128x64xf32, #tpu.memory_space<vmem>>
        %gather3A_905 = tpu.vector_load_idx %gather3A_904[%add3A_143, %and3A_869] : memref<128x64xf32, #tpu.memory_space<vmem>>[vector<16xi32>, vector<16xi32>], vector<16xf32>,
        %scatter3A_906 = arith.constant 0 : i32
        %scatter3A_907 = arith.constant 0 : i32
        %scatter3A_908 = arith.constant 0 : i32
        %scatter3A_909 = arith.constant 0 : i32
        %scatter3A_910 = tpu.memref_slice %arg7[%scatter3A_906, %scatter3A_907, %scatter3A_908, %scatter3A_909] : memref<2x8x8x128xf32, #tpu.memory_space<vmem>> -> memref<1x8x8x128xf32, #tpu.memory_space<vmem>>
        %scatter3A_911 = tpu.memref_squeeze %scatter3A_910 : memref<1x8x8x128xf32, #tpu.memory_space<vmem>> -> memref<8x8x128xf32, #tpu.memory_space<vmem>>
        tpu.vector_store_idx %scatter3A_911[%shift_right_logical3A_872, %and3A_875, %add3A_143], %gather3A_905 : memref<8x8x128xf32, #tpu.memory_space<vmem>>[vector<16xi32>, vector<16xi32>, vector<16xi32>], vector<16xf32>,
        %gather3A_912 = arith.constant 0 : i32
        %gather3A_913 = arith.constant 0 : i32
        %gather3A_914 = arith.constant 0 : i32
        %gather3A_915 = tpu.memref_slice %arg6[%gather3A_912, %gather3A_913, %gather3A_914] : memref<2x128x64xf32, #tpu.memory_space<vmem>> -> memref<1x128x64xf32, #tpu.memory_space<vmem>>
        %gather3A_916 = tpu.memref_squeeze %gather3A_915 : memref<1x128x64xf32, #tpu.memory_space<vmem>> -> memref<128x64xf32, #tpu.memory_space<vmem>>
        %gather3A_917 = tpu.vector_load_idx %gather3A_916[%add3A_146, %and3A_869] : memref<128x64xf32, #tpu.memory_space<vmem>>[vector<16xi32>, vector<16xi32>], vector<16xf32>,
        %scatter3A_918 = arith.constant 0 : i32
        %scatter3A_919 = arith.constant 0 : i32
        %scatter3A_920 = arith.constant 0 : i32
        %scatter3A_921 = arith.constant 0 : i32
        %scatter3A_922 = tpu.memref_slice %arg7[%scatter3A_918, %scatter3A_919, %scatter3A_920, %scatter3A_921] : memref<2x8x8x128xf32, #tpu.memory_space<vmem>> -> memref<1x8x8x128xf32, #tpu.memory_space<vmem>>
        %scatter3A_923 = tpu.memref_squeeze %scatter3A_922 : memref<1x8x8x128xf32, #tpu.memory_space<vmem>> -> memref<8x8x128xf32, #tpu.memory_space<vmem>>
        tpu.vector_store_idx %scatter3A_923[%shift_right_logical3A_872, %and3A_875, %add3A_146], %gather3A_917 : memref<8x8x128xf32, #tpu.memory_space<vmem>>[vector<16xi32>, vector<16xi32>, vector<16xi32>], vector<16xf32>,
        %gather3A_924 = arith.constant 0 : i32
        %gather3A_925 = arith.constant 0 : i32
        %gather3A_926 = arith.constant 0 : i32
        %gather3A_927 = tpu.memref_slice %arg6[%gather3A_924, %gather3A_925, %gather3A_926] : memref<2x128x64xf32, #tpu.memory_space<vmem>> -> memref<1x128x64xf32, #tpu.memory_space<vmem>>
        %gather3A_928 = tpu.memref_squeeze %gather3A_927 : memref<1x128x64xf32, #tpu.memory_space<vmem>> -> memref<128x64xf32, #tpu.memory_space<vmem>>
        %gather3A_929 = tpu.vector_load_idx %gather3A_928[%add3A_149, %and3A_869] : memref<128x64xf32, #tpu.memory_space<vmem>>[vector<16xi32>, vector<16xi32>], vector<16xf32>,
        %scatter3A_930 = arith.constant 0 : i32
        %scatter3A_931 = arith.constant 0 : i32
        %scatter3A_932 = arith.constant 0 : i32
        %scatter3A_933 = arith.constant 0 : i32
        %scatter3A_934 = tpu.memref_slice %arg7[%scatter3A_930, %scatter3A_931, %scatter3A_932, %scatter3A_933] : memref<2x8x8x128xf32, #tpu.memory_space<vmem>> -> memref<1x8x8x128xf32, #tpu.memory_space<vmem>>
        %scatter3A_935 = tpu.memref_squeeze %scatter3A_934 : memref<1x8x8x128xf32, #tpu.memory_space<vmem>> -> memref<8x8x128xf32, #tpu.memory_space<vmem>>
        tpu.vector_store_idx %scatter3A_935[%shift_right_logical3A_872, %and3A_875, %add3A_149], %gather3A_929 : memref<8x8x128xf32, #tpu.memory_space<vmem>>[vector<16xi32>, vector<16xi32>, vector<16xi32>], vector<16xf32>,
        %gather3A_936 = arith.constant 0 : i32
        %gather3A_937 = arith.constant 0 : i32
        %gather3A_938 = arith.constant 0 : i32
        %gather3A_939 = tpu.memref_slice %arg6[%gather3A_936, %gather3A_937, %gather3A_938] : memref<2x128x64xf32, #tpu.memory_space<vmem>> -> memref<1x128x64xf32, #tpu.memory_space<vmem>>
        %gather3A_940 = tpu.memref_squeeze %gather3A_939 : memref<1x128x64xf32, #tpu.memory_space<vmem>> -> memref<128x64xf32, #tpu.memory_space<vmem>>
        %gather3A_941 = tpu.vector_load_idx %gather3A_940[%add3A_152, %and3A_869] : memref<128x64xf32, #tpu.memory_space<vmem>>[vector<16xi32>, vector<16xi32>], vector<16xf32>,
        %scatter3A_942 = arith.constant 0 : i32
        %scatter3A_943 = arith.constant 0 : i32
        %scatter3A_944 = arith.constant 0 : i32
        %scatter3A_945 = arith.constant 0 : i32
        %scatter3A_946 = tpu.memref_slice %arg7[%scatter3A_942, %scatter3A_943, %scatter3A_944, %scatter3A_945] : memref<2x8x8x128xf32, #tpu.memory_space<vmem>> -> memref<1x8x8x128xf32, #tpu.memory_space<vmem>>
        %scatter3A_947 = tpu.memref_squeeze %scatter3A_946 : memref<1x8x8x128xf32, #tpu.memory_space<vmem>> -> memref<8x8x128xf32, #tpu.memory_space<vmem>>
        tpu.vector_store_idx %scatter3A_947[%shift_right_logical3A_872, %and3A_875, %add3A_152], %gather3A_941 : memref<8x8x128xf32, #tpu.memory_space<vmem>>[vector<16xi32>, vector<16xi32>, vector<16xi32>], vector<16xf32>,
        %gather3A_948 = arith.constant 0 : i32
        %gather3A_949 = arith.constant 0 : i32
        %gather3A_950 = arith.constant 0 : i32
        %gather3A_951 = tpu.memref_slice %arg6[%gather3A_948, %gather3A_949, %gather3A_950] : memref<2x128x64xf32, #tpu.memory_space<vmem>> -> memref<1x128x64xf32, #tpu.memory_space<vmem>>
        %gather3A_952 = tpu.memref_squeeze %gather3A_951 : memref<1x128x64xf32, #tpu.memory_space<vmem>> -> memref<128x64xf32, #tpu.memory_space<vmem>>
        %gather3A_953 = tpu.vector_load_idx %gather3A_952[%add3A_155, %and3A_869] : memref<128x64xf32, #tpu.memory_space<vmem>>[vector<16xi32>, vector<16xi32>], vector<16xf32>,
        %scatter3A_954 = arith.constant 0 : i32
        %scatter3A_955 = arith.constant 0 : i32
        %scatter3A_956 = arith.constant 0 : i32
        %scatter3A_957 = arith.constant 0 : i32
        %scatter3A_958 = tpu.memref_slice %arg7[%scatter3A_954, %scatter3A_955, %scatter3A_956, %scatter3A_957] : memref<2x8x8x128xf32, #tpu.memory_space<vmem>> -> memref<1x8x8x128xf32, #tpu.memory_space<vmem>>
        %scatter3A_959 = tpu.memref_squeeze %scatter3A_958 : memref<1x8x8x128xf32, #tpu.memory_space<vmem>> -> memref<8x8x128xf32, #tpu.memory_space<vmem>>
        tpu.vector_store_idx %scatter3A_959[%shift_right_logical3A_872, %and3A_875, %add3A_155], %gather3A_953 : memref<8x8x128xf32, #tpu.memory_space<vmem>>[vector<16xi32>, vector<16xi32>, vector<16xi32>], vector<16xf32>,
        %gather3A_960 = arith.constant 0 : i32
        %gather3A_961 = arith.constant 0 : i32
        %gather3A_962 = arith.constant 0 : i32
        %gather3A_963 = tpu.memref_slice %arg6[%gather3A_960, %gather3A_961, %gather3A_962] : memref<2x128x64xf32, #tpu.memory_space<vmem>> -> memref<1x128x64xf32, #tpu.memory_space<vmem>>
        %gather3A_964 = tpu.memref_squeeze %gather3A_963 : memref<1x128x64xf32, #tpu.memory_space<vmem>> -> memref<128x64xf32, #tpu.memory_space<vmem>>
        %gather3A_965 = tpu.vector_load_idx %gather3A_964[%add3A_158, %and3A_869] : memref<128x64xf32, #tpu.memory_space<vmem>>[vector<16xi32>, vector<16xi32>], vector<16xf32>,
        %scatter3A_966 = arith.constant 0 : i32
        %scatter3A_967 = arith.constant 0 : i32
        %scatter3A_968 = arith.constant 0 : i32
        %scatter3A_969 = arith.constant 0 : i32
        %scatter3A_970 = tpu.memref_slice %arg7[%scatter3A_966, %scatter3A_967, %scatter3A_968, %scatter3A_969] : memref<2x8x8x128xf32, #tpu.memory_space<vmem>> -> memref<1x8x8x128xf32, #tpu.memory_space<vmem>>
        %scatter3A_971 = tpu.memref_squeeze %scatter3A_970 : memref<1x8x8x128xf32, #tpu.memory_space<vmem>> -> memref<8x8x128xf32, #tpu.memory_space<vmem>>
        tpu.vector_store_idx %scatter3A_971[%shift_right_logical3A_872, %and3A_875, %add3A_158], %gather3A_965 : memref<8x8x128xf32, #tpu.memory_space<vmem>>[vector<16xi32>, vector<16xi32>, vector<16xi32>], vector<16xf32>,
        %add3A_972 = arith.constant 6 : i32
        %add3A_973 = arith.addi %add3A_320, %add3A_972 : i32
        %add3A_974 = vector.broadcast %add3A_973 : i32 to vector<16xi32>
        %add3A_975 = arith.addi %add3A_974, %iota3A : vector<16xi32>
        %and3A_976 = arith.constant 63 : i32
        %and3A_977 = vector.broadcast %and3A_976 : i32 to vector<16xi32>
        %and3A_978 = arith.andi %add3A_975, %and3A_977 : vector<16xi32>
        %shift_right_logical3A_979 = arith.constant 3 : i32
        %shift_right_logical3A_980 = vector.broadcast %shift_right_logical3A_979 : i32 to vector<16xi32>
        %shift_right_logical3A_981 = arith.shrui %and3A_978, %shift_right_logical3A_980 : vector<16xi32>
        %and3A_982 = arith.constant 7 : i32
        %and3A_983 = vector.broadcast %and3A_982 : i32 to vector<16xi32>
        %and3A_984 = arith.andi %and3A_978, %and3A_983 : vector<16xi32>
        %gather3A_985 = arith.constant 0 : i32
        %gather3A_986 = arith.constant 0 : i32
        %gather3A_987 = arith.constant 0 : i32
        %gather3A_988 = tpu.memref_slice %arg6[%gather3A_985, %gather3A_986, %gather3A_987] : memref<2x128x64xf32, #tpu.memory_space<vmem>> -> memref<1x128x64xf32, #tpu.memory_space<vmem>>
        %gather3A_989 = tpu.memref_squeeze %gather3A_988 : memref<1x128x64xf32, #tpu.memory_space<vmem>> -> memref<128x64xf32, #tpu.memory_space<vmem>>
        %gather3A_990 = tpu.vector_load_idx %gather3A_989[%add3A_137, %and3A_978] : memref<128x64xf32, #tpu.memory_space<vmem>>[vector<16xi32>, vector<16xi32>], vector<16xf32>,
        %scatter3A_991 = arith.constant 0 : i32
        %scatter3A_992 = arith.constant 0 : i32
        %scatter3A_993 = arith.constant 0 : i32
        %scatter3A_994 = arith.constant 0 : i32
        %scatter3A_995 = tpu.memref_slice %arg7[%scatter3A_991, %scatter3A_992, %scatter3A_993, %scatter3A_994] : memref<2x8x8x128xf32, #tpu.memory_space<vmem>> -> memref<1x8x8x128xf32, #tpu.memory_space<vmem>>
        %scatter3A_996 = tpu.memref_squeeze %scatter3A_995 : memref<1x8x8x128xf32, #tpu.memory_space<vmem>> -> memref<8x8x128xf32, #tpu.memory_space<vmem>>
        tpu.vector_store_idx %scatter3A_996[%shift_right_logical3A_981, %and3A_984, %add3A_137], %gather3A_990 : memref<8x8x128xf32, #tpu.memory_space<vmem>>[vector<16xi32>, vector<16xi32>, vector<16xi32>], vector<16xf32>,
        %gather3A_997 = arith.constant 0 : i32
        %gather3A_998 = arith.constant 0 : i32
        %gather3A_999 = arith.constant 0 : i32
        %gather3A_1000 = tpu.memref_slice %arg6[%gather3A_997, %gather3A_998, %gather3A_999] : memref<2x128x64xf32, #tpu.memory_space<vmem>> -> memref<1x128x64xf32, #tpu.memory_space<vmem>>
        %gather3A_1001 = tpu.memref_squeeze %gather3A_1000 : memref<1x128x64xf32, #tpu.memory_space<vmem>> -> memref<128x64xf32, #tpu.memory_space<vmem>>
        %gather3A_1002 = tpu.vector_load_idx %gather3A_1001[%add3A_140, %and3A_978] : memref<128x64xf32, #tpu.memory_space<vmem>>[vector<16xi32>, vector<16xi32>], vector<16xf32>,
        %scatter3A_1003 = arith.constant 0 : i32
        %scatter3A_1004 = arith.constant 0 : i32
        %scatter3A_1005 = arith.constant 0 : i32
        %scatter3A_1006 = arith.constant 0 : i32
        %scatter3A_1007 = tpu.memref_slice %arg7[%scatter3A_1003, %scatter3A_1004, %scatter3A_1005, %scatter3A_1006] : memref<2x8x8x128xf32, #tpu.memory_space<vmem>> -> memref<1x8x8x128xf32, #tpu.memory_space<vmem>>
        %scatter3A_1008 = tpu.memref_squeeze %scatter3A_1007 : memref<1x8x8x128xf32, #tpu.memory_space<vmem>> -> memref<8x8x128xf32, #tpu.memory_space<vmem>>
        tpu.vector_store_idx %scatter3A_1008[%shift_right_logical3A_981, %and3A_984, %add3A_140], %gather3A_1002 : memref<8x8x128xf32, #tpu.memory_space<vmem>>[vector<16xi32>, vector<16xi32>, vector<16xi32>], vector<16xf32>,
        %gather3A_1009 = arith.constant 0 : i32
        %gather3A_1010 = arith.constant 0 : i32
        %gather3A_1011 = arith.constant 0 : i32
        %gather3A_1012 = tpu.memref_slice %arg6[%gather3A_1009, %gather3A_1010, %gather3A_1011] : memref<2x128x64xf32, #tpu.memory_space<vmem>> -> memref<1x128x64xf32, #tpu.memory_space<vmem>>
        %gather3A_1013 = tpu.memref_squeeze %gather3A_1012 : memref<1x128x64xf32, #tpu.memory_space<vmem>> -> memref<128x64xf32, #tpu.memory_space<vmem>>
        %gather3A_1014 = tpu.vector_load_idx %gather3A_1013[%add3A_143, %and3A_978] : memref<128x64xf32, #tpu.memory_space<vmem>>[vector<16xi32>, vector<16xi32>], vector<16xf32>,
        %scatter3A_1015 = arith.constant 0 : i32
        %scatter3A_1016 = arith.constant 0 : i32
        %scatter3A_1017 = arith.constant 0 : i32
        %scatter3A_1018 = arith.constant 0 : i32
        %scatter3A_1019 = tpu.memref_slice %arg7[%scatter3A_1015, %scatter3A_1016, %scatter3A_1017, %scatter3A_1018] : memref<2x8x8x128xf32, #tpu.memory_space<vmem>> -> memref<1x8x8x128xf32, #tpu.memory_space<vmem>>
        %scatter3A_1020 = tpu.memref_squeeze %scatter3A_1019 : memref<1x8x8x128xf32, #tpu.memory_space<vmem>> -> memref<8x8x128xf32, #tpu.memory_space<vmem>>
        tpu.vector_store_idx %scatter3A_1020[%shift_right_logical3A_981, %and3A_984, %add3A_143], %gather3A_1014 : memref<8x8x128xf32, #tpu.memory_space<vmem>>[vector<16xi32>, vector<16xi32>, vector<16xi32>], vector<16xf32>,
        %gather3A_1021 = arith.constant 0 : i32
        %gather3A_1022 = arith.constant 0 : i32
        %gather3A_1023 = arith.constant 0 : i32
        %gather3A_1024 = tpu.memref_slice %arg6[%gather3A_1021, %gather3A_1022, %gather3A_1023] : memref<2x128x64xf32, #tpu.memory_space<vmem>> -> memref<1x128x64xf32, #tpu.memory_space<vmem>>
        %gather3A_1025 = tpu.memref_squeeze %gather3A_1024 : memref<1x128x64xf32, #tpu.memory_space<vmem>> -> memref<128x64xf32, #tpu.memory_space<vmem>>
        %gather3A_1026 = tpu.vector_load_idx %gather3A_1025[%add3A_146, %and3A_978] : memref<128x64xf32, #tpu.memory_space<vmem>>[vector<16xi32>, vector<16xi32>], vector<16xf32>,
        %scatter3A_1027 = arith.constant 0 : i32
        %scatter3A_1028 = arith.constant 0 : i32
        %scatter3A_1029 = arith.constant 0 : i32
        %scatter3A_1030 = arith.constant 0 : i32
        %scatter3A_1031 = tpu.memref_slice %arg7[%scatter3A_1027, %scatter3A_1028, %scatter3A_1029, %scatter3A_1030] : memref<2x8x8x128xf32, #tpu.memory_space<vmem>> -> memref<1x8x8x128xf32, #tpu.memory_space<vmem>>
        %scatter3A_1032 = tpu.memref_squeeze %scatter3A_1031 : memref<1x8x8x128xf32, #tpu.memory_space<vmem>> -> memref<8x8x128xf32, #tpu.memory_space<vmem>>
        tpu.vector_store_idx %scatter3A_1032[%shift_right_logical3A_981, %and3A_984, %add3A_146], %gather3A_1026 : memref<8x8x128xf32, #tpu.memory_space<vmem>>[vector<16xi32>, vector<16xi32>, vector<16xi32>], vector<16xf32>,
        %gather3A_1033 = arith.constant 0 : i32
        %gather3A_1034 = arith.constant 0 : i32
        %gather3A_1035 = arith.constant 0 : i32
        %gather3A_1036 = tpu.memref_slice %arg6[%gather3A_1033, %gather3A_1034, %gather3A_1035] : memref<2x128x64xf32, #tpu.memory_space<vmem>> -> memref<1x128x64xf32, #tpu.memory_space<vmem>>
        %gather3A_1037 = tpu.memref_squeeze %gather3A_1036 : memref<1x128x64xf32, #tpu.memory_space<vmem>> -> memref<128x64xf32, #tpu.memory_space<vmem>>
        %gather3A_1038 = tpu.vector_load_idx %gather3A_1037[%add3A_149, %and3A_978] : memref<128x64xf32, #tpu.memory_space<vmem>>[vector<16xi32>, vector<16xi32>], vector<16xf32>,
        %scatter3A_1039 = arith.constant 0 : i32
        %scatter3A_1040 = arith.constant 0 : i32
        %scatter3A_1041 = arith.constant 0 : i32
        %scatter3A_1042 = arith.constant 0 : i32
        %scatter3A_1043 = tpu.memref_slice %arg7[%scatter3A_1039, %scatter3A_1040, %scatter3A_1041, %scatter3A_1042] : memref<2x8x8x128xf32, #tpu.memory_space<vmem>> -> memref<1x8x8x128xf32, #tpu.memory_space<vmem>>
        %scatter3A_1044 = tpu.memref_squeeze %scatter3A_1043 : memref<1x8x8x128xf32, #tpu.memory_space<vmem>> -> memref<8x8x128xf32, #tpu.memory_space<vmem>>
        tpu.vector_store_idx %scatter3A_1044[%shift_right_logical3A_981, %and3A_984, %add3A_149], %gather3A_1038 : memref<8x8x128xf32, #tpu.memory_space<vmem>>[vector<16xi32>, vector<16xi32>, vector<16xi32>], vector<16xf32>,
        %gather3A_1045 = arith.constant 0 : i32
        %gather3A_1046 = arith.constant 0 : i32
        %gather3A_1047 = arith.constant 0 : i32
        %gather3A_1048 = tpu.memref_slice %arg6[%gather3A_1045, %gather3A_1046, %gather3A_1047] : memref<2x128x64xf32, #tpu.memory_space<vmem>> -> memref<1x128x64xf32, #tpu.memory_space<vmem>>
        %gather3A_1049 = tpu.memref_squeeze %gather3A_1048 : memref<1x128x64xf32, #tpu.memory_space<vmem>> -> memref<128x64xf32, #tpu.memory_space<vmem>>
        %gather3A_1050 = tpu.vector_load_idx %gather3A_1049[%add3A_152, %and3A_978] : memref<128x64xf32, #tpu.memory_space<vmem>>[vector<16xi32>, vector<16xi32>], vector<16xf32>,
        %scatter3A_1051 = arith.constant 0 : i32
        %scatter3A_1052 = arith.constant 0 : i32
        %scatter3A_1053 = arith.constant 0 : i32
        %scatter3A_1054 = arith.constant 0 : i32
        %scatter3A_1055 = tpu.memref_slice %arg7[%scatter3A_1051, %scatter3A_1052, %scatter3A_1053, %scatter3A_1054] : memref<2x8x8x128xf32, #tpu.memory_space<vmem>> -> memref<1x8x8x128xf32, #tpu.memory_space<vmem>>
        %scatter3A_1056 = tpu.memref_squeeze %scatter3A_1055 : memref<1x8x8x128xf32, #tpu.memory_space<vmem>> -> memref<8x8x128xf32, #tpu.memory_space<vmem>>
        tpu.vector_store_idx %scatter3A_1056[%shift_right_logical3A_981, %and3A_984, %add3A_152], %gather3A_1050 : memref<8x8x128xf32, #tpu.memory_space<vmem>>[vector<16xi32>, vector<16xi32>, vector<16xi32>], vector<16xf32>,
        %gather3A_1057 = arith.constant 0 : i32
        %gather3A_1058 = arith.constant 0 : i32
        %gather3A_1059 = arith.constant 0 : i32
        %gather3A_1060 = tpu.memref_slice %arg6[%gather3A_1057, %gather3A_1058, %gather3A_1059] : memref<2x128x64xf32, #tpu.memory_space<vmem>> -> memref<1x128x64xf32, #tpu.memory_space<vmem>>
        %gather3A_1061 = tpu.memref_squeeze %gather3A_1060 : memref<1x128x64xf32, #tpu.memory_space<vmem>> -> memref<128x64xf32, #tpu.memory_space<vmem>>
        %gather3A_1062 = tpu.vector_load_idx %gather3A_1061[%add3A_155, %and3A_978] : memref<128x64xf32, #tpu.memory_space<vmem>>[vector<16xi32>, vector<16xi32>], vector<16xf32>,
        %scatter3A_1063 = arith.constant 0 : i32
        %scatter3A_1064 = arith.constant 0 : i32
        %scatter3A_1065 = arith.constant 0 : i32
        %scatter3A_1066 = arith.constant 0 : i32
        %scatter3A_1067 = tpu.memref_slice %arg7[%scatter3A_1063, %scatter3A_1064, %scatter3A_1065, %scatter3A_1066] : memref<2x8x8x128xf32, #tpu.memory_space<vmem>> -> memref<1x8x8x128xf32, #tpu.memory_space<vmem>>
        %scatter3A_1068 = tpu.memref_squeeze %scatter3A_1067 : memref<1x8x8x128xf32, #tpu.memory_space<vmem>> -> memref<8x8x128xf32, #tpu.memory_space<vmem>>
        tpu.vector_store_idx %scatter3A_1068[%shift_right_logical3A_981, %and3A_984, %add3A_155], %gather3A_1062 : memref<8x8x128xf32, #tpu.memory_space<vmem>>[vector<16xi32>, vector<16xi32>, vector<16xi32>], vector<16xf32>,
        %gather3A_1069 = arith.constant 0 : i32
        %gather3A_1070 = arith.constant 0 : i32
        %gather3A_1071 = arith.constant 0 : i32
        %gather3A_1072 = tpu.memref_slice %arg6[%gather3A_1069, %gather3A_1070, %gather3A_1071] : memref<2x128x64xf32, #tpu.memory_space<vmem>> -> memref<1x128x64xf32, #tpu.memory_space<vmem>>
        %gather3A_1073 = tpu.memref_squeeze %gather3A_1072 : memref<1x128x64xf32, #tpu.memory_space<vmem>> -> memref<128x64xf32, #tpu.memory_space<vmem>>
        %gather3A_1074 = tpu.vector_load_idx %gather3A_1073[%add3A_158, %and3A_978] : memref<128x64xf32, #tpu.memory_space<vmem>>[vector<16xi32>, vector<16xi32>], vector<16xf32>,
        %scatter3A_1075 = arith.constant 0 : i32
        %scatter3A_1076 = arith.constant 0 : i32
        %scatter3A_1077 = arith.constant 0 : i32
        %scatter3A_1078 = arith.constant 0 : i32
        %scatter3A_1079 = tpu.memref_slice %arg7[%scatter3A_1075, %scatter3A_1076, %scatter3A_1077, %scatter3A_1078] : memref<2x8x8x128xf32, #tpu.memory_space<vmem>> -> memref<1x8x8x128xf32, #tpu.memory_space<vmem>>
        %scatter3A_1080 = tpu.memref_squeeze %scatter3A_1079 : memref<1x8x8x128xf32, #tpu.memory_space<vmem>> -> memref<8x8x128xf32, #tpu.memory_space<vmem>>
        tpu.vector_store_idx %scatter3A_1080[%shift_right_logical3A_981, %and3A_984, %add3A_158], %gather3A_1074 : memref<8x8x128xf32, #tpu.memory_space<vmem>>[vector<16xi32>, vector<16xi32>, vector<16xi32>], vector<16xf32>,
        %add3A_1081 = arith.constant 7 : i32
        %add3A_1082 = arith.addi %add3A_320, %add3A_1081 : i32
        %add3A_1083 = vector.broadcast %add3A_1082 : i32 to vector<16xi32>
        %add3A_1084 = arith.addi %add3A_1083, %iota3A : vector<16xi32>
        %and3A_1085 = arith.constant 63 : i32
        %and3A_1086 = vector.broadcast %and3A_1085 : i32 to vector<16xi32>
        %and3A_1087 = arith.andi %add3A_1084, %and3A_1086 : vector<16xi32>
        %shift_right_logical3A_1088 = arith.constant 3 : i32
        %shift_right_logical3A_1089 = vector.broadcast %shift_right_logical3A_1088 : i32 to vector<16xi32>
        %shift_right_logical3A_1090 = arith.shrui %and3A_1087, %shift_right_logical3A_1089 : vector<16xi32>
        %and3A_1091 = arith.constant 7 : i32
        %and3A_1092 = vector.broadcast %and3A_1091 : i32 to vector<16xi32>
        %and3A_1093 = arith.andi %and3A_1087, %and3A_1092 : vector<16xi32>
        %gather3A_1094 = arith.constant 0 : i32
        %gather3A_1095 = arith.constant 0 : i32
        %gather3A_1096 = arith.constant 0 : i32
        %gather3A_1097 = tpu.memref_slice %arg6[%gather3A_1094, %gather3A_1095, %gather3A_1096] : memref<2x128x64xf32, #tpu.memory_space<vmem>> -> memref<1x128x64xf32, #tpu.memory_space<vmem>>
        %gather3A_1098 = tpu.memref_squeeze %gather3A_1097 : memref<1x128x64xf32, #tpu.memory_space<vmem>> -> memref<128x64xf32, #tpu.memory_space<vmem>>
        %gather3A_1099 = tpu.vector_load_idx %gather3A_1098[%add3A_137, %and3A_1087] : memref<128x64xf32, #tpu.memory_space<vmem>>[vector<16xi32>, vector<16xi32>], vector<16xf32>,
        %scatter3A_1100 = arith.constant 0 : i32
        %scatter3A_1101 = arith.constant 0 : i32
        %scatter3A_1102 = arith.constant 0 : i32
        %scatter3A_1103 = arith.constant 0 : i32
        %scatter3A_1104 = tpu.memref_slice %arg7[%scatter3A_1100, %scatter3A_1101, %scatter3A_1102, %scatter3A_1103] : memref<2x8x8x128xf32, #tpu.memory_space<vmem>> -> memref<1x8x8x128xf32, #tpu.memory_space<vmem>>
        %scatter3A_1105 = tpu.memref_squeeze %scatter3A_1104 : memref<1x8x8x128xf32, #tpu.memory_space<vmem>> -> memref<8x8x128xf32, #tpu.memory_space<vmem>>
        tpu.vector_store_idx %scatter3A_1105[%shift_right_logical3A_1090, %and3A_1093, %add3A_137], %gather3A_1099 : memref<8x8x128xf32, #tpu.memory_space<vmem>>[vector<16xi32>, vector<16xi32>, vector<16xi32>], vector<16xf32>,
        %gather3A_1106 = arith.constant 0 : i32
        %gather3A_1107 = arith.constant 0 : i32
        %gather3A_1108 = arith.constant 0 : i32
        %gather3A_1109 = tpu.memref_slice %arg6[%gather3A_1106, %gather3A_1107, %gather3A_1108] : memref<2x128x64xf32, #tpu.memory_space<vmem>> -> memref<1x128x64xf32, #tpu.memory_space<vmem>>
        %gather3A_1110 = tpu.memref_squeeze %gather3A_1109 : memref<1x128x64xf32, #tpu.memory_space<vmem>> -> memref<128x64xf32, #tpu.memory_space<vmem>>
        %gather3A_1111 = tpu.vector_load_idx %gather3A_1110[%add3A_140, %and3A_1087] : memref<128x64xf32, #tpu.memory_space<vmem>>[vector<16xi32>, vector<16xi32>], vector<16xf32>,
        %scatter3A_1112 = arith.constant 0 : i32
        %scatter3A_1113 = arith.constant 0 : i32
        %scatter3A_1114 = arith.constant 0 : i32
        %scatter3A_1115 = arith.constant 0 : i32
        %scatter3A_1116 = tpu.memref_slice %arg7[%scatter3A_1112, %scatter3A_1113, %scatter3A_1114, %scatter3A_1115] : memref<2x8x8x128xf32, #tpu.memory_space<vmem>> -> memref<1x8x8x128xf32, #tpu.memory_space<vmem>>
        %scatter3A_1117 = tpu.memref_squeeze %scatter3A_1116 : memref<1x8x8x128xf32, #tpu.memory_space<vmem>> -> memref<8x8x128xf32, #tpu.memory_space<vmem>>
        tpu.vector_store_idx %scatter3A_1117[%shift_right_logical3A_1090, %and3A_1093, %add3A_140], %gather3A_1111 : memref<8x8x128xf32, #tpu.memory_space<vmem>>[vector<16xi32>, vector<16xi32>, vector<16xi32>], vector<16xf32>,
        %gather3A_1118 = arith.constant 0 : i32
        %gather3A_1119 = arith.constant 0 : i32
        %gather3A_1120 = arith.constant 0 : i32
        %gather3A_1121 = tpu.memref_slice %arg6[%gather3A_1118, %gather3A_1119, %gather3A_1120] : memref<2x128x64xf32, #tpu.memory_space<vmem>> -> memref<1x128x64xf32, #tpu.memory_space<vmem>>
        %gather3A_1122 = tpu.memref_squeeze %gather3A_1121 : memref<1x128x64xf32, #tpu.memory_space<vmem>> -> memref<128x64xf32, #tpu.memory_space<vmem>>
        %gather3A_1123 = tpu.vector_load_idx %gather3A_1122[%add3A_143, %and3A_1087] : memref<128x64xf32, #tpu.memory_space<vmem>>[vector<16xi32>, vector<16xi32>], vector<16xf32>,
        %scatter3A_1124 = arith.constant 0 : i32
        %scatter3A_1125 = arith.constant 0 : i32
        %scatter3A_1126 = arith.constant 0 : i32
        %scatter3A_1127 = arith.constant 0 : i32
        %scatter3A_1128 = tpu.memref_slice %arg7[%scatter3A_1124, %scatter3A_1125, %scatter3A_1126, %scatter3A_1127] : memref<2x8x8x128xf32, #tpu.memory_space<vmem>> -> memref<1x8x8x128xf32, #tpu.memory_space<vmem>>
        %scatter3A_1129 = tpu.memref_squeeze %scatter3A_1128 : memref<1x8x8x128xf32, #tpu.memory_space<vmem>> -> memref<8x8x128xf32, #tpu.memory_space<vmem>>
        tpu.vector_store_idx %scatter3A_1129[%shift_right_logical3A_1090, %and3A_1093, %add3A_143], %gather3A_1123 : memref<8x8x128xf32, #tpu.memory_space<vmem>>[vector<16xi32>, vector<16xi32>, vector<16xi32>], vector<16xf32>,
        %gather3A_1130 = arith.constant 0 : i32
        %gather3A_1131 = arith.constant 0 : i32
        %gather3A_1132 = arith.constant 0 : i32
        %gather3A_1133 = tpu.memref_slice %arg6[%gather3A_1130, %gather3A_1131, %gather3A_1132] : memref<2x128x64xf32, #tpu.memory_space<vmem>> -> memref<1x128x64xf32, #tpu.memory_space<vmem>>
        %gather3A_1134 = tpu.memref_squeeze %gather3A_1133 : memref<1x128x64xf32, #tpu.memory_space<vmem>> -> memref<128x64xf32, #tpu.memory_space<vmem>>
        %gather3A_1135 = tpu.vector_load_idx %gather3A_1134[%add3A_146, %and3A_1087] : memref<128x64xf32, #tpu.memory_space<vmem>>[vector<16xi32>, vector<16xi32>], vector<16xf32>,
        %scatter3A_1136 = arith.constant 0 : i32
        %scatter3A_1137 = arith.constant 0 : i32
        %scatter3A_1138 = arith.constant 0 : i32
        %scatter3A_1139 = arith.constant 0 : i32
        %scatter3A_1140 = tpu.memref_slice %arg7[%scatter3A_1136, %scatter3A_1137, %scatter3A_1138, %scatter3A_1139] : memref<2x8x8x128xf32, #tpu.memory_space<vmem>> -> memref<1x8x8x128xf32, #tpu.memory_space<vmem>>
        %scatter3A_1141 = tpu.memref_squeeze %scatter3A_1140 : memref<1x8x8x128xf32, #tpu.memory_space<vmem>> -> memref<8x8x128xf32, #tpu.memory_space<vmem>>
        tpu.vector_store_idx %scatter3A_1141[%shift_right_logical3A_1090, %and3A_1093, %add3A_146], %gather3A_1135 : memref<8x8x128xf32, #tpu.memory_space<vmem>>[vector<16xi32>, vector<16xi32>, vector<16xi32>], vector<16xf32>,
        %gather3A_1142 = arith.constant 0 : i32
        %gather3A_1143 = arith.constant 0 : i32
        %gather3A_1144 = arith.constant 0 : i32
        %gather3A_1145 = tpu.memref_slice %arg6[%gather3A_1142, %gather3A_1143, %gather3A_1144] : memref<2x128x64xf32, #tpu.memory_space<vmem>> -> memref<1x128x64xf32, #tpu.memory_space<vmem>>
        %gather3A_1146 = tpu.memref_squeeze %gather3A_1145 : memref<1x128x64xf32, #tpu.memory_space<vmem>> -> memref<128x64xf32, #tpu.memory_space<vmem>>
        %gather3A_1147 = tpu.vector_load_idx %gather3A_1146[%add3A_149, %and3A_1087] : memref<128x64xf32, #tpu.memory_space<vmem>>[vector<16xi32>, vector<16xi32>], vector<16xf32>,
        %scatter3A_1148 = arith.constant 0 : i32
        %scatter3A_1149 = arith.constant 0 : i32
        %scatter3A_1150 = arith.constant 0 : i32
        %scatter3A_1151 = arith.constant 0 : i32
        %scatter3A_1152 = tpu.memref_slice %arg7[%scatter3A_1148, %scatter3A_1149, %scatter3A_1150, %scatter3A_1151] : memref<2x8x8x128xf32, #tpu.memory_space<vmem>> -> memref<1x8x8x128xf32, #tpu.memory_space<vmem>>
        %scatter3A_1153 = tpu.memref_squeeze %scatter3A_1152 : memref<1x8x8x128xf32, #tpu.memory_space<vmem>> -> memref<8x8x128xf32, #tpu.memory_space<vmem>>
        tpu.vector_store_idx %scatter3A_1153[%shift_right_logical3A_1090, %and3A_1093, %add3A_149], %gather3A_1147 : memref<8x8x128xf32, #tpu.memory_space<vmem>>[vector<16xi32>, vector<16xi32>, vector<16xi32>], vector<16xf32>,
        %gather3A_1154 = arith.constant 0 : i32
        %gather3A_1155 = arith.constant 0 : i32
        %gather3A_1156 = arith.constant 0 : i32
        %gather3A_1157 = tpu.memref_slice %arg6[%gather3A_1154, %gather3A_1155, %gather3A_1156] : memref<2x128x64xf32, #tpu.memory_space<vmem>> -> memref<1x128x64xf32, #tpu.memory_space<vmem>>
        %gather3A_1158 = tpu.memref_squeeze %gather3A_1157 : memref<1x128x64xf32, #tpu.memory_space<vmem>> -> memref<128x64xf32, #tpu.memory_space<vmem>>
        %gather3A_1159 = tpu.vector_load_idx %gather3A_1158[%add3A_152, %and3A_1087] : memref<128x64xf32, #tpu.memory_space<vmem>>[vector<16xi32>, vector<16xi32>], vector<16xf32>,
        %scatter3A_1160 = arith.constant 0 : i32
        %scatter3A_1161 = arith.constant 0 : i32
        %scatter3A_1162 = arith.constant 0 : i32
        %scatter3A_1163 = arith.constant 0 : i32
        %scatter3A_1164 = tpu.memref_slice %arg7[%scatter3A_1160, %scatter3A_1161, %scatter3A_1162, %scatter3A_1163] : memref<2x8x8x128xf32, #tpu.memory_space<vmem>> -> memref<1x8x8x128xf32, #tpu.memory_space<vmem>>
        %scatter3A_1165 = tpu.memref_squeeze %scatter3A_1164 : memref<1x8x8x128xf32, #tpu.memory_space<vmem>> -> memref<8x8x128xf32, #tpu.memory_space<vmem>>
        tpu.vector_store_idx %scatter3A_1165[%shift_right_logical3A_1090, %and3A_1093, %add3A_152], %gather3A_1159 : memref<8x8x128xf32, #tpu.memory_space<vmem>>[vector<16xi32>, vector<16xi32>, vector<16xi32>], vector<16xf32>,
        %gather3A_1166 = arith.constant 0 : i32
        %gather3A_1167 = arith.constant 0 : i32
        %gather3A_1168 = arith.constant 0 : i32
        %gather3A_1169 = tpu.memref_slice %arg6[%gather3A_1166, %gather3A_1167, %gather3A_1168] : memref<2x128x64xf32, #tpu.memory_space<vmem>> -> memref<1x128x64xf32, #tpu.memory_space<vmem>>
        %gather3A_1170 = tpu.memref_squeeze %gather3A_1169 : memref<1x128x64xf32, #tpu.memory_space<vmem>> -> memref<128x64xf32, #tpu.memory_space<vmem>>
        %gather3A_1171 = tpu.vector_load_idx %gather3A_1170[%add3A_155, %and3A_1087] : memref<128x64xf32, #tpu.memory_space<vmem>>[vector<16xi32>, vector<16xi32>], vector<16xf32>,
        %scatter3A_1172 = arith.constant 0 : i32
        %scatter3A_1173 = arith.constant 0 : i32
        %scatter3A_1174 = arith.constant 0 : i32
        %scatter3A_1175 = arith.constant 0 : i32
        %scatter3A_1176 = tpu.memref_slice %arg7[%scatter3A_1172, %scatter3A_1173, %scatter3A_1174, %scatter3A_1175] : memref<2x8x8x128xf32, #tpu.memory_space<vmem>> -> memref<1x8x8x128xf32, #tpu.memory_space<vmem>>
        %scatter3A_1177 = tpu.memref_squeeze %scatter3A_1176 : memref<1x8x8x128xf32, #tpu.memory_space<vmem>> -> memref<8x8x128xf32, #tpu.memory_space<vmem>>
        tpu.vector_store_idx %scatter3A_1177[%shift_right_logical3A_1090, %and3A_1093, %add3A_155], %gather3A_1171 : memref<8x8x128xf32, #tpu.memory_space<vmem>>[vector<16xi32>, vector<16xi32>, vector<16xi32>], vector<16xf32>,
        %gather3A_1178 = arith.constant 0 : i32
        %gather3A_1179 = arith.constant 0 : i32
        %gather3A_1180 = arith.constant 0 : i32
        %gather3A_1181 = tpu.memref_slice %arg6[%gather3A_1178, %gather3A_1179, %gather3A_1180] : memref<2x128x64xf32, #tpu.memory_space<vmem>> -> memref<1x128x64xf32, #tpu.memory_space<vmem>>
        %gather3A_1182 = tpu.memref_squeeze %gather3A_1181 : memref<1x128x64xf32, #tpu.memory_space<vmem>> -> memref<128x64xf32, #tpu.memory_space<vmem>>
        %gather3A_1183 = tpu.vector_load_idx %gather3A_1182[%add3A_158, %and3A_1087] : memref<128x64xf32, #tpu.memory_space<vmem>>[vector<16xi32>, vector<16xi32>], vector<16xf32>,
        %scatter3A_1184 = arith.constant 0 : i32
        %scatter3A_1185 = arith.constant 0 : i32
        %scatter3A_1186 = arith.constant 0 : i32
        %scatter3A_1187 = arith.constant 0 : i32
        %scatter3A_1188 = tpu.memref_slice %arg7[%scatter3A_1184, %scatter3A_1185, %scatter3A_1186, %scatter3A_1187] : memref<2x8x8x128xf32, #tpu.memory_space<vmem>> -> memref<1x8x8x128xf32, #tpu.memory_space<vmem>>
        %scatter3A_1189 = tpu.memref_squeeze %scatter3A_1188 : memref<1x8x8x128xf32, #tpu.memory_space<vmem>> -> memref<8x8x128xf32, #tpu.memory_space<vmem>>
        tpu.vector_store_idx %scatter3A_1189[%shift_right_logical3A_1090, %and3A_1093, %add3A_158], %gather3A_1183 : memref<8x8x128xf32, #tpu.memory_space<vmem>>[vector<16xi32>, vector<16xi32>, vector<16xi32>], vector<16xf32>,
      }
      %scan3A_163 = arith.constant 8 : i32
      %add3A_164 = arith.addi %mul3A_2, %add3A_115 : i32
      %jit3A_165 = arith.constant 128 : i32
      %div3A_166 = arith.divsi %add3A_164, %jit3A_165 : i32
      %sign3A_167 = arith.constant 0 : i32
      %sign3A_168 = arith.cmpi sgt, %add3A_164, %sign3A_167 : i32
      %sign3A_169 = arith.extui %sign3A_168 : i1 to i32
      %sign3A_170 = arith.constant 0 : i32
      %sign3A_171 = arith.cmpi slt, %add3A_164, %sign3A_170 : i32
      %sign3A_172 = arith.extui %sign3A_171 : i1 to i32
      %sign3A_173 = arith.subi %sign3A_169, %sign3A_172 : i32
      %sign3A_174 = arith.constant 0 : i32
      %sign3A_175 = arith.cmpi sgt, %jit3A_165, %sign3A_174 : i32
      %sign3A_176 = arith.extui %sign3A_175 : i1 to i32
      %sign3A_177 = arith.constant 0 : i32
      %sign3A_178 = arith.cmpi slt, %jit3A_165, %sign3A_177 : i32
      %sign3A_179 = arith.extui %sign3A_178 : i1 to i32
      %sign3A_180 = arith.subi %sign3A_176, %sign3A_179 : i32
      %ne3A_181 = arith.cmpi ne, %sign3A_173, %sign3A_180 : i32
      %rem3A_182 = arith.remsi %add3A_164, %jit3A_165 : i32
      %ne3A_183 = arith.constant 0 : i32
      %ne3A_184 = arith.cmpi ne, %rem3A_182, %ne3A_183 : i32
      %and3A_185 = arith.andi %ne3A_181, %ne3A_184 : i1
      %sub3A_186 = arith.constant 1 : i32
      %sub3A_187 = arith.subi %div3A_166, %sub3A_186 : i32
      %select_n3A_188 = arith.select %and3A_185, %sub3A_187, %div3A_166 : i32
      %mul3A_189 = arith.constant 128 : i32
      %mul3A_190 = arith.muli %select_n3A_188, %mul3A_189 : i32
      %sub3A_191 = arith.subi %add3A_164, %mul3A_190 : i32
      %dma_start3A_192 = arith.constant 0 : i32
      %dma_start3A_193 = arith.constant 0 : i32
      %dma_start3A_194 = arith.constant 0 : i32
      %dma_start3A_195 = arith.constant 0 : i32
      %dma_start3A_196 = tpu.memref_slice %arg7[%dma_start3A_192, %dma_start3A_193, %dma_start3A_194, %dma_start3A_195] : memref<2x8x8x128xf32, #tpu.memory_space<vmem>> -> memref<1x8x8x128xf32, #tpu.memory_space<vmem>>
      %dma_start3A_197 = tpu.memref_squeeze %dma_start3A_196 : memref<1x8x8x128xf32, #tpu.memory_space<vmem>> -> memref<8x8x128xf32, #tpu.memory_space<vmem>>
      %dma_start3A_198 = arith.constant 0 : i32
      %dma_start3A_199 = arith.constant 0 : i32
      %dma_start3A_200 = arith.constant 0 : i32
      %dma_start3A_201 = tpu.memref_slice %arg4[%select_n3A_188, %dma_start3A_198, %sub3A_191, %dma_start3A_199, %dma_start3A_200] : memref<50x8x128x8x128xf32, #tpu.memory_space<hbm>> -> memref<1x8x1x8x128xf32, #tpu.memory_space<hbm>>
      %dma_start3A_202 = tpu.memref_squeeze %dma_start3A_201 : memref<1x8x1x8x128xf32, #tpu.memory_space<hbm>> -> memref<8x8x128xf32, #tpu.memory_space<hbm>>
      %dma_start3A_203 = arith.constant 0 : i32
      %dma_start3A_204 = arith.constant 0 : i32
      %dma_start3A_205 = arith.constant 0 : i32
      %dma_start3A_206 = tpu.memref_slice %arg4[%select_n3A_188, %dma_start3A_203, %sub3A_191, %dma_start3A_204, %dma_start3A_205] : memref<50x8x128x8x128xf32, #tpu.memory_space<hbm>> -> memref<1x8x1x8x128xf32, #tpu.memory_space<hbm>>
      %dma_start3A_207 = tpu.memref_squeeze %dma_start3A_206 : memref<1x8x1x8x128xf32, #tpu.memory_space<hbm>> -> memref<8x8x128xf32, #tpu.memory_space<hbm>>
      %dma_start3A_208 = arith.constant 0 : i32
      %dma_start3A_209 = arith.constant 0 : i32
      %dma_start3A_210 = arith.constant 0 : i32
      %dma_start3A_211 = tpu.memref_slice %arg7[%dma_start3A_192, %dma_start3A_208, %dma_start3A_209, %dma_start3A_210] : memref<2x8x8x128xf32, #tpu.memory_space<vmem>> -> memref<1x8x8x128xf32, #tpu.memory_space<vmem>>
      %dma_start3A_212 = tpu.memref_squeeze %dma_start3A_211 : memref<1x8x8x128xf32, #tpu.memory_space<vmem>> -> memref<8x8x128xf32, #tpu.memory_space<vmem>>
      tpu.enqueue_dma source(%dma_start3A_212 : memref<8x8x128xf32, #tpu.memory_space<vmem>>) target(%dma_start3A_207 : memref<8x8x128xf32, #tpu.memory_space<hbm>>) target_semaphore(%arg10 : memref<!tpu.dma_semaphore, #tpu.memory_space<semaphore_mem>>)
      %add3A_213 = arith.constant 1 : i32
      %add3A_214 = arith.addi %add3A_113, %add3A_213 : i32
      %dma_wait3A_215 = arith.constant 1 : i32
      %dma_wait3A_216 = arith.constant 0 : i32
      %dma_wait3A_217 = arith.constant 0 : i32
      %dma_wait3A_218 = tpu.memref_slice %arg6[%dma_wait3A_215, %dma_wait3A_216, %dma_wait3A_217] : memref<2x128x64xf32, #tpu.memory_space<vmem>> -> memref<1x128x64xf32, #tpu.memory_space<vmem>>
      %dma_wait3A_219 = tpu.memref_squeeze %dma_wait3A_218 : memref<1x128x64xf32, #tpu.memory_space<vmem>> -> memref<128x64xf32, #tpu.memory_space<vmem>>
      %dma_wait3A_220 = arith.constant 0 : i32
      %dma_wait3A_221 = tpu.memref_slice %arg5[%add3A_214, %dma_wait3A_220] : memref<200x128xi32, #tpu.memory_space<vmem>> -> memref<1x128xi32, #tpu.memory_space<vmem>>
      %dma_wait3A_222 = tpu.memref_squeeze %dma_wait3A_221 : memref<1x128xi32, #tpu.memory_space<vmem>> -> memref<128xi32, #tpu.memory_space<vmem>>
      %dma_wait3A_223 = arith.constant 0 : i32
      %dma_wait3A_224 = arith.constant 0 : i32
      %dma_wait3A_225 = tpu.memref_slice %arg3[%dma_wait3A_223, %dma_wait3A_224] : memref<1000000x64xf32, #tpu.memory_space<hbm>> -> memref<1000000x64xf32, #tpu.memory_space<hbm>>
      tpu.wait_indirect_dma semaphore(%arg9 : memref<!tpu.dma_semaphore, #tpu.memory_space<semaphore_mem>>) src(%dma_wait3A_225 : memref<1000000x64xf32, #tpu.memory_space<hbm>>) dst(%dma_wait3A_219 : memref<128x64xf32, #tpu.memory_space<vmem>>)
      %add3A_226 = arith.constant 1 : i32
      %add3A_227 = arith.addi %add3A_214, %add3A_226 : i32
      %lt3A_228 = arith.constant 200 : i32
      %lt3A_229 = arith.cmpi slt, %add3A_227, %lt3A_228 : i32
      %convert_element_type3A_230 = arith.extui %lt3A_229 : i1 to i32
      %cond3A_231 = arith.constant 0 : i32
      %cond3A_232 = arith.cmpi ne, %convert_element_type3A_230, %cond3A_231 : i32
      scf.if %cond3A_232 {
        %add3A_316 = arith.constant 1 : i32
        %add3A_317 = arith.addi %add3A_214, %add3A_316 : i32
        %dma_start3A_318 = arith.constant 0 : i32
        %dma_start3A_319 = arith.constant 0 : i32
        %dma_start3A_320 = arith.constant 0 : i32
        %dma_start3A_321 = tpu.memref_slice %arg6[%dma_start3A_318, %dma_start3A_319, %dma_start3A_320] : memref<2x128x64xf32, #tpu.memory_space<vmem>> -> memref<1x128x64xf32, #tpu.memory_space<vmem>>
        %dma_start3A_322 = tpu.memref_squeeze %dma_start3A_321 : memref<1x128x64xf32, #tpu.memory_space<vmem>> -> memref<128x64xf32, #tpu.memory_space<vmem>>
        %dma_start3A_323 = arith.constant 0 : i32
        %dma_start3A_324 = tpu.memref_slice %arg5[%add3A_317, %dma_start3A_323] : memref<200x128xi32, #tpu.memory_space<vmem>> -> memref<1x128xi32, #tpu.memory_space<vmem>>
        %dma_start3A_325 = tpu.memref_squeeze %dma_start3A_324 : memref<1x128xi32, #tpu.memory_space<vmem>> -> memref<128xi32, #tpu.memory_space<vmem>>
        %dma_start3A_326 = arith.constant 0 : i32
        %dma_start3A_327 = arith.constant 0 : i32
        %dma_start3A_328 = tpu.memref_slice %arg3[%dma_start3A_326, %dma_start3A_327] : memref<1000000x64xf32, #tpu.memory_space<hbm>> -> memref<1000000x64xf32, #tpu.memory_space<hbm>>
        tpu.enqueue_indirect_dma source(%dma_start3A_328 : memref<1000000x64xf32, #tpu.memory_space<hbm>>) target(%dma_start3A_322 : memref<128x64xf32, #tpu.memory_space<vmem>>) offsets(%dma_start3A_325 : memref<128xi32, #tpu.memory_space<vmem>>) semaphore(%arg8 : memref<!tpu.dma_semaphore, #tpu.memory_space<semaphore_mem>>)
      } else {
      }
      %gt3A_233 = arith.constant 0 : i32
      %gt3A_234 = arith.cmpi sgt, %add3A_113, %gt3A_233 : i32
      %convert_element_type3A_235 = arith.extui %gt3A_234 : i1 to i32
      %cond3A_236 = arith.constant 0 : i32
      %cond3A_237 = arith.cmpi ne, %convert_element_type3A_235, %cond3A_236 : i32
      scf.if %cond3A_237 {
        %sub3A_316 = arith.constant 2 : i32
        %sub3A_317 = arith.subi %add3A_214, %sub3A_316 : i32
        %add3A_318 = arith.addi %mul3A_2, %sub3A_317 : i32
        %jit3A_319 = arith.constant 128 : i32
        %div3A_320 = arith.divsi %add3A_318, %jit3A_319 : i32
        %sign3A_321 = arith.constant 0 : i32
        %sign3A_322 = arith.cmpi sgt, %add3A_318, %sign3A_321 : i32
        %sign3A_323 = arith.extui %sign3A_322 : i1 to i32
        %sign3A_324 = arith.constant 0 : i32
        %sign3A_325 = arith.cmpi slt, %add3A_318, %sign3A_324 : i32
        %sign3A_326 = arith.extui %sign3A_325 : i1 to i32
        %sign3A_327 = arith.subi %sign3A_323, %sign3A_326 : i32
        %sign3A_328 = arith.constant 0 : i32
        %sign3A_329 = arith.cmpi sgt, %jit3A_319, %sign3A_328 : i32
        %sign3A_330 = arith.extui %sign3A_329 : i1 to i32
        %sign3A_331 = arith.constant 0 : i32
        %sign3A_332 = arith.cmpi slt, %jit3A_319, %sign3A_331 : i32
        %sign3A_333 = arith.extui %sign3A_332 : i1 to i32
        %sign3A_334 = arith.subi %sign3A_330, %sign3A_333 : i32
        %ne3A_335 = arith.cmpi ne, %sign3A_327, %sign3A_334 : i32
        %rem3A_336 = arith.remsi %add3A_318, %jit3A_319 : i32
        %ne3A_337 = arith.constant 0 : i32
        %ne3A_338 = arith.cmpi ne, %rem3A_336, %ne3A_337 : i32
        %and3A_339 = arith.andi %ne3A_335, %ne3A_338 : i1
        %sub3A_340 = arith.constant 1 : i32
        %sub3A_341 = arith.subi %div3A_320, %sub3A_340 : i32
        %select_n3A_342 = arith.select %and3A_339, %sub3A_341, %div3A_320 : i32
        %mul3A_343 = arith.constant 128 : i32
        %mul3A_344 = arith.muli %select_n3A_342, %mul3A_343 : i32
        %sub3A_345 = arith.subi %add3A_318, %mul3A_344 : i32
        %dma_wait3A_346 = arith.constant 1 : i32
        %dma_wait3A_347 = arith.constant 0 : i32
        %dma_wait3A_348 = arith.constant 0 : i32
        %dma_wait3A_349 = arith.constant 0 : i32
        %dma_wait3A_350 = tpu.memref_slice %arg7[%dma_wait3A_346, %dma_wait3A_347, %dma_wait3A_348, %dma_wait3A_349] : memref<2x8x8x128xf32, #tpu.memory_space<vmem>> -> memref<1x8x8x128xf32, #tpu.memory_space<vmem>>
        %dma_wait3A_351 = tpu.memref_squeeze %dma_wait3A_350 : memref<1x8x8x128xf32, #tpu.memory_space<vmem>> -> memref<8x8x128xf32, #tpu.memory_space<vmem>>
        %dma_wait3A_352 = arith.constant 0 : i32
        %dma_wait3A_353 = arith.constant 0 : i32
        %dma_wait3A_354 = arith.constant 0 : i32
        %dma_wait3A_355 = tpu.memref_slice %arg4[%select_n3A_342, %dma_wait3A_352, %sub3A_345, %dma_wait3A_353, %dma_wait3A_354] : memref<50x8x128x8x128xf32, #tpu.memory_space<hbm>> -> memref<1x8x1x8x128xf32, #tpu.memory_space<hbm>>
        %dma_wait3A_356 = tpu.memref_squeeze %dma_wait3A_355 : memref<1x8x1x8x128xf32, #tpu.memory_space<hbm>> -> memref<8x8x128xf32, #tpu.memory_space<hbm>>
        %dma_wait3A_357 = arith.constant 0 : i32
        %dma_wait3A_358 = arith.constant 0 : i32
        %dma_wait3A_359 = arith.constant 0 : i32
        %dma_wait3A_360 = tpu.memref_slice %arg4[%select_n3A_342, %dma_wait3A_357, %sub3A_345, %dma_wait3A_358, %dma_wait3A_359] : memref<50x8x128x8x128xf32, #tpu.memory_space<hbm>> -> memref<1x8x1x8x128xf32, #tpu.memory_space<hbm>>
        %dma_wait3A_361 = tpu.memref_squeeze %dma_wait3A_360 : memref<1x8x1x8x128xf32, #tpu.memory_space<hbm>> -> memref<8x8x128xf32, #tpu.memory_space<hbm>>
        %dma_wait3A_362 = arith.constant 0 : i32
        %dma_wait3A_363 = arith.constant 0 : i32
        %dma_wait3A_364 = arith.constant 0 : i32
        %dma_wait3A_365 = tpu.memref_slice %arg7[%dma_wait3A_346, %dma_wait3A_362, %dma_wait3A_363, %dma_wait3A_364] : memref<2x8x8x128xf32, #tpu.memory_space<vmem>> -> memref<1x8x8x128xf32, #tpu.memory_space<vmem>>
        %dma_wait3A_366 = tpu.memref_squeeze %dma_wait3A_365 : memref<1x8x8x128xf32, #tpu.memory_space<vmem>> -> memref<8x8x128xf32, #tpu.memory_space<vmem>>
        tpu.wait_dma2 semaphore(%arg11 : memref<!tpu.dma_semaphore, #tpu.memory_space<semaphore_mem>>) src(%dma_wait3A_366 : memref<8x8x128xf32, #tpu.memory_space<vmem>>) dst(%dma_wait3A_361 : memref<8x8x128xf32, #tpu.memory_space<hbm>>)
      } else {
      }
      %add3A_238 = arith.constant 0 : i32
      %add3A_239 = vector.broadcast %add3A_238 : i32 to vector<16xi32>
      %add3A_240 = arith.addi %iota3A, %add3A_239 : vector<16xi32>
      %add3A_241 = arith.constant 16 : i32
      %add3A_242 = vector.broadcast %add3A_241 : i32 to vector<16xi32>
      %add3A_243 = arith.addi %iota3A, %add3A_242 : vector<16xi32>
      %add3A_244 = arith.constant 32 : i32
      %add3A_245 = vector.broadcast %add3A_244 : i32 to vector<16xi32>
      %add3A_246 = arith.addi %iota3A, %add3A_245 : vector<16xi32>
      %add3A_247 = arith.constant 48 : i32
      %add3A_248 = vector.broadcast %add3A_247 : i32 to vector<16xi32>
      %add3A_249 = arith.addi %iota3A, %add3A_248 : vector<16xi32>
      %add3A_250 = arith.constant 64 : i32
      %add3A_251 = vector.broadcast %add3A_250 : i32 to vector<16xi32>
      %add3A_252 = arith.addi %iota3A, %add3A_251 : vector<16xi32>
      %add3A_253 = arith.constant 80 : i32
      %add3A_254 = vector.broadcast %add3A_253 : i32 to vector<16xi32>
      %add3A_255 = arith.addi %iota3A, %add3A_254 : vector<16xi32>
      %add3A_256 = arith.constant 96 : i32
      %add3A_257 = vector.broadcast %add3A_256 : i32 to vector<16xi32>
      %add3A_258 = arith.addi %iota3A, %add3A_257 : vector<16xi32>
      %add3A_259 = arith.constant 112 : i32
      %add3A_260 = vector.broadcast %add3A_259 : i32 to vector<16xi32>
      %add3A_261 = arith.addi %iota3A, %add3A_260 : vector<16xi32>
      %scan3A_262 = arith.constant 0 : i32
      %scan3A_263 = arith.constant 8 : i32
      %scan3A_264 = arith.addi %scan3A_262, %scan3A_263 : i32
      %scan3A_265 = arith.constant 1 : i32
      scf.for %scan3A_316 = %scan3A_262 to %scan3A_264 step %scan3A_265  : i32 {
        %mul3A_317 = arith.constant 8 : i32
        %mul3A_318 = arith.muli %scan3A_316, %mul3A_317 : i32
        %add3A_319 = arith.constant 0 : i32
        %add3A_320 = arith.addi %add3A_319, %mul3A_318 : i32
        %add3A_321 = arith.constant 0 : i32
        %add3A_322 = arith.addi %add3A_320, %add3A_321 : i32
        %add3A_323 = vector.broadcast %add3A_322 : i32 to vector<16xi32>
        %add3A_324 = arith.addi %add3A_323, %iota3A : vector<16xi32>
        %and3A_325 = arith.constant 63 : i32
        %and3A_326 = vector.broadcast %and3A_325 : i32 to vector<16xi32>
        %and3A_327 = arith.andi %add3A_324, %and3A_326 : vector<16xi32>
        %shift_right_logical3A = arith.constant 3 : i32
        %shift_right_logical3A_328 = vector.broadcast %shift_right_logical3A : i32 to vector<16xi32>
        %shift_right_logical3A_329 = arith.shrui %and3A_327, %shift_right_logical3A_328 : vector<16xi32>
        %and3A_330 = arith.constant 7 : i32
        %and3A_331 = vector.broadcast %and3A_330 : i32 to vector<16xi32>
        %and3A_332 = arith.andi %and3A_327, %and3A_331 : vector<16xi32>
        %gather3A = arith.constant 1 : i32
        %gather3A_333 = arith.constant 0 : i32
        %gather3A_334 = arith.constant 0 : i32
        %gather3A_335 = tpu.memref_slice %arg6[%gather3A, %gather3A_333, %gather3A_334] : memref<2x128x64xf32, #tpu.memory_space<vmem>> -> memref<1x128x64xf32, #tpu.memory_space<vmem>>
        %gather3A_336 = tpu.memref_squeeze %gather3A_335 : memref<1x128x64xf32, #tpu.memory_space<vmem>> -> memref<128x64xf32, #tpu.memory_space<vmem>>
        %gather3A_337 = tpu.vector_load_idx %gather3A_336[%add3A_240, %and3A_327] : memref<128x64xf32, #tpu.memory_space<vmem>>[vector<16xi32>, vector<16xi32>], vector<16xf32>,
        %scatter3A = arith.constant 1 : i32
        %scatter3A_338 = arith.constant 0 : i32
        %scatter3A_339 = arith.constant 0 : i32
        %scatter3A_340 = arith.constant 0 : i32
        %scatter3A_341 = tpu.memref_slice %arg7[%scatter3A, %scatter3A_338, %scatter3A_339, %scatter3A_340] : memref<2x8x8x128xf32, #tpu.memory_space<vmem>> -> memref<1x8x8x128xf32, #tpu.memory_space<vmem>>
        %scatter3A_342 = tpu.memref_squeeze %scatter3A_341 : memref<1x8x8x128xf32, #tpu.memory_space<vmem>> -> memref<8x8x128xf32, #tpu.memory_space<vmem>>
        tpu.vector_store_idx %scatter3A_342[%shift_right_logical3A_329, %and3A_332, %add3A_240], %gather3A_337 : memref<8x8x128xf32, #tpu.memory_space<vmem>>[vector<16xi32>, vector<16xi32>, vector<16xi32>], vector<16xf32>,
        %gather3A_343 = arith.constant 1 : i32
        %gather3A_344 = arith.constant 0 : i32
        %gather3A_345 = arith.constant 0 : i32
        %gather3A_346 = tpu.memref_slice %arg6[%gather3A_343, %gather3A_344, %gather3A_345] : memref<2x128x64xf32, #tpu.memory_space<vmem>> -> memref<1x128x64xf32, #tpu.memory_space<vmem>>
        %gather3A_347 = tpu.memref_squeeze %gather3A_346 : memref<1x128x64xf32, #tpu.memory_space<vmem>> -> memref<128x64xf32, #tpu.memory_space<vmem>>
        %gather3A_348 = tpu.vector_load_idx %gather3A_347[%add3A_243, %and3A_327] : memref<128x64xf32, #tpu.memory_space<vmem>>[vector<16xi32>, vector<16xi32>], vector<16xf32>,
        %scatter3A_349 = arith.constant 1 : i32
        %scatter3A_350 = arith.constant 0 : i32
        %scatter3A_351 = arith.constant 0 : i32
        %scatter3A_352 = arith.constant 0 : i32
        %scatter3A_353 = tpu.memref_slice %arg7[%scatter3A_349, %scatter3A_350, %scatter3A_351, %scatter3A_352] : memref<2x8x8x128xf32, #tpu.memory_space<vmem>> -> memref<1x8x8x128xf32, #tpu.memory_space<vmem>>
        %scatter3A_354 = tpu.memref_squeeze %scatter3A_353 : memref<1x8x8x128xf32, #tpu.memory_space<vmem>> -> memref<8x8x128xf32, #tpu.memory_space<vmem>>
        tpu.vector_store_idx %scatter3A_354[%shift_right_logical3A_329, %and3A_332, %add3A_243], %gather3A_348 : memref<8x8x128xf32, #tpu.memory_space<vmem>>[vector<16xi32>, vector<16xi32>, vector<16xi32>], vector<16xf32>,
        %gather3A_355 = arith.constant 1 : i32
        %gather3A_356 = arith.constant 0 : i32
        %gather3A_357 = arith.constant 0 : i32
        %gather3A_358 = tpu.memref_slice %arg6[%gather3A_355, %gather3A_356, %gather3A_357] : memref<2x128x64xf32, #tpu.memory_space<vmem>> -> memref<1x128x64xf32, #tpu.memory_space<vmem>>
        %gather3A_359 = tpu.memref_squeeze %gather3A_358 : memref<1x128x64xf32, #tpu.memory_space<vmem>> -> memref<128x64xf32, #tpu.memory_space<vmem>>
        %gather3A_360 = tpu.vector_load_idx %gather3A_359[%add3A_246, %and3A_327] : memref<128x64xf32, #tpu.memory_space<vmem>>[vector<16xi32>, vector<16xi32>], vector<16xf32>,
        %scatter3A_361 = arith.constant 1 : i32
        %scatter3A_362 = arith.constant 0 : i32
        %scatter3A_363 = arith.constant 0 : i32
        %scatter3A_364 = arith.constant 0 : i32
        %scatter3A_365 = tpu.memref_slice %arg7[%scatter3A_361, %scatter3A_362, %scatter3A_363, %scatter3A_364] : memref<2x8x8x128xf32, #tpu.memory_space<vmem>> -> memref<1x8x8x128xf32, #tpu.memory_space<vmem>>
        %scatter3A_366 = tpu.memref_squeeze %scatter3A_365 : memref<1x8x8x128xf32, #tpu.memory_space<vmem>> -> memref<8x8x128xf32, #tpu.memory_space<vmem>>
        tpu.vector_store_idx %scatter3A_366[%shift_right_logical3A_329, %and3A_332, %add3A_246], %gather3A_360 : memref<8x8x128xf32, #tpu.memory_space<vmem>>[vector<16xi32>, vector<16xi32>, vector<16xi32>], vector<16xf32>,
        %gather3A_367 = arith.constant 1 : i32
        %gather3A_368 = arith.constant 0 : i32
        %gather3A_369 = arith.constant 0 : i32
        %gather3A_370 = tpu.memref_slice %arg6[%gather3A_367, %gather3A_368, %gather3A_369] : memref<2x128x64xf32, #tpu.memory_space<vmem>> -> memref<1x128x64xf32, #tpu.memory_space<vmem>>
        %gather3A_371 = tpu.memref_squeeze %gather3A_370 : memref<1x128x64xf32, #tpu.memory_space<vmem>> -> memref<128x64xf32, #tpu.memory_space<vmem>>
        %gather3A_372 = tpu.vector_load_idx %gather3A_371[%add3A_249, %and3A_327] : memref<128x64xf32, #tpu.memory_space<vmem>>[vector<16xi32>, vector<16xi32>], vector<16xf32>,
        %scatter3A_373 = arith.constant 1 : i32
        %scatter3A_374 = arith.constant 0 : i32
        %scatter3A_375 = arith.constant 0 : i32
        %scatter3A_376 = arith.constant 0 : i32
        %scatter3A_377 = tpu.memref_slice %arg7[%scatter3A_373, %scatter3A_374, %scatter3A_375, %scatter3A_376] : memref<2x8x8x128xf32, #tpu.memory_space<vmem>> -> memref<1x8x8x128xf32, #tpu.memory_space<vmem>>
        %scatter3A_378 = tpu.memref_squeeze %scatter3A_377 : memref<1x8x8x128xf32, #tpu.memory_space<vmem>> -> memref<8x8x128xf32, #tpu.memory_space<vmem>>
        tpu.vector_store_idx %scatter3A_378[%shift_right_logical3A_329, %and3A_332, %add3A_249], %gather3A_372 : memref<8x8x128xf32, #tpu.memory_space<vmem>>[vector<16xi32>, vector<16xi32>, vector<16xi32>], vector<16xf32>,
        %gather3A_379 = arith.constant 1 : i32
        %gather3A_380 = arith.constant 0 : i32
        %gather3A_381 = arith.constant 0 : i32
        %gather3A_382 = tpu.memref_slice %arg6[%gather3A_379, %gather3A_380, %gather3A_381] : memref<2x128x64xf32, #tpu.memory_space<vmem>> -> memref<1x128x64xf32, #tpu.memory_space<vmem>>
        %gather3A_383 = tpu.memref_squeeze %gather3A_382 : memref<1x128x64xf32, #tpu.memory_space<vmem>> -> memref<128x64xf32, #tpu.memory_space<vmem>>
        %gather3A_384 = tpu.vector_load_idx %gather3A_383[%add3A_252, %and3A_327] : memref<128x64xf32, #tpu.memory_space<vmem>>[vector<16xi32>, vector<16xi32>], vector<16xf32>,
        %scatter3A_385 = arith.constant 1 : i32
        %scatter3A_386 = arith.constant 0 : i32
        %scatter3A_387 = arith.constant 0 : i32
        %scatter3A_388 = arith.constant 0 : i32
        %scatter3A_389 = tpu.memref_slice %arg7[%scatter3A_385, %scatter3A_386, %scatter3A_387, %scatter3A_388] : memref<2x8x8x128xf32, #tpu.memory_space<vmem>> -> memref<1x8x8x128xf32, #tpu.memory_space<vmem>>
        %scatter3A_390 = tpu.memref_squeeze %scatter3A_389 : memref<1x8x8x128xf32, #tpu.memory_space<vmem>> -> memref<8x8x128xf32, #tpu.memory_space<vmem>>
        tpu.vector_store_idx %scatter3A_390[%shift_right_logical3A_329, %and3A_332, %add3A_252], %gather3A_384 : memref<8x8x128xf32, #tpu.memory_space<vmem>>[vector<16xi32>, vector<16xi32>, vector<16xi32>], vector<16xf32>,
        %gather3A_391 = arith.constant 1 : i32
        %gather3A_392 = arith.constant 0 : i32
        %gather3A_393 = arith.constant 0 : i32
        %gather3A_394 = tpu.memref_slice %arg6[%gather3A_391, %gather3A_392, %gather3A_393] : memref<2x128x64xf32, #tpu.memory_space<vmem>> -> memref<1x128x64xf32, #tpu.memory_space<vmem>>
        %gather3A_395 = tpu.memref_squeeze %gather3A_394 : memref<1x128x64xf32, #tpu.memory_space<vmem>> -> memref<128x64xf32, #tpu.memory_space<vmem>>
        %gather3A_396 = tpu.vector_load_idx %gather3A_395[%add3A_255, %and3A_327] : memref<128x64xf32, #tpu.memory_space<vmem>>[vector<16xi32>, vector<16xi32>], vector<16xf32>,
        %scatter3A_397 = arith.constant 1 : i32
        %scatter3A_398 = arith.constant 0 : i32
        %scatter3A_399 = arith.constant 0 : i32
        %scatter3A_400 = arith.constant 0 : i32
        %scatter3A_401 = tpu.memref_slice %arg7[%scatter3A_397, %scatter3A_398, %scatter3A_399, %scatter3A_400] : memref<2x8x8x128xf32, #tpu.memory_space<vmem>> -> memref<1x8x8x128xf32, #tpu.memory_space<vmem>>
        %scatter3A_402 = tpu.memref_squeeze %scatter3A_401 : memref<1x8x8x128xf32, #tpu.memory_space<vmem>> -> memref<8x8x128xf32, #tpu.memory_space<vmem>>
        tpu.vector_store_idx %scatter3A_402[%shift_right_logical3A_329, %and3A_332, %add3A_255], %gather3A_396 : memref<8x8x128xf32, #tpu.memory_space<vmem>>[vector<16xi32>, vector<16xi32>, vector<16xi32>], vector<16xf32>,
        %gather3A_403 = arith.constant 1 : i32
        %gather3A_404 = arith.constant 0 : i32
        %gather3A_405 = arith.constant 0 : i32
        %gather3A_406 = tpu.memref_slice %arg6[%gather3A_403, %gather3A_404, %gather3A_405] : memref<2x128x64xf32, #tpu.memory_space<vmem>> -> memref<1x128x64xf32, #tpu.memory_space<vmem>>
        %gather3A_407 = tpu.memref_squeeze %gather3A_406 : memref<1x128x64xf32, #tpu.memory_space<vmem>> -> memref<128x64xf32, #tpu.memory_space<vmem>>
        %gather3A_408 = tpu.vector_load_idx %gather3A_407[%add3A_258, %and3A_327] : memref<128x64xf32, #tpu.memory_space<vmem>>[vector<16xi32>, vector<16xi32>], vector<16xf32>,
        %scatter3A_409 = arith.constant 1 : i32
        %scatter3A_410 = arith.constant 0 : i32
        %scatter3A_411 = arith.constant 0 : i32
        %scatter3A_412 = arith.constant 0 : i32
        %scatter3A_413 = tpu.memref_slice %arg7[%scatter3A_409, %scatter3A_410, %scatter3A_411, %scatter3A_412] : memref<2x8x8x128xf32, #tpu.memory_space<vmem>> -> memref<1x8x8x128xf32, #tpu.memory_space<vmem>>
        %scatter3A_414 = tpu.memref_squeeze %scatter3A_413 : memref<1x8x8x128xf32, #tpu.memory_space<vmem>> -> memref<8x8x128xf32, #tpu.memory_space<vmem>>
        tpu.vector_store_idx %scatter3A_414[%shift_right_logical3A_329, %and3A_332, %add3A_258], %gather3A_408 : memref<8x8x128xf32, #tpu.memory_space<vmem>>[vector<16xi32>, vector<16xi32>, vector<16xi32>], vector<16xf32>,
        %gather3A_415 = arith.constant 1 : i32
        %gather3A_416 = arith.constant 0 : i32
        %gather3A_417 = arith.constant 0 : i32
        %gather3A_418 = tpu.memref_slice %arg6[%gather3A_415, %gather3A_416, %gather3A_417] : memref<2x128x64xf32, #tpu.memory_space<vmem>> -> memref<1x128x64xf32, #tpu.memory_space<vmem>>
        %gather3A_419 = tpu.memref_squeeze %gather3A_418 : memref<1x128x64xf32, #tpu.memory_space<vmem>> -> memref<128x64xf32, #tpu.memory_space<vmem>>
        %gather3A_420 = tpu.vector_load_idx %gather3A_419[%add3A_261, %and3A_327] : memref<128x64xf32, #tpu.memory_space<vmem>>[vector<16xi32>, vector<16xi32>], vector<16xf32>,
        %scatter3A_421 = arith.constant 1 : i32
        %scatter3A_422 = arith.constant 0 : i32
        %scatter3A_423 = arith.constant 0 : i32
        %scatter3A_424 = arith.constant 0 : i32
        %scatter3A_425 = tpu.memref_slice %arg7[%scatter3A_421, %scatter3A_422, %scatter3A_423, %scatter3A_424] : memref<2x8x8x128xf32, #tpu.memory_space<vmem>> -> memref<1x8x8x128xf32, #tpu.memory_space<vmem>>
        %scatter3A_426 = tpu.memref_squeeze %scatter3A_425 : memref<1x8x8x128xf32, #tpu.memory_space<vmem>> -> memref<8x8x128xf32, #tpu.memory_space<vmem>>
        tpu.vector_store_idx %scatter3A_426[%shift_right_logical3A_329, %and3A_332, %add3A_261], %gather3A_420 : memref<8x8x128xf32, #tpu.memory_space<vmem>>[vector<16xi32>, vector<16xi32>, vector<16xi32>], vector<16xf32>,
        %add3A_427 = arith.constant 1 : i32
        %add3A_428 = arith.addi %add3A_320, %add3A_427 : i32
        %add3A_429 = vector.broadcast %add3A_428 : i32 to vector<16xi32>
        %add3A_430 = arith.addi %add3A_429, %iota3A : vector<16xi32>
        %and3A_431 = arith.constant 63 : i32
        %and3A_432 = vector.broadcast %and3A_431 : i32 to vector<16xi32>
        %and3A_433 = arith.andi %add3A_430, %and3A_432 : vector<16xi32>
        %shift_right_logical3A_434 = arith.constant 3 : i32
        %shift_right_logical3A_435 = vector.broadcast %shift_right_logical3A_434 : i32 to vector<16xi32>
        %shift_right_logical3A_436 = arith.shrui %and3A_433, %shift_right_logical3A_435 : vector<16xi32>
        %and3A_437 = arith.constant 7 : i32
        %and3A_438 = vector.broadcast %and3A_437 : i32 to vector<16xi32>
        %and3A_439 = arith.andi %and3A_433, %and3A_438 : vector<16xi32>
        %gather3A_440 = arith.constant 1 : i32
        %gather3A_441 = arith.constant 0 : i32
        %gather3A_442 = arith.constant 0 : i32
        %gather3A_443 = tpu.memref_slice %arg6[%gather3A_440, %gather3A_441, %gather3A_442] : memref<2x128x64xf32, #tpu.memory_space<vmem>> -> memref<1x128x64xf32, #tpu.memory_space<vmem>>
        %gather3A_444 = tpu.memref_squeeze %gather3A_443 : memref<1x128x64xf32, #tpu.memory_space<vmem>> -> memref<128x64xf32, #tpu.memory_space<vmem>>
        %gather3A_445 = tpu.vector_load_idx %gather3A_444[%add3A_240, %and3A_433] : memref<128x64xf32, #tpu.memory_space<vmem>>[vector<16xi32>, vector<16xi32>], vector<16xf32>,
        %scatter3A_446 = arith.constant 1 : i32
        %scatter3A_447 = arith.constant 0 : i32
        %scatter3A_448 = arith.constant 0 : i32
        %scatter3A_449 = arith.constant 0 : i32
        %scatter3A_450 = tpu.memref_slice %arg7[%scatter3A_446, %scatter3A_447, %scatter3A_448, %scatter3A_449] : memref<2x8x8x128xf32, #tpu.memory_space<vmem>> -> memref<1x8x8x128xf32, #tpu.memory_space<vmem>>
        %scatter3A_451 = tpu.memref_squeeze %scatter3A_450 : memref<1x8x8x128xf32, #tpu.memory_space<vmem>> -> memref<8x8x128xf32, #tpu.memory_space<vmem>>
        tpu.vector_store_idx %scatter3A_451[%shift_right_logical3A_436, %and3A_439, %add3A_240], %gather3A_445 : memref<8x8x128xf32, #tpu.memory_space<vmem>>[vector<16xi32>, vector<16xi32>, vector<16xi32>], vector<16xf32>,
        %gather3A_452 = arith.constant 1 : i32
        %gather3A_453 = arith.constant 0 : i32
        %gather3A_454 = arith.constant 0 : i32
        %gather3A_455 = tpu.memref_slice %arg6[%gather3A_452, %gather3A_453, %gather3A_454] : memref<2x128x64xf32, #tpu.memory_space<vmem>> -> memref<1x128x64xf32, #tpu.memory_space<vmem>>
        %gather3A_456 = tpu.memref_squeeze %gather3A_455 : memref<1x128x64xf32, #tpu.memory_space<vmem>> -> memref<128x64xf32, #tpu.memory_space<vmem>>
        %gather3A_457 = tpu.vector_load_idx %gather3A_456[%add3A_243, %and3A_433] : memref<128x64xf32, #tpu.memory_space<vmem>>[vector<16xi32>, vector<16xi32>], vector<16xf32>,
        %scatter3A_458 = arith.constant 1 : i32
        %scatter3A_459 = arith.constant 0 : i32
        %scatter3A_460 = arith.constant 0 : i32
        %scatter3A_461 = arith.constant 0 : i32
        %scatter3A_462 = tpu.memref_slice %arg7[%scatter3A_458, %scatter3A_459, %scatter3A_460, %scatter3A_461] : memref<2x8x8x128xf32, #tpu.memory_space<vmem>> -> memref<1x8x8x128xf32, #tpu.memory_space<vmem>>
        %scatter3A_463 = tpu.memref_squeeze %scatter3A_462 : memref<1x8x8x128xf32, #tpu.memory_space<vmem>> -> memref<8x8x128xf32, #tpu.memory_space<vmem>>
        tpu.vector_store_idx %scatter3A_463[%shift_right_logical3A_436, %and3A_439, %add3A_243], %gather3A_457 : memref<8x8x128xf32, #tpu.memory_space<vmem>>[vector<16xi32>, vector<16xi32>, vector<16xi32>], vector<16xf32>,
        %gather3A_464 = arith.constant 1 : i32
        %gather3A_465 = arith.constant 0 : i32
        %gather3A_466 = arith.constant 0 : i32
        %gather3A_467 = tpu.memref_slice %arg6[%gather3A_464, %gather3A_465, %gather3A_466] : memref<2x128x64xf32, #tpu.memory_space<vmem>> -> memref<1x128x64xf32, #tpu.memory_space<vmem>>
        %gather3A_468 = tpu.memref_squeeze %gather3A_467 : memref<1x128x64xf32, #tpu.memory_space<vmem>> -> memref<128x64xf32, #tpu.memory_space<vmem>>
        %gather3A_469 = tpu.vector_load_idx %gather3A_468[%add3A_246, %and3A_433] : memref<128x64xf32, #tpu.memory_space<vmem>>[vector<16xi32>, vector<16xi32>], vector<16xf32>,
        %scatter3A_470 = arith.constant 1 : i32
        %scatter3A_471 = arith.constant 0 : i32
        %scatter3A_472 = arith.constant 0 : i32
        %scatter3A_473 = arith.constant 0 : i32
        %scatter3A_474 = tpu.memref_slice %arg7[%scatter3A_470, %scatter3A_471, %scatter3A_472, %scatter3A_473] : memref<2x8x8x128xf32, #tpu.memory_space<vmem>> -> memref<1x8x8x128xf32, #tpu.memory_space<vmem>>
        %scatter3A_475 = tpu.memref_squeeze %scatter3A_474 : memref<1x8x8x128xf32, #tpu.memory_space<vmem>> -> memref<8x8x128xf32, #tpu.memory_space<vmem>>
        tpu.vector_store_idx %scatter3A_475[%shift_right_logical3A_436, %and3A_439, %add3A_246], %gather3A_469 : memref<8x8x128xf32, #tpu.memory_space<vmem>>[vector<16xi32>, vector<16xi32>, vector<16xi32>], vector<16xf32>,
        %gather3A_476 = arith.constant 1 : i32
        %gather3A_477 = arith.constant 0 : i32
        %gather3A_478 = arith.constant 0 : i32
        %gather3A_479 = tpu.memref_slice %arg6[%gather3A_476, %gather3A_477, %gather3A_478] : memref<2x128x64xf32, #tpu.memory_space<vmem>> -> memref<1x128x64xf32, #tpu.memory_space<vmem>>
        %gather3A_480 = tpu.memref_squeeze %gather3A_479 : memref<1x128x64xf32, #tpu.memory_space<vmem>> -> memref<128x64xf32, #tpu.memory_space<vmem>>
        %gather3A_481 = tpu.vector_load_idx %gather3A_480[%add3A_249, %and3A_433] : memref<128x64xf32, #tpu.memory_space<vmem>>[vector<16xi32>, vector<16xi32>], vector<16xf32>,
        %scatter3A_482 = arith.constant 1 : i32
        %scatter3A_483 = arith.constant 0 : i32
        %scatter3A_484 = arith.constant 0 : i32
        %scatter3A_485 = arith.constant 0 : i32
        %scatter3A_486 = tpu.memref_slice %arg7[%scatter3A_482, %scatter3A_483, %scatter3A_484, %scatter3A_485] : memref<2x8x8x128xf32, #tpu.memory_space<vmem>> -> memref<1x8x8x128xf32, #tpu.memory_space<vmem>>
        %scatter3A_487 = tpu.memref_squeeze %scatter3A_486 : memref<1x8x8x128xf32, #tpu.memory_space<vmem>> -> memref<8x8x128xf32, #tpu.memory_space<vmem>>
        tpu.vector_store_idx %scatter3A_487[%shift_right_logical3A_436, %and3A_439, %add3A_249], %gather3A_481 : memref<8x8x128xf32, #tpu.memory_space<vmem>>[vector<16xi32>, vector<16xi32>, vector<16xi32>], vector<16xf32>,
        %gather3A_488 = arith.constant 1 : i32
        %gather3A_489 = arith.constant 0 : i32
        %gather3A_490 = arith.constant 0 : i32
        %gather3A_491 = tpu.memref_slice %arg6[%gather3A_488, %gather3A_489, %gather3A_490] : memref<2x128x64xf32, #tpu.memory_space<vmem>> -> memref<1x128x64xf32, #tpu.memory_space<vmem>>
        %gather3A_492 = tpu.memref_squeeze %gather3A_491 : memref<1x128x64xf32, #tpu.memory_space<vmem>> -> memref<128x64xf32, #tpu.memory_space<vmem>>
        %gather3A_493 = tpu.vector_load_idx %gather3A_492[%add3A_252, %and3A_433] : memref<128x64xf32, #tpu.memory_space<vmem>>[vector<16xi32>, vector<16xi32>], vector<16xf32>,
        %scatter3A_494 = arith.constant 1 : i32
        %scatter3A_495 = arith.constant 0 : i32
        %scatter3A_496 = arith.constant 0 : i32
        %scatter3A_497 = arith.constant 0 : i32
        %scatter3A_498 = tpu.memref_slice %arg7[%scatter3A_494, %scatter3A_495, %scatter3A_496, %scatter3A_497] : memref<2x8x8x128xf32, #tpu.memory_space<vmem>> -> memref<1x8x8x128xf32, #tpu.memory_space<vmem>>
        %scatter3A_499 = tpu.memref_squeeze %scatter3A_498 : memref<1x8x8x128xf32, #tpu.memory_space<vmem>> -> memref<8x8x128xf32, #tpu.memory_space<vmem>>
        tpu.vector_store_idx %scatter3A_499[%shift_right_logical3A_436, %and3A_439, %add3A_252], %gather3A_493 : memref<8x8x128xf32, #tpu.memory_space<vmem>>[vector<16xi32>, vector<16xi32>, vector<16xi32>], vector<16xf32>,
        %gather3A_500 = arith.constant 1 : i32
        %gather3A_501 = arith.constant 0 : i32
        %gather3A_502 = arith.constant 0 : i32
        %gather3A_503 = tpu.memref_slice %arg6[%gather3A_500, %gather3A_501, %gather3A_502] : memref<2x128x64xf32, #tpu.memory_space<vmem>> -> memref<1x128x64xf32, #tpu.memory_space<vmem>>
        %gather3A_504 = tpu.memref_squeeze %gather3A_503 : memref<1x128x64xf32, #tpu.memory_space<vmem>> -> memref<128x64xf32, #tpu.memory_space<vmem>>
        %gather3A_505 = tpu.vector_load_idx %gather3A_504[%add3A_255, %and3A_433] : memref<128x64xf32, #tpu.memory_space<vmem>>[vector<16xi32>, vector<16xi32>], vector<16xf32>,
        %scatter3A_506 = arith.constant 1 : i32
        %scatter3A_507 = arith.constant 0 : i32
        %scatter3A_508 = arith.constant 0 : i32
        %scatter3A_509 = arith.constant 0 : i32
        %scatter3A_510 = tpu.memref_slice %arg7[%scatter3A_506, %scatter3A_507, %scatter3A_508, %scatter3A_509] : memref<2x8x8x128xf32, #tpu.memory_space<vmem>> -> memref<1x8x8x128xf32, #tpu.memory_space<vmem>>
        %scatter3A_511 = tpu.memref_squeeze %scatter3A_510 : memref<1x8x8x128xf32, #tpu.memory_space<vmem>> -> memref<8x8x128xf32, #tpu.memory_space<vmem>>
        tpu.vector_store_idx %scatter3A_511[%shift_right_logical3A_436, %and3A_439, %add3A_255], %gather3A_505 : memref<8x8x128xf32, #tpu.memory_space<vmem>>[vector<16xi32>, vector<16xi32>, vector<16xi32>], vector<16xf32>,
        %gather3A_512 = arith.constant 1 : i32
        %gather3A_513 = arith.constant 0 : i32
        %gather3A_514 = arith.constant 0 : i32
        %gather3A_515 = tpu.memref_slice %arg6[%gather3A_512, %gather3A_513, %gather3A_514] : memref<2x128x64xf32, #tpu.memory_space<vmem>> -> memref<1x128x64xf32, #tpu.memory_space<vmem>>
        %gather3A_516 = tpu.memref_squeeze %gather3A_515 : memref<1x128x64xf32, #tpu.memory_space<vmem>> -> memref<128x64xf32, #tpu.memory_space<vmem>>
        %gather3A_517 = tpu.vector_load_idx %gather3A_516[%add3A_258, %and3A_433] : memref<128x64xf32, #tpu.memory_space<vmem>>[vector<16xi32>, vector<16xi32>], vector<16xf32>,
        %scatter3A_518 = arith.constant 1 : i32
        %scatter3A_519 = arith.constant 0 : i32
        %scatter3A_520 = arith.constant 0 : i32
        %scatter3A_521 = arith.constant 0 : i32
        %scatter3A_522 = tpu.memref_slice %arg7[%scatter3A_518, %scatter3A_519, %scatter3A_520, %scatter3A_521] : memref<2x8x8x128xf32, #tpu.memory_space<vmem>> -> memref<1x8x8x128xf32, #tpu.memory_space<vmem>>
        %scatter3A_523 = tpu.memref_squeeze %scatter3A_522 : memref<1x8x8x128xf32, #tpu.memory_space<vmem>> -> memref<8x8x128xf32, #tpu.memory_space<vmem>>
        tpu.vector_store_idx %scatter3A_523[%shift_right_logical3A_436, %and3A_439, %add3A_258], %gather3A_517 : memref<8x8x128xf32, #tpu.memory_space<vmem>>[vector<16xi32>, vector<16xi32>, vector<16xi32>], vector<16xf32>,
        %gather3A_524 = arith.constant 1 : i32
        %gather3A_525 = arith.constant 0 : i32
        %gather3A_526 = arith.constant 0 : i32
        %gather3A_527 = tpu.memref_slice %arg6[%gather3A_524, %gather3A_525, %gather3A_526] : memref<2x128x64xf32, #tpu.memory_space<vmem>> -> memref<1x128x64xf32, #tpu.memory_space<vmem>>
        %gather3A_528 = tpu.memref_squeeze %gather3A_527 : memref<1x128x64xf32, #tpu.memory_space<vmem>> -> memref<128x64xf32, #tpu.memory_space<vmem>>
        %gather3A_529 = tpu.vector_load_idx %gather3A_528[%add3A_261, %and3A_433] : memref<128x64xf32, #tpu.memory_space<vmem>>[vector<16xi32>, vector<16xi32>], vector<16xf32>,
        %scatter3A_530 = arith.constant 1 : i32
        %scatter3A_531 = arith.constant 0 : i32
        %scatter3A_532 = arith.constant 0 : i32
        %scatter3A_533 = arith.constant 0 : i32
        %scatter3A_534 = tpu.memref_slice %arg7[%scatter3A_530, %scatter3A_531, %scatter3A_532, %scatter3A_533] : memref<2x8x8x128xf32, #tpu.memory_space<vmem>> -> memref<1x8x8x128xf32, #tpu.memory_space<vmem>>
        %scatter3A_535 = tpu.memref_squeeze %scatter3A_534 : memref<1x8x8x128xf32, #tpu.memory_space<vmem>> -> memref<8x8x128xf32, #tpu.memory_space<vmem>>
        tpu.vector_store_idx %scatter3A_535[%shift_right_logical3A_436, %and3A_439, %add3A_261], %gather3A_529 : memref<8x8x128xf32, #tpu.memory_space<vmem>>[vector<16xi32>, vector<16xi32>, vector<16xi32>], vector<16xf32>,
        %add3A_536 = arith.constant 2 : i32
        %add3A_537 = arith.addi %add3A_320, %add3A_536 : i32
        %add3A_538 = vector.broadcast %add3A_537 : i32 to vector<16xi32>
        %add3A_539 = arith.addi %add3A_538, %iota3A : vector<16xi32>
        %and3A_540 = arith.constant 63 : i32
        %and3A_541 = vector.broadcast %and3A_540 : i32 to vector<16xi32>
        %and3A_542 = arith.andi %add3A_539, %and3A_541 : vector<16xi32>
        %shift_right_logical3A_543 = arith.constant 3 : i32
        %shift_right_logical3A_544 = vector.broadcast %shift_right_logical3A_543 : i32 to vector<16xi32>
        %shift_right_logical3A_545 = arith.shrui %and3A_542, %shift_right_logical3A_544 : vector<16xi32>
        %and3A_546 = arith.constant 7 : i32
        %and3A_547 = vector.broadcast %and3A_546 : i32 to vector<16xi32>
        %and3A_548 = arith.andi %and3A_542, %and3A_547 : vector<16xi32>
        %gather3A_549 = arith.constant 1 : i32
        %gather3A_550 = arith.constant 0 : i32
        %gather3A_551 = arith.constant 0 : i32
        %gather3A_552 = tpu.memref_slice %arg6[%gather3A_549, %gather3A_550, %gather3A_551] : memref<2x128x64xf32, #tpu.memory_space<vmem>> -> memref<1x128x64xf32, #tpu.memory_space<vmem>>
        %gather3A_553 = tpu.memref_squeeze %gather3A_552 : memref<1x128x64xf32, #tpu.memory_space<vmem>> -> memref<128x64xf32, #tpu.memory_space<vmem>>
        %gather3A_554 = tpu.vector_load_idx %gather3A_553[%add3A_240, %and3A_542] : memref<128x64xf32, #tpu.memory_space<vmem>>[vector<16xi32>, vector<16xi32>], vector<16xf32>,
        %scatter3A_555 = arith.constant 1 : i32
        %scatter3A_556 = arith.constant 0 : i32
        %scatter3A_557 = arith.constant 0 : i32
        %scatter3A_558 = arith.constant 0 : i32
        %scatter3A_559 = tpu.memref_slice %arg7[%scatter3A_555, %scatter3A_556, %scatter3A_557, %scatter3A_558] : memref<2x8x8x128xf32, #tpu.memory_space<vmem>> -> memref<1x8x8x128xf32, #tpu.memory_space<vmem>>
        %scatter3A_560 = tpu.memref_squeeze %scatter3A_559 : memref<1x8x8x128xf32, #tpu.memory_space<vmem>> -> memref<8x8x128xf32, #tpu.memory_space<vmem>>
        tpu.vector_store_idx %scatter3A_560[%shift_right_logical3A_545, %and3A_548, %add3A_240], %gather3A_554 : memref<8x8x128xf32, #tpu.memory_space<vmem>>[vector<16xi32>, vector<16xi32>, vector<16xi32>], vector<16xf32>,
        %gather3A_561 = arith.constant 1 : i32
        %gather3A_562 = arith.constant 0 : i32
        %gather3A_563 = arith.constant 0 : i32
        %gather3A_564 = tpu.memref_slice %arg6[%gather3A_561, %gather3A_562, %gather3A_563] : memref<2x128x64xf32, #tpu.memory_space<vmem>> -> memref<1x128x64xf32, #tpu.memory_space<vmem>>
        %gather3A_565 = tpu.memref_squeeze %gather3A_564 : memref<1x128x64xf32, #tpu.memory_space<vmem>> -> memref<128x64xf32, #tpu.memory_space<vmem>>
        %gather3A_566 = tpu.vector_load_idx %gather3A_565[%add3A_243, %and3A_542] : memref<128x64xf32, #tpu.memory_space<vmem>>[vector<16xi32>, vector<16xi32>], vector<16xf32>,
        %scatter3A_567 = arith.constant 1 : i32
        %scatter3A_568 = arith.constant 0 : i32
        %scatter3A_569 = arith.constant 0 : i32
        %scatter3A_570 = arith.constant 0 : i32
        %scatter3A_571 = tpu.memref_slice %arg7[%scatter3A_567, %scatter3A_568, %scatter3A_569, %scatter3A_570] : memref<2x8x8x128xf32, #tpu.memory_space<vmem>> -> memref<1x8x8x128xf32, #tpu.memory_space<vmem>>
        %scatter3A_572 = tpu.memref_squeeze %scatter3A_571 : memref<1x8x8x128xf32, #tpu.memory_space<vmem>> -> memref<8x8x128xf32, #tpu.memory_space<vmem>>
        tpu.vector_store_idx %scatter3A_572[%shift_right_logical3A_545, %and3A_548, %add3A_243], %gather3A_566 : memref<8x8x128xf32, #tpu.memory_space<vmem>>[vector<16xi32>, vector<16xi32>, vector<16xi32>], vector<16xf32>,
        %gather3A_573 = arith.constant 1 : i32
        %gather3A_574 = arith.constant 0 : i32
        %gather3A_575 = arith.constant 0 : i32
        %gather3A_576 = tpu.memref_slice %arg6[%gather3A_573, %gather3A_574, %gather3A_575] : memref<2x128x64xf32, #tpu.memory_space<vmem>> -> memref<1x128x64xf32, #tpu.memory_space<vmem>>
        %gather3A_577 = tpu.memref_squeeze %gather3A_576 : memref<1x128x64xf32, #tpu.memory_space<vmem>> -> memref<128x64xf32, #tpu.memory_space<vmem>>
        %gather3A_578 = tpu.vector_load_idx %gather3A_577[%add3A_246, %and3A_542] : memref<128x64xf32, #tpu.memory_space<vmem>>[vector<16xi32>, vector<16xi32>], vector<16xf32>,
        %scatter3A_579 = arith.constant 1 : i32
        %scatter3A_580 = arith.constant 0 : i32
        %scatter3A_581 = arith.constant 0 : i32
        %scatter3A_582 = arith.constant 0 : i32
        %scatter3A_583 = tpu.memref_slice %arg7[%scatter3A_579, %scatter3A_580, %scatter3A_581, %scatter3A_582] : memref<2x8x8x128xf32, #tpu.memory_space<vmem>> -> memref<1x8x8x128xf32, #tpu.memory_space<vmem>>
        %scatter3A_584 = tpu.memref_squeeze %scatter3A_583 : memref<1x8x8x128xf32, #tpu.memory_space<vmem>> -> memref<8x8x128xf32, #tpu.memory_space<vmem>>
        tpu.vector_store_idx %scatter3A_584[%shift_right_logical3A_545, %and3A_548, %add3A_246], %gather3A_578 : memref<8x8x128xf32, #tpu.memory_space<vmem>>[vector<16xi32>, vector<16xi32>, vector<16xi32>], vector<16xf32>,
        %gather3A_585 = arith.constant 1 : i32
        %gather3A_586 = arith.constant 0 : i32
        %gather3A_587 = arith.constant 0 : i32
        %gather3A_588 = tpu.memref_slice %arg6[%gather3A_585, %gather3A_586, %gather3A_587] : memref<2x128x64xf32, #tpu.memory_space<vmem>> -> memref<1x128x64xf32, #tpu.memory_space<vmem>>
        %gather3A_589 = tpu.memref_squeeze %gather3A_588 : memref<1x128x64xf32, #tpu.memory_space<vmem>> -> memref<128x64xf32, #tpu.memory_space<vmem>>
        %gather3A_590 = tpu.vector_load_idx %gather3A_589[%add3A_249, %and3A_542] : memref<128x64xf32, #tpu.memory_space<vmem>>[vector<16xi32>, vector<16xi32>], vector<16xf32>,
        %scatter3A_591 = arith.constant 1 : i32
        %scatter3A_592 = arith.constant 0 : i32
        %scatter3A_593 = arith.constant 0 : i32
        %scatter3A_594 = arith.constant 0 : i32
        %scatter3A_595 = tpu.memref_slice %arg7[%scatter3A_591, %scatter3A_592, %scatter3A_593, %scatter3A_594] : memref<2x8x8x128xf32, #tpu.memory_space<vmem>> -> memref<1x8x8x128xf32, #tpu.memory_space<vmem>>
        %scatter3A_596 = tpu.memref_squeeze %scatter3A_595 : memref<1x8x8x128xf32, #tpu.memory_space<vmem>> -> memref<8x8x128xf32, #tpu.memory_space<vmem>>
        tpu.vector_store_idx %scatter3A_596[%shift_right_logical3A_545, %and3A_548, %add3A_249], %gather3A_590 : memref<8x8x128xf32, #tpu.memory_space<vmem>>[vector<16xi32>, vector<16xi32>, vector<16xi32>], vector<16xf32>,
        %gather3A_597 = arith.constant 1 : i32
        %gather3A_598 = arith.constant 0 : i32
        %gather3A_599 = arith.constant 0 : i32
        %gather3A_600 = tpu.memref_slice %arg6[%gather3A_597, %gather3A_598, %gather3A_599] : memref<2x128x64xf32, #tpu.memory_space<vmem>> -> memref<1x128x64xf32, #tpu.memory_space<vmem>>
        %gather3A_601 = tpu.memref_squeeze %gather3A_600 : memref<1x128x64xf32, #tpu.memory_space<vmem>> -> memref<128x64xf32, #tpu.memory_space<vmem>>
        %gather3A_602 = tpu.vector_load_idx %gather3A_601[%add3A_252, %and3A_542] : memref<128x64xf32, #tpu.memory_space<vmem>>[vector<16xi32>, vector<16xi32>], vector<16xf32>,
        %scatter3A_603 = arith.constant 1 : i32
        %scatter3A_604 = arith.constant 0 : i32
        %scatter3A_605 = arith.constant 0 : i32
        %scatter3A_606 = arith.constant 0 : i32
        %scatter3A_607 = tpu.memref_slice %arg7[%scatter3A_603, %scatter3A_604, %scatter3A_605, %scatter3A_606] : memref<2x8x8x128xf32, #tpu.memory_space<vmem>> -> memref<1x8x8x128xf32, #tpu.memory_space<vmem>>
        %scatter3A_608 = tpu.memref_squeeze %scatter3A_607 : memref<1x8x8x128xf32, #tpu.memory_space<vmem>> -> memref<8x8x128xf32, #tpu.memory_space<vmem>>
        tpu.vector_store_idx %scatter3A_608[%shift_right_logical3A_545, %and3A_548, %add3A_252], %gather3A_602 : memref<8x8x128xf32, #tpu.memory_space<vmem>>[vector<16xi32>, vector<16xi32>, vector<16xi32>], vector<16xf32>,
        %gather3A_609 = arith.constant 1 : i32
        %gather3A_610 = arith.constant 0 : i32
        %gather3A_611 = arith.constant 0 : i32
        %gather3A_612 = tpu.memref_slice %arg6[%gather3A_609, %gather3A_610, %gather3A_611] : memref<2x128x64xf32, #tpu.memory_space<vmem>> -> memref<1x128x64xf32, #tpu.memory_space<vmem>>
        %gather3A_613 = tpu.memref_squeeze %gather3A_612 : memref<1x128x64xf32, #tpu.memory_space<vmem>> -> memref<128x64xf32, #tpu.memory_space<vmem>>
        %gather3A_614 = tpu.vector_load_idx %gather3A_613[%add3A_255, %and3A_542] : memref<128x64xf32, #tpu.memory_space<vmem>>[vector<16xi32>, vector<16xi32>], vector<16xf32>,
        %scatter3A_615 = arith.constant 1 : i32
        %scatter3A_616 = arith.constant 0 : i32
        %scatter3A_617 = arith.constant 0 : i32
        %scatter3A_618 = arith.constant 0 : i32
        %scatter3A_619 = tpu.memref_slice %arg7[%scatter3A_615, %scatter3A_616, %scatter3A_617, %scatter3A_618] : memref<2x8x8x128xf32, #tpu.memory_space<vmem>> -> memref<1x8x8x128xf32, #tpu.memory_space<vmem>>
        %scatter3A_620 = tpu.memref_squeeze %scatter3A_619 : memref<1x8x8x128xf32, #tpu.memory_space<vmem>> -> memref<8x8x128xf32, #tpu.memory_space<vmem>>
        tpu.vector_store_idx %scatter3A_620[%shift_right_logical3A_545, %and3A_548, %add3A_255], %gather3A_614 : memref<8x8x128xf32, #tpu.memory_space<vmem>>[vector<16xi32>, vector<16xi32>, vector<16xi32>], vector<16xf32>,
        %gather3A_621 = arith.constant 1 : i32
        %gather3A_622 = arith.constant 0 : i32
        %gather3A_623 = arith.constant 0 : i32
        %gather3A_624 = tpu.memref_slice %arg6[%gather3A_621, %gather3A_622, %gather3A_623] : memref<2x128x64xf32, #tpu.memory_space<vmem>> -> memref<1x128x64xf32, #tpu.memory_space<vmem>>
        %gather3A_625 = tpu.memref_squeeze %gather3A_624 : memref<1x128x64xf32, #tpu.memory_space<vmem>> -> memref<128x64xf32, #tpu.memory_space<vmem>>
        %gather3A_626 = tpu.vector_load_idx %gather3A_625[%add3A_258, %and3A_542] : memref<128x64xf32, #tpu.memory_space<vmem>>[vector<16xi32>, vector<16xi32>], vector<16xf32>,
        %scatter3A_627 = arith.constant 1 : i32
        %scatter3A_628 = arith.constant 0 : i32
        %scatter3A_629 = arith.constant 0 : i32
        %scatter3A_630 = arith.constant 0 : i32
        %scatter3A_631 = tpu.memref_slice %arg7[%scatter3A_627, %scatter3A_628, %scatter3A_629, %scatter3A_630] : memref<2x8x8x128xf32, #tpu.memory_space<vmem>> -> memref<1x8x8x128xf32, #tpu.memory_space<vmem>>
        %scatter3A_632 = tpu.memref_squeeze %scatter3A_631 : memref<1x8x8x128xf32, #tpu.memory_space<vmem>> -> memref<8x8x128xf32, #tpu.memory_space<vmem>>
        tpu.vector_store_idx %scatter3A_632[%shift_right_logical3A_545, %and3A_548, %add3A_258], %gather3A_626 : memref<8x8x128xf32, #tpu.memory_space<vmem>>[vector<16xi32>, vector<16xi32>, vector<16xi32>], vector<16xf32>,
        %gather3A_633 = arith.constant 1 : i32
        %gather3A_634 = arith.constant 0 : i32
        %gather3A_635 = arith.constant 0 : i32
        %gather3A_636 = tpu.memref_slice %arg6[%gather3A_633, %gather3A_634, %gather3A_635] : memref<2x128x64xf32, #tpu.memory_space<vmem>> -> memref<1x128x64xf32, #tpu.memory_space<vmem>>
        %gather3A_637 = tpu.memref_squeeze %gather3A_636 : memref<1x128x64xf32, #tpu.memory_space<vmem>> -> memref<128x64xf32, #tpu.memory_space<vmem>>
        %gather3A_638 = tpu.vector_load_idx %gather3A_637[%add3A_261, %and3A_542] : memref<128x64xf32, #tpu.memory_space<vmem>>[vector<16xi32>, vector<16xi32>], vector<16xf32>,
        %scatter3A_639 = arith.constant 1 : i32
        %scatter3A_640 = arith.constant 0 : i32
        %scatter3A_641 = arith.constant 0 : i32
        %scatter3A_642 = arith.constant 0 : i32
        %scatter3A_643 = tpu.memref_slice %arg7[%scatter3A_639, %scatter3A_640, %scatter3A_641, %scatter3A_642] : memref<2x8x8x128xf32, #tpu.memory_space<vmem>> -> memref<1x8x8x128xf32, #tpu.memory_space<vmem>>
        %scatter3A_644 = tpu.memref_squeeze %scatter3A_643 : memref<1x8x8x128xf32, #tpu.memory_space<vmem>> -> memref<8x8x128xf32, #tpu.memory_space<vmem>>
        tpu.vector_store_idx %scatter3A_644[%shift_right_logical3A_545, %and3A_548, %add3A_261], %gather3A_638 : memref<8x8x128xf32, #tpu.memory_space<vmem>>[vector<16xi32>, vector<16xi32>, vector<16xi32>], vector<16xf32>,
        %add3A_645 = arith.constant 3 : i32
        %add3A_646 = arith.addi %add3A_320, %add3A_645 : i32
        %add3A_647 = vector.broadcast %add3A_646 : i32 to vector<16xi32>
        %add3A_648 = arith.addi %add3A_647, %iota3A : vector<16xi32>
        %and3A_649 = arith.constant 63 : i32
        %and3A_650 = vector.broadcast %and3A_649 : i32 to vector<16xi32>
        %and3A_651 = arith.andi %add3A_648, %and3A_650 : vector<16xi32>
        %shift_right_logical3A_652 = arith.constant 3 : i32
        %shift_right_logical3A_653 = vector.broadcast %shift_right_logical3A_652 : i32 to vector<16xi32>
        %shift_right_logical3A_654 = arith.shrui %and3A_651, %shift_right_logical3A_653 : vector<16xi32>
        %and3A_655 = arith.constant 7 : i32
        %and3A_656 = vector.broadcast %and3A_655 : i32 to vector<16xi32>
        %and3A_657 = arith.andi %and3A_651, %and3A_656 : vector<16xi32>
        %gather3A_658 = arith.constant 1 : i32
        %gather3A_659 = arith.constant 0 : i32
        %gather3A_660 = arith.constant 0 : i32
        %gather3A_661 = tpu.memref_slice %arg6[%gather3A_658, %gather3A_659, %gather3A_660] : memref<2x128x64xf32, #tpu.memory_space<vmem>> -> memref<1x128x64xf32, #tpu.memory_space<vmem>>
        %gather3A_662 = tpu.memref_squeeze %gather3A_661 : memref<1x128x64xf32, #tpu.memory_space<vmem>> -> memref<128x64xf32, #tpu.memory_space<vmem>>
        %gather3A_663 = tpu.vector_load_idx %gather3A_662[%add3A_240, %and3A_651] : memref<128x64xf32, #tpu.memory_space<vmem>>[vector<16xi32>, vector<16xi32>], vector<16xf32>,
        %scatter3A_664 = arith.constant 1 : i32
        %scatter3A_665 = arith.constant 0 : i32
        %scatter3A_666 = arith.constant 0 : i32
        %scatter3A_667 = arith.constant 0 : i32
        %scatter3A_668 = tpu.memref_slice %arg7[%scatter3A_664, %scatter3A_665, %scatter3A_666, %scatter3A_667] : memref<2x8x8x128xf32, #tpu.memory_space<vmem>> -> memref<1x8x8x128xf32, #tpu.memory_space<vmem>>
        %scatter3A_669 = tpu.memref_squeeze %scatter3A_668 : memref<1x8x8x128xf32, #tpu.memory_space<vmem>> -> memref<8x8x128xf32, #tpu.memory_space<vmem>>
        tpu.vector_store_idx %scatter3A_669[%shift_right_logical3A_654, %and3A_657, %add3A_240], %gather3A_663 : memref<8x8x128xf32, #tpu.memory_space<vmem>>[vector<16xi32>, vector<16xi32>, vector<16xi32>], vector<16xf32>,
        %gather3A_670 = arith.constant 1 : i32
        %gather3A_671 = arith.constant 0 : i32
        %gather3A_672 = arith.constant 0 : i32
        %gather3A_673 = tpu.memref_slice %arg6[%gather3A_670, %gather3A_671, %gather3A_672] : memref<2x128x64xf32, #tpu.memory_space<vmem>> -> memref<1x128x64xf32, #tpu.memory_space<vmem>>
        %gather3A_674 = tpu.memref_squeeze %gather3A_673 : memref<1x128x64xf32, #tpu.memory_space<vmem>> -> memref<128x64xf32, #tpu.memory_space<vmem>>
        %gather3A_675 = tpu.vector_load_idx %gather3A_674[%add3A_243, %and3A_651] : memref<128x64xf32, #tpu.memory_space<vmem>>[vector<16xi32>, vector<16xi32>], vector<16xf32>,
        %scatter3A_676 = arith.constant 1 : i32
        %scatter3A_677 = arith.constant 0 : i32
        %scatter3A_678 = arith.constant 0 : i32
        %scatter3A_679 = arith.constant 0 : i32
        %scatter3A_680 = tpu.memref_slice %arg7[%scatter3A_676, %scatter3A_677, %scatter3A_678, %scatter3A_679] : memref<2x8x8x128xf32, #tpu.memory_space<vmem>> -> memref<1x8x8x128xf32, #tpu.memory_space<vmem>>
        %scatter3A_681 = tpu.memref_squeeze %scatter3A_680 : memref<1x8x8x128xf32, #tpu.memory_space<vmem>> -> memref<8x8x128xf32, #tpu.memory_space<vmem>>
        tpu.vector_store_idx %scatter3A_681[%shift_right_logical3A_654, %and3A_657, %add3A_243], %gather3A_675 : memref<8x8x128xf32, #tpu.memory_space<vmem>>[vector<16xi32>, vector<16xi32>, vector<16xi32>], vector<16xf32>,
        %gather3A_682 = arith.constant 1 : i32
        %gather3A_683 = arith.constant 0 : i32
        %gather3A_684 = arith.constant 0 : i32
        %gather3A_685 = tpu.memref_slice %arg6[%gather3A_682, %gather3A_683, %gather3A_684] : memref<2x128x64xf32, #tpu.memory_space<vmem>> -> memref<1x128x64xf32, #tpu.memory_space<vmem>>
        %gather3A_686 = tpu.memref_squeeze %gather3A_685 : memref<1x128x64xf32, #tpu.memory_space<vmem>> -> memref<128x64xf32, #tpu.memory_space<vmem>>
        %gather3A_687 = tpu.vector_load_idx %gather3A_686[%add3A_246, %and3A_651] : memref<128x64xf32, #tpu.memory_space<vmem>>[vector<16xi32>, vector<16xi32>], vector<16xf32>,
        %scatter3A_688 = arith.constant 1 : i32
        %scatter3A_689 = arith.constant 0 : i32
        %scatter3A_690 = arith.constant 0 : i32
        %scatter3A_691 = arith.constant 0 : i32
        %scatter3A_692 = tpu.memref_slice %arg7[%scatter3A_688, %scatter3A_689, %scatter3A_690, %scatter3A_691] : memref<2x8x8x128xf32, #tpu.memory_space<vmem>> -> memref<1x8x8x128xf32, #tpu.memory_space<vmem>>
        %scatter3A_693 = tpu.memref_squeeze %scatter3A_692 : memref<1x8x8x128xf32, #tpu.memory_space<vmem>> -> memref<8x8x128xf32, #tpu.memory_space<vmem>>
        tpu.vector_store_idx %scatter3A_693[%shift_right_logical3A_654, %and3A_657, %add3A_246], %gather3A_687 : memref<8x8x128xf32, #tpu.memory_space<vmem>>[vector<16xi32>, vector<16xi32>, vector<16xi32>], vector<16xf32>,
        %gather3A_694 = arith.constant 1 : i32
        %gather3A_695 = arith.constant 0 : i32
        %gather3A_696 = arith.constant 0 : i32
        %gather3A_697 = tpu.memref_slice %arg6[%gather3A_694, %gather3A_695, %gather3A_696] : memref<2x128x64xf32, #tpu.memory_space<vmem>> -> memref<1x128x64xf32, #tpu.memory_space<vmem>>
        %gather3A_698 = tpu.memref_squeeze %gather3A_697 : memref<1x128x64xf32, #tpu.memory_space<vmem>> -> memref<128x64xf32, #tpu.memory_space<vmem>>
        %gather3A_699 = tpu.vector_load_idx %gather3A_698[%add3A_249, %and3A_651] : memref<128x64xf32, #tpu.memory_space<vmem>>[vector<16xi32>, vector<16xi32>], vector<16xf32>,
        %scatter3A_700 = arith.constant 1 : i32
        %scatter3A_701 = arith.constant 0 : i32
        %scatter3A_702 = arith.constant 0 : i32
        %scatter3A_703 = arith.constant 0 : i32
        %scatter3A_704 = tpu.memref_slice %arg7[%scatter3A_700, %scatter3A_701, %scatter3A_702, %scatter3A_703] : memref<2x8x8x128xf32, #tpu.memory_space<vmem>> -> memref<1x8x8x128xf32, #tpu.memory_space<vmem>>
        %scatter3A_705 = tpu.memref_squeeze %scatter3A_704 : memref<1x8x8x128xf32, #tpu.memory_space<vmem>> -> memref<8x8x128xf32, #tpu.memory_space<vmem>>
        tpu.vector_store_idx %scatter3A_705[%shift_right_logical3A_654, %and3A_657, %add3A_249], %gather3A_699 : memref<8x8x128xf32, #tpu.memory_space<vmem>>[vector<16xi32>, vector<16xi32>, vector<16xi32>], vector<16xf32>,
        %gather3A_706 = arith.constant 1 : i32
        %gather3A_707 = arith.constant 0 : i32
        %gather3A_708 = arith.constant 0 : i32
        %gather3A_709 = tpu.memref_slice %arg6[%gather3A_706, %gather3A_707, %gather3A_708] : memref<2x128x64xf32, #tpu.memory_space<vmem>> -> memref<1x128x64xf32, #tpu.memory_space<vmem>>
        %gather3A_710 = tpu.memref_squeeze %gather3A_709 : memref<1x128x64xf32, #tpu.memory_space<vmem>> -> memref<128x64xf32, #tpu.memory_space<vmem>>
        %gather3A_711 = tpu.vector_load_idx %gather3A_710[%add3A_252, %and3A_651] : memref<128x64xf32, #tpu.memory_space<vmem>>[vector<16xi32>, vector<16xi32>], vector<16xf32>,
        %scatter3A_712 = arith.constant 1 : i32
        %scatter3A_713 = arith.constant 0 : i32
        %scatter3A_714 = arith.constant 0 : i32
        %scatter3A_715 = arith.constant 0 : i32
        %scatter3A_716 = tpu.memref_slice %arg7[%scatter3A_712, %scatter3A_713, %scatter3A_714, %scatter3A_715] : memref<2x8x8x128xf32, #tpu.memory_space<vmem>> -> memref<1x8x8x128xf32, #tpu.memory_space<vmem>>
        %scatter3A_717 = tpu.memref_squeeze %scatter3A_716 : memref<1x8x8x128xf32, #tpu.memory_space<vmem>> -> memref<8x8x128xf32, #tpu.memory_space<vmem>>
        tpu.vector_store_idx %scatter3A_717[%shift_right_logical3A_654, %and3A_657, %add3A_252], %gather3A_711 : memref<8x8x128xf32, #tpu.memory_space<vmem>>[vector<16xi32>, vector<16xi32>, vector<16xi32>], vector<16xf32>,
        %gather3A_718 = arith.constant 1 : i32
        %gather3A_719 = arith.constant 0 : i32
        %gather3A_720 = arith.constant 0 : i32
        %gather3A_721 = tpu.memref_slice %arg6[%gather3A_718, %gather3A_719, %gather3A_720] : memref<2x128x64xf32, #tpu.memory_space<vmem>> -> memref<1x128x64xf32, #tpu.memory_space<vmem>>
        %gather3A_722 = tpu.memref_squeeze %gather3A_721 : memref<1x128x64xf32, #tpu.memory_space<vmem>> -> memref<128x64xf32, #tpu.memory_space<vmem>>
        %gather3A_723 = tpu.vector_load_idx %gather3A_722[%add3A_255, %and3A_651] : memref<128x64xf32, #tpu.memory_space<vmem>>[vector<16xi32>, vector<16xi32>], vector<16xf32>,
        %scatter3A_724 = arith.constant 1 : i32
        %scatter3A_725 = arith.constant 0 : i32
        %scatter3A_726 = arith.constant 0 : i32
        %scatter3A_727 = arith.constant 0 : i32
        %scatter3A_728 = tpu.memref_slice %arg7[%scatter3A_724, %scatter3A_725, %scatter3A_726, %scatter3A_727] : memref<2x8x8x128xf32, #tpu.memory_space<vmem>> -> memref<1x8x8x128xf32, #tpu.memory_space<vmem>>
        %scatter3A_729 = tpu.memref_squeeze %scatter3A_728 : memref<1x8x8x128xf32, #tpu.memory_space<vmem>> -> memref<8x8x128xf32, #tpu.memory_space<vmem>>
        tpu.vector_store_idx %scatter3A_729[%shift_right_logical3A_654, %and3A_657, %add3A_255], %gather3A_723 : memref<8x8x128xf32, #tpu.memory_space<vmem>>[vector<16xi32>, vector<16xi32>, vector<16xi32>], vector<16xf32>,
        %gather3A_730 = arith.constant 1 : i32
        %gather3A_731 = arith.constant 0 : i32
        %gather3A_732 = arith.constant 0 : i32
        %gather3A_733 = tpu.memref_slice %arg6[%gather3A_730, %gather3A_731, %gather3A_732] : memref<2x128x64xf32, #tpu.memory_space<vmem>> -> memref<1x128x64xf32, #tpu.memory_space<vmem>>
        %gather3A_734 = tpu.memref_squeeze %gather3A_733 : memref<1x128x64xf32, #tpu.memory_space<vmem>> -> memref<128x64xf32, #tpu.memory_space<vmem>>
        %gather3A_735 = tpu.vector_load_idx %gather3A_734[%add3A_258, %and3A_651] : memref<128x64xf32, #tpu.memory_space<vmem>>[vector<16xi32>, vector<16xi32>], vector<16xf32>,
        %scatter3A_736 = arith.constant 1 : i32
        %scatter3A_737 = arith.constant 0 : i32
        %scatter3A_738 = arith.constant 0 : i32
        %scatter3A_739 = arith.constant 0 : i32
        %scatter3A_740 = tpu.memref_slice %arg7[%scatter3A_736, %scatter3A_737, %scatter3A_738, %scatter3A_739] : memref<2x8x8x128xf32, #tpu.memory_space<vmem>> -> memref<1x8x8x128xf32, #tpu.memory_space<vmem>>
        %scatter3A_741 = tpu.memref_squeeze %scatter3A_740 : memref<1x8x8x128xf32, #tpu.memory_space<vmem>> -> memref<8x8x128xf32, #tpu.memory_space<vmem>>
        tpu.vector_store_idx %scatter3A_741[%shift_right_logical3A_654, %and3A_657, %add3A_258], %gather3A_735 : memref<8x8x128xf32, #tpu.memory_space<vmem>>[vector<16xi32>, vector<16xi32>, vector<16xi32>], vector<16xf32>,
        %gather3A_742 = arith.constant 1 : i32
        %gather3A_743 = arith.constant 0 : i32
        %gather3A_744 = arith.constant 0 : i32
        %gather3A_745 = tpu.memref_slice %arg6[%gather3A_742, %gather3A_743, %gather3A_744] : memref<2x128x64xf32, #tpu.memory_space<vmem>> -> memref<1x128x64xf32, #tpu.memory_space<vmem>>
        %gather3A_746 = tpu.memref_squeeze %gather3A_745 : memref<1x128x64xf32, #tpu.memory_space<vmem>> -> memref<128x64xf32, #tpu.memory_space<vmem>>
        %gather3A_747 = tpu.vector_load_idx %gather3A_746[%add3A_261, %and3A_651] : memref<128x64xf32, #tpu.memory_space<vmem>>[vector<16xi32>, vector<16xi32>], vector<16xf32>,
        %scatter3A_748 = arith.constant 1 : i32
        %scatter3A_749 = arith.constant 0 : i32
        %scatter3A_750 = arith.constant 0 : i32
        %scatter3A_751 = arith.constant 0 : i32
        %scatter3A_752 = tpu.memref_slice %arg7[%scatter3A_748, %scatter3A_749, %scatter3A_750, %scatter3A_751] : memref<2x8x8x128xf32, #tpu.memory_space<vmem>> -> memref<1x8x8x128xf32, #tpu.memory_space<vmem>>
        %scatter3A_753 = tpu.memref_squeeze %scatter3A_752 : memref<1x8x8x128xf32, #tpu.memory_space<vmem>> -> memref<8x8x128xf32, #tpu.memory_space<vmem>>
        tpu.vector_store_idx %scatter3A_753[%shift_right_logical3A_654, %and3A_657, %add3A_261], %gather3A_747 : memref<8x8x128xf32, #tpu.memory_space<vmem>>[vector<16xi32>, vector<16xi32>, vector<16xi32>], vector<16xf32>,
        %add3A_754 = arith.constant 4 : i32
        %add3A_755 = arith.addi %add3A_320, %add3A_754 : i32
        %add3A_756 = vector.broadcast %add3A_755 : i32 to vector<16xi32>
        %add3A_757 = arith.addi %add3A_756, %iota3A : vector<16xi32>
        %and3A_758 = arith.constant 63 : i32
        %and3A_759 = vector.broadcast %and3A_758 : i32 to vector<16xi32>
        %and3A_760 = arith.andi %add3A_757, %and3A_759 : vector<16xi32>
        %shift_right_logical3A_761 = arith.constant 3 : i32
        %shift_right_logical3A_762 = vector.broadcast %shift_right_logical3A_761 : i32 to vector<16xi32>
        %shift_right_logical3A_763 = arith.shrui %and3A_760, %shift_right_logical3A_762 : vector<16xi32>
        %and3A_764 = arith.constant 7 : i32
        %and3A_765 = vector.broadcast %and3A_764 : i32 to vector<16xi32>
        %and3A_766 = arith.andi %and3A_760, %and3A_765 : vector<16xi32>
        %gather3A_767 = arith.constant 1 : i32
        %gather3A_768 = arith.constant 0 : i32
        %gather3A_769 = arith.constant 0 : i32
        %gather3A_770 = tpu.memref_slice %arg6[%gather3A_767, %gather3A_768, %gather3A_769] : memref<2x128x64xf32, #tpu.memory_space<vmem>> -> memref<1x128x64xf32, #tpu.memory_space<vmem>>
        %gather3A_771 = tpu.memref_squeeze %gather3A_770 : memref<1x128x64xf32, #tpu.memory_space<vmem>> -> memref<128x64xf32, #tpu.memory_space<vmem>>
        %gather3A_772 = tpu.vector_load_idx %gather3A_771[%add3A_240, %and3A_760] : memref<128x64xf32, #tpu.memory_space<vmem>>[vector<16xi32>, vector<16xi32>], vector<16xf32>,
        %scatter3A_773 = arith.constant 1 : i32
        %scatter3A_774 = arith.constant 0 : i32
        %scatter3A_775 = arith.constant 0 : i32
        %scatter3A_776 = arith.constant 0 : i32
        %scatter3A_777 = tpu.memref_slice %arg7[%scatter3A_773, %scatter3A_774, %scatter3A_775, %scatter3A_776] : memref<2x8x8x128xf32, #tpu.memory_space<vmem>> -> memref<1x8x8x128xf32, #tpu.memory_space<vmem>>
        %scatter3A_778 = tpu.memref_squeeze %scatter3A_777 : memref<1x8x8x128xf32, #tpu.memory_space<vmem>> -> memref<8x8x128xf32, #tpu.memory_space<vmem>>
        tpu.vector_store_idx %scatter3A_778[%shift_right_logical3A_763, %and3A_766, %add3A_240], %gather3A_772 : memref<8x8x128xf32, #tpu.memory_space<vmem>>[vector<16xi32>, vector<16xi32>, vector<16xi32>], vector<16xf32>,
        %gather3A_779 = arith.constant 1 : i32
        %gather3A_780 = arith.constant 0 : i32
        %gather3A_781 = arith.constant 0 : i32
        %gather3A_782 = tpu.memref_slice %arg6[%gather3A_779, %gather3A_780, %gather3A_781] : memref<2x128x64xf32, #tpu.memory_space<vmem>> -> memref<1x128x64xf32, #tpu.memory_space<vmem>>
        %gather3A_783 = tpu.memref_squeeze %gather3A_782 : memref<1x128x64xf32, #tpu.memory_space<vmem>> -> memref<128x64xf32, #tpu.memory_space<vmem>>
        %gather3A_784 = tpu.vector_load_idx %gather3A_783[%add3A_243, %and3A_760] : memref<128x64xf32, #tpu.memory_space<vmem>>[vector<16xi32>, vector<16xi32>], vector<16xf32>,
        %scatter3A_785 = arith.constant 1 : i32
        %scatter3A_786 = arith.constant 0 : i32
        %scatter3A_787 = arith.constant 0 : i32
        %scatter3A_788 = arith.constant 0 : i32
        %scatter3A_789 = tpu.memref_slice %arg7[%scatter3A_785, %scatter3A_786, %scatter3A_787, %scatter3A_788] : memref<2x8x8x128xf32, #tpu.memory_space<vmem>> -> memref<1x8x8x128xf32, #tpu.memory_space<vmem>>
        %scatter3A_790 = tpu.memref_squeeze %scatter3A_789 : memref<1x8x8x128xf32, #tpu.memory_space<vmem>> -> memref<8x8x128xf32, #tpu.memory_space<vmem>>
        tpu.vector_store_idx %scatter3A_790[%shift_right_logical3A_763, %and3A_766, %add3A_243], %gather3A_784 : memref<8x8x128xf32, #tpu.memory_space<vmem>>[vector<16xi32>, vector<16xi32>, vector<16xi32>], vector<16xf32>,
        %gather3A_791 = arith.constant 1 : i32
        %gather3A_792 = arith.constant 0 : i32
        %gather3A_793 = arith.constant 0 : i32
        %gather3A_794 = tpu.memref_slice %arg6[%gather3A_791, %gather3A_792, %gather3A_793] : memref<2x128x64xf32, #tpu.memory_space<vmem>> -> memref<1x128x64xf32, #tpu.memory_space<vmem>>
        %gather3A_795 = tpu.memref_squeeze %gather3A_794 : memref<1x128x64xf32, #tpu.memory_space<vmem>> -> memref<128x64xf32, #tpu.memory_space<vmem>>
        %gather3A_796 = tpu.vector_load_idx %gather3A_795[%add3A_246, %and3A_760] : memref<128x64xf32, #tpu.memory_space<vmem>>[vector<16xi32>, vector<16xi32>], vector<16xf32>,
        %scatter3A_797 = arith.constant 1 : i32
        %scatter3A_798 = arith.constant 0 : i32
        %scatter3A_799 = arith.constant 0 : i32
        %scatter3A_800 = arith.constant 0 : i32
        %scatter3A_801 = tpu.memref_slice %arg7[%scatter3A_797, %scatter3A_798, %scatter3A_799, %scatter3A_800] : memref<2x8x8x128xf32, #tpu.memory_space<vmem>> -> memref<1x8x8x128xf32, #tpu.memory_space<vmem>>
        %scatter3A_802 = tpu.memref_squeeze %scatter3A_801 : memref<1x8x8x128xf32, #tpu.memory_space<vmem>> -> memref<8x8x128xf32, #tpu.memory_space<vmem>>
        tpu.vector_store_idx %scatter3A_802[%shift_right_logical3A_763, %and3A_766, %add3A_246], %gather3A_796 : memref<8x8x128xf32, #tpu.memory_space<vmem>>[vector<16xi32>, vector<16xi32>, vector<16xi32>], vector<16xf32>,
        %gather3A_803 = arith.constant 1 : i32
        %gather3A_804 = arith.constant 0 : i32
        %gather3A_805 = arith.constant 0 : i32
        %gather3A_806 = tpu.memref_slice %arg6[%gather3A_803, %gather3A_804, %gather3A_805] : memref<2x128x64xf32, #tpu.memory_space<vmem>> -> memref<1x128x64xf32, #tpu.memory_space<vmem>>
        %gather3A_807 = tpu.memref_squeeze %gather3A_806 : memref<1x128x64xf32, #tpu.memory_space<vmem>> -> memref<128x64xf32, #tpu.memory_space<vmem>>
        %gather3A_808 = tpu.vector_load_idx %gather3A_807[%add3A_249, %and3A_760] : memref<128x64xf32, #tpu.memory_space<vmem>>[vector<16xi32>, vector<16xi32>], vector<16xf32>,
        %scatter3A_809 = arith.constant 1 : i32
        %scatter3A_810 = arith.constant 0 : i32
        %scatter3A_811 = arith.constant 0 : i32
        %scatter3A_812 = arith.constant 0 : i32
        %scatter3A_813 = tpu.memref_slice %arg7[%scatter3A_809, %scatter3A_810, %scatter3A_811, %scatter3A_812] : memref<2x8x8x128xf32, #tpu.memory_space<vmem>> -> memref<1x8x8x128xf32, #tpu.memory_space<vmem>>
        %scatter3A_814 = tpu.memref_squeeze %scatter3A_813 : memref<1x8x8x128xf32, #tpu.memory_space<vmem>> -> memref<8x8x128xf32, #tpu.memory_space<vmem>>
        tpu.vector_store_idx %scatter3A_814[%shift_right_logical3A_763, %and3A_766, %add3A_249], %gather3A_808 : memref<8x8x128xf32, #tpu.memory_space<vmem>>[vector<16xi32>, vector<16xi32>, vector<16xi32>], vector<16xf32>,
        %gather3A_815 = arith.constant 1 : i32
        %gather3A_816 = arith.constant 0 : i32
        %gather3A_817 = arith.constant 0 : i32
        %gather3A_818 = tpu.memref_slice %arg6[%gather3A_815, %gather3A_816, %gather3A_817] : memref<2x128x64xf32, #tpu.memory_space<vmem>> -> memref<1x128x64xf32, #tpu.memory_space<vmem>>
        %gather3A_819 = tpu.memref_squeeze %gather3A_818 : memref<1x128x64xf32, #tpu.memory_space<vmem>> -> memref<128x64xf32, #tpu.memory_space<vmem>>
        %gather3A_820 = tpu.vector_load_idx %gather3A_819[%add3A_252, %and3A_760] : memref<128x64xf32, #tpu.memory_space<vmem>>[vector<16xi32>, vector<16xi32>], vector<16xf32>,
        %scatter3A_821 = arith.constant 1 : i32
        %scatter3A_822 = arith.constant 0 : i32
        %scatter3A_823 = arith.constant 0 : i32
        %scatter3A_824 = arith.constant 0 : i32
        %scatter3A_825 = tpu.memref_slice %arg7[%scatter3A_821, %scatter3A_822, %scatter3A_823, %scatter3A_824] : memref<2x8x8x128xf32, #tpu.memory_space<vmem>> -> memref<1x8x8x128xf32, #tpu.memory_space<vmem>>
        %scatter3A_826 = tpu.memref_squeeze %scatter3A_825 : memref<1x8x8x128xf32, #tpu.memory_space<vmem>> -> memref<8x8x128xf32, #tpu.memory_space<vmem>>
        tpu.vector_store_idx %scatter3A_826[%shift_right_logical3A_763, %and3A_766, %add3A_252], %gather3A_820 : memref<8x8x128xf32, #tpu.memory_space<vmem>>[vector<16xi32>, vector<16xi32>, vector<16xi32>], vector<16xf32>,
        %gather3A_827 = arith.constant 1 : i32
        %gather3A_828 = arith.constant 0 : i32
        %gather3A_829 = arith.constant 0 : i32
        %gather3A_830 = tpu.memref_slice %arg6[%gather3A_827, %gather3A_828, %gather3A_829] : memref<2x128x64xf32, #tpu.memory_space<vmem>> -> memref<1x128x64xf32, #tpu.memory_space<vmem>>
        %gather3A_831 = tpu.memref_squeeze %gather3A_830 : memref<1x128x64xf32, #tpu.memory_space<vmem>> -> memref<128x64xf32, #tpu.memory_space<vmem>>
        %gather3A_832 = tpu.vector_load_idx %gather3A_831[%add3A_255, %and3A_760] : memref<128x64xf32, #tpu.memory_space<vmem>>[vector<16xi32>, vector<16xi32>], vector<16xf32>,
        %scatter3A_833 = arith.constant 1 : i32
        %scatter3A_834 = arith.constant 0 : i32
        %scatter3A_835 = arith.constant 0 : i32
        %scatter3A_836 = arith.constant 0 : i32
        %scatter3A_837 = tpu.memref_slice %arg7[%scatter3A_833, %scatter3A_834, %scatter3A_835, %scatter3A_836] : memref<2x8x8x128xf32, #tpu.memory_space<vmem>> -> memref<1x8x8x128xf32, #tpu.memory_space<vmem>>
        %scatter3A_838 = tpu.memref_squeeze %scatter3A_837 : memref<1x8x8x128xf32, #tpu.memory_space<vmem>> -> memref<8x8x128xf32, #tpu.memory_space<vmem>>
        tpu.vector_store_idx %scatter3A_838[%shift_right_logical3A_763, %and3A_766, %add3A_255], %gather3A_832 : memref<8x8x128xf32, #tpu.memory_space<vmem>>[vector<16xi32>, vector<16xi32>, vector<16xi32>], vector<16xf32>,
        %gather3A_839 = arith.constant 1 : i32
        %gather3A_840 = arith.constant 0 : i32
        %gather3A_841 = arith.constant 0 : i32
        %gather3A_842 = tpu.memref_slice %arg6[%gather3A_839, %gather3A_840, %gather3A_841] : memref<2x128x64xf32, #tpu.memory_space<vmem>> -> memref<1x128x64xf32, #tpu.memory_space<vmem>>
        %gather3A_843 = tpu.memref_squeeze %gather3A_842 : memref<1x128x64xf32, #tpu.memory_space<vmem>> -> memref<128x64xf32, #tpu.memory_space<vmem>>
        %gather3A_844 = tpu.vector_load_idx %gather3A_843[%add3A_258, %and3A_760] : memref<128x64xf32, #tpu.memory_space<vmem>>[vector<16xi32>, vector<16xi32>], vector<16xf32>,
        %scatter3A_845 = arith.constant 1 : i32
        %scatter3A_846 = arith.constant 0 : i32
        %scatter3A_847 = arith.constant 0 : i32
        %scatter3A_848 = arith.constant 0 : i32
        %scatter3A_849 = tpu.memref_slice %arg7[%scatter3A_845, %scatter3A_846, %scatter3A_847, %scatter3A_848] : memref<2x8x8x128xf32, #tpu.memory_space<vmem>> -> memref<1x8x8x128xf32, #tpu.memory_space<vmem>>
        %scatter3A_850 = tpu.memref_squeeze %scatter3A_849 : memref<1x8x8x128xf32, #tpu.memory_space<vmem>> -> memref<8x8x128xf32, #tpu.memory_space<vmem>>
        tpu.vector_store_idx %scatter3A_850[%shift_right_logical3A_763, %and3A_766, %add3A_258], %gather3A_844 : memref<8x8x128xf32, #tpu.memory_space<vmem>>[vector<16xi32>, vector<16xi32>, vector<16xi32>], vector<16xf32>,
        %gather3A_851 = arith.constant 1 : i32
        %gather3A_852 = arith.constant 0 : i32
        %gather3A_853 = arith.constant 0 : i32
        %gather3A_854 = tpu.memref_slice %arg6[%gather3A_851, %gather3A_852, %gather3A_853] : memref<2x128x64xf32, #tpu.memory_space<vmem>> -> memref<1x128x64xf32, #tpu.memory_space<vmem>>
        %gather3A_855 = tpu.memref_squeeze %gather3A_854 : memref<1x128x64xf32, #tpu.memory_space<vmem>> -> memref<128x64xf32, #tpu.memory_space<vmem>>
        %gather3A_856 = tpu.vector_load_idx %gather3A_855[%add3A_261, %and3A_760] : memref<128x64xf32, #tpu.memory_space<vmem>>[vector<16xi32>, vector<16xi32>], vector<16xf32>,
        %scatter3A_857 = arith.constant 1 : i32
        %scatter3A_858 = arith.constant 0 : i32
        %scatter3A_859 = arith.constant 0 : i32
        %scatter3A_860 = arith.constant 0 : i32
        %scatter3A_861 = tpu.memref_slice %arg7[%scatter3A_857, %scatter3A_858, %scatter3A_859, %scatter3A_860] : memref<2x8x8x128xf32, #tpu.memory_space<vmem>> -> memref<1x8x8x128xf32, #tpu.memory_space<vmem>>
        %scatter3A_862 = tpu.memref_squeeze %scatter3A_861 : memref<1x8x8x128xf32, #tpu.memory_space<vmem>> -> memref<8x8x128xf32, #tpu.memory_space<vmem>>
        tpu.vector_store_idx %scatter3A_862[%shift_right_logical3A_763, %and3A_766, %add3A_261], %gather3A_856 : memref<8x8x128xf32, #tpu.memory_space<vmem>>[vector<16xi32>, vector<16xi32>, vector<16xi32>], vector<16xf32>,
        %add3A_863 = arith.constant 5 : i32
        %add3A_864 = arith.addi %add3A_320, %add3A_863 : i32
        %add3A_865 = vector.broadcast %add3A_864 : i32 to vector<16xi32>
        %add3A_866 = arith.addi %add3A_865, %iota3A : vector<16xi32>
        %and3A_867 = arith.constant 63 : i32
        %and3A_868 = vector.broadcast %and3A_867 : i32 to vector<16xi32>
        %and3A_869 = arith.andi %add3A_866, %and3A_868 : vector<16xi32>
        %shift_right_logical3A_870 = arith.constant 3 : i32
        %shift_right_logical3A_871 = vector.broadcast %shift_right_logical3A_870 : i32 to vector<16xi32>
        %shift_right_logical3A_872 = arith.shrui %and3A_869, %shift_right_logical3A_871 : vector<16xi32>
        %and3A_873 = arith.constant 7 : i32
        %and3A_874 = vector.broadcast %and3A_873 : i32 to vector<16xi32>
        %and3A_875 = arith.andi %and3A_869, %and3A_874 : vector<16xi32>
        %gather3A_876 = arith.constant 1 : i32
        %gather3A_877 = arith.constant 0 : i32
        %gather3A_878 = arith.constant 0 : i32
        %gather3A_879 = tpu.memref_slice %arg6[%gather3A_876, %gather3A_877, %gather3A_878] : memref<2x128x64xf32, #tpu.memory_space<vmem>> -> memref<1x128x64xf32, #tpu.memory_space<vmem>>
        %gather3A_880 = tpu.memref_squeeze %gather3A_879 : memref<1x128x64xf32, #tpu.memory_space<vmem>> -> memref<128x64xf32, #tpu.memory_space<vmem>>
        %gather3A_881 = tpu.vector_load_idx %gather3A_880[%add3A_240, %and3A_869] : memref<128x64xf32, #tpu.memory_space<vmem>>[vector<16xi32>, vector<16xi32>], vector<16xf32>,
        %scatter3A_882 = arith.constant 1 : i32
        %scatter3A_883 = arith.constant 0 : i32
        %scatter3A_884 = arith.constant 0 : i32
        %scatter3A_885 = arith.constant 0 : i32
        %scatter3A_886 = tpu.memref_slice %arg7[%scatter3A_882, %scatter3A_883, %scatter3A_884, %scatter3A_885] : memref<2x8x8x128xf32, #tpu.memory_space<vmem>> -> memref<1x8x8x128xf32, #tpu.memory_space<vmem>>
        %scatter3A_887 = tpu.memref_squeeze %scatter3A_886 : memref<1x8x8x128xf32, #tpu.memory_space<vmem>> -> memref<8x8x128xf32, #tpu.memory_space<vmem>>
        tpu.vector_store_idx %scatter3A_887[%shift_right_logical3A_872, %and3A_875, %add3A_240], %gather3A_881 : memref<8x8x128xf32, #tpu.memory_space<vmem>>[vector<16xi32>, vector<16xi32>, vector<16xi32>], vector<16xf32>,
        %gather3A_888 = arith.constant 1 : i32
        %gather3A_889 = arith.constant 0 : i32
        %gather3A_890 = arith.constant 0 : i32
        %gather3A_891 = tpu.memref_slice %arg6[%gather3A_888, %gather3A_889, %gather3A_890] : memref<2x128x64xf32, #tpu.memory_space<vmem>> -> memref<1x128x64xf32, #tpu.memory_space<vmem>>
        %gather3A_892 = tpu.memref_squeeze %gather3A_891 : memref<1x128x64xf32, #tpu.memory_space<vmem>> -> memref<128x64xf32, #tpu.memory_space<vmem>>
        %gather3A_893 = tpu.vector_load_idx %gather3A_892[%add3A_243, %and3A_869] : memref<128x64xf32, #tpu.memory_space<vmem>>[vector<16xi32>, vector<16xi32>], vector<16xf32>,
        %scatter3A_894 = arith.constant 1 : i32
        %scatter3A_895 = arith.constant 0 : i32
        %scatter3A_896 = arith.constant 0 : i32
        %scatter3A_897 = arith.constant 0 : i32
        %scatter3A_898 = tpu.memref_slice %arg7[%scatter3A_894, %scatter3A_895, %scatter3A_896, %scatter3A_897] : memref<2x8x8x128xf32, #tpu.memory_space<vmem>> -> memref<1x8x8x128xf32, #tpu.memory_space<vmem>>
        %scatter3A_899 = tpu.memref_squeeze %scatter3A_898 : memref<1x8x8x128xf32, #tpu.memory_space<vmem>> -> memref<8x8x128xf32, #tpu.memory_space<vmem>>
        tpu.vector_store_idx %scatter3A_899[%shift_right_logical3A_872, %and3A_875, %add3A_243], %gather3A_893 : memref<8x8x128xf32, #tpu.memory_space<vmem>>[vector<16xi32>, vector<16xi32>, vector<16xi32>], vector<16xf32>,
        %gather3A_900 = arith.constant 1 : i32
        %gather3A_901 = arith.constant 0 : i32
        %gather3A_902 = arith.constant 0 : i32
        %gather3A_903 = tpu.memref_slice %arg6[%gather3A_900, %gather3A_901, %gather3A_902] : memref<2x128x64xf32, #tpu.memory_space<vmem>> -> memref<1x128x64xf32, #tpu.memory_space<vmem>>
        %gather3A_904 = tpu.memref_squeeze %gather3A_903 : memref<1x128x64xf32, #tpu.memory_space<vmem>> -> memref<128x64xf32, #tpu.memory_space<vmem>>
        %gather3A_905 = tpu.vector_load_idx %gather3A_904[%add3A_246, %and3A_869] : memref<128x64xf32, #tpu.memory_space<vmem>>[vector<16xi32>, vector<16xi32>], vector<16xf32>,
        %scatter3A_906 = arith.constant 1 : i32
        %scatter3A_907 = arith.constant 0 : i32
        %scatter3A_908 = arith.constant 0 : i32
        %scatter3A_909 = arith.constant 0 : i32
        %scatter3A_910 = tpu.memref_slice %arg7[%scatter3A_906, %scatter3A_907, %scatter3A_908, %scatter3A_909] : memref<2x8x8x128xf32, #tpu.memory_space<vmem>> -> memref<1x8x8x128xf32, #tpu.memory_space<vmem>>
        %scatter3A_911 = tpu.memref_squeeze %scatter3A_910 : memref<1x8x8x128xf32, #tpu.memory_space<vmem>> -> memref<8x8x128xf32, #tpu.memory_space<vmem>>
        tpu.vector_store_idx %scatter3A_911[%shift_right_logical3A_872, %and3A_875, %add3A_246], %gather3A_905 : memref<8x8x128xf32, #tpu.memory_space<vmem>>[vector<16xi32>, vector<16xi32>, vector<16xi32>], vector<16xf32>,
        %gather3A_912 = arith.constant 1 : i32
        %gather3A_913 = arith.constant 0 : i32
        %gather3A_914 = arith.constant 0 : i32
        %gather3A_915 = tpu.memref_slice %arg6[%gather3A_912, %gather3A_913, %gather3A_914] : memref<2x128x64xf32, #tpu.memory_space<vmem>> -> memref<1x128x64xf32, #tpu.memory_space<vmem>>
        %gather3A_916 = tpu.memref_squeeze %gather3A_915 : memref<1x128x64xf32, #tpu.memory_space<vmem>> -> memref<128x64xf32, #tpu.memory_space<vmem>>
        %gather3A_917 = tpu.vector_load_idx %gather3A_916[%add3A_249, %and3A_869] : memref<128x64xf32, #tpu.memory_space<vmem>>[vector<16xi32>, vector<16xi32>], vector<16xf32>,
        %scatter3A_918 = arith.constant 1 : i32
        %scatter3A_919 = arith.constant 0 : i32
        %scatter3A_920 = arith.constant 0 : i32
        %scatter3A_921 = arith.constant 0 : i32
        %scatter3A_922 = tpu.memref_slice %arg7[%scatter3A_918, %scatter3A_919, %scatter3A_920, %scatter3A_921] : memref<2x8x8x128xf32, #tpu.memory_space<vmem>> -> memref<1x8x8x128xf32, #tpu.memory_space<vmem>>
        %scatter3A_923 = tpu.memref_squeeze %scatter3A_922 : memref<1x8x8x128xf32, #tpu.memory_space<vmem>> -> memref<8x8x128xf32, #tpu.memory_space<vmem>>
        tpu.vector_store_idx %scatter3A_923[%shift_right_logical3A_872, %and3A_875, %add3A_249], %gather3A_917 : memref<8x8x128xf32, #tpu.memory_space<vmem>>[vector<16xi32>, vector<16xi32>, vector<16xi32>], vector<16xf32>,
        %gather3A_924 = arith.constant 1 : i32
        %gather3A_925 = arith.constant 0 : i32
        %gather3A_926 = arith.constant 0 : i32
        %gather3A_927 = tpu.memref_slice %arg6[%gather3A_924, %gather3A_925, %gather3A_926] : memref<2x128x64xf32, #tpu.memory_space<vmem>> -> memref<1x128x64xf32, #tpu.memory_space<vmem>>
        %gather3A_928 = tpu.memref_squeeze %gather3A_927 : memref<1x128x64xf32, #tpu.memory_space<vmem>> -> memref<128x64xf32, #tpu.memory_space<vmem>>
        %gather3A_929 = tpu.vector_load_idx %gather3A_928[%add3A_252, %and3A_869] : memref<128x64xf32, #tpu.memory_space<vmem>>[vector<16xi32>, vector<16xi32>], vector<16xf32>,
        %scatter3A_930 = arith.constant 1 : i32
        %scatter3A_931 = arith.constant 0 : i32
        %scatter3A_932 = arith.constant 0 : i32
        %scatter3A_933 = arith.constant 0 : i32
        %scatter3A_934 = tpu.memref_slice %arg7[%scatter3A_930, %scatter3A_931, %scatter3A_932, %scatter3A_933] : memref<2x8x8x128xf32, #tpu.memory_space<vmem>> -> memref<1x8x8x128xf32, #tpu.memory_space<vmem>>
        %scatter3A_935 = tpu.memref_squeeze %scatter3A_934 : memref<1x8x8x128xf32, #tpu.memory_space<vmem>> -> memref<8x8x128xf32, #tpu.memory_space<vmem>>
        tpu.vector_store_idx %scatter3A_935[%shift_right_logical3A_872, %and3A_875, %add3A_252], %gather3A_929 : memref<8x8x128xf32, #tpu.memory_space<vmem>>[vector<16xi32>, vector<16xi32>, vector<16xi32>], vector<16xf32>,
        %gather3A_936 = arith.constant 1 : i32
        %gather3A_937 = arith.constant 0 : i32
        %gather3A_938 = arith.constant 0 : i32
        %gather3A_939 = tpu.memref_slice %arg6[%gather3A_936, %gather3A_937, %gather3A_938] : memref<2x128x64xf32, #tpu.memory_space<vmem>> -> memref<1x128x64xf32, #tpu.memory_space<vmem>>
        %gather3A_940 = tpu.memref_squeeze %gather3A_939 : memref<1x128x64xf32, #tpu.memory_space<vmem>> -> memref<128x64xf32, #tpu.memory_space<vmem>>
        %gather3A_941 = tpu.vector_load_idx %gather3A_940[%add3A_255, %and3A_869] : memref<128x64xf32, #tpu.memory_space<vmem>>[vector<16xi32>, vector<16xi32>], vector<16xf32>,
        %scatter3A_942 = arith.constant 1 : i32
        %scatter3A_943 = arith.constant 0 : i32
        %scatter3A_944 = arith.constant 0 : i32
        %scatter3A_945 = arith.constant 0 : i32
        %scatter3A_946 = tpu.memref_slice %arg7[%scatter3A_942, %scatter3A_943, %scatter3A_944, %scatter3A_945] : memref<2x8x8x128xf32, #tpu.memory_space<vmem>> -> memref<1x8x8x128xf32, #tpu.memory_space<vmem>>
        %scatter3A_947 = tpu.memref_squeeze %scatter3A_946 : memref<1x8x8x128xf32, #tpu.memory_space<vmem>> -> memref<8x8x128xf32, #tpu.memory_space<vmem>>
        tpu.vector_store_idx %scatter3A_947[%shift_right_logical3A_872, %and3A_875, %add3A_255], %gather3A_941 : memref<8x8x128xf32, #tpu.memory_space<vmem>>[vector<16xi32>, vector<16xi32>, vector<16xi32>], vector<16xf32>,
        %gather3A_948 = arith.constant 1 : i32
        %gather3A_949 = arith.constant 0 : i32
        %gather3A_950 = arith.constant 0 : i32
        %gather3A_951 = tpu.memref_slice %arg6[%gather3A_948, %gather3A_949, %gather3A_950] : memref<2x128x64xf32, #tpu.memory_space<vmem>> -> memref<1x128x64xf32, #tpu.memory_space<vmem>>
        %gather3A_952 = tpu.memref_squeeze %gather3A_951 : memref<1x128x64xf32, #tpu.memory_space<vmem>> -> memref<128x64xf32, #tpu.memory_space<vmem>>
        %gather3A_953 = tpu.vector_load_idx %gather3A_952[%add3A_258, %and3A_869] : memref<128x64xf32, #tpu.memory_space<vmem>>[vector<16xi32>, vector<16xi32>], vector<16xf32>,
        %scatter3A_954 = arith.constant 1 : i32
        %scatter3A_955 = arith.constant 0 : i32
        %scatter3A_956 = arith.constant 0 : i32
        %scatter3A_957 = arith.constant 0 : i32
        %scatter3A_958 = tpu.memref_slice %arg7[%scatter3A_954, %scatter3A_955, %scatter3A_956, %scatter3A_957] : memref<2x8x8x128xf32, #tpu.memory_space<vmem>> -> memref<1x8x8x128xf32, #tpu.memory_space<vmem>>
        %scatter3A_959 = tpu.memref_squeeze %scatter3A_958 : memref<1x8x8x128xf32, #tpu.memory_space<vmem>> -> memref<8x8x128xf32, #tpu.memory_space<vmem>>
        tpu.vector_store_idx %scatter3A_959[%shift_right_logical3A_872, %and3A_875, %add3A_258], %gather3A_953 : memref<8x8x128xf32, #tpu.memory_space<vmem>>[vector<16xi32>, vector<16xi32>, vector<16xi32>], vector<16xf32>,
        %gather3A_960 = arith.constant 1 : i32
        %gather3A_961 = arith.constant 0 : i32
        %gather3A_962 = arith.constant 0 : i32
        %gather3A_963 = tpu.memref_slice %arg6[%gather3A_960, %gather3A_961, %gather3A_962] : memref<2x128x64xf32, #tpu.memory_space<vmem>> -> memref<1x128x64xf32, #tpu.memory_space<vmem>>
        %gather3A_964 = tpu.memref_squeeze %gather3A_963 : memref<1x128x64xf32, #tpu.memory_space<vmem>> -> memref<128x64xf32, #tpu.memory_space<vmem>>
        %gather3A_965 = tpu.vector_load_idx %gather3A_964[%add3A_261, %and3A_869] : memref<128x64xf32, #tpu.memory_space<vmem>>[vector<16xi32>, vector<16xi32>], vector<16xf32>,
        %scatter3A_966 = arith.constant 1 : i32
        %scatter3A_967 = arith.constant 0 : i32
        %scatter3A_968 = arith.constant 0 : i32
        %scatter3A_969 = arith.constant 0 : i32
        %scatter3A_970 = tpu.memref_slice %arg7[%scatter3A_966, %scatter3A_967, %scatter3A_968, %scatter3A_969] : memref<2x8x8x128xf32, #tpu.memory_space<vmem>> -> memref<1x8x8x128xf32, #tpu.memory_space<vmem>>
        %scatter3A_971 = tpu.memref_squeeze %scatter3A_970 : memref<1x8x8x128xf32, #tpu.memory_space<vmem>> -> memref<8x8x128xf32, #tpu.memory_space<vmem>>
        tpu.vector_store_idx %scatter3A_971[%shift_right_logical3A_872, %and3A_875, %add3A_261], %gather3A_965 : memref<8x8x128xf32, #tpu.memory_space<vmem>>[vector<16xi32>, vector<16xi32>, vector<16xi32>], vector<16xf32>,
        %add3A_972 = arith.constant 6 : i32
        %add3A_973 = arith.addi %add3A_320, %add3A_972 : i32
        %add3A_974 = vector.broadcast %add3A_973 : i32 to vector<16xi32>
        %add3A_975 = arith.addi %add3A_974, %iota3A : vector<16xi32>
        %and3A_976 = arith.constant 63 : i32
        %and3A_977 = vector.broadcast %and3A_976 : i32 to vector<16xi32>
        %and3A_978 = arith.andi %add3A_975, %and3A_977 : vector<16xi32>
        %shift_right_logical3A_979 = arith.constant 3 : i32
        %shift_right_logical3A_980 = vector.broadcast %shift_right_logical3A_979 : i32 to vector<16xi32>
        %shift_right_logical3A_981 = arith.shrui %and3A_978, %shift_right_logical3A_980 : vector<16xi32>
        %and3A_982 = arith.constant 7 : i32
        %and3A_983 = vector.broadcast %and3A_982 : i32 to vector<16xi32>
        %and3A_984 = arith.andi %and3A_978, %and3A_983 : vector<16xi32>
        %gather3A_985 = arith.constant 1 : i32
        %gather3A_986 = arith.constant 0 : i32
        %gather3A_987 = arith.constant 0 : i32
        %gather3A_988 = tpu.memref_slice %arg6[%gather3A_985, %gather3A_986, %gather3A_987] : memref<2x128x64xf32, #tpu.memory_space<vmem>> -> memref<1x128x64xf32, #tpu.memory_space<vmem>>
        %gather3A_989 = tpu.memref_squeeze %gather3A_988 : memref<1x128x64xf32, #tpu.memory_space<vmem>> -> memref<128x64xf32, #tpu.memory_space<vmem>>
        %gather3A_990 = tpu.vector_load_idx %gather3A_989[%add3A_240, %and3A_978] : memref<128x64xf32, #tpu.memory_space<vmem>>[vector<16xi32>, vector<16xi32>], vector<16xf32>,
        %scatter3A_991 = arith.constant 1 : i32
        %scatter3A_992 = arith.constant 0 : i32
        %scatter3A_993 = arith.constant 0 : i32
        %scatter3A_994 = arith.constant 0 : i32
        %scatter3A_995 = tpu.memref_slice %arg7[%scatter3A_991, %scatter3A_992, %scatter3A_993, %scatter3A_994] : memref<2x8x8x128xf32, #tpu.memory_space<vmem>> -> memref<1x8x8x128xf32, #tpu.memory_space<vmem>>
        %scatter3A_996 = tpu.memref_squeeze %scatter3A_995 : memref<1x8x8x128xf32, #tpu.memory_space<vmem>> -> memref<8x8x128xf32, #tpu.memory_space<vmem>>
        tpu.vector_store_idx %scatter3A_996[%shift_right_logical3A_981, %and3A_984, %add3A_240], %gather3A_990 : memref<8x8x128xf32, #tpu.memory_space<vmem>>[vector<16xi32>, vector<16xi32>, vector<16xi32>], vector<16xf32>,
        %gather3A_997 = arith.constant 1 : i32
        %gather3A_998 = arith.constant 0 : i32
        %gather3A_999 = arith.constant 0 : i32
        %gather3A_1000 = tpu.memref_slice %arg6[%gather3A_997, %gather3A_998, %gather3A_999] : memref<2x128x64xf32, #tpu.memory_space<vmem>> -> memref<1x128x64xf32, #tpu.memory_space<vmem>>
        %gather3A_1001 = tpu.memref_squeeze %gather3A_1000 : memref<1x128x64xf32, #tpu.memory_space<vmem>> -> memref<128x64xf32, #tpu.memory_space<vmem>>
        %gather3A_1002 = tpu.vector_load_idx %gather3A_1001[%add3A_243, %and3A_978] : memref<128x64xf32, #tpu.memory_space<vmem>>[vector<16xi32>, vector<16xi32>], vector<16xf32>,
        %scatter3A_1003 = arith.constant 1 : i32
        %scatter3A_1004 = arith.constant 0 : i32
        %scatter3A_1005 = arith.constant 0 : i32
        %scatter3A_1006 = arith.constant 0 : i32
        %scatter3A_1007 = tpu.memref_slice %arg7[%scatter3A_1003, %scatter3A_1004, %scatter3A_1005, %scatter3A_1006] : memref<2x8x8x128xf32, #tpu.memory_space<vmem>> -> memref<1x8x8x128xf32, #tpu.memory_space<vmem>>
        %scatter3A_1008 = tpu.memref_squeeze %scatter3A_1007 : memref<1x8x8x128xf32, #tpu.memory_space<vmem>> -> memref<8x8x128xf32, #tpu.memory_space<vmem>>
        tpu.vector_store_idx %scatter3A_1008[%shift_right_logical3A_981, %and3A_984, %add3A_243], %gather3A_1002 : memref<8x8x128xf32, #tpu.memory_space<vmem>>[vector<16xi32>, vector<16xi32>, vector<16xi32>], vector<16xf32>,
        %gather3A_1009 = arith.constant 1 : i32
        %gather3A_1010 = arith.constant 0 : i32
        %gather3A_1011 = arith.constant 0 : i32
        %gather3A_1012 = tpu.memref_slice %arg6[%gather3A_1009, %gather3A_1010, %gather3A_1011] : memref<2x128x64xf32, #tpu.memory_space<vmem>> -> memref<1x128x64xf32, #tpu.memory_space<vmem>>
        %gather3A_1013 = tpu.memref_squeeze %gather3A_1012 : memref<1x128x64xf32, #tpu.memory_space<vmem>> -> memref<128x64xf32, #tpu.memory_space<vmem>>
        %gather3A_1014 = tpu.vector_load_idx %gather3A_1013[%add3A_246, %and3A_978] : memref<128x64xf32, #tpu.memory_space<vmem>>[vector<16xi32>, vector<16xi32>], vector<16xf32>,
        %scatter3A_1015 = arith.constant 1 : i32
        %scatter3A_1016 = arith.constant 0 : i32
        %scatter3A_1017 = arith.constant 0 : i32
        %scatter3A_1018 = arith.constant 0 : i32
        %scatter3A_1019 = tpu.memref_slice %arg7[%scatter3A_1015, %scatter3A_1016, %scatter3A_1017, %scatter3A_1018] : memref<2x8x8x128xf32, #tpu.memory_space<vmem>> -> memref<1x8x8x128xf32, #tpu.memory_space<vmem>>
        %scatter3A_1020 = tpu.memref_squeeze %scatter3A_1019 : memref<1x8x8x128xf32, #tpu.memory_space<vmem>> -> memref<8x8x128xf32, #tpu.memory_space<vmem>>
        tpu.vector_store_idx %scatter3A_1020[%shift_right_logical3A_981, %and3A_984, %add3A_246], %gather3A_1014 : memref<8x8x128xf32, #tpu.memory_space<vmem>>[vector<16xi32>, vector<16xi32>, vector<16xi32>], vector<16xf32>,
        %gather3A_1021 = arith.constant 1 : i32
        %gather3A_1022 = arith.constant 0 : i32
        %gather3A_1023 = arith.constant 0 : i32
        %gather3A_1024 = tpu.memref_slice %arg6[%gather3A_1021, %gather3A_1022, %gather3A_1023] : memref<2x128x64xf32, #tpu.memory_space<vmem>> -> memref<1x128x64xf32, #tpu.memory_space<vmem>>
        %gather3A_1025 = tpu.memref_squeeze %gather3A_1024 : memref<1x128x64xf32, #tpu.memory_space<vmem>> -> memref<128x64xf32, #tpu.memory_space<vmem>>
        %gather3A_1026 = tpu.vector_load_idx %gather3A_1025[%add3A_249, %and3A_978] : memref<128x64xf32, #tpu.memory_space<vmem>>[vector<16xi32>, vector<16xi32>], vector<16xf32>,
        %scatter3A_1027 = arith.constant 1 : i32
        %scatter3A_1028 = arith.constant 0 : i32
        %scatter3A_1029 = arith.constant 0 : i32
        %scatter3A_1030 = arith.constant 0 : i32
        %scatter3A_1031 = tpu.memref_slice %arg7[%scatter3A_1027, %scatter3A_1028, %scatter3A_1029, %scatter3A_1030] : memref<2x8x8x128xf32, #tpu.memory_space<vmem>> -> memref<1x8x8x128xf32, #tpu.memory_space<vmem>>
        %scatter3A_1032 = tpu.memref_squeeze %scatter3A_1031 : memref<1x8x8x128xf32, #tpu.memory_space<vmem>> -> memref<8x8x128xf32, #tpu.memory_space<vmem>>
        tpu.vector_store_idx %scatter3A_1032[%shift_right_logical3A_981, %and3A_984, %add3A_249], %gather3A_1026 : memref<8x8x128xf32, #tpu.memory_space<vmem>>[vector<16xi32>, vector<16xi32>, vector<16xi32>], vector<16xf32>,
        %gather3A_1033 = arith.constant 1 : i32
        %gather3A_1034 = arith.constant 0 : i32
        %gather3A_1035 = arith.constant 0 : i32
        %gather3A_1036 = tpu.memref_slice %arg6[%gather3A_1033, %gather3A_1034, %gather3A_1035] : memref<2x128x64xf32, #tpu.memory_space<vmem>> -> memref<1x128x64xf32, #tpu.memory_space<vmem>>
        %gather3A_1037 = tpu.memref_squeeze %gather3A_1036 : memref<1x128x64xf32, #tpu.memory_space<vmem>> -> memref<128x64xf32, #tpu.memory_space<vmem>>
        %gather3A_1038 = tpu.vector_load_idx %gather3A_1037[%add3A_252, %and3A_978] : memref<128x64xf32, #tpu.memory_space<vmem>>[vector<16xi32>, vector<16xi32>], vector<16xf32>,
        %scatter3A_1039 = arith.constant 1 : i32
        %scatter3A_1040 = arith.constant 0 : i32
        %scatter3A_1041 = arith.constant 0 : i32
        %scatter3A_1042 = arith.constant 0 : i32
        %scatter3A_1043 = tpu.memref_slice %arg7[%scatter3A_1039, %scatter3A_1040, %scatter3A_1041, %scatter3A_1042] : memref<2x8x8x128xf32, #tpu.memory_space<vmem>> -> memref<1x8x8x128xf32, #tpu.memory_space<vmem>>
        %scatter3A_1044 = tpu.memref_squeeze %scatter3A_1043 : memref<1x8x8x128xf32, #tpu.memory_space<vmem>> -> memref<8x8x128xf32, #tpu.memory_space<vmem>>
        tpu.vector_store_idx %scatter3A_1044[%shift_right_logical3A_981, %and3A_984, %add3A_252], %gather3A_1038 : memref<8x8x128xf32, #tpu.memory_space<vmem>>[vector<16xi32>, vector<16xi32>, vector<16xi32>], vector<16xf32>,
        %gather3A_1045 = arith.constant 1 : i32
        %gather3A_1046 = arith.constant 0 : i32
        %gather3A_1047 = arith.constant 0 : i32
        %gather3A_1048 = tpu.memref_slice %arg6[%gather3A_1045, %gather3A_1046, %gather3A_1047] : memref<2x128x64xf32, #tpu.memory_space<vmem>> -> memref<1x128x64xf32, #tpu.memory_space<vmem>>
        %gather3A_1049 = tpu.memref_squeeze %gather3A_1048 : memref<1x128x64xf32, #tpu.memory_space<vmem>> -> memref<128x64xf32, #tpu.memory_space<vmem>>
        %gather3A_1050 = tpu.vector_load_idx %gather3A_1049[%add3A_255, %and3A_978] : memref<128x64xf32, #tpu.memory_space<vmem>>[vector<16xi32>, vector<16xi32>], vector<16xf32>,
        %scatter3A_1051 = arith.constant 1 : i32
        %scatter3A_1052 = arith.constant 0 : i32
        %scatter3A_1053 = arith.constant 0 : i32
        %scatter3A_1054 = arith.constant 0 : i32
        %scatter3A_1055 = tpu.memref_slice %arg7[%scatter3A_1051, %scatter3A_1052, %scatter3A_1053, %scatter3A_1054] : memref<2x8x8x128xf32, #tpu.memory_space<vmem>> -> memref<1x8x8x128xf32, #tpu.memory_space<vmem>>
        %scatter3A_1056 = tpu.memref_squeeze %scatter3A_1055 : memref<1x8x8x128xf32, #tpu.memory_space<vmem>> -> memref<8x8x128xf32, #tpu.memory_space<vmem>>
        tpu.vector_store_idx %scatter3A_1056[%shift_right_logical3A_981, %and3A_984, %add3A_255], %gather3A_1050 : memref<8x8x128xf32, #tpu.memory_space<vmem>>[vector<16xi32>, vector<16xi32>, vector<16xi32>], vector<16xf32>,
        %gather3A_1057 = arith.constant 1 : i32
        %gather3A_1058 = arith.constant 0 : i32
        %gather3A_1059 = arith.constant 0 : i32
        %gather3A_1060 = tpu.memref_slice %arg6[%gather3A_1057, %gather3A_1058, %gather3A_1059] : memref<2x128x64xf32, #tpu.memory_space<vmem>> -> memref<1x128x64xf32, #tpu.memory_space<vmem>>
        %gather3A_1061 = tpu.memref_squeeze %gather3A_1060 : memref<1x128x64xf32, #tpu.memory_space<vmem>> -> memref<128x64xf32, #tpu.memory_space<vmem>>
        %gather3A_1062 = tpu.vector_load_idx %gather3A_1061[%add3A_258, %and3A_978] : memref<128x64xf32, #tpu.memory_space<vmem>>[vector<16xi32>, vector<16xi32>], vector<16xf32>,
        %scatter3A_1063 = arith.constant 1 : i32
        %scatter3A_1064 = arith.constant 0 : i32
        %scatter3A_1065 = arith.constant 0 : i32
        %scatter3A_1066 = arith.constant 0 : i32
        %scatter3A_1067 = tpu.memref_slice %arg7[%scatter3A_1063, %scatter3A_1064, %scatter3A_1065, %scatter3A_1066] : memref<2x8x8x128xf32, #tpu.memory_space<vmem>> -> memref<1x8x8x128xf32, #tpu.memory_space<vmem>>
        %scatter3A_1068 = tpu.memref_squeeze %scatter3A_1067 : memref<1x8x8x128xf32, #tpu.memory_space<vmem>> -> memref<8x8x128xf32, #tpu.memory_space<vmem>>
        tpu.vector_store_idx %scatter3A_1068[%shift_right_logical3A_981, %and3A_984, %add3A_258], %gather3A_1062 : memref<8x8x128xf32, #tpu.memory_space<vmem>>[vector<16xi32>, vector<16xi32>, vector<16xi32>], vector<16xf32>,
        %gather3A_1069 = arith.constant 1 : i32
        %gather3A_1070 = arith.constant 0 : i32
        %gather3A_1071 = arith.constant 0 : i32
        %gather3A_1072 = tpu.memref_slice %arg6[%gather3A_1069, %gather3A_1070, %gather3A_1071] : memref<2x128x64xf32, #tpu.memory_space<vmem>> -> memref<1x128x64xf32, #tpu.memory_space<vmem>>
        %gather3A_1073 = tpu.memref_squeeze %gather3A_1072 : memref<1x128x64xf32, #tpu.memory_space<vmem>> -> memref<128x64xf32, #tpu.memory_space<vmem>>
        %gather3A_1074 = tpu.vector_load_idx %gather3A_1073[%add3A_261, %and3A_978] : memref<128x64xf32, #tpu.memory_space<vmem>>[vector<16xi32>, vector<16xi32>], vector<16xf32>,
        %scatter3A_1075 = arith.constant 1 : i32
        %scatter3A_1076 = arith.constant 0 : i32
        %scatter3A_1077 = arith.constant 0 : i32
        %scatter3A_1078 = arith.constant 0 : i32
        %scatter3A_1079 = tpu.memref_slice %arg7[%scatter3A_1075, %scatter3A_1076, %scatter3A_1077, %scatter3A_1078] : memref<2x8x8x128xf32, #tpu.memory_space<vmem>> -> memref<1x8x8x128xf32, #tpu.memory_space<vmem>>
        %scatter3A_1080 = tpu.memref_squeeze %scatter3A_1079 : memref<1x8x8x128xf32, #tpu.memory_space<vmem>> -> memref<8x8x128xf32, #tpu.memory_space<vmem>>
        tpu.vector_store_idx %scatter3A_1080[%shift_right_logical3A_981, %and3A_984, %add3A_261], %gather3A_1074 : memref<8x8x128xf32, #tpu.memory_space<vmem>>[vector<16xi32>, vector<16xi32>, vector<16xi32>], vector<16xf32>,
        %add3A_1081 = arith.constant 7 : i32
        %add3A_1082 = arith.addi %add3A_320, %add3A_1081 : i32
        %add3A_1083 = vector.broadcast %add3A_1082 : i32 to vector<16xi32>
        %add3A_1084 = arith.addi %add3A_1083, %iota3A : vector<16xi32>
        %and3A_1085 = arith.constant 63 : i32
        %and3A_1086 = vector.broadcast %and3A_1085 : i32 to vector<16xi32>
        %and3A_1087 = arith.andi %add3A_1084, %and3A_1086 : vector<16xi32>
        %shift_right_logical3A_1088 = arith.constant 3 : i32
        %shift_right_logical3A_1089 = vector.broadcast %shift_right_logical3A_1088 : i32 to vector<16xi32>
        %shift_right_logical3A_1090 = arith.shrui %and3A_1087, %shift_right_logical3A_1089 : vector<16xi32>
        %and3A_1091 = arith.constant 7 : i32
        %and3A_1092 = vector.broadcast %and3A_1091 : i32 to vector<16xi32>
        %and3A_1093 = arith.andi %and3A_1087, %and3A_1092 : vector<16xi32>
        %gather3A_1094 = arith.constant 1 : i32
        %gather3A_1095 = arith.constant 0 : i32
        %gather3A_1096 = arith.constant 0 : i32
        %gather3A_1097 = tpu.memref_slice %arg6[%gather3A_1094, %gather3A_1095, %gather3A_1096] : memref<2x128x64xf32, #tpu.memory_space<vmem>> -> memref<1x128x64xf32, #tpu.memory_space<vmem>>
        %gather3A_1098 = tpu.memref_squeeze %gather3A_1097 : memref<1x128x64xf32, #tpu.memory_space<vmem>> -> memref<128x64xf32, #tpu.memory_space<vmem>>
        %gather3A_1099 = tpu.vector_load_idx %gather3A_1098[%add3A_240, %and3A_1087] : memref<128x64xf32, #tpu.memory_space<vmem>>[vector<16xi32>, vector<16xi32>], vector<16xf32>,
        %scatter3A_1100 = arith.constant 1 : i32
        %scatter3A_1101 = arith.constant 0 : i32
        %scatter3A_1102 = arith.constant 0 : i32
        %scatter3A_1103 = arith.constant 0 : i32
        %scatter3A_1104 = tpu.memref_slice %arg7[%scatter3A_1100, %scatter3A_1101, %scatter3A_1102, %scatter3A_1103] : memref<2x8x8x128xf32, #tpu.memory_space<vmem>> -> memref<1x8x8x128xf32, #tpu.memory_space<vmem>>
        %scatter3A_1105 = tpu.memref_squeeze %scatter3A_1104 : memref<1x8x8x128xf32, #tpu.memory_space<vmem>> -> memref<8x8x128xf32, #tpu.memory_space<vmem>>
        tpu.vector_store_idx %scatter3A_1105[%shift_right_logical3A_1090, %and3A_1093, %add3A_240], %gather3A_1099 : memref<8x8x128xf32, #tpu.memory_space<vmem>>[vector<16xi32>, vector<16xi32>, vector<16xi32>], vector<16xf32>,
        %gather3A_1106 = arith.constant 1 : i32
        %gather3A_1107 = arith.constant 0 : i32
        %gather3A_1108 = arith.constant 0 : i32
        %gather3A_1109 = tpu.memref_slice %arg6[%gather3A_1106, %gather3A_1107, %gather3A_1108] : memref<2x128x64xf32, #tpu.memory_space<vmem>> -> memref<1x128x64xf32, #tpu.memory_space<vmem>>
        %gather3A_1110 = tpu.memref_squeeze %gather3A_1109 : memref<1x128x64xf32, #tpu.memory_space<vmem>> -> memref<128x64xf32, #tpu.memory_space<vmem>>
        %gather3A_1111 = tpu.vector_load_idx %gather3A_1110[%add3A_243, %and3A_1087] : memref<128x64xf32, #tpu.memory_space<vmem>>[vector<16xi32>, vector<16xi32>], vector<16xf32>,
        %scatter3A_1112 = arith.constant 1 : i32
        %scatter3A_1113 = arith.constant 0 : i32
        %scatter3A_1114 = arith.constant 0 : i32
        %scatter3A_1115 = arith.constant 0 : i32
        %scatter3A_1116 = tpu.memref_slice %arg7[%scatter3A_1112, %scatter3A_1113, %scatter3A_1114, %scatter3A_1115] : memref<2x8x8x128xf32, #tpu.memory_space<vmem>> -> memref<1x8x8x128xf32, #tpu.memory_space<vmem>>
        %scatter3A_1117 = tpu.memref_squeeze %scatter3A_1116 : memref<1x8x8x128xf32, #tpu.memory_space<vmem>> -> memref<8x8x128xf32, #tpu.memory_space<vmem>>
        tpu.vector_store_idx %scatter3A_1117[%shift_right_logical3A_1090, %and3A_1093, %add3A_243], %gather3A_1111 : memref<8x8x128xf32, #tpu.memory_space<vmem>>[vector<16xi32>, vector<16xi32>, vector<16xi32>], vector<16xf32>,
        %gather3A_1118 = arith.constant 1 : i32
        %gather3A_1119 = arith.constant 0 : i32
        %gather3A_1120 = arith.constant 0 : i32
        %gather3A_1121 = tpu.memref_slice %arg6[%gather3A_1118, %gather3A_1119, %gather3A_1120] : memref<2x128x64xf32, #tpu.memory_space<vmem>> -> memref<1x128x64xf32, #tpu.memory_space<vmem>>
        %gather3A_1122 = tpu.memref_squeeze %gather3A_1121 : memref<1x128x64xf32, #tpu.memory_space<vmem>> -> memref<128x64xf32, #tpu.memory_space<vmem>>
        %gather3A_1123 = tpu.vector_load_idx %gather3A_1122[%add3A_246, %and3A_1087] : memref<128x64xf32, #tpu.memory_space<vmem>>[vector<16xi32>, vector<16xi32>], vector<16xf32>,
        %scatter3A_1124 = arith.constant 1 : i32
        %scatter3A_1125 = arith.constant 0 : i32
        %scatter3A_1126 = arith.constant 0 : i32
        %scatter3A_1127 = arith.constant 0 : i32
        %scatter3A_1128 = tpu.memref_slice %arg7[%scatter3A_1124, %scatter3A_1125, %scatter3A_1126, %scatter3A_1127] : memref<2x8x8x128xf32, #tpu.memory_space<vmem>> -> memref<1x8x8x128xf32, #tpu.memory_space<vmem>>
        %scatter3A_1129 = tpu.memref_squeeze %scatter3A_1128 : memref<1x8x8x128xf32, #tpu.memory_space<vmem>> -> memref<8x8x128xf32, #tpu.memory_space<vmem>>
        tpu.vector_store_idx %scatter3A_1129[%shift_right_logical3A_1090, %and3A_1093, %add3A_246], %gather3A_1123 : memref<8x8x128xf32, #tpu.memory_space<vmem>>[vector<16xi32>, vector<16xi32>, vector<16xi32>], vector<16xf32>,
        %gather3A_1130 = arith.constant 1 : i32
        %gather3A_1131 = arith.constant 0 : i32
        %gather3A_1132 = arith.constant 0 : i32
        %gather3A_1133 = tpu.memref_slice %arg6[%gather3A_1130, %gather3A_1131, %gather3A_1132] : memref<2x128x64xf32, #tpu.memory_space<vmem>> -> memref<1x128x64xf32, #tpu.memory_space<vmem>>
        %gather3A_1134 = tpu.memref_squeeze %gather3A_1133 : memref<1x128x64xf32, #tpu.memory_space<vmem>> -> memref<128x64xf32, #tpu.memory_space<vmem>>
        %gather3A_1135 = tpu.vector_load_idx %gather3A_1134[%add3A_249, %and3A_1087] : memref<128x64xf32, #tpu.memory_space<vmem>>[vector<16xi32>, vector<16xi32>], vector<16xf32>,
        %scatter3A_1136 = arith.constant 1 : i32
        %scatter3A_1137 = arith.constant 0 : i32
        %scatter3A_1138 = arith.constant 0 : i32
        %scatter3A_1139 = arith.constant 0 : i32
        %scatter3A_1140 = tpu.memref_slice %arg7[%scatter3A_1136, %scatter3A_1137, %scatter3A_1138, %scatter3A_1139] : memref<2x8x8x128xf32, #tpu.memory_space<vmem>> -> memref<1x8x8x128xf32, #tpu.memory_space<vmem>>
        %scatter3A_1141 = tpu.memref_squeeze %scatter3A_1140 : memref<1x8x8x128xf32, #tpu.memory_space<vmem>> -> memref<8x8x128xf32, #tpu.memory_space<vmem>>
        tpu.vector_store_idx %scatter3A_1141[%shift_right_logical3A_1090, %and3A_1093, %add3A_249], %gather3A_1135 : memref<8x8x128xf32, #tpu.memory_space<vmem>>[vector<16xi32>, vector<16xi32>, vector<16xi32>], vector<16xf32>,
        %gather3A_1142 = arith.constant 1 : i32
        %gather3A_1143 = arith.constant 0 : i32
        %gather3A_1144 = arith.constant 0 : i32
        %gather3A_1145 = tpu.memref_slice %arg6[%gather3A_1142, %gather3A_1143, %gather3A_1144] : memref<2x128x64xf32, #tpu.memory_space<vmem>> -> memref<1x128x64xf32, #tpu.memory_space<vmem>>
        %gather3A_1146 = tpu.memref_squeeze %gather3A_1145 : memref<1x128x64xf32, #tpu.memory_space<vmem>> -> memref<128x64xf32, #tpu.memory_space<vmem>>
        %gather3A_1147 = tpu.vector_load_idx %gather3A_1146[%add3A_252, %and3A_1087] : memref<128x64xf32, #tpu.memory_space<vmem>>[vector<16xi32>, vector<16xi32>], vector<16xf32>,
        %scatter3A_1148 = arith.constant 1 : i32
        %scatter3A_1149 = arith.constant 0 : i32
        %scatter3A_1150 = arith.constant 0 : i32
        %scatter3A_1151 = arith.constant 0 : i32
        %scatter3A_1152 = tpu.memref_slice %arg7[%scatter3A_1148, %scatter3A_1149, %scatter3A_1150, %scatter3A_1151] : memref<2x8x8x128xf32, #tpu.memory_space<vmem>> -> memref<1x8x8x128xf32, #tpu.memory_space<vmem>>
        %scatter3A_1153 = tpu.memref_squeeze %scatter3A_1152 : memref<1x8x8x128xf32, #tpu.memory_space<vmem>> -> memref<8x8x128xf32, #tpu.memory_space<vmem>>
        tpu.vector_store_idx %scatter3A_1153[%shift_right_logical3A_1090, %and3A_1093, %add3A_252], %gather3A_1147 : memref<8x8x128xf32, #tpu.memory_space<vmem>>[vector<16xi32>, vector<16xi32>, vector<16xi32>], vector<16xf32>,
        %gather3A_1154 = arith.constant 1 : i32
        %gather3A_1155 = arith.constant 0 : i32
        %gather3A_1156 = arith.constant 0 : i32
        %gather3A_1157 = tpu.memref_slice %arg6[%gather3A_1154, %gather3A_1155, %gather3A_1156] : memref<2x128x64xf32, #tpu.memory_space<vmem>> -> memref<1x128x64xf32, #tpu.memory_space<vmem>>
        %gather3A_1158 = tpu.memref_squeeze %gather3A_1157 : memref<1x128x64xf32, #tpu.memory_space<vmem>> -> memref<128x64xf32, #tpu.memory_space<vmem>>
        %gather3A_1159 = tpu.vector_load_idx %gather3A_1158[%add3A_255, %and3A_1087] : memref<128x64xf32, #tpu.memory_space<vmem>>[vector<16xi32>, vector<16xi32>], vector<16xf32>,
        %scatter3A_1160 = arith.constant 1 : i32
        %scatter3A_1161 = arith.constant 0 : i32
        %scatter3A_1162 = arith.constant 0 : i32
        %scatter3A_1163 = arith.constant 0 : i32
        %scatter3A_1164 = tpu.memref_slice %arg7[%scatter3A_1160, %scatter3A_1161, %scatter3A_1162, %scatter3A_1163] : memref<2x8x8x128xf32, #tpu.memory_space<vmem>> -> memref<1x8x8x128xf32, #tpu.memory_space<vmem>>
        %scatter3A_1165 = tpu.memref_squeeze %scatter3A_1164 : memref<1x8x8x128xf32, #tpu.memory_space<vmem>> -> memref<8x8x128xf32, #tpu.memory_space<vmem>>
        tpu.vector_store_idx %scatter3A_1165[%shift_right_logical3A_1090, %and3A_1093, %add3A_255], %gather3A_1159 : memref<8x8x128xf32, #tpu.memory_space<vmem>>[vector<16xi32>, vector<16xi32>, vector<16xi32>], vector<16xf32>,
        %gather3A_1166 = arith.constant 1 : i32
        %gather3A_1167 = arith.constant 0 : i32
        %gather3A_1168 = arith.constant 0 : i32
        %gather3A_1169 = tpu.memref_slice %arg6[%gather3A_1166, %gather3A_1167, %gather3A_1168] : memref<2x128x64xf32, #tpu.memory_space<vmem>> -> memref<1x128x64xf32, #tpu.memory_space<vmem>>
        %gather3A_1170 = tpu.memref_squeeze %gather3A_1169 : memref<1x128x64xf32, #tpu.memory_space<vmem>> -> memref<128x64xf32, #tpu.memory_space<vmem>>
        %gather3A_1171 = tpu.vector_load_idx %gather3A_1170[%add3A_258, %and3A_1087] : memref<128x64xf32, #tpu.memory_space<vmem>>[vector<16xi32>, vector<16xi32>], vector<16xf32>,
        %scatter3A_1172 = arith.constant 1 : i32
        %scatter3A_1173 = arith.constant 0 : i32
        %scatter3A_1174 = arith.constant 0 : i32
        %scatter3A_1175 = arith.constant 0 : i32
        %scatter3A_1176 = tpu.memref_slice %arg7[%scatter3A_1172, %scatter3A_1173, %scatter3A_1174, %scatter3A_1175] : memref<2x8x8x128xf32, #tpu.memory_space<vmem>> -> memref<1x8x8x128xf32, #tpu.memory_space<vmem>>
        %scatter3A_1177 = tpu.memref_squeeze %scatter3A_1176 : memref<1x8x8x128xf32, #tpu.memory_space<vmem>> -> memref<8x8x128xf32, #tpu.memory_space<vmem>>
        tpu.vector_store_idx %scatter3A_1177[%shift_right_logical3A_1090, %and3A_1093, %add3A_258], %gather3A_1171 : memref<8x8x128xf32, #tpu.memory_space<vmem>>[vector<16xi32>, vector<16xi32>, vector<16xi32>], vector<16xf32>,
        %gather3A_1178 = arith.constant 1 : i32
        %gather3A_1179 = arith.constant 0 : i32
        %gather3A_1180 = arith.constant 0 : i32
        %gather3A_1181 = tpu.memref_slice %arg6[%gather3A_1178, %gather3A_1179, %gather3A_1180] : memref<2x128x64xf32, #tpu.memory_space<vmem>> -> memref<1x128x64xf32, #tpu.memory_space<vmem>>
        %gather3A_1182 = tpu.memref_squeeze %gather3A_1181 : memref<1x128x64xf32, #tpu.memory_space<vmem>> -> memref<128x64xf32, #tpu.memory_space<vmem>>
        %gather3A_1183 = tpu.vector_load_idx %gather3A_1182[%add3A_261, %and3A_1087] : memref<128x64xf32, #tpu.memory_space<vmem>>[vector<16xi32>, vector<16xi32>], vector<16xf32>,
        %scatter3A_1184 = arith.constant 1 : i32
        %scatter3A_1185 = arith.constant 0 : i32
        %scatter3A_1186 = arith.constant 0 : i32
        %scatter3A_1187 = arith.constant 0 : i32
        %scatter3A_1188 = tpu.memref_slice %arg7[%scatter3A_1184, %scatter3A_1185, %scatter3A_1186, %scatter3A_1187] : memref<2x8x8x128xf32, #tpu.memory_space<vmem>> -> memref<1x8x8x128xf32, #tpu.memory_space<vmem>>
        %scatter3A_1189 = tpu.memref_squeeze %scatter3A_1188 : memref<1x8x8x128xf32, #tpu.memory_space<vmem>> -> memref<8x8x128xf32, #tpu.memory_space<vmem>>
        tpu.vector_store_idx %scatter3A_1189[%shift_right_logical3A_1090, %and3A_1093, %add3A_261], %gather3A_1183 : memref<8x8x128xf32, #tpu.memory_space<vmem>>[vector<16xi32>, vector<16xi32>, vector<16xi32>], vector<16xf32>,
      }
      %scan3A_266 = arith.constant 8 : i32
      %add3A_267 = arith.addi %mul3A_2, %add3A_214 : i32
      %jit3A_268 = arith.constant 128 : i32
      %div3A_269 = arith.divsi %add3A_267, %jit3A_268 : i32
      %sign3A_270 = arith.constant 0 : i32
      %sign3A_271 = arith.cmpi sgt, %add3A_267, %sign3A_270 : i32
      %sign3A_272 = arith.extui %sign3A_271 : i1 to i32
      %sign3A_273 = arith.constant 0 : i32
      %sign3A_274 = arith.cmpi slt, %add3A_267, %sign3A_273 : i32
      %sign3A_275 = arith.extui %sign3A_274 : i1 to i32
      %sign3A_276 = arith.subi %sign3A_272, %sign3A_275 : i32
      %sign3A_277 = arith.constant 0 : i32
      %sign3A_278 = arith.cmpi sgt, %jit3A_268, %sign3A_277 : i32
      %sign3A_279 = arith.extui %sign3A_278 : i1 to i32
      %sign3A_280 = arith.constant 0 : i32
      %sign3A_281 = arith.cmpi slt, %jit3A_268, %sign3A_280 : i32
      %sign3A_282 = arith.extui %sign3A_281 : i1 to i32
      %sign3A_283 = arith.subi %sign3A_279, %sign3A_282 : i32
      %ne3A_284 = arith.cmpi ne, %sign3A_276, %sign3A_283 : i32
      %rem3A_285 = arith.remsi %add3A_267, %jit3A_268 : i32
      %ne3A_286 = arith.constant 0 : i32
      %ne3A_287 = arith.cmpi ne, %rem3A_285, %ne3A_286 : i32
      %and3A_288 = arith.andi %ne3A_284, %ne3A_287 : i1
      %sub3A_289 = arith.constant 1 : i32
      %sub3A_290 = arith.subi %div3A_269, %sub3A_289 : i32
      %select_n3A_291 = arith.select %and3A_288, %sub3A_290, %div3A_269 : i32
      %mul3A_292 = arith.constant 128 : i32
      %mul3A_293 = arith.muli %select_n3A_291, %mul3A_292 : i32
      %sub3A_294 = arith.subi %add3A_267, %mul3A_293 : i32
      %dma_start3A_295 = arith.constant 1 : i32
      %dma_start3A_296 = arith.constant 0 : i32
      %dma_start3A_297 = arith.constant 0 : i32
      %dma_start3A_298 = arith.constant 0 : i32
      %dma_start3A_299 = tpu.memref_slice %arg7[%dma_start3A_295, %dma_start3A_296, %dma_start3A_297, %dma_start3A_298] : memref<2x8x8x128xf32, #tpu.memory_space<vmem>> -> memref<1x8x8x128xf32, #tpu.memory_space<vmem>>
      %dma_start3A_300 = tpu.memref_squeeze %dma_start3A_299 : memref<1x8x8x128xf32, #tpu.memory_space<vmem>> -> memref<8x8x128xf32, #tpu.memory_space<vmem>>
      %dma_start3A_301 = arith.constant 0 : i32
      %dma_start3A_302 = arith.constant 0 : i32
      %dma_start3A_303 = arith.constant 0 : i32
      %dma_start3A_304 = tpu.memref_slice %arg4[%select_n3A_291, %dma_start3A_301, %sub3A_294, %dma_start3A_302, %dma_start3A_303] : memref<50x8x128x8x128xf32, #tpu.memory_space<hbm>> -> memref<1x8x1x8x128xf32, #tpu.memory_space<hbm>>
      %dma_start3A_305 = tpu.memref_squeeze %dma_start3A_304 : memref<1x8x1x8x128xf32, #tpu.memory_space<hbm>> -> memref<8x8x128xf32, #tpu.memory_space<hbm>>
      %dma_start3A_306 = arith.constant 0 : i32
      %dma_start3A_307 = arith.constant 0 : i32
      %dma_start3A_308 = arith.constant 0 : i32
      %dma_start3A_309 = tpu.memref_slice %arg4[%select_n3A_291, %dma_start3A_306, %sub3A_294, %dma_start3A_307, %dma_start3A_308] : memref<50x8x128x8x128xf32, #tpu.memory_space<hbm>> -> memref<1x8x1x8x128xf32, #tpu.memory_space<hbm>>
      %dma_start3A_310 = tpu.memref_squeeze %dma_start3A_309 : memref<1x8x1x8x128xf32, #tpu.memory_space<hbm>> -> memref<8x8x128xf32, #tpu.memory_space<hbm>>
      %dma_start3A_311 = arith.constant 0 : i32
      %dma_start3A_312 = arith.constant 0 : i32
      %dma_start3A_313 = arith.constant 0 : i32
      %dma_start3A_314 = tpu.memref_slice %arg7[%dma_start3A_295, %dma_start3A_311, %dma_start3A_312, %dma_start3A_313] : memref<2x8x8x128xf32, #tpu.memory_space<vmem>> -> memref<1x8x8x128xf32, #tpu.memory_space<vmem>>
      %dma_start3A_315 = tpu.memref_squeeze %dma_start3A_314 : memref<1x8x8x128xf32, #tpu.memory_space<vmem>> -> memref<8x8x128xf32, #tpu.memory_space<vmem>>
      tpu.enqueue_dma source(%dma_start3A_315 : memref<8x8x128xf32, #tpu.memory_space<vmem>>) target(%dma_start3A_310 : memref<8x8x128xf32, #tpu.memory_space<hbm>>) target_semaphore(%arg11 : memref<!tpu.dma_semaphore, #tpu.memory_space<semaphore_mem>>)
    }
    %scan3A_17 = arith.constant 100 : i32
    %add3A_18 = arith.constant 198 : i32
    %add3A_19 = arith.addi %mul3A_2, %add3A_18 : i32
    %jit3A = arith.constant 128 : i32
    %div3A = arith.divsi %add3A_19, %jit3A : i32
    %sign3A = arith.constant 0 : i32
    %sign3A_20 = arith.cmpi sgt, %add3A_19, %sign3A : i32
    %sign3A_21 = arith.extui %sign3A_20 : i1 to i32
    %sign3A_22 = arith.constant 0 : i32
    %sign3A_23 = arith.cmpi slt, %add3A_19, %sign3A_22 : i32
    %sign3A_24 = arith.extui %sign3A_23 : i1 to i32
    %sign3A_25 = arith.subi %sign3A_21, %sign3A_24 : i32
    %sign3A_26 = arith.constant 0 : i32
    %sign3A_27 = arith.cmpi sgt, %jit3A, %sign3A_26 : i32
    %sign3A_28 = arith.extui %sign3A_27 : i1 to i32
    %sign3A_29 = arith.constant 0 : i32
    %sign3A_30 = arith.cmpi slt, %jit3A, %sign3A_29 : i32
    %sign3A_31 = arith.extui %sign3A_30 : i1 to i32
    %sign3A_32 = arith.subi %sign3A_28, %sign3A_31 : i32
    %ne3A = arith.cmpi ne, %sign3A_25, %sign3A_32 : i32
    %rem3A = arith.remsi %add3A_19, %jit3A : i32
    %ne3A_33 = arith.constant 0 : i32
    %ne3A_34 = arith.cmpi ne, %rem3A, %ne3A_33 : i32
    %and3A = arith.andi %ne3A, %ne3A_34 : i1
    %sub3A = arith.constant 1 : i32
    %sub3A_35 = arith.subi %div3A, %sub3A : i32
    %select_n3A = arith.select %and3A, %sub3A_35, %div3A : i32
    %mul3A_36 = arith.constant 128 : i32
    %mul3A_37 = arith.muli %select_n3A, %mul3A_36 : i32
    %sub3A_38 = arith.subi %add3A_19, %mul3A_37 : i32
    %dma_wait3A = arith.constant 0 : i32
    %dma_wait3A_39 = arith.constant 0 : i32
    %dma_wait3A_40 = arith.constant 0 : i32
    %dma_wait3A_41 = arith.constant 0 : i32
    %dma_wait3A_42 = tpu.memref_slice %arg7[%dma_wait3A, %dma_wait3A_39, %dma_wait3A_40, %dma_wait3A_41] : memref<2x8x8x128xf32, #tpu.memory_space<vmem>> -> memref<1x8x8x128xf32, #tpu.memory_space<vmem>>
    %dma_wait3A_43 = tpu.memref_squeeze %dma_wait3A_42 : memref<1x8x8x128xf32, #tpu.memory_space<vmem>> -> memref<8x8x128xf32, #tpu.memory_space<vmem>>
    %dma_wait3A_44 = arith.constant 0 : i32
    %dma_wait3A_45 = arith.constant 0 : i32
    %dma_wait3A_46 = arith.constant 0 : i32
    %dma_wait3A_47 = tpu.memref_slice %arg4[%select_n3A, %dma_wait3A_44, %sub3A_38, %dma_wait3A_45, %dma_wait3A_46] : memref<50x8x128x8x128xf32, #tpu.memory_space<hbm>> -> memref<1x8x1x8x128xf32, #tpu.memory_space<hbm>>
    %dma_wait3A_48 = tpu.memref_squeeze %dma_wait3A_47 : memref<1x8x1x8x128xf32, #tpu.memory_space<hbm>> -> memref<8x8x128xf32, #tpu.memory_space<hbm>>
    %dma_wait3A_49 = arith.constant 0 : i32
    %dma_wait3A_50 = arith.constant 0 : i32
    %dma_wait3A_51 = arith.constant 0 : i32
    %dma_wait3A_52 = tpu.memref_slice %arg4[%select_n3A, %dma_wait3A_49, %sub3A_38, %dma_wait3A_50, %dma_wait3A_51] : memref<50x8x128x8x128xf32, #tpu.memory_space<hbm>> -> memref<1x8x1x8x128xf32, #tpu.memory_space<hbm>>
    %dma_wait3A_53 = tpu.memref_squeeze %dma_wait3A_52 : memref<1x8x1x8x128xf32, #tpu.memory_space<hbm>> -> memref<8x8x128xf32, #tpu.memory_space<hbm>>
    %dma_wait3A_54 = arith.constant 0 : i32
    %dma_wait3A_55 = arith.constant 0 : i32
    %dma_wait3A_56 = arith.constant 0 : i32
    %dma_wait3A_57 = tpu.memref_slice %arg7[%dma_wait3A, %dma_wait3A_54, %dma_wait3A_55, %dma_wait3A_56] : memref<2x8x8x128xf32, #tpu.memory_space<vmem>> -> memref<1x8x8x128xf32, #tpu.memory_space<vmem>>
    %dma_wait3A_58 = tpu.memref_squeeze %dma_wait3A_57 : memref<1x8x8x128xf32, #tpu.memory_space<vmem>> -> memref<8x8x128xf32, #tpu.memory_space<vmem>>
    tpu.wait_dma2 semaphore(%arg10 : memref<!tpu.dma_semaphore, #tpu.memory_space<semaphore_mem>>) src(%dma_wait3A_58 : memref<8x8x128xf32, #tpu.memory_space<vmem>>) dst(%dma_wait3A_53 : memref<8x8x128xf32, #tpu.memory_space<hbm>>)
    %add3A_59 = arith.constant 199 : i32
    %add3A_60 = arith.addi %mul3A_2, %add3A_59 : i32
    %jit3A_61 = arith.constant 128 : i32
    %div3A_62 = arith.divsi %add3A_60, %jit3A_61 : i32
    %sign3A_63 = arith.constant 0 : i32
    %sign3A_64 = arith.cmpi sgt, %add3A_60, %sign3A_63 : i32
    %sign3A_65 = arith.extui %sign3A_64 : i1 to i32
    %sign3A_66 = arith.constant 0 : i32
    %sign3A_67 = arith.cmpi slt, %add3A_60, %sign3A_66 : i32
    %sign3A_68 = arith.extui %sign3A_67 : i1 to i32
    %sign3A_69 = arith.subi %sign3A_65, %sign3A_68 : i32
    %sign3A_70 = arith.constant 0 : i32
    %sign3A_71 = arith.cmpi sgt, %jit3A_61, %sign3A_70 : i32
    %sign3A_72 = arith.extui %sign3A_71 : i1 to i32
    %sign3A_73 = arith.constant 0 : i32
    %sign3A_74 = arith.cmpi slt, %jit3A_61, %sign3A_73 : i32
    %sign3A_75 = arith.extui %sign3A_74 : i1 to i32
    %sign3A_76 = arith.subi %sign3A_72, %sign3A_75 : i32
    %ne3A_77 = arith.cmpi ne, %sign3A_69, %sign3A_76 : i32
    %rem3A_78 = arith.remsi %add3A_60, %jit3A_61 : i32
    %ne3A_79 = arith.constant 0 : i32
    %ne3A_80 = arith.cmpi ne, %rem3A_78, %ne3A_79 : i32
    %and3A_81 = arith.andi %ne3A_77, %ne3A_80 : i1
    %sub3A_82 = arith.constant 1 : i32
    %sub3A_83 = arith.subi %div3A_62, %sub3A_82 : i32
    %select_n3A_84 = arith.select %and3A_81, %sub3A_83, %div3A_62 : i32
    %mul3A_85 = arith.constant 128 : i32
    %mul3A_86 = arith.muli %select_n3A_84, %mul3A_85 : i32
    %sub3A_87 = arith.subi %add3A_60, %mul3A_86 : i32
    %dma_wait3A_88 = arith.constant 1 : i32
    %dma_wait3A_89 = arith.constant 0 : i32
    %dma_wait3A_90 = arith.constant 0 : i32
    %dma_wait3A_91 = arith.constant 0 : i32
    %dma_wait3A_92 = tpu.memref_slice %arg7[%dma_wait3A_88, %dma_wait3A_89, %dma_wait3A_90, %dma_wait3A_91] : memref<2x8x8x128xf32, #tpu.memory_space<vmem>> -> memref<1x8x8x128xf32, #tpu.memory_space<vmem>>
    %dma_wait3A_93 = tpu.memref_squeeze %dma_wait3A_92 : memref<1x8x8x128xf32, #tpu.memory_space<vmem>> -> memref<8x8x128xf32, #tpu.memory_space<vmem>>
    %dma_wait3A_94 = arith.constant 0 : i32
    %dma_wait3A_95 = arith.constant 0 : i32
    %dma_wait3A_96 = arith.constant 0 : i32
    %dma_wait3A_97 = tpu.memref_slice %arg4[%select_n3A_84, %dma_wait3A_94, %sub3A_87, %dma_wait3A_95, %dma_wait3A_96] : memref<50x8x128x8x128xf32, #tpu.memory_space<hbm>> -> memref<1x8x1x8x128xf32, #tpu.memory_space<hbm>>
    %dma_wait3A_98 = tpu.memref_squeeze %dma_wait3A_97 : memref<1x8x1x8x128xf32, #tpu.memory_space<hbm>> -> memref<8x8x128xf32, #tpu.memory_space<hbm>>
    %dma_wait3A_99 = arith.constant 0 : i32
    %dma_wait3A_100 = arith.constant 0 : i32
    %dma_wait3A_101 = arith.constant 0 : i32
    %dma_wait3A_102 = tpu.memref_slice %arg4[%select_n3A_84, %dma_wait3A_99, %sub3A_87, %dma_wait3A_100, %dma_wait3A_101] : memref<50x8x128x8x128xf32, #tpu.memory_space<hbm>> -> memref<1x8x1x8x128xf32, #tpu.memory_space<hbm>>
    %dma_wait3A_103 = tpu.memref_squeeze %dma_wait3A_102 : memref<1x8x1x8x128xf32, #tpu.memory_space<hbm>> -> memref<8x8x128xf32, #tpu.memory_space<hbm>>
    %dma_wait3A_104 = arith.constant 0 : i32
    %dma_wait3A_105 = arith.constant 0 : i32
    %dma_wait3A_106 = arith.constant 0 : i32
    %dma_wait3A_107 = tpu.memref_slice %arg7[%dma_wait3A_88, %dma_wait3A_104, %dma_wait3A_105, %dma_wait3A_106] : memref<2x8x8x128xf32, #tpu.memory_space<vmem>> -> memref<1x8x8x128xf32, #tpu.memory_space<vmem>>
    %dma_wait3A_108 = tpu.memref_squeeze %dma_wait3A_107 : memref<1x8x8x128xf32, #tpu.memory_space<vmem>> -> memref<8x8x128xf32, #tpu.memory_space<vmem>>
    tpu.wait_dma2 semaphore(%arg11 : memref<!tpu.dma_semaphore, #tpu.memory_space<semaphore_mem>>) src(%dma_wait3A_108 : memref<8x8x128xf32, #tpu.memory_space<vmem>>) dst(%dma_wait3A_103 : memref<8x8x128xf32, #tpu.memory_space<hbm>>)
    return
  }
}

</mosaic_0001>

<sc_bundles>
// kernel: kernel.3.cloned.1.call-start
scs
__scs_entry_jumppad:
0x0: {  	(pc) =	sbr.rel $0x88, $3  }
0x1: {  	(tag) =	ssettag $0x0;
	lr =	simm.s32 $0x1  }
0x2: {  	[smem:$0x3F9F] =	sst lr;
	_ =	strace $0xD0000000  }
0x3: {  	_ = 	snop  }
0x4: {  	_ = 	snop  }
0x5: {  	_ = 	snop  }
0x6: {  	_ = 	snop  }
0x7: {  	_ = 	snop  }
__scs_overlays_trampoline_lowered:
0x8: {  	[smem:$0x3FAE] =	sst s0  }
0x9: {  	[smem:$0x3FAF] =	sst s1  }
0xa: {  	[smem:$0x3FB0] =	sst s2  }
0xb: {  	[smem:$0x3FB1] =	sst s3  }
0xc: {  	[smem:$0x3FB2] =	sst s4  }
0xd: {  	[smem:$0x3FB3] =	sst s5  }
0xe: {  	[smem:$0x3FB4] =	sst s6  }
0xf: {  	[smem:$0x3FB5] =	sst s7  }
0x10: {  	[smem:$0x3FB6] =	sst s8  }
0x11: {  	[smem:$0x3FB7] =	sst s9;
	s0 =	simm.s32 @!p0 $0x0  }
0x12: {  	s1 =	sld [smem:$0x3F9D];
	s0 =	simm.s32 @p0 $0x1  }
0x13: {  	[smem:$0x3FB8] =	sst s0;
	s0 =	simm.s32 @!p1 $0x0  }
0x14: {  	s2 =	sld [smem:$0x3F9C];
	s0 =	simm.s32 @p1 $0x1  }
0x15: {  	[smem:$0x3FB9] =	sst s0;
	s0 =	simm.s32 @!p2 $0x0  }
0x16: {  	s3 =	sld [smem:$0x3FDB];
	s0 =	simm.s32 @p2 $0x1  }
0x17: {  	s4 =	simm.s32 $0x1BF5;
	[smem:$0x3FBB] =	sst s0  }
0x18: {  	s0 =	sld [smem:$0x3F9E];
	_ =	swait.ge [sflag:s4], $0x0  }
0x19: {  	s7 =	sld [smem:$0x3F9F]  }
0x1a: {  	s8 =	sadd.s32 $0xFFFFE003, lr  }
0x1b: {  	s9 =	sadd.s32 $0xFFFFFEF7, lr;
	s5 =	simm.s32 $0xFFFFFFFF;
	p2 =	slt.u32 s8, $0xFFFFF086  }
0x1c: {  	p1 =	slt.u32 s9, $0xF7A;
	s5 =	simm.s32 @!p2 $0x0  }
0x1d: {  	s5 =	simm.s32 @p1 $0x1;
	p0 =	seq.s32 s7, s2  }
0x1e: {  	s7 =	smul.u32 @!p0 $0xF7A, s2;
	p2 =	seq.s32 @!p0 s5, $0x0  }
0x1f: {  	s9 =	smul.u32 $0xF7A, s1;
	s8 =	simm.s32 @!p0 $0x1BF5;
	p2 =	por !p2, p0  }
0x20: {  	[sflag:s8] =	ssyncset.s32 @!p0 $0xFFFFF086;
	s6 =	sadd.s32 @!p0 s3, s7;
	s7 =	simm.s32 @!p0 $0x108  }
0x21: {  	s3 =	sadd.s32 s3, s9;
	s6 =	sadd.s32 @!p0 $0x88, s6;
	s7 =	simm.s32 @p2 $0x1082  }
0x22: {  	[simem:s7], [sflag:s8] =	dma.local @!p0 [hbm:s6], $0xF7A  }
0x23: {  	s9 =	sor.u32 $0xD0000000, s2;
	s6 =	simm.s32 $0x108;
	_ =	swait.ge @!p0 [sflag:s8], $0x0  }
0x24: {  	s3 =	sadd.s32 $0x88, s3;
	s6 =	simm.s32 @!p1 $0x1082;
	[sflag:s4] =	ssyncset.s32 $0xFFFFF086  }
0x25: {  	[simem:s6], [sflag:s4] =	dma.local [hbm:s3], $0xF7A  }
0x26: {  	[smem:$0x3F9F] =	sst s1;
	(tag) =	ssettag s2;
	_ =	strace s9  }
0x27: {  	s1 =	sld [smem:$0x3FAF]  }
0x28: {  	s2 =	sld [smem:$0x3FB0]  }
0x29: {  	s4 =	sld [smem:$0x3FB2]  }
0x2a: {  	p0 =	seq.s32 s5, $0x0;
	s5 =	sld [smem:$0x3FB3]  }
0x2b: {  	s6 =	sld [smem:$0x3FB4]  }
0x2c: {  	s7 =	sld [smem:$0x3FB5]  }
0x2d: {  	s3 =	simm.s32 $0x108;
	s8 =	sld [smem:$0x3FB6]  }
0x2e: {  	s3 =	simm.s32 @!p0 $0x1082;
	s9 =	sld [smem:$0x3FB7]  }
0x2f: {  	lr =	sadd.s32 s0, s3;
	s0 =	sld [smem:$0x3FAE]  }
0x30: {  	s3 =	sld [smem:$0x3FB1]  }
0x31: {  	[smem:$0x3FBA] =	sst s10  }
0x32: {  	s10 =	sld [smem:$0x3FB8];
	_ =	sdelay $0x3  }
0x33: {  	p0 =	seq.s32 s10, $0x1;
	s10 =	sld [smem:$0x3FBA];
	_ =	sdelay $0x3  }
0x34: {  	[smem:$0x3FBA] =	sst s10  }
0x35: {  	s10 =	sld [smem:$0x3FB9];
	_ =	sdelay $0x3  }
0x36: {  	p1 =	seq.s32 s10, $0x1;
	s10 =	sld [smem:$0x3FBA];
	_ =	sdelay $0x3  }
0x37: {  	[smem:$0x3FBA] =	sst s10  }
0x38: {  	s10 =	sld [smem:$0x3FBB]  }
0x39: {  	_ = 	snop;
	(pc) =	sbr.ind lr, $3  }
0x3a: {  	_ = 	snop  }
0x3b: {  	_ = 	snop  }
0x3c: {  	p2 =	seq.s32 s10, $0x1;
	s10 =	sld [smem:$0x3FBA]  }
0x3d: {  	_ =	shalt  }
0x3e: {  	_ =	shalt  }
0x3f: {  	_ =	shalt  }
0x40: {  	_ =	shalt  }
0x41: {  	_ =	shalt  }
0x42: {  	_ =	shalt  }
0x43: {  	_ =	shalt  }
0x44: {  	_ =	shalt  }
0x45: {  	_ =	shalt  }
0x46: {  	_ =	shalt  }
0x47: {  	_ =	shalt  }
0x48: {  	_ =	shalt  }
0x49: {  	_ =	shalt  }
0x4a: {  	_ =	shalt  }
0x4b: {  	_ =	shalt  }
0x4c: {  	_ =	shalt  }
0x4d: {  	_ =	shalt  }
0x4e: {  	_ =	shalt  }
0x4f: {  	_ =	shalt  }
0x50: {  	_ =	shalt  }
0x51: {  	_ =	shalt  }
0x52: {  	_ =	shalt  }
0x53: {  	_ =	shalt  }
0x54: {  	_ =	shalt  }
0x55: {  	_ =	shalt  }
0x56: {  	_ =	shalt  }
0x57: {  	_ =	shalt  }
0x58: {  	_ =	shalt  }
0x59: {  	_ =	shalt  }
0x5a: {  	_ =	shalt  }
0x5b: {  	_ =	shalt  }
0x5c: {  	_ =	shalt  }
0x5d: {  	_ =	shalt  }
0x5e: {  	_ =	shalt  }
0x5f: {  	_ =	shalt  }
0x60: {  	_ =	shalt  }
0x61: {  	_ =	shalt  }
0x62: {  	_ =	shalt  }
0x63: {  	_ =	shalt  }
0x64: {  	_ =	shalt  }
0x65: {  	_ =	shalt  }
0x66: {  	_ =	shalt  }
0x67: {  	_ =	shalt  }
0x68: {  	_ =	shalt  }
0x69: {  	_ =	shalt  }
0x6a: {  	_ =	shalt  }
0x6b: {  	_ =	shalt  }
0x6c: {  	_ =	shalt  }
0x6d: {  	_ =	shalt  }
0x6e: {  	_ =	shalt  }
0x6f: {  	_ =	shalt  }
0x70: {  	_ =	shalt  }
0x71: {  	_ =	shalt  }
0x72: {  	_ =	shalt  }
0x73: {  	_ =	shalt  }
0x74: {  	_ =	shalt  }
0x75: {  	_ =	shalt  }
0x76: {  	_ =	shalt  }
0x77: {  	_ =	shalt  }
0x78: {  	_ =	shalt  }
0x79: {  	_ =	shalt  }
0x7a: {  	_ =	shalt  }
0x7b: {  	_ =	shalt  }
0x7c: {  	_ =	shalt  }
0x7d: {  	_ =	shalt  }
0x7e: {  	_ =	shalt  }
0x7f: {  	_ =	shalt  }
0x80: {  	_ =	shalt  }
0x81: {  	_ =	shalt  }
0x82: {  	_ =	shalt  }
0x83: {  	_ =	shalt  }
0x84: {  	_ =	shalt  }
0x85: {  	_ =	shalt  }
0x86: {  	_ =	shalt  }
0x87: {  	_ =	shalt  }
.Lfunc_end0:
.L_simem_size_0:
called_computation_lowered:
.L_overlay_start_0:
0x88: {  	s2 =	sld [smem:$0x3FD9]  }
0x89: {  	s3 =	sld [smem:$0x3FFE];
	_ =	sdelay $0x1  }
0x8a: {  	s1 =	srdreg.scid  }
0x8b: {  	s0 =	sand.u32 $0x1, s1  }
0x8c: {  	s17 =	sshll.u32 s0, $0xA;
	s2 =	sadd.s32 s3, s2  }
0x8d: {  	s2 =	sadd.s32 s2, s17  }
0x8e: {  	[smem:$0x3FC6] =	sst s2  }
0x8f: {  	_ = 	snop  }
0x90: {  	s2 =	sld [smem:$0x3FD0];
	(tm) =	ssettm $0x1  }
0x91: {  	s18 =	sld [smem:$0x3FFB];
	_ =	sdelay $0x3  }
0x92: {  	_ =	strace s18  }
0x93: {  	s3 =	sld [smem:$0x3FFC];
	_ =	sdelay $0x3  }
0x94: {  	_ =	strace s3  }
0x95: {  	s3 =	sld [smem:$0x3FFD];
	_ =	sdelay $0x3  }
0x96: {  	_ =	strace s3  }
0x97: {  	_ =	strace $0x8FFFFFFF  }
0x98: {  	s19 =	sld [smem:$0x3FDB];
	_ =	sdelay $0x1  }
0x99: {  	s4 =	simm.s32 $_scs_section_size  }
0x9a: {  	s5 =	simm.s32 $_size__tile_overlayer_lowered;
	s6 =	simm.s32 $_tile_overlayer_lowered  }
0x9b: {  	s22 =	simm.s32 $0x1BFF;
	s21 =	sshll.u32 s6, $0x1;
	s3 =	sadd.s32 s4, s19  }
0x9c: {  	s7 =	simm.s32 $0x0;
	s20 =	sshll.u32 s5, $0x1;
	s5 =	sadd.s32 s21, s3  }
0x9d: {  	[timem:s7], [sflag:s22] =	dma.local [hbm:s5], s20  }
0x9e: {  	_ =	swait.ge [sflag:s22], s20  }
0x9f: {  	s4 =	ssub.s32 $0x0, s20;
	[sflag:s22] =	ssyncset.done $0x0  }
0xa0: {  	[sflag:s22] =	ssyncadd.s32 s4;
	_ =	sdelay $0x1  }
0xa1: {  	s23 =	simm.s32 $0x1B8B  }
0xa2: {  	_ =	swait.ge [sflag:s23], $0x1  }
0xa3: {  	[sflag:s23] =	ssyncset.done $0x0  }
0xa4: {  	s25 =	simm.s32 $0x1B8E;
	s24 =	sld [smem:$0x3FFE];
	[sflag:s23] =	ssyncadd.s32 $0xFFFFFFFF  }
0xa5: {  	s26 =	simm.s32 $execute0_lowered;
	[smem:$0x3FD2] =	sst s25  }
0xa6: {  	s5 =	sshll.u32 s26, $0x1;
	_ =	strace $0x80000046;
	[dreg:$0x1] =	wrdreg $0xFFFFFFFF  }
0xa7: {  	s28 =	simm.s32 $_size_execute0_lowered;
	s3 =	sadd.s32 s3, s5;
	[dreg:$0x0] =	wrdreg $0x0  }
0xa8: {  	s5 =	sshll.u32 s28, $0x1;
	[dreg:$0x2] =	wrdreg s3  }
0xa9: {  	[dreg:$0x3] =	wrdreg s5  }
0xaa: {  	[dreg:$0x4] =	wrdreg $0xC0  }
0xab: {  	_ =	task [dreg:s7], $0x5FFFF  }
0xac: {  	[dreg:$0x1] =	wrdreg $0xFFFFFFFF  }
0xad: {  	[dreg:$0x0] =	wrdreg $0x60  }
0xae: {  	[dreg:$0x2] =	wrdreg s24  }
0xaf: {  	[dreg:$0x3] =	wrdreg s2  }
0xb0: {  	[dreg:$0x4] =	wrdreg $0x9  }
0xb1: {  	_ =	task.clear_ibuf [dreg:s7], $0x5FFFF;
	_ =	strace $0x90000046  }
0xb2: {  	s29 =	simm.s32 $0x9;
	_ =	strace $0x80000048  }
0xb3: {  	_ =	swait.ge [sflag:s29], $0x1  }
0xb4: {  	[sflag:s29] =	ssyncadd.s32 $0xFFFFFFFF  }
0xb5: {  	_ =	strace $0x90000048  }
0xb6: {  	_ =	sfence  }
0xb7: {  	s30 =	sld [smem:$0x0];
	_ =	sdelay $0x2  }
0xb8: {  	s31 =	sshll.u32 s1, $0xD;
	s1 =	sshrl.u32 s1, $0x2  }
0xb9: {  	s3 =	sand.u32 $0x4000, s31;
	s1 =	sadd.s32 s1, s30  }
0xba: {  	s0 =	sor.u32 s3, s0;
	s1 =	sshll.u32 s1, $0x11  }
0xbb: {  	s0 =	sor.u32 s1, s0  }
0xbc: {  	s0 =	sadd.s32 $0x8F2B, s0  }
0xbd: {  	[sflag:s0] =	ssyncadd.remote.s32 $0x1  }
0xbe: {  	_ =	sfence.sel $0xFFFF  }
0xbf: {  	[dreg:$0x0] =	wrdreg $0xFFFFFFFF;
	(pc) =	sbr.abs _section_cstart, $3  }
0xc0: {  	[dreg:$0x1] =	wrdreg $0xFFFFFFFF  }
0xc1: {  	_ =	task.clear_ibuf [dreg:s7], $0x2FFFF;
	_ =	strace $0x9FFFFFFF  }
0xc2: {  	(tm) =	ssettm $0x7FFFFFFF  }
0xc3: {  	_ =	shalt  }
tec
execute0_lowered:
.L_overlay_start_1:
0x0: {  	(tag) =	ssettag $0x1  }
0x1: {  	v0 =	vimm.s32 $0xC3824100;
	vm0 =	vcmask $0xF00  }
0x2: {  	vm10 =	vcmask $0x1310;
	vm9 =	vcmask $0x1714;
	vm8 =	vcmask $0x1B18  }
0x3: {  	vm7 =	vcmask $0x1F1C;
	vm6 =	vcmask $0x2320;
	vm5 =	vcmask $0x2724  }
0x4: {  	vm4 =	vcmask $0x2B28;
	vm3 =	vcmask $0x2F2C;
	vm2 =	vcmask $0x3330  }
0x5: {  	vm1 =	vcmask $0x3734;
	v2 =	vimm.s32 $0x38F;
	vm12 =	vcmask $0x300  }
0x6: {  	vm13 =	vcmask $0x704;
	vm11 =	vcmask $0xB08;
	v3 =	vimm.s32 $0x7C7  }
0x7: {  	v4 =	vimm.s32 $0x39F;
	vm14 =	vcmask $0xF0C;
	v5 =	vimm.s32 $0xBC7  }
0x8: {  	v6 =	vimm.s32 $0x3AF;
	v7 =	vimm.s32 $0xFC7;
	v8 =	vimm.s32 $0x3BF  }
0x9: {  	v9 =	vimm.s32 $0x13C7;
	v10 =	vimm.s32 $0x3CF;
	v11 =	vimm.s32 $0x17C7  }
0xa: {  	v12 =	vimm.s32 $0x3DF;
	v13 =	vimm.s32 $0x1BC7;
	v14 =	vimm.s32 $0x3EF  }
0xb: {  	v15 =	vimm.s32 $0x1FC7;
	v16 =	vimm.s32 $0x3FF;
	v0 =	vunpack.c.0.s8.s32 v0  }
0xc: {  	v2 =	vsel vm12, $0x0, v2;
	v3 =	vsel vm12, $0x400, v3;
	v4 =	vsel vm12, $0x10, v4  }
0xd: {  	v5 =	vsel vm12, $0x800, v5;
	v6 =	vsel vm12, $0x20, v6;
	v7 =	vsel vm12, $0xC00, v7  }
0xe: {  	v8 =	vsel vm12, $0x30, v8;
	v9 =	vsel vm12, $0x1000, v9;
	v10 =	vsel vm12, $0x40, v10  }
0xf: {  	v11 =	vsel vm12, $0x1400, v11;
	v12 =	vsel vm12, $0x50, v12;
	v13 =	vsel vm12, $0x1800, v13  }
0x10: {  	v14 =	vsel vm12, $0x60, v14;
	v15 =	vsel vm12, $0x1C00, v15;
	v16 =	vsel vm12, $0x70, v16  }
0x11: {  	v2 =	vsel vm13, $0x81, v2;
	v3 =	vsel vm13, $0x441, v3;
	v4 =	vsel vm13, $0x91, v4  }
0x12: {  	v5 =	vsel vm13, $0x841, v5;
	v6 =	vsel vm13, $0xA1, v6;
	v7 =	vsel vm13, $0xC41, v7  }
0x13: {  	v8 =	vsel vm13, $0xB1, v8;
	v9 =	vsel vm13, $0x1041, v9;
	v10 =	vsel vm13, $0xC1, v10  }
0x14: {  	v11 =	vsel vm13, $0x1441, v11;
	v12 =	vsel vm13, $0xD1, v12;
	v13 =	vsel vm13, $0x1841, v13  }
0x15: {  	v14 =	vsel vm13, $0xE1, v14;
	v15 =	vsel vm13, $0x1C41, v15;
	v16 =	vsel vm13, $0xF1, v16  }
0x16: {  	v0 =	vand.u32 $0xFF, v0;
	v2 =	vsel vm11, $0x102, v2;
	v3 =	vsel vm11, $0x482, v3  }
0x17: {  	v4 =	vsel vm11, $0x112, v4;
	v5 =	vsel vm11, $0x882, v5;
	v6 =	vsel vm11, $0x122, v6  }
0x18: {  	v7 =	vsel vm11, $0xC82, v7;
	v8 =	vsel vm11, $0x132, v8;
	v9 =	vsel vm11, $0x1082, v9  }
0x19: {  	v10 =	vsel vm11, $0x142, v10;
	v11 =	vsel vm11, $0x1482, v11;
	v12 =	vsel vm11, $0x152, v12  }
0x1a: {  	v13 =	vsel vm11, $0x1882, v13;
	v14 =	vsel vm11, $0x162, v14;
	v15 =	vsel vm11, $0x1C82, v15  }
0x1b: {  	v16 =	vsel vm11, $0x172, v16;
	v0 =	vnsel vm0, $0x3C7, v0;
	vm0 =	vcmask $0x3B38  }
0x1c: {  	v2 =	vsel vm14, $0x183, v2;
	v3 =	vsel vm14, $0x4C3, v3;
	v4 =	vsel vm14, $0x193, v4  }
0x1d: {  	v5 =	vsel vm14, $0x8C3, v5;
	v6 =	vsel vm14, $0x1A3, v6;
	v7 =	vsel vm14, $0xCC3, v7  }
0x1e: {  	v8 =	vsel vm14, $0x1B3, v8;
	v9 =	vsel vm14, $0x10C3, v9;
	v10 =	vsel vm14, $0x1C3, v10  }
0x1f: {  	v11 =	vsel vm14, $0x14C3, v11;
	v12 =	vsel vm14, $0x1D3, v12;
	v13 =	vsel vm14, $0x18C3, v13  }
0x20: {  	v14 =	vsel vm14, $0x1E3, v14;
	v15 =	vsel vm14, $0x1CC3, v15;
	v16 =	vsel vm14, $0x1F3, v16  }
0x21: {  	v0 =	vsel vm10, $0x104, v0;
	v2 =	vsel vm10, $0x204, v2;
	v3 =	vsel vm10, $0x504, v3  }
0x22: {  	v4 =	vsel vm10, $0x214, v4;
	v5 =	vsel vm10, $0x904, v5;
	v6 =	vsel vm10, $0x224, v6  }
0x23: {  	v7 =	vsel vm10, $0xD04, v7;
	v8 =	vsel vm10, $0x234, v8;
	v9 =	vsel vm10, $0x1104, v9  }
0x24: {  	v10 =	vsel vm10, $0x244, v10;
	v11 =	vsel vm10, $0x1504, v11;
	v12 =	vsel vm10, $0x254, v12  }
0x25: {  	v13 =	vsel vm10, $0x1904, v13;
	v14 =	vsel vm10, $0x264, v14;
	v15 =	vsel vm10, $0x1D04, v15  }
0x26: {  	v16 =	vsel vm10, $0x274, v16;
	v0 =	vsel vm9, $0x145, v0;
	v2 =	vsel vm9, $0x285, v2  }
0x27: {  	v3 =	vsel vm9, $0x545, v3;
	v4 =	vsel vm9, $0x295, v4;
	v5 =	vsel vm9, $0x945, v5  }
0x28: {  	v6 =	vsel vm9, $0x2A5, v6;
	v7 =	vsel vm9, $0xD45, v7;
	v8 =	vsel vm9, $0x2B5, v8  }
0x29: {  	v9 =	vsel vm9, $0x1145, v9;
	v10 =	vsel vm9, $0x2C5, v10;
	v11 =	vsel vm9, $0x1545, v11  }
0x2a: {  	v12 =	vsel vm9, $0x2D5, v12;
	v13 =	vsel vm9, $0x1945, v13;
	v14 =	vsel vm9, $0x2E5, v14  }
0x2b: {  	v15 =	vsel vm9, $0x1D45, v15;
	v16 =	vsel vm9, $0x2F5, v16;
	v0 =	vsel vm8, $0x186, v0  }
0x2c: {  	v2 =	vsel vm8, $0x306, v2;
	v3 =	vsel vm8, $0x586, v3;
	v4 =	vsel vm8, $0x316, v4  }
0x2d: {  	v5 =	vsel vm8, $0x986, v5;
	v6 =	vsel vm8, $0x326, v6;
	v7 =	vsel vm8, $0xD86, v7  }
0x2e: {  	v8 =	vsel vm8, $0x336, v8;
	v9 =	vsel vm8, $0x1186, v9;
	v10 =	vsel vm8, $0x346, v10  }
0x2f: {  	v11 =	vsel vm8, $0x1586, v11;
	v12 =	vsel vm8, $0x356, v12;
	v13 =	vsel vm8, $0x1986, v13  }
0x30: {  	v14 =	vsel vm8, $0x366, v14;
	v15 =	vsel vm8, $0x1D86, v15;
	v16 =	vsel vm8, $0x376, v16  }
0x31: {  	v0 =	vsel vm7, $0x1C7, v0;
	v2 =	vsel vm7, $0x387, v2;
	v3 =	vsel vm7, $0x5C7, v3  }
0x32: {  	v4 =	vsel vm7, $0x397, v4;
	v5 =	vsel vm7, $0x9C7, v5;
	v6 =	vsel vm7, $0x3A7, v6  }
0x33: {  	v7 =	vsel vm7, $0xDC7, v7;
	v8 =	vsel vm7, $0x3B7, v8;
	v9 =	vsel vm7, $0x11C7, v9  }
0x34: {  	v10 =	vsel vm7, $0x3C7, v10;
	v11 =	vsel vm7, $0x15C7, v11;
	v12 =	vsel vm7, $0x3D7, v12  }
0x35: {  	v13 =	vsel vm7, $0x19C7, v13;
	v14 =	vsel vm7, $0x3E7, v14;
	v15 =	vsel vm7, $0x1DC7, v15  }
0x36: {  	v16 =	vsel vm7, $0x3F7, v16;
	v0 =	vsel vm6, $0x200, v0;
	v2 =	vsel vm6, $0x8, v2  }
0x37: {  	v3 =	vsel vm6, $0x600, v3;
	v4 =	vsel vm6, $0x18, v4;
	v5 =	vsel vm6, $0xA00, v5  }
0x38: {  	v6 =	vsel vm6, $0x28, v6;
	v7 =	vsel vm6, $0xE00, v7;
	v8 =	vsel vm6, $0x38, v8  }
0x39: {  	v9 =	vsel vm6, $0x1200, v9;
	v10 =	vsel vm6, $0x48, v10;
	v11 =	vsel vm6, $0x1600, v11  }
0x3a: {  	v12 =	vsel vm6, $0x58, v12;
	v13 =	vsel vm6, $0x1A00, v13;
	v14 =	vsel vm6, $0x68, v14  }
0x3b: {  	v15 =	vsel vm6, $0x1E00, v15;
	v16 =	vsel vm6, $0x78, v16;
	v0 =	vsel vm5, $0x241, v0  }
0x3c: {  	v2 =	vsel vm5, $0x89, v2;
	v3 =	vsel vm5, $0x641, v3;
	v4 =	vsel vm5, $0x99, v4  }
0x3d: {  	v5 =	vsel vm5, $0xA41, v5;
	v6 =	vsel vm5, $0xA9, v6;
	v7 =	vsel vm5, $0xE41, v7  }
0x3e: {  	v8 =	vsel vm5, $0xB9, v8;
	v9 =	vsel vm5, $0x1241, v9;
	v10 =	vsel vm5, $0xC9, v10  }
0x3f: {  	v11 =	vsel vm5, $0x1641, v11;
	v12 =	vsel vm5, $0xD9, v12;
	v13 =	vsel vm5, $0x1A41, v13  }
0x40: {  	v14 =	vsel vm5, $0xE9, v14;
	v15 =	vsel vm5, $0x1E41, v15;
	v16 =	vsel vm5, $0xF9, v16  }
0x41: {  	v0 =	vsel vm4, $0x282, v0;
	v2 =	vsel vm4, $0x10A, v2;
	v3 =	vsel vm4, $0x682, v3  }
0x42: {  	v4 =	vsel vm4, $0x11A, v4;
	v5 =	vsel vm4, $0xA82, v5;
	v6 =	vsel vm4, $0x12A, v6  }
0x43: {  	v7 =	vsel vm4, $0xE82, v7;
	v8 =	vsel vm4, $0x13A, v8;
	v9 =	vsel vm4, $0x1282, v9  }
0x44: {  	v10 =	vsel vm4, $0x14A, v10;
	v11 =	vsel vm4, $0x1682, v11;
	v12 =	vsel vm4, $0x15A, v12  }
0x45: {  	v13 =	vsel vm4, $0x1A82, v13;
	v14 =	vsel vm4, $0x16A, v14;
	v15 =	vsel vm4, $0x1E82, v15  }
0x46: {  	v16 =	vsel vm4, $0x17A, v16;
	v0 =	vsel vm3, $0x2C3, v0;
	v2 =	vsel vm3, $0x18B, v2  }
0x47: {  	v3 =	vsel vm3, $0x6C3, v3;
	v4 =	vsel vm3, $0x19B, v4;
	v5 =	vsel vm3, $0xAC3, v5  }
0x48: {  	v6 =	vsel vm3, $0x1AB, v6;
	v7 =	vsel vm3, $0xEC3, v7;
	v8 =	vsel vm3, $0x1BB, v8  }
0x49: {  	v9 =	vsel vm3, $0x12C3, v9;
	v10 =	vsel vm3, $0x1CB, v10;
	v11 =	vsel vm3, $0x16C3, v11  }
0x4a: {  	v12 =	vsel vm3, $0x1DB, v12;
	v13 =	vsel vm3, $0x1AC3, v13;
	v14 =	vsel vm3, $0x1EB, v14  }
0x4b: {  	v15 =	vsel vm3, $0x1EC3, v15;
	v1 =	vsel vm2, $0x304, v0;
	v0 =	vlaneseq.u32  }
0x4c: {  	v2 =	vsel vm2, $0x20C, v2;
	v3 =	vsel vm2, $0x704, v3;
	v4 =	vsel vm2, $0x21C, v4  }
0x4d: {  	v5 =	vsel vm2, $0xB04, v5;
	v6 =	vsel vm2, $0x22C, v6;
	v7 =	vsel vm2, $0xF04, v7  }
0x4e: {  	v8 =	vsel vm2, $0x23C, v8;
	v9 =	vsel vm2, $0x1304, v9;
	v10 =	vsel vm2, $0x24C, v10  }
0x4f: {  	v11 =	vsel vm2, $0x1704, v11;
	v12 =	vsel vm2, $0x25C, v12;
	v13 =	vsel vm2, $0x1B04, v13  }
0x50: {  	v14 =	vsel vm2, $0x26C, v14;
	v1 =	vsel vm1, $0x345, v1;
	v2 =	vsel vm1, $0x28D, v2  }
0x51: {  	v3 =	vsel vm1, $0x745, v3;
	v4 =	vsel vm1, $0x29D, v4;
	v5 =	vsel vm1, $0xB45, v5  }
0x52: {  	v6 =	vsel vm1, $0x2AD, v6;
	v7 =	vsel vm1, $0xF45, v7;
	v8 =	vsel vm1, $0x2BD, v8  }
0x53: {  	v9 =	vsel vm1, $0x1345, v9;
	v10 =	vsel vm1, $0x2CD, v10;
	v11 =	vsel vm1, $0x1745, v11  }
0x54: {  	v12 =	vsel vm1, $0x2DD, v12;
	v13 =	vsel vm1, $0x1B45, v13;
	v17 =	vsel vm1, $0x2ED, v14  }
0x55: {  	s1 =	srdreg.scid;
	v14 =	vsel vm2, $0x1F04, v15;
	v15 =	vsel vm3, $0x1FB, v16;
	v19 =	vor.u32 $0x10, v0  }
0x56: {  	s0 =	stileid.u32;
	s4 =	rddreg [dreg:$0x0];
	v21 =	vor.u32 $0x20, v0;
	v23 =	vor.u32 $0x30, v0;
	v25 =	vor.u32 $0x40, v0  }
0x57: {  	s2 =	rddreg [dreg:$0x1];
	s3 =	simm.s32 $0x0;
	s9 =	simm.s32 $0x80;
	v27 =	vor.u32 $0x50, v0;
	v29 =	vor.u32 $0x60, v0;
	v31 =	vor.u32 $0x70, v0  }
0x58: {  	s10 =	simm.s32 $0x6400;
	s11 =	simm.s32 $0x1;
	s12 =	simm.s32 $0x8400;
	v1 =	vsel vm0, $0x386, v1;
	v2 =	vsel vm0, $0x30E, v2;
	v3 =	vsel vm0, $0x786, v3  }
0x59: {  	s13 =	simm.s32 $0xA400;
	s14 =	simm.s32 $0x400;
	s15 =	simm.s32 $0x20000;
	v4 =	vsel vm0, $0x31E, v4;
	v5 =	vsel vm0, $0xB86, v5;
	v6 =	vsel vm0, $0x32E, v6  }
0x5a: {  	s16 =	simm.s32 $0x2;
	s17 =	simm.s32 $0xC400;
	s18 =	simm.s32 $0x3;
	v7 =	vsel vm0, $0xF86, v7;
	v8 =	vsel vm0, $0x33E, v8;
	v9 =	vsel vm0, $0x1386, v9  }
0x5b: {  	s19 =	simm.s32 $0x4;
	s5 =	sand.u32 $0x1, s1;
	s31 =	sshll.u32 s0, $0x1;
	v10 =	vsel vm0, $0x34E, v10;
	v11 =	vsel vm0, $0x1786, v11;
	v12 =	vsel vm0, $0x35E, v12  }
0x5c: {  	s20 =	simm.s32 $0x0;
	s6 =	sor.u32 s5, s31;
	s5 =	ssub.s32 $0x2, s5;
	v16 =	vsel vm1, $0x1F45, v14;
	v18 =	vsel vm2, $0x27C, v15;
	v14 =	vmul.u32 $0x40, v0  }
0x5d: {  	[smem:$0x7FF] =	sst s3;
	s7 =	smul.u32 $0xC80, s6;
	s8 =	sshrl.u32 s5, $0x1;
	v13 =	vsel vm0, $0x1B86, v13;
	v15 =	vsel vm0, $0x36E, v17;
	v17 =	vsel vm1, $0x2FD, v18  }
0x5e: {  	s1 =	rddreg [dreg:$0x2];
	_ =	strace $0x80000047;
	s8 =	ssub.s32 s5, s8;
	v16 =	vsel vm0, $0x1F86, v16;
	v17 =	vsel vm0, $0x37E, v17;
	v18 =	vor.u32 $0x400, v14  }
0x5f: {  	s5 =	smul.u32 $0xC8, s6;
	s7 =	sadd.s32 s7, s4;
	s4 =	sadd.s32 $0xF42A00, s4;
	v20 =	vor.u32 $0x800, v14;
	v22 =	vor.u32 $0xC00, v14;
	v24 =	vor.u32 $0x1000, v14  }
0x60: {  	s6 =	sadd.s32 $0x600, s7;
	s7 =	smax.u32 s8, $0x1;
	s8 =	simm.s32 $0x5;
	v26 =	vor.u32 $0x1400, v14;
	v28 =	vor.u32 $0x1800, v14;
	v30 =	vor.u32 $0x1C00, v14  }
.LBB2_1:
0x61: {  	[tilespmem:s3], [sflag:$0x5] =	stream.linear.gather [hbm4b:s6+s3], $0x6400, $0x38;
	[tilespmem:$0xE400] =	vst v63  }
0x62: {  	_ =	swait.ge [sflag:s8], $0x6400  }
0x63: {  	[sflag:s8] =	ssyncset.done $0x0  }
0x64: {  	s21 =	simm.s32 $0x0;
	[sflag:s8] =	ssyncadd.s32 $0xFFFF9C00  }
0x65: {  	[tilespmem:s10], [sflag:$0x1] =	stream.indirect.gather [hbm4b:s4+s9], $0x40, s3, s9, $0xb8;
	[tilespmem:$0xE400] =	vst v63  }
.LBB2_2:
0x66: {  	_ =	swait.ge [sflag:s11], $0x2000;
	s22 =	sshllo.u32 s21, $0x1;
	s24 =	simm.s32 $0x0  }
0x67: {  	[sflag:s11] =	ssyncset.done $0x0;
	s23 =	sshll.u32 s22, $0x7;
	v32 =	vadd.s32 s24, v0  }
0x68: {  	p0 =	seq.s32 s21, $0x0;
	[sflag:s11] =	ssyncadd.s32 $0xFFFFE000;
	s23 =	sand.u32 $0x3FFFFF80, s23;
	v33 =	vand.u32 $0x38, v32  }
0x69: {  	[tilespmem:s12], [sflag:$0x2] =	stream.indirect.gather [hbm4b:s4+s9], $0x40, s23, s9, $0xb8;
	v34 =	vor.u32 v1, v33;
	[tilespmem:$0xE400] =	vst v63  }
0x6a: {  	s23 =	simm.s32 @!p0 $0x3  }
0x6b: {  	_ =	swait.ge @!p0 [sflag:s23], $0x2000  }
0x6c: {  	v32 =	vshll.u32 v32, $0x7;
	[sflag:s23] =	ssyncset.done @!p0 $0x0  }
0x6d: {  	v32 =	vand.u32 $0x1C00, v32;
	[sflag:s23] =	ssyncadd.s32 @!p0 $0xFFFFE000  }
0x6e: {  	v35 =	vor.u32 v2, v32;
	v34 =	vld.idx.msk [tilespmem:v34+s10+$0x0], $0xffff  }
0x6f: {  	v36 =	vor.u32 v3, v33;
	_ =	sdelay $0x3  }
0x70: {  	[tilespmem:v35+s13+$0x0] =	vst.idx.msk $0xffff, v34  }
0x71: {  	v50 =	vor.u32 v4, v32;
	v34 =	vld.idx.msk [tilespmem:v36+s10+$0x0], $0xffff  }
0x72: {  	v51 =	vor.u32 v5, v33;
	_ =	sdelay $0x3  }
0x73: {  	[tilespmem:v50+s13+$0x0] =	vst.idx.msk $0xffff, v34  }
0x74: {  	v52 =	vor.u32 v6, v32;
	v34 =	vld.idx.msk [tilespmem:v51+s10+$0x0], $0xffff  }
0x75: {  	v53 =	vor.u32 v7, v33;
	_ =	sdelay $0x3  }
0x76: {  	[tilespmem:v52+s13+$0x0] =	vst.idx.msk $0xffff, v34  }
0x77: {  	v54 =	vor.u32 v8, v32;
	v34 =	vld.idx.msk [tilespmem:v53+s10+$0x0], $0xffff  }
0x78: {  	v55 =	vor.u32 v9, v33;
	_ =	sdelay $0x3  }
0x79: {  	[tilespmem:v54+s13+$0x0] =	vst.idx.msk $0xffff, v34  }
0x7a: {  	v56 =	vor.u32 v10, v32;
	v34 =	vld.idx.msk [tilespmem:v55+s10+$0x0], $0xffff  }
0x7b: {  	v57 =	vor.u32 v11, v33;
	_ =	sdelay $0x3  }
0x7c: {  	[tilespmem:v56+s13+$0x0] =	vst.idx.msk $0xffff, v34  }
0x7d: {  	v58 =	vor.u32 v12, v32;
	v34 =	vld.idx.msk [tilespmem:v57+s10+$0x0], $0xffff  }
0x7e: {  	v59 =	vor.u32 v13, v33;
	_ =	sdelay $0x3  }
0x7f: {  	[tilespmem:v58+s13+$0x0] =	vst.idx.msk $0xffff, v34  }
0x80: {  	v60 =	vor.u32 v15, v32;
	v34 =	vld.idx.msk [tilespmem:v59+s10+$0x0], $0xffff  }
0x81: {  	v33 =	vor.u32 v16, v33;
	_ =	sdelay $0x2  }
0x82: {  	s24 =	simm.s32 $0x1  }
0x83: {  	v61 =	vadd.s32 s24, v0;
	[tilespmem:v60+s13+$0x0] =	vst.idx.msk $0xffff, v34  }
0x84: {  	v62 =	vand.u32 $0x3F, v61;
	v32 =	vor.u32 v17, v32;
	v33 =	vld.idx.msk [tilespmem:v33+s10+$0x0], $0xffff  }
0x85: {  	v63 =	vor.u32 v14, v62;
	_ =	sdelay $0x2  }
0x86: {  	v34 =	vshll.u32 v61, $0x7  }
0x87: {  	v40 =	vand.u32 $0x1F80, v34;
	[tilespmem:v32+s13+$0x0] =	vst.idx.msk $0xffff, v33  }
0x88: {  	v34 =	vor.u32 v0, v40;
	v33 =	vld.idx.msk [tilespmem:v63+s10+$0x0], $0xffff  }
0x89: {  	v41 =	vor.u32 v18, v62;
	_ =	sdelay $0x3  }
0x8a: {  	[tilespmem:v34+s13+$0x0] =	vst.idx.msk $0xffff, v33  }
0x8b: {  	v42 =	vor.u32 v19, v40;
	v33 =	vld.idx.msk [tilespmem:v41+s10+$0x0], $0xffff  }
0x8c: {  	v43 =	vor.u32 v20, v62;
	_ =	sdelay $0x3  }
0x8d: {  	[tilespmem:v42+s13+$0x0] =	vst.idx.msk $0xffff, v33  }
0x8e: {  	v44 =	vor.u32 v21, v40;
	v33 =	vld.idx.msk [tilespmem:v43+s10+$0x0], $0xffff  }
0x8f: {  	v45 =	vor.u32 v22, v62;
	_ =	sdelay $0x3  }
0x90: {  	[tilespmem:v44+s13+$0x0] =	vst.idx.msk $0xffff, v33  }
0x91: {  	v46 =	vor.u32 v23, v40;
	v33 =	vld.idx.msk [tilespmem:v45+s10+$0x0], $0xffff  }
0x92: {  	v47 =	vor.u32 v24, v62;
	_ =	sdelay $0x3  }
0x93: {  	[tilespmem:v46+s13+$0x0] =	vst.idx.msk $0xffff, v33  }
0x94: {  	v48 =	vor.u32 v25, v40;
	v33 =	vld.idx.msk [tilespmem:v47+s10+$0x0], $0xffff  }
0x95: {  	v49 =	vor.u32 v26, v62;
	_ =	sdelay $0x3  }
0x96: {  	[tilespmem:v48+s13+$0x0] =	vst.idx.msk $0xffff, v33  }
0x97: {  	v50 =	vor.u32 v27, v40;
	v33 =	vld.idx.msk [tilespmem:v49+s10+$0x0], $0xffff  }
0x98: {  	v51 =	vor.u32 v28, v62;
	_ =	sdelay $0x3  }
0x99: {  	[tilespmem:v50+s13+$0x0] =	vst.idx.msk $0xffff, v33  }
0x9a: {  	v52 =	vor.u32 v29, v40;
	v33 =	vld.idx.msk [tilespmem:v51+s10+$0x0], $0xffff  }
0x9b: {  	v35 =	vor.u32 v30, v62;
	_ =	sdelay $0x2  }
0x9c: {  	s25 =	simm.s32 $0x2  }
0x9d: {  	v53 =	vadd.s32 s25, v0;
	[tilespmem:v52+s13+$0x0] =	vst.idx.msk $0xffff, v33  }
0x9e: {  	v54 =	vand.u32 $0x3F, v53;
	v32 =	vor.u32 v31, v40;
	v34 =	vld.idx.msk [tilespmem:v35+s10+$0x0], $0xffff  }
0x9f: {  	v55 =	vor.u32 v14, v54;
	_ =	sdelay $0x2  }
0xa0: {  	v33 =	vshll.u32 v53, $0x7  }
0xa1: {  	v56 =	vand.u32 $0x1F80, v33;
	[tilespmem:v32+s13+$0x0] =	vst.idx.msk $0xffff, v34  }
0xa2: {  	v58 =	vor.u32 v0, v56;
	v57 =	vld.idx.msk [tilespmem:v55+s10+$0x0], $0xffff  }
0xa3: {  	v59 =	vor.u32 v18, v54;
	_ =	sdelay $0x3  }
0xa4: {  	[tilespmem:v58+s13+$0x0] =	vst.idx.msk $0xffff, v57  }
0xa5: {  	v60 =	vor.u32 v19, v56;
	v33 =	vld.idx.msk [tilespmem:v59+s10+$0x0], $0xffff  }
0xa6: {  	v61 =	vor.u32 v20, v54;
	_ =	sdelay $0x3  }
0xa7: {  	[tilespmem:v60+s13+$0x0] =	vst.idx.msk $0xffff, v33  }
0xa8: {  	v62 =	vor.u32 v21, v56;
	v33 =	vld.idx.msk [tilespmem:v61+s10+$0x0], $0xffff  }
0xa9: {  	v63 =	vor.u32 v22, v54;
	_ =	sdelay $0x3  }
0xaa: {  	[tilespmem:v62+s13+$0x0] =	vst.idx.msk $0xffff, v33  }
0xab: {  	v40 =	vor.u32 v23, v56;
	v33 =	vld.idx.msk [tilespmem:v63+s10+$0x0], $0xffff  }
0xac: {  	v41 =	vor.u32 v24, v54;
	_ =	sdelay $0x3  }
0xad: {  	[tilespmem:v40+s13+$0x0] =	vst.idx.msk $0xffff, v33  }
0xae: {  	v42 =	vor.u32 v25, v56;
	v33 =	vld.idx.msk [tilespmem:v41+s10+$0x0], $0xffff  }
0xaf: {  	v43 =	vor.u32 v26, v54;
	_ =	sdelay $0x3  }
0xb0: {  	[tilespmem:v42+s13+$0x0] =	vst.idx.msk $0xffff, v33  }
0xb1: {  	v44 =	vor.u32 v27, v56;
	v33 =	vld.idx.msk [tilespmem:v43+s10+$0x0], $0xffff  }
0xb2: {  	v45 =	vor.u32 v28, v54;
	_ =	sdelay $0x3  }
0xb3: {  	[tilespmem:v44+s13+$0x0] =	vst.idx.msk $0xffff, v33  }
0xb4: {  	v46 =	vor.u32 v29, v56;
	v33 =	vld.idx.msk [tilespmem:v45+s10+$0x0], $0xffff  }
0xb5: {  	v35 =	vor.u32 v30, v54;
	_ =	sdelay $0x2  }
0xb6: {  	s26 =	simm.s32 $0x3  }
0xb7: {  	v47 =	vadd.s32 s26, v0;
	[tilespmem:v46+s13+$0x0] =	vst.idx.msk $0xffff, v33  }
0xb8: {  	v48 =	vand.u32 $0x3F, v47;
	v32 =	vor.u32 v31, v56;
	v34 =	vld.idx.msk [tilespmem:v35+s10+$0x0], $0xffff  }
0xb9: {  	v49 =	vor.u32 v14, v48;
	_ =	sdelay $0x2  }
0xba: {  	v33 =	vshll.u32 v47, $0x7  }
0xbb: {  	v50 =	vand.u32 $0x1F80, v33;
	[tilespmem:v32+s13+$0x0] =	vst.idx.msk $0xffff, v34  }
0xbc: {  	v52 =	vor.u32 v0, v50;
	v51 =	vld.idx.msk [tilespmem:v49+s10+$0x0], $0xffff  }
0xbd: {  	v53 =	vor.u32 v18, v48;
	_ =	sdelay $0x3  }
0xbe: {  	[tilespmem:v52+s13+$0x0] =	vst.idx.msk $0xffff, v51  }
0xbf: {  	v54 =	vor.u32 v19, v50;
	v33 =	vld.idx.msk [tilespmem:v53+s10+$0x0], $0xffff  }
0xc0: {  	v55 =	vor.u32 v20, v48;
	_ =	sdelay $0x3  }
0xc1: {  	[tilespmem:v54+s13+$0x0] =	vst.idx.msk $0xffff, v33  }
0xc2: {  	v56 =	vor.u32 v21, v50;
	v33 =	vld.idx.msk [tilespmem:v55+s10+$0x0], $0xffff  }
0xc3: {  	v57 =	vor.u32 v22, v48;
	_ =	sdelay $0x3  }
0xc4: {  	[tilespmem:v56+s13+$0x0] =	vst.idx.msk $0xffff, v33  }
0xc5: {  	v58 =	vor.u32 v23, v50;
	v33 =	vld.idx.msk [tilespmem:v57+s10+$0x0], $0xffff  }
0xc6: {  	v59 =	vor.u32 v24, v48;
	_ =	sdelay $0x3  }
0xc7: {  	[tilespmem:v58+s13+$0x0] =	vst.idx.msk $0xffff, v33  }
0xc8: {  	v60 =	vor.u32 v25, v50;
	v33 =	vld.idx.msk [tilespmem:v59+s10+$0x0], $0xffff  }
0xc9: {  	v61 =	vor.u32 v26, v48;
	_ =	sdelay $0x3  }
0xca: {  	[tilespmem:v60+s13+$0x0] =	vst.idx.msk $0xffff, v33  }
0xcb: {  	v62 =	vor.u32 v27, v50;
	v33 =	vld.idx.msk [tilespmem:v61+s10+$0x0], $0xffff  }
0xcc: {  	v63 =	vor.u32 v28, v48;
	_ =	sdelay $0x3  }
0xcd: {  	[tilespmem:v62+s13+$0x0] =	vst.idx.msk $0xffff, v33  }
0xce: {  	v40 =	vor.u32 v29, v50;
	v33 =	vld.idx.msk [tilespmem:v63+s10+$0x0], $0xffff  }
0xcf: {  	v35 =	vor.u32 v30, v48;
	_ =	sdelay $0x2  }
0xd0: {  	s28 =	simm.s32 $0x4  }
0xd1: {  	v41 =	vadd.s32 s28, v0;
	[tilespmem:v40+s13+$0x0] =	vst.idx.msk $0xffff, v33  }
0xd2: {  	v42 =	vand.u32 $0x3F, v41;
	v32 =	vor.u32 v31, v50;
	v34 =	vld.idx.msk [tilespmem:v35+s10+$0x0], $0xffff  }
0xd3: {  	v43 =	vor.u32 v14, v42;
	_ =	sdelay $0x2  }
0xd4: {  	v33 =	vshll.u32 v41, $0x7  }
0xd5: {  	v44 =	vand.u32 $0x1F80, v33;
	[tilespmem:v32+s13+$0x0] =	vst.idx.msk $0xffff, v34  }
0xd6: {  	v46 =	vor.u32 v0, v44;
	v45 =	vld.idx.msk [tilespmem:v43+s10+$0x0], $0xffff  }
0xd7: {  	v47 =	vor.u32 v18, v42;
	_ =	sdelay $0x3  }
0xd8: {  	[tilespmem:v46+s13+$0x0] =	vst.idx.msk $0xffff, v45  }
0xd9: {  	v48 =	vor.u32 v19, v44;
	v33 =	vld.idx.msk [tilespmem:v47+s10+$0x0], $0xffff  }
0xda: {  	v49 =	vor.u32 v20, v42;
	_ =	sdelay $0x3  }
0xdb: {  	[tilespmem:v48+s13+$0x0] =	vst.idx.msk $0xffff, v33  }
0xdc: {  	v50 =	vor.u32 v21, v44;
	v33 =	vld.idx.msk [tilespmem:v49+s10+$0x0], $0xffff  }
0xdd: {  	v51 =	vor.u32 v22, v42;
	_ =	sdelay $0x3  }
0xde: {  	[tilespmem:v50+s13+$0x0] =	vst.idx.msk $0xffff, v33  }
0xdf: {  	v52 =	vor.u32 v23, v44;
	v33 =	vld.idx.msk [tilespmem:v51+s10+$0x0], $0xffff  }
0xe0: {  	v53 =	vor.u32 v24, v42;
	_ =	sdelay $0x3  }
0xe1: {  	[tilespmem:v52+s13+$0x0] =	vst.idx.msk $0xffff, v33  }
0xe2: {  	v54 =	vor.u32 v25, v44;
	v33 =	vld.idx.msk [tilespmem:v53+s10+$0x0], $0xffff  }
0xe3: {  	v55 =	vor.u32 v26, v42;
	_ =	sdelay $0x3  }
0xe4: {  	[tilespmem:v54+s13+$0x0] =	vst.idx.msk $0xffff, v33  }
0xe5: {  	v56 =	vor.u32 v27, v44;
	v33 =	vld.idx.msk [tilespmem:v55+s10+$0x0], $0xffff  }
0xe6: {  	v57 =	vor.u32 v28, v42;
	_ =	sdelay $0x3  }
0xe7: {  	[tilespmem:v56+s13+$0x0] =	vst.idx.msk $0xffff, v33  }
0xe8: {  	v58 =	vor.u32 v29, v44;
	v33 =	vld.idx.msk [tilespmem:v57+s10+$0x0], $0xffff  }
0xe9: {  	v35 =	vor.u32 v30, v42;
	_ =	sdelay $0x2  }
0xea: {  	s29 =	simm.s32 $0x5  }
0xeb: {  	v59 =	vadd.s32 s29, v0;
	[tilespmem:v58+s13+$0x0] =	vst.idx.msk $0xffff, v33  }
0xec: {  	v60 =	vand.u32 $0x3F, v59;
	v32 =	vor.u32 v31, v44;
	v34 =	vld.idx.msk [tilespmem:v35+s10+$0x0], $0xffff  }
0xed: {  	v61 =	vor.u32 v14, v60;
	_ =	sdelay $0x2  }
0xee: {  	v33 =	vshll.u32 v59, $0x7  }
0xef: {  	v62 =	vand.u32 $0x1F80, v33;
	[tilespmem:v32+s13+$0x0] =	vst.idx.msk $0xffff, v34  }
0xf0: {  	v40 =	vor.u32 v0, v62;
	v63 =	vld.idx.msk [tilespmem:v61+s10+$0x0], $0xffff  }
0xf1: {  	v41 =	vor.u32 v18, v60;
	_ =	sdelay $0x3  }
0xf2: {  	[tilespmem:v40+s13+$0x0] =	vst.idx.msk $0xffff, v63  }
0xf3: {  	v42 =	vor.u32 v19, v62;
	v33 =	vld.idx.msk [tilespmem:v41+s10+$0x0], $0xffff  }
0xf4: {  	v43 =	vor.u32 v20, v60;
	_ =	sdelay $0x3  }
0xf5: {  	[tilespmem:v42+s13+$0x0] =	vst.idx.msk $0xffff, v33  }
0xf6: {  	v44 =	vor.u32 v21, v62;
	v33 =	vld.idx.msk [tilespmem:v43+s10+$0x0], $0xffff  }
0xf7: {  	v45 =	vor.u32 v22, v60;
	_ =	sdelay $0x3  }
0xf8: {  	[tilespmem:v44+s13+$0x0] =	vst.idx.msk $0xffff, v33  }
0xf9: {  	v46 =	vor.u32 v23, v62;
	v33 =	vld.idx.msk [tilespmem:v45+s10+$0x0], $0xffff  }
0xfa: {  	v47 =	vor.u32 v24, v60;
	_ =	sdelay $0x3  }
0xfb: {  	[tilespmem:v46+s13+$0x0] =	vst.idx.msk $0xffff, v33  }
0xfc: {  	v48 =	vor.u32 v25, v62;
	v33 =	vld.idx.msk [tilespmem:v47+s10+$0x0], $0xffff  }
0xfd: {  	v49 =	vor.u32 v26, v60;
	_ =	sdelay $0x3  }
0xfe: {  	[tilespmem:v48+s13+$0x0] =	vst.idx.msk $0xffff, v33  }
0xff: {  	v50 =	vor.u32 v27, v62;
	v33 =	vld.idx.msk [tilespmem:v49+s10+$0x0], $0xffff  }
0x100: {  	v51 =	vor.u32 v28, v60;
	_ =	sdelay $0x3  }
0x101: {  	[tilespmem:v50+s13+$0x0] =	vst.idx.msk $0xffff, v33  }
0x102: {  	v52 =	vor.u32 v29, v62;
	v33 =	vld.idx.msk [tilespmem:v51+s10+$0x0], $0xffff  }
0x103: {  	v35 =	vor.u32 v30, v60;
	_ =	sdelay $0x2  }
0x104: {  	s30 =	simm.s32 $0x6  }
0x105: {  	v53 =	vadd.s32 s30, v0;
	[tilespmem:v52+s13+$0x0] =	vst.idx.msk $0xffff, v33  }
0x106: {  	v54 =	vand.u32 $0x3F, v53;
	v32 =	vor.u32 v31, v62;
	v34 =	vld.idx.msk [tilespmem:v35+s10+$0x0], $0xffff  }
0x107: {  	v55 =	vor.u32 v14, v54;
	_ =	sdelay $0x2  }
0x108: {  	v33 =	vshll.u32 v53, $0x7  }
0x109: {  	v56 =	vand.u32 $0x1F80, v33;
	[tilespmem:v32+s13+$0x0] =	vst.idx.msk $0xffff, v34  }
0x10a: {  	v58 =	vor.u32 v0, v56;
	v57 =	vld.idx.msk [tilespmem:v55+s10+$0x0], $0xffff  }
0x10b: {  	v59 =	vor.u32 v18, v54;
	_ =	sdelay $0x3  }
0x10c: {  	[tilespmem:v58+s13+$0x0] =	vst.idx.msk $0xffff, v57  }
0x10d: {  	v60 =	vor.u32 v19, v56;
	v33 =	vld.idx.msk [tilespmem:v59+s10+$0x0], $0xffff  }
0x10e: {  	v61 =	vor.u32 v20, v54;
	_ =	sdelay $0x3  }
0x10f: {  	[tilespmem:v60+s13+$0x0] =	vst.idx.msk $0xffff, v33  }
0x110: {  	v62 =	vor.u32 v21, v56;
	v33 =	vld.idx.msk [tilespmem:v61+s10+$0x0], $0xffff  }
0x111: {  	v63 =	vor.u32 v22, v54;
	_ =	sdelay $0x3  }
0x112: {  	[tilespmem:v62+s13+$0x0] =	vst.idx.msk $0xffff, v33  }
0x113: {  	v40 =	vor.u32 v23, v56;
	v33 =	vld.idx.msk [tilespmem:v63+s10+$0x0], $0xffff  }
0x114: {  	v41 =	vor.u32 v24, v54;
	_ =	sdelay $0x3  }
0x115: {  	[tilespmem:v40+s13+$0x0] =	vst.idx.msk $0xffff, v33  }
0x116: {  	v42 =	vor.u32 v25, v56;
	v33 =	vld.idx.msk [tilespmem:v41+s10+$0x0], $0xffff  }
0x117: {  	v43 =	vor.u32 v26, v54;
	_ =	sdelay $0x3  }
0x118: {  	[tilespmem:v42+s13+$0x0] =	vst.idx.msk $0xffff, v33  }
0x119: {  	v44 =	vor.u32 v27, v56;
	v33 =	vld.idx.msk [tilespmem:v43+s10+$0x0], $0xffff  }
0x11a: {  	v45 =	vor.u32 v28, v54;
	_ =	sdelay $0x3  }
0x11b: {  	[tilespmem:v44+s13+$0x0] =	vst.idx.msk $0xffff, v33  }
0x11c: {  	v46 =	vor.u32 v29, v56;
	v33 =	vld.idx.msk [tilespmem:v45+s10+$0x0], $0xffff  }
0x11d: {  	v35 =	vor.u32 v30, v54;
	_ =	sdelay $0x2  }
0x11e: {  	s31 =	simm.s32 $0x7  }
0x11f: {  	v47 =	vadd.s32 s31, v0;
	[tilespmem:v46+s13+$0x0] =	vst.idx.msk $0xffff, v33  }
0x120: {  	v48 =	vand.u32 $0x3F, v47;
	v32 =	vor.u32 v31, v56;
	v34 =	vld.idx.msk [tilespmem:v35+s10+$0x0], $0xffff  }
0x121: {  	v49 =	vor.u32 v14, v48;
	_ =	sdelay $0x2  }
0x122: {  	v33 =	vshll.u32 v47, $0x7  }
0x123: {  	[tilespmem:v32+s13+$0x0] =	vst.idx.msk $0xffff, v34;
	v32 =	vand.u32 $0x1F80, v33  }
0x124: {  	v50 =	vld.idx.msk [tilespmem:v49+s10+$0x0], $0xffff;
	v51 =	vor.u32 v0, v32  }
0x125: {  	v52 =	vor.u32 v18, v48;
	_ =	sdelay $0x3  }
0x126: {  	[tilespmem:v51+s13+$0x0] =	vst.idx.msk $0xffff, v50  }
0x127: {  	v53 =	vor.u32 v19, v32;
	v33 =	vld.idx.msk [tilespmem:v52+s10+$0x0], $0xffff  }
0x128: {  	v54 =	vor.u32 v20, v48;
	_ =	sdelay $0x3  }
0x129: {  	[tilespmem:v53+s13+$0x0] =	vst.idx.msk $0xffff, v33  }
0x12a: {  	v55 =	vor.u32 v21, v32;
	v33 =	vld.idx.msk [tilespmem:v54+s10+$0x0], $0xffff  }
0x12b: {  	v56 =	vor.u32 v22, v48;
	_ =	sdelay $0x3  }
0x12c: {  	[tilespmem:v55+s13+$0x0] =	vst.idx.msk $0xffff, v33  }
0x12d: {  	v57 =	vor.u32 v23, v32;
	v33 =	vld.idx.msk [tilespmem:v56+s10+$0x0], $0xffff  }
0x12e: {  	v58 =	vor.u32 v24, v48;
	_ =	sdelay $0x3  }
0x12f: {  	[tilespmem:v57+s13+$0x0] =	vst.idx.msk $0xffff, v33  }
0x130: {  	v59 =	vor.u32 v25, v32;
	v33 =	vld.idx.msk [tilespmem:v58+s10+$0x0], $0xffff  }
0x131: {  	v60 =	vor.u32 v26, v48;
	_ =	sdelay $0x3  }
0x132: {  	[tilespmem:v59+s13+$0x0] =	vst.idx.msk $0xffff, v33  }
0x133: {  	v61 =	vor.u32 v27, v32;
	v33 =	vld.idx.msk [tilespmem:v60+s10+$0x0], $0xffff  }
0x134: {  	v62 =	vor.u32 v28, v48;
	_ =	sdelay $0x3  }
0x135: {  	[tilespmem:v61+s13+$0x0] =	vst.idx.msk $0xffff, v33  }
0x136: {  	v63 =	vor.u32 v29, v32;
	v34 =	vld.idx.msk [tilespmem:v62+s10+$0x0], $0xffff  }
0x137: {  	v33 =	vor.u32 v30, v48;
	_ =	sdelay $0x2  }
0x138: {  	s24 =	simm.s32 $0xF  }
0x139: {  	s23 =	sshll.u32 s21, $0x1;
	s25 =	simm.s32 $0x17;
	s26 =	simm.s32 $0x8;
	[tilespmem:v63+s13+$0x0] =	vst.idx.msk $0xffff, v34  }
.LBB2_3:
0x13a: {  	p0 =	sne.s32 s25, $0x3F;
	v34 =	vadd.s32 s26, v0;
	v33 =	vld.idx.msk [tilespmem:v33+s10+$0x0], $0xffff  }
0x13b: {  	v32 =	vor.u32 v31, v32;
	v35 =	vand.u32 $0x38, v34  }
0x13c: {  	v36 =	vor.u32 v1, v35;
	_ =	sdelay $0x3  }
0x13d: {  	v34 =	vshll.u32 v34, $0x7;
	[tilespmem:v32+s13+$0x0] =	vst.idx.msk $0xffff, v33  }
0x13e: {  	v33 =	vand.u32 $0x1C00, v34;
	v32 =	vld.idx.msk [tilespmem:v36+s10+$0x0], $0xffff  }
0x13f: {  	v34 =	vor.u32 v2, v33  }
0x140: {  	v36 =	vor.u32 v3, v35;
	_ =	sdelay $0x3  }
0x141: {  	[tilespmem:v34+s13+$0x0] =	vst.idx.msk $0xffff, v32  }
0x142: {  	v32 =	vld.idx.msk [tilespmem:v36+s10+$0x0], $0xffff  }
0x143: {  	v34 =	vor.u32 v4, v33  }
0x144: {  	v36 =	vor.u32 v5, v35;
	_ =	sdelay $0x3  }
0x145: {  	[tilespmem:v34+s13+$0x0] =	vst.idx.msk $0xffff, v32  }
0x146: {  	v32 =	vld.idx.msk [tilespmem:v36+s10+$0x0], $0xffff  }
0x147: {  	v34 =	vor.u32 v6, v33  }
0x148: {  	v36 =	vor.u32 v7, v35;
	_ =	sdelay $0x3  }
0x149: {  	[tilespmem:v34+s13+$0x0] =	vst.idx.msk $0xffff, v32  }
0x14a: {  	v32 =	vld.idx.msk [tilespmem:v36+s10+$0x0], $0xffff  }
0x14b: {  	v34 =	vor.u32 v8, v33  }
0x14c: {  	v36 =	vor.u32 v9, v35;
	_ =	sdelay $0x3  }
0x14d: {  	[tilespmem:v34+s13+$0x0] =	vst.idx.msk $0xffff, v32  }
0x14e: {  	v32 =	vld.idx.msk [tilespmem:v36+s10+$0x0], $0xffff  }
0x14f: {  	v34 =	vor.u32 v10, v33  }
0x150: {  	v36 =	vor.u32 v11, v35;
	_ =	sdelay $0x3  }
0x151: {  	[tilespmem:v34+s13+$0x0] =	vst.idx.msk $0xffff, v32  }
0x152: {  	v32 =	vld.idx.msk [tilespmem:v36+s10+$0x0], $0xffff  }
0x153: {  	v34 =	vor.u32 v12, v33  }
0x154: {  	v36 =	vor.u32 v13, v35;
	_ =	sdelay $0x3  }
0x155: {  	[tilespmem:v34+s13+$0x0] =	vst.idx.msk $0xffff, v32  }
0x156: {  	v32 =	vld.idx.msk [tilespmem:v36+s10+$0x0], $0xffff  }
0x157: {  	v34 =	vor.u32 v15, v33  }
0x158: {  	v35 =	vor.u32 v16, v35;
	_ =	sdelay $0x3  }
0x159: {  	s26 =	sadd.s32 $0xFFFFFFFA, s24;
	[tilespmem:v34+s13+$0x0] =	vst.idx.msk $0xffff, v32  }
0x15a: {  	v34 =	vadd.s32 s26, v0;
	v32 =	vld.idx.msk [tilespmem:v35+s10+$0x0], $0xffff  }
0x15b: {  	v33 =	vor.u32 v17, v33;
	v35 =	vand.u32 $0x3F, v34  }
0x15c: {  	v36 =	vor.u32 v14, v35;
	_ =	sdelay $0x3  }
0x15d: {  	[tilespmem:v33+s13+$0x0] =	vst.idx.msk $0xffff, v32;
	v32 =	vshll.u32 v34, $0x7  }
0x15e: {  	v33 =	vld.idx.msk [tilespmem:v36+s10+$0x0], $0xffff;
	v32 =	vand.u32 $0x1F80, v32  }
0x15f: {  	v34 =	vor.u32 v0, v32  }
0x160: {  	v36 =	vor.u32 v18, v35;
	_ =	sdelay $0x3  }
0x161: {  	[tilespmem:v34+s13+$0x0] =	vst.idx.msk $0xffff, v33  }
0x162: {  	v33 =	vld.idx.msk [tilespmem:v36+s10+$0x0], $0xffff  }
0x163: {  	v34 =	vor.u32 v19, v32  }
0x164: {  	v36 =	vor.u32 v20, v35;
	_ =	sdelay $0x3  }
0x165: {  	[tilespmem:v34+s13+$0x0] =	vst.idx.msk $0xffff, v33  }
0x166: {  	v33 =	vld.idx.msk [tilespmem:v36+s10+$0x0], $0xffff  }
0x167: {  	v34 =	vor.u32 v21, v32  }
0x168: {  	v36 =	vor.u32 v22, v35;
	_ =	sdelay $0x3  }
0x169: {  	[tilespmem:v34+s13+$0x0] =	vst.idx.msk $0xffff, v33  }
0x16a: {  	v33 =	vld.idx.msk [tilespmem:v36+s10+$0x0], $0xffff  }
0x16b: {  	v34 =	vor.u32 v23, v32  }
0x16c: {  	v36 =	vor.u32 v24, v35;
	_ =	sdelay $0x3  }
0x16d: {  	[tilespmem:v34+s13+$0x0] =	vst.idx.msk $0xffff, v33  }
0x16e: {  	v33 =	vld.idx.msk [tilespmem:v36+s10+$0x0], $0xffff  }
0x16f: {  	v34 =	vor.u32 v25, v32  }
0x170: {  	v36 =	vor.u32 v26, v35;
	_ =	sdelay $0x3  }
0x171: {  	[tilespmem:v34+s13+$0x0] =	vst.idx.msk $0xffff, v33  }
0x172: {  	v33 =	vld.idx.msk [tilespmem:v36+s10+$0x0], $0xffff  }
0x173: {  	v34 =	vor.u32 v27, v32  }
0x174: {  	v36 =	vor.u32 v28, v35;
	_ =	sdelay $0x3  }
0x175: {  	[tilespmem:v34+s13+$0x0] =	vst.idx.msk $0xffff, v33  }
0x176: {  	v33 =	vld.idx.msk [tilespmem:v36+s10+$0x0], $0xffff  }
0x177: {  	v34 =	vor.u32 v29, v32  }
0x178: {  	v35 =	vor.u32 v30, v35;
	_ =	sdelay $0x3  }
0x179: {  	s26 =	sadd.s32 $0xFFFFFFFB, s24;
	[tilespmem:v34+s13+$0x0] =	vst.idx.msk $0xffff, v33  }
0x17a: {  	v34 =	vadd.s32 s26, v0;
	v33 =	vld.idx.msk [tilespmem:v35+s10+$0x0], $0xffff  }
0x17b: {  	v32 =	vor.u32 v31, v32;
	v35 =	vand.u32 $0x3F, v34  }
0x17c: {  	v36 =	vor.u32 v14, v35;
	_ =	sdelay $0x3  }
0x17d: {  	[tilespmem:v32+s13+$0x0] =	vst.idx.msk $0xffff, v33;
	v32 =	vshll.u32 v34, $0x7  }
0x17e: {  	v33 =	vld.idx.msk [tilespmem:v36+s10+$0x0], $0xffff;
	v32 =	vand.u32 $0x1F80, v32  }
0x17f: {  	v34 =	vor.u32 v0, v32  }
0x180: {  	v36 =	vor.u32 v18, v35;
	_ =	sdelay $0x3  }
0x181: {  	[tilespmem:v34+s13+$0x0] =	vst.idx.msk $0xffff, v33  }
0x182: {  	v33 =	vld.idx.msk [tilespmem:v36+s10+$0x0], $0xffff  }
0x183: {  	v34 =	vor.u32 v19, v32  }
0x184: {  	v36 =	vor.u32 v20, v35;
	_ =	sdelay $0x3  }
0x185: {  	[tilespmem:v34+s13+$0x0] =	vst.idx.msk $0xffff, v33  }
0x186: {  	v33 =	vld.idx.msk [tilespmem:v36+s10+$0x0], $0xffff  }
0x187: {  	v34 =	vor.u32 v21, v32  }
0x188: {  	v36 =	vor.u32 v22, v35;
	_ =	sdelay $0x3  }
0x189: {  	[tilespmem:v34+s13+$0x0] =	vst.idx.msk $0xffff, v33  }
0x18a: {  	v33 =	vld.idx.msk [tilespmem:v36+s10+$0x0], $0xffff  }
0x18b: {  	v34 =	vor.u32 v23, v32  }
0x18c: {  	v36 =	vor.u32 v24, v35;
	_ =	sdelay $0x3  }
0x18d: {  	[tilespmem:v34+s13+$0x0] =	vst.idx.msk $0xffff, v33  }
0x18e: {  	v33 =	vld.idx.msk [tilespmem:v36+s10+$0x0], $0xffff  }
0x18f: {  	v34 =	vor.u32 v25, v32  }
0x190: {  	v36 =	vor.u32 v26, v35;
	_ =	sdelay $0x3  }
0x191: {  	[tilespmem:v34+s13+$0x0] =	vst.idx.msk $0xffff, v33  }
0x192: {  	v33 =	vld.idx.msk [tilespmem:v36+s10+$0x0], $0xffff  }
0x193: {  	v34 =	vor.u32 v27, v32  }
0x194: {  	v36 =	vor.u32 v28, v35;
	_ =	sdelay $0x3  }
0x195: {  	[tilespmem:v34+s13+$0x0] =	vst.idx.msk $0xffff, v33  }
0x196: {  	v33 =	vld.idx.msk [tilespmem:v36+s10+$0x0], $0xffff  }
0x197: {  	v34 =	vor.u32 v29, v32  }
0x198: {  	v35 =	vor.u32 v30, v35;
	_ =	sdelay $0x3  }
0x199: {  	s26 =	sadd.s32 $0xFFFFFFFC, s24;
	[tilespmem:v34+s13+$0x0] =	vst.idx.msk $0xffff, v33  }
0x19a: {  	v34 =	vadd.s32 s26, v0;
	v33 =	vld.idx.msk [tilespmem:v35+s10+$0x0], $0xffff  }
0x19b: {  	v32 =	vor.u32 v31, v32;
	v35 =	vand.u32 $0x3F, v34  }
0x19c: {  	v36 =	vor.u32 v14, v35;
	_ =	sdelay $0x3  }
0x19d: {  	[tilespmem:v32+s13+$0x0] =	vst.idx.msk $0xffff, v33;
	v32 =	vshll.u32 v34, $0x7  }
0x19e: {  	v33 =	vld.idx.msk [tilespmem:v36+s10+$0x0], $0xffff;
	v32 =	vand.u32 $0x1F80, v32  }
0x19f: {  	v34 =	vor.u32 v0, v32  }
0x1a0: {  	v36 =	vor.u32 v18, v35;
	_ =	sdelay $0x3  }
0x1a1: {  	[tilespmem:v34+s13+$0x0] =	vst.idx.msk $0xffff, v33  }
0x1a2: {  	v33 =	vld.idx.msk [tilespmem:v36+s10+$0x0], $0xffff  }
0x1a3: {  	v34 =	vor.u32 v19, v32  }
0x1a4: {  	v36 =	vor.u32 v20, v35;
	_ =	sdelay $0x3  }
0x1a5: {  	[tilespmem:v34+s13+$0x0] =	vst.idx.msk $0xffff, v33  }
0x1a6: {  	v33 =	vld.idx.msk [tilespmem:v36+s10+$0x0], $0xffff  }
0x1a7: {  	v34 =	vor.u32 v21, v32  }
0x1a8: {  	v36 =	vor.u32 v22, v35;
	_ =	sdelay $0x3  }
0x1a9: {  	[tilespmem:v34+s13+$0x0] =	vst.idx.msk $0xffff, v33  }
0x1aa: {  	v33 =	vld.idx.msk [tilespmem:v36+s10+$0x0], $0xffff  }
0x1ab: {  	v34 =	vor.u32 v23, v32  }
0x1ac: {  	v36 =	vor.u32 v24, v35;
	_ =	sdelay $0x3  }
0x1ad: {  	[tilespmem:v34+s13+$0x0] =	vst.idx.msk $0xffff, v33  }
0x1ae: {  	v33 =	vld.idx.msk [tilespmem:v36+s10+$0x0], $0xffff  }
0x1af: {  	v34 =	vor.u32 v25, v32  }
0x1b0: {  	v36 =	vor.u32 v26, v35;
	_ =	sdelay $0x3  }
0x1b1: {  	[tilespmem:v34+s13+$0x0] =	vst.idx.msk $0xffff, v33  }
0x1b2: {  	v33 =	vld.idx.msk [tilespmem:v36+s10+$0x0], $0xffff  }
0x1b3: {  	v34 =	vor.u32 v27, v32  }
0x1b4: {  	v36 =	vor.u32 v28, v35;
	_ =	sdelay $0x3  }
0x1b5: {  	[tilespmem:v34+s13+$0x0] =	vst.idx.msk $0xffff, v33  }
0x1b6: {  	v33 =	vld.idx.msk [tilespmem:v36+s10+$0x0], $0xffff  }
0x1b7: {  	v34 =	vor.u32 v29, v32  }
0x1b8: {  	v35 =	vor.u32 v30, v35;
	_ =	sdelay $0x3  }
0x1b9: {  	s26 =	sadd.s32 $0xFFFFFFFD, s24;
	[tilespmem:v34+s13+$0x0] =	vst.idx.msk $0xffff, v33  }
0x1ba: {  	v34 =	vadd.s32 s26, v0;
	v33 =	vld.idx.msk [tilespmem:v35+s10+$0x0], $0xffff  }
0x1bb: {  	v32 =	vor.u32 v31, v32;
	v35 =	vand.u32 $0x3F, v34  }
0x1bc: {  	v36 =	vor.u32 v14, v35;
	_ =	sdelay $0x3  }
0x1bd: {  	[tilespmem:v32+s13+$0x0] =	vst.idx.msk $0xffff, v33;
	v32 =	vshll.u32 v34, $0x7  }
0x1be: {  	v33 =	vld.idx.msk [tilespmem:v36+s10+$0x0], $0xffff;
	v32 =	vand.u32 $0x1F80, v32  }
0x1bf: {  	v34 =	vor.u32 v0, v32  }
0x1c0: {  	v36 =	vor.u32 v18, v35;
	_ =	sdelay $0x3  }
0x1c1: {  	[tilespmem:v34+s13+$0x0] =	vst.idx.msk $0xffff, v33  }
0x1c2: {  	v33 =	vld.idx.msk [tilespmem:v36+s10+$0x0], $0xffff  }
0x1c3: {  	v34 =	vor.u32 v19, v32  }
0x1c4: {  	v36 =	vor.u32 v20, v35;
	_ =	sdelay $0x3  }
0x1c5: {  	[tilespmem:v34+s13+$0x0] =	vst.idx.msk $0xffff, v33  }
0x1c6: {  	v33 =	vld.idx.msk [tilespmem:v36+s10+$0x0], $0xffff  }
0x1c7: {  	v34 =	vor.u32 v21, v32  }
0x1c8: {  	v36 =	vor.u32 v22, v35;
	_ =	sdelay $0x3  }
0x1c9: {  	[tilespmem:v34+s13+$0x0] =	vst.idx.msk $0xffff, v33  }
0x1ca: {  	v33 =	vld.idx.msk [tilespmem:v36+s10+$0x0], $0xffff  }
0x1cb: {  	v34 =	vor.u32 v23, v32  }
0x1cc: {  	v36 =	vor.u32 v24, v35;
	_ =	sdelay $0x3  }
0x1cd: {  	[tilespmem:v34+s13+$0x0] =	vst.idx.msk $0xffff, v33  }
0x1ce: {  	v33 =	vld.idx.msk [tilespmem:v36+s10+$0x0], $0xffff  }
0x1cf: {  	v34 =	vor.u32 v25, v32  }
0x1d0: {  	v36 =	vor.u32 v26, v35;
	_ =	sdelay $0x3  }
0x1d1: {  	[tilespmem:v34+s13+$0x0] =	vst.idx.msk $0xffff, v33  }
0x1d2: {  	v33 =	vld.idx.msk [tilespmem:v36+s10+$0x0], $0xffff  }
0x1d3: {  	v34 =	vor.u32 v27, v32  }
0x1d4: {  	v36 =	vor.u32 v28, v35;
	_ =	sdelay $0x3  }
0x1d5: {  	[tilespmem:v34+s13+$0x0] =	vst.idx.msk $0xffff, v33  }
0x1d6: {  	v33 =	vld.idx.msk [tilespmem:v36+s10+$0x0], $0xffff  }
0x1d7: {  	v34 =	vor.u32 v29, v32  }
0x1d8: {  	v35 =	vor.u32 v30, v35;
	_ =	sdelay $0x3  }
0x1d9: {  	s26 =	sadd.s32 $0xFFFFFFFE, s24;
	[tilespmem:v34+s13+$0x0] =	vst.idx.msk $0xffff, v33  }
0x1da: {  	v34 =	vadd.s32 s26, v0;
	v33 =	vld.idx.msk [tilespmem:v35+s10+$0x0], $0xffff  }
0x1db: {  	v32 =	vor.u32 v31, v32;
	v35 =	vand.u32 $0x3F, v34  }
0x1dc: {  	v36 =	vor.u32 v14, v35;
	_ =	sdelay $0x3  }
0x1dd: {  	[tilespmem:v32+s13+$0x0] =	vst.idx.msk $0xffff, v33;
	v32 =	vshll.u32 v34, $0x7  }
0x1de: {  	v33 =	vld.idx.msk [tilespmem:v36+s10+$0x0], $0xffff;
	v32 =	vand.u32 $0x1F80, v32  }
0x1df: {  	v34 =	vor.u32 v0, v32  }
0x1e0: {  	v36 =	vor.u32 v18, v35;
	_ =	sdelay $0x3  }
0x1e1: {  	[tilespmem:v34+s13+$0x0] =	vst.idx.msk $0xffff, v33  }
0x1e2: {  	v33 =	vld.idx.msk [tilespmem:v36+s10+$0x0], $0xffff  }
0x1e3: {  	v34 =	vor.u32 v19, v32  }
0x1e4: {  	v36 =	vor.u32 v20, v35;
	_ =	sdelay $0x3  }
0x1e5: {  	[tilespmem:v34+s13+$0x0] =	vst.idx.msk $0xffff, v33  }
0x1e6: {  	v33 =	vld.idx.msk [tilespmem:v36+s10+$0x0], $0xffff  }
0x1e7: {  	v34 =	vor.u32 v21, v32  }
0x1e8: {  	v36 =	vor.u32 v22, v35;
	_ =	sdelay $0x3  }
0x1e9: {  	[tilespmem:v34+s13+$0x0] =	vst.idx.msk $0xffff, v33  }
0x1ea: {  	v33 =	vld.idx.msk [tilespmem:v36+s10+$0x0], $0xffff  }
0x1eb: {  	v34 =	vor.u32 v23, v32  }
0x1ec: {  	v36 =	vor.u32 v24, v35;
	_ =	sdelay $0x3  }
0x1ed: {  	[tilespmem:v34+s13+$0x0] =	vst.idx.msk $0xffff, v33  }
0x1ee: {  	v33 =	vld.idx.msk [tilespmem:v36+s10+$0x0], $0xffff  }
0x1ef: {  	v34 =	vor.u32 v25, v32  }
0x1f0: {  	v36 =	vor.u32 v26, v35;
	_ =	sdelay $0x3  }
0x1f1: {  	[tilespmem:v34+s13+$0x0] =	vst.idx.msk $0xffff, v33  }
0x1f2: {  	v33 =	vld.idx.msk [tilespmem:v36+s10+$0x0], $0xffff  }
0x1f3: {  	v34 =	vor.u32 v27, v32  }
0x1f4: {  	v36 =	vor.u32 v28, v35;
	_ =	sdelay $0x3  }
0x1f5: {  	[tilespmem:v34+s13+$0x0] =	vst.idx.msk $0xffff, v33  }
0x1f6: {  	v33 =	vld.idx.msk [tilespmem:v36+s10+$0x0], $0xffff  }
0x1f7: {  	v34 =	vor.u32 v29, v32  }
0x1f8: {  	v35 =	vor.u32 v30, v35;
	_ =	sdelay $0x3  }
0x1f9: {  	s26 =	sadd.s32 $0xFFFFFFFF, s24;
	[tilespmem:v34+s13+$0x0] =	vst.idx.msk $0xffff, v33  }
0x1fa: {  	v34 =	vadd.s32 s26, v0;
	v33 =	vld.idx.msk [tilespmem:v35+s10+$0x0], $0xffff  }
0x1fb: {  	v32 =	vor.u32 v31, v32;
	v35 =	vand.u32 $0x3F, v34  }
0x1fc: {  	v36 =	vor.u32 v14, v35;
	_ =	sdelay $0x3  }
0x1fd: {  	[tilespmem:v32+s13+$0x0] =	vst.idx.msk $0xffff, v33;
	v32 =	vshll.u32 v34, $0x7  }
0x1fe: {  	v33 =	vld.idx.msk [tilespmem:v36+s10+$0x0], $0xffff;
	v32 =	vand.u32 $0x1F80, v32  }
0x1ff: {  	v34 =	vor.u32 v0, v32  }
0x200: {  	v36 =	vor.u32 v18, v35;
	_ =	sdelay $0x3  }
0x201: {  	[tilespmem:v34+s13+$0x0] =	vst.idx.msk $0xffff, v33  }
0x202: {  	v33 =	vld.idx.msk [tilespmem:v36+s10+$0x0], $0xffff  }
0x203: {  	v34 =	vor.u32 v19, v32  }
0x204: {  	v36 =	vor.u32 v20, v35;
	_ =	sdelay $0x3  }
0x205: {  	[tilespmem:v34+s13+$0x0] =	vst.idx.msk $0xffff, v33  }
0x206: {  	v33 =	vld.idx.msk [tilespmem:v36+s10+$0x0], $0xffff  }
0x207: {  	v34 =	vor.u32 v21, v32  }
0x208: {  	v36 =	vor.u32 v22, v35;
	_ =	sdelay $0x3  }
0x209: {  	[tilespmem:v34+s13+$0x0] =	vst.idx.msk $0xffff, v33  }
0x20a: {  	v33 =	vld.idx.msk [tilespmem:v36+s10+$0x0], $0xffff  }
0x20b: {  	v34 =	vor.u32 v23, v32  }
0x20c: {  	v36 =	vor.u32 v24, v35;
	_ =	sdelay $0x3  }
0x20d: {  	[tilespmem:v34+s13+$0x0] =	vst.idx.msk $0xffff, v33  }
0x20e: {  	v33 =	vld.idx.msk [tilespmem:v36+s10+$0x0], $0xffff  }
0x20f: {  	v34 =	vor.u32 v25, v32  }
0x210: {  	v36 =	vor.u32 v26, v35;
	_ =	sdelay $0x3  }
0x211: {  	[tilespmem:v34+s13+$0x0] =	vst.idx.msk $0xffff, v33  }
0x212: {  	v33 =	vld.idx.msk [tilespmem:v36+s10+$0x0], $0xffff  }
0x213: {  	v34 =	vor.u32 v27, v32  }
0x214: {  	v36 =	vor.u32 v28, v35;
	_ =	sdelay $0x3  }
0x215: {  	[tilespmem:v34+s13+$0x0] =	vst.idx.msk $0xffff, v33  }
0x216: {  	v33 =	vld.idx.msk [tilespmem:v36+s10+$0x0], $0xffff  }
0x217: {  	v34 =	vor.u32 v29, v32  }
0x218: {  	v35 =	vor.u32 v30, v35;
	_ =	sdelay $0x3  }
0x219: {  	[tilespmem:v34+s13+$0x0] =	vst.idx.msk $0xffff, v33  }
0x21a: {  	v34 =	vadd.s32 s24, v0;
	s24 =	smov.u32 s25;
	v33 =	vld.idx.msk [tilespmem:v35+s10+$0x0], $0xffff  }
0x21b: {  	v32 =	vor.u32 v31, v32;
	v35 =	vand.u32 $0x3F, v34  }
0x21c: {  	v36 =	vor.u32 v14, v35;
	_ =	sdelay $0x3  }
0x21d: {  	[tilespmem:v32+s13+$0x0] =	vst.idx.msk $0xffff, v33;
	v32 =	vshll.u32 v34, $0x7  }
0x21e: {  	v33 =	vld.idx.msk [tilespmem:v36+s10+$0x0], $0xffff;
	v32 =	vand.u32 $0x1F80, v32  }
0x21f: {  	v34 =	vor.u32 v0, v32  }
0x220: {  	v36 =	vor.u32 v18, v35;
	_ =	sdelay $0x3  }
0x221: {  	[tilespmem:v34+s13+$0x0] =	vst.idx.msk $0xffff, v33  }
0x222: {  	v33 =	vld.idx.msk [tilespmem:v36+s10+$0x0], $0xffff  }
0x223: {  	v34 =	vor.u32 v19, v32  }
0x224: {  	v36 =	vor.u32 v20, v35;
	_ =	sdelay $0x3  }
0x225: {  	[tilespmem:v34+s13+$0x0] =	vst.idx.msk $0xffff, v33  }
0x226: {  	v33 =	vld.idx.msk [tilespmem:v36+s10+$0x0], $0xffff  }
0x227: {  	v34 =	vor.u32 v21, v32  }
0x228: {  	v36 =	vor.u32 v22, v35;
	_ =	sdelay $0x3  }
0x229: {  	[tilespmem:v34+s13+$0x0] =	vst.idx.msk $0xffff, v33  }
0x22a: {  	v33 =	vld.idx.msk [tilespmem:v36+s10+$0x0], $0xffff  }
0x22b: {  	v34 =	vor.u32 v23, v32  }
0x22c: {  	v36 =	vor.u32 v24, v35;
	_ =	sdelay $0x3  }
0x22d: {  	[tilespmem:v34+s13+$0x0] =	vst.idx.msk $0xffff, v33  }
0x22e: {  	v33 =	vld.idx.msk [tilespmem:v36+s10+$0x0], $0xffff  }
0x22f: {  	v34 =	vor.u32 v25, v32  }
0x230: {  	v36 =	vor.u32 v26, v35;
	_ =	sdelay $0x3  }
0x231: {  	[tilespmem:v34+s13+$0x0] =	vst.idx.msk $0xffff, v33  }
0x232: {  	v33 =	vld.idx.msk [tilespmem:v36+s10+$0x0], $0xffff  }
0x233: {  	v34 =	vor.u32 v27, v32  }
0x234: {  	v36 =	vor.u32 v28, v35;
	_ =	sdelay $0x3  }
0x235: {  	[tilespmem:v34+s13+$0x0] =	vst.idx.msk $0xffff, v33  }
0x236: {  	v34 =	vld.idx.msk [tilespmem:v36+s10+$0x0], $0xffff  }
0x237: {  	v36 =	vor.u32 v29, v32  }
.Ltmp0:
0x238: {  	v33 =	vor.u32 v30, v35;
	(pc) =	sbr.rel @p0 .LBB2_3-.Ltmp0, $2  }
0x239: {  	_ =	sdelay $0x2  }
0x23a: {  	s25 =	sadd.s32 $0x8, s25;
	s26 =	sadd.s32 $0xFFFFFFF9, s24;
	[tilespmem:v36+s13+$0x0] =	vst.idx.msk $0xffff, v34  }
0x23b: {  	_ =	sdelay $0x2  }
0x23c: {  	v34 =	vadd.s32 s26, v0  }
0x23d: {  	v33 =	vld.idx.msk [tilespmem:v33+s10+$0x0], $0xffff;
	v32 =	vor.u32 v31, v32;
	v35 =	vand.u32 $0x38, v34  }
0x23e: {  	v36 =	vor.u32 v1, v35;
	_ =	sdelay $0x2  }
0x23f: {  	v34 =	vshll.u32 v34, $0x7  }
0x240: {  	v50 =	vand.u32 $0x1C00, v34;
	[tilespmem:v32+s13+$0x0] =	vst.idx.msk $0xffff, v33  }
0x241: {  	v34 =	vor.u32 v2, v50;
	v33 =	vld.idx.msk [tilespmem:v36+s10+$0x0], $0xffff  }
0x242: {  	v51 =	vor.u32 v3, v35;
	_ =	sdelay $0x3  }
0x243: {  	[tilespmem:v34+s13+$0x0] =	vst.idx.msk $0xffff, v33  }
0x244: {  	v52 =	vor.u32 v4, v50;
	v33 =	vld.idx.msk [tilespmem:v51+s10+$0x0], $0xffff  }
0x245: {  	v53 =	vor.u32 v5, v35;
	_ =	sdelay $0x3  }
0x246: {  	[tilespmem:v52+s13+$0x0] =	vst.idx.msk $0xffff, v33  }
0x247: {  	v54 =	vor.u32 v6, v50;
	v33 =	vld.idx.msk [tilespmem:v53+s10+$0x0], $0xffff  }
0x248: {  	v55 =	vor.u32 v7, v35;
	_ =	sdelay $0x3  }
0x249: {  	[tilespmem:v54+s13+$0x0] =	vst.idx.msk $0xffff, v33  }
0x24a: {  	v56 =	vor.u32 v8, v50;
	v33 =	vld.idx.msk [tilespmem:v55+s10+$0x0], $0xffff  }
0x24b: {  	v57 =	vor.u32 v9, v35;
	_ =	sdelay $0x3  }
0x24c: {  	[tilespmem:v56+s13+$0x0] =	vst.idx.msk $0xffff, v33  }
0x24d: {  	v58 =	vor.u32 v10, v50;
	v33 =	vld.idx.msk [tilespmem:v57+s10+$0x0], $0xffff  }
0x24e: {  	v59 =	vor.u32 v11, v35;
	_ =	sdelay $0x3  }
0x24f: {  	[tilespmem:v58+s13+$0x0] =	vst.idx.msk $0xffff, v33  }
0x250: {  	v60 =	vor.u32 v12, v50;
	v33 =	vld.idx.msk [tilespmem:v59+s10+$0x0], $0xffff  }
0x251: {  	v61 =	vor.u32 v13, v35;
	_ =	sdelay $0x3  }
0x252: {  	[tilespmem:v60+s13+$0x0] =	vst.idx.msk $0xffff, v33  }
0x253: {  	v62 =	vor.u32 v15, v50;
	v33 =	vld.idx.msk [tilespmem:v61+s10+$0x0], $0xffff  }
0x254: {  	v35 =	vor.u32 v16, v35;
	_ =	sdelay $0x2  }
0x255: {  	s25 =	sadd.s32 $0xFFFFFFFA, s24  }
0x256: {  	v63 =	vadd.s32 s25, v0;
	[tilespmem:v62+s13+$0x0] =	vst.idx.msk $0xffff, v33  }
0x257: {  	v40 =	vand.u32 $0x3F, v63;
	v32 =	vor.u32 v17, v50;
	v34 =	vld.idx.msk [tilespmem:v35+s10+$0x0], $0xffff  }
0x258: {  	v41 =	vor.u32 v14, v40;
	_ =	sdelay $0x2  }
0x259: {  	v33 =	vshll.u32 v63, $0x7  }
0x25a: {  	v42 =	vand.u32 $0x1F80, v33;
	[tilespmem:v32+s13+$0x0] =	vst.idx.msk $0xffff, v34  }
0x25b: {  	v44 =	vor.u32 v0, v42;
	v43 =	vld.idx.msk [tilespmem:v41+s10+$0x0], $0xffff  }
0x25c: {  	v45 =	vor.u32 v18, v40;
	_ =	sdelay $0x3  }
0x25d: {  	[tilespmem:v44+s13+$0x0] =	vst.idx.msk $0xffff, v43  }
0x25e: {  	v46 =	vor.u32 v19, v42;
	v33 =	vld.idx.msk [tilespmem:v45+s10+$0x0], $0xffff  }
0x25f: {  	v47 =	vor.u32 v20, v40;
	_ =	sdelay $0x3  }
0x260: {  	[tilespmem:v46+s13+$0x0] =	vst.idx.msk $0xffff, v33  }
0x261: {  	v48 =	vor.u32 v21, v42;
	v33 =	vld.idx.msk [tilespmem:v47+s10+$0x0], $0xffff  }
0x262: {  	v49 =	vor.u32 v22, v40;
	_ =	sdelay $0x3  }
0x263: {  	[tilespmem:v48+s13+$0x0] =	vst.idx.msk $0xffff, v33  }
0x264: {  	v50 =	vor.u32 v23, v42;
	v33 =	vld.idx.msk [tilespmem:v49+s10+$0x0], $0xffff  }
0x265: {  	v51 =	vor.u32 v24, v40;
	_ =	sdelay $0x3  }
0x266: {  	[tilespmem:v50+s13+$0x0] =	vst.idx.msk $0xffff, v33  }
0x267: {  	v52 =	vor.u32 v25, v42;
	v33 =	vld.idx.msk [tilespmem:v51+s10+$0x0], $0xffff  }
0x268: {  	v53 =	vor.u32 v26, v40;
	_ =	sdelay $0x3  }
0x269: {  	[tilespmem:v52+s13+$0x0] =	vst.idx.msk $0xffff, v33  }
0x26a: {  	v54 =	vor.u32 v27, v42;
	v33 =	vld.idx.msk [tilespmem:v53+s10+$0x0], $0xffff  }
0x26b: {  	v55 =	vor.u32 v28, v40;
	_ =	sdelay $0x3  }
0x26c: {  	[tilespmem:v54+s13+$0x0] =	vst.idx.msk $0xffff, v33  }
0x26d: {  	v56 =	vor.u32 v29, v42;
	v33 =	vld.idx.msk [tilespmem:v55+s10+$0x0], $0xffff  }
0x26e: {  	v35 =	vor.u32 v30, v40;
	_ =	sdelay $0x2  }
0x26f: {  	s29 =	sadd.s32 $0xFFFFFFFB, s24  }
0x270: {  	v57 =	vadd.s32 s29, v0;
	[tilespmem:v56+s13+$0x0] =	vst.idx.msk $0xffff, v33  }
0x271: {  	v58 =	vand.u32 $0x3F, v57;
	v32 =	vor.u32 v31, v42;
	v34 =	vld.idx.msk [tilespmem:v35+s10+$0x0], $0xffff  }
0x272: {  	v59 =	vor.u32 v14, v58;
	_ =	sdelay $0x2  }
0x273: {  	v33 =	vshll.u32 v57, $0x7  }
0x274: {  	v60 =	vand.u32 $0x1F80, v33;
	[tilespmem:v32+s13+$0x0] =	vst.idx.msk $0xffff, v34  }
0x275: {  	v62 =	vor.u32 v0, v60;
	v61 =	vld.idx.msk [tilespmem:v59+s10+$0x0], $0xffff  }
0x276: {  	v63 =	vor.u32 v18, v58;
	_ =	sdelay $0x3  }
0x277: {  	[tilespmem:v62+s13+$0x0] =	vst.idx.msk $0xffff, v61  }
0x278: {  	v40 =	vor.u32 v19, v60;
	v33 =	vld.idx.msk [tilespmem:v63+s10+$0x0], $0xffff  }
0x279: {  	v41 =	vor.u32 v20, v58;
	_ =	sdelay $0x3  }
0x27a: {  	[tilespmem:v40+s13+$0x0] =	vst.idx.msk $0xffff, v33  }
0x27b: {  	v42 =	vor.u32 v21, v60;
	v33 =	vld.idx.msk [tilespmem:v41+s10+$0x0], $0xffff  }
0x27c: {  	v43 =	vor.u32 v22, v58;
	_ =	sdelay $0x3  }
0x27d: {  	[tilespmem:v42+s13+$0x0] =	vst.idx.msk $0xffff, v33  }
0x27e: {  	v44 =	vor.u32 v23, v60;
	v33 =	vld.idx.msk [tilespmem:v43+s10+$0x0], $0xffff  }
0x27f: {  	v45 =	vor.u32 v24, v58;
	_ =	sdelay $0x3  }
0x280: {  	[tilespmem:v44+s13+$0x0] =	vst.idx.msk $0xffff, v33  }
0x281: {  	v46 =	vor.u32 v25, v60;
	v33 =	vld.idx.msk [tilespmem:v45+s10+$0x0], $0xffff  }
0x282: {  	v47 =	vor.u32 v26, v58;
	_ =	sdelay $0x3  }
0x283: {  	[tilespmem:v46+s13+$0x0] =	vst.idx.msk $0xffff, v33  }
0x284: {  	v48 =	vor.u32 v27, v60;
	v33 =	vld.idx.msk [tilespmem:v47+s10+$0x0], $0xffff  }
0x285: {  	v49 =	vor.u32 v28, v58;
	_ =	sdelay $0x3  }
0x286: {  	[tilespmem:v48+s13+$0x0] =	vst.idx.msk $0xffff, v33  }
0x287: {  	v50 =	vor.u32 v29, v60;
	v33 =	vld.idx.msk [tilespmem:v49+s10+$0x0], $0xffff  }
0x288: {  	v35 =	vor.u32 v30, v58;
	_ =	sdelay $0x2  }
0x289: {  	s30 =	sadd.s32 $0xFFFFFFFC, s24  }
0x28a: {  	v51 =	vadd.s32 s30, v0;
	[tilespmem:v50+s13+$0x0] =	vst.idx.msk $0xffff, v33  }
0x28b: {  	v52 =	vand.u32 $0x3F, v51;
	v32 =	vor.u32 v31, v60;
	v34 =	vld.idx.msk [tilespmem:v35+s10+$0x0], $0xffff  }
0x28c: {  	v53 =	vor.u32 v14, v52;
	_ =	sdelay $0x2  }
0x28d: {  	v33 =	vshll.u32 v51, $0x7  }
0x28e: {  	v54 =	vand.u32 $0x1F80, v33;
	[tilespmem:v32+s13+$0x0] =	vst.idx.msk $0xffff, v34  }
0x28f: {  	v56 =	vor.u32 v0, v54;
	v55 =	vld.idx.msk [tilespmem:v53+s10+$0x0], $0xffff  }
0x290: {  	v57 =	vor.u32 v18, v52;
	_ =	sdelay $0x3  }
0x291: {  	[tilespmem:v56+s13+$0x0] =	vst.idx.msk $0xffff, v55  }
0x292: {  	v58 =	vor.u32 v19, v54;
	v33 =	vld.idx.msk [tilespmem:v57+s10+$0x0], $0xffff  }
0x293: {  	v59 =	vor.u32 v20, v52;
	_ =	sdelay $0x3  }
0x294: {  	[tilespmem:v58+s13+$0x0] =	vst.idx.msk $0xffff, v33  }
0x295: {  	v60 =	vor.u32 v21, v54;
	v33 =	vld.idx.msk [tilespmem:v59+s10+$0x0], $0xffff  }
0x296: {  	v61 =	vor.u32 v22, v52;
	_ =	sdelay $0x3  }
0x297: {  	[tilespmem:v60+s13+$0x0] =	vst.idx.msk $0xffff, v33  }
0x298: {  	v62 =	vor.u32 v23, v54;
	v33 =	vld.idx.msk [tilespmem:v61+s10+$0x0], $0xffff  }
0x299: {  	v63 =	vor.u32 v24, v52;
	_ =	sdelay $0x3  }
0x29a: {  	[tilespmem:v62+s13+$0x0] =	vst.idx.msk $0xffff, v33  }
0x29b: {  	v40 =	vor.u32 v25, v54;
	v33 =	vld.idx.msk [tilespmem:v63+s10+$0x0], $0xffff  }
0x29c: {  	v41 =	vor.u32 v26, v52;
	_ =	sdelay $0x3  }
0x29d: {  	[tilespmem:v40+s13+$0x0] =	vst.idx.msk $0xffff, v33  }
0x29e: {  	v42 =	vor.u32 v27, v54;
	v33 =	vld.idx.msk [tilespmem:v41+s10+$0x0], $0xffff  }
0x29f: {  	v43 =	vor.u32 v28, v52;
	_ =	sdelay $0x3  }
0x2a0: {  	[tilespmem:v42+s13+$0x0] =	vst.idx.msk $0xffff, v33  }
0x2a1: {  	v44 =	vor.u32 v29, v54;
	v33 =	vld.idx.msk [tilespmem:v43+s10+$0x0], $0xffff  }
0x2a2: {  	v35 =	vor.u32 v30, v52;
	_ =	sdelay $0x2  }
0x2a3: {  	s31 =	sadd.s32 $0xFFFFFFFD, s24  }
0x2a4: {  	v45 =	vadd.s32 s31, v0;
	[tilespmem:v44+s13+$0x0] =	vst.idx.msk $0xffff, v33  }
0x2a5: {  	v46 =	vand.u32 $0x3F, v45;
	v32 =	vor.u32 v31, v54;
	v34 =	vld.idx.msk [tilespmem:v35+s10+$0x0], $0xffff  }
0x2a6: {  	v47 =	vor.u32 v14, v46;
	_ =	sdelay $0x2  }
0x2a7: {  	v33 =	vshll.u32 v45, $0x7  }
0x2a8: {  	v48 =	vand.u32 $0x1F80, v33;
	[tilespmem:v32+s13+$0x0] =	vst.idx.msk $0xffff, v34  }
0x2a9: {  	v50 =	vor.u32 v0, v48;
	v49 =	vld.idx.msk [tilespmem:v47+s10+$0x0], $0xffff  }
0x2aa: {  	v51 =	vor.u32 v18, v46;
	_ =	sdelay $0x3  }
0x2ab: {  	[tilespmem:v50+s13+$0x0] =	vst.idx.msk $0xffff, v49  }
0x2ac: {  	v52 =	vor.u32 v19, v48;
	v33 =	vld.idx.msk [tilespmem:v51+s10+$0x0], $0xffff  }
0x2ad: {  	v53 =	vor.u32 v20, v46;
	_ =	sdelay $0x3  }
0x2ae: {  	[tilespmem:v52+s13+$0x0] =	vst.idx.msk $0xffff, v33  }
0x2af: {  	v54 =	vor.u32 v21, v48;
	v33 =	vld.idx.msk [tilespmem:v53+s10+$0x0], $0xffff  }
0x2b0: {  	v55 =	vor.u32 v22, v46;
	_ =	sdelay $0x3  }
0x2b1: {  	[tilespmem:v54+s13+$0x0] =	vst.idx.msk $0xffff, v33  }
0x2b2: {  	v56 =	vor.u32 v23, v48;
	v33 =	vld.idx.msk [tilespmem:v55+s10+$0x0], $0xffff  }
0x2b3: {  	v57 =	vor.u32 v24, v46;
	_ =	sdelay $0x3  }
0x2b4: {  	[tilespmem:v56+s13+$0x0] =	vst.idx.msk $0xffff, v33  }
0x2b5: {  	v58 =	vor.u32 v25, v48;
	v33 =	vld.idx.msk [tilespmem:v57+s10+$0x0], $0xffff  }
0x2b6: {  	v59 =	vor.u32 v26, v46;
	_ =	sdelay $0x3  }
0x2b7: {  	[tilespmem:v58+s13+$0x0] =	vst.idx.msk $0xffff, v33  }
0x2b8: {  	v60 =	vor.u32 v27, v48;
	v33 =	vld.idx.msk [tilespmem:v59+s10+$0x0], $0xffff  }
0x2b9: {  	v61 =	vor.u32 v28, v46;
	_ =	sdelay $0x3  }
0x2ba: {  	[tilespmem:v60+s13+$0x0] =	vst.idx.msk $0xffff, v33  }
0x2bb: {  	v62 =	vor.u32 v29, v48;
	v33 =	vld.idx.msk [tilespmem:v61+s10+$0x0], $0xffff  }
0x2bc: {  	v35 =	vor.u32 v30, v46;
	_ =	sdelay $0x2  }
0x2bd: {  	s26 =	sadd.s32 $0xFFFFFFFE, s24  }
0x2be: {  	v63 =	vadd.s32 s26, v0;
	[tilespmem:v62+s13+$0x0] =	vst.idx.msk $0xffff, v33  }
0x2bf: {  	v40 =	vand.u32 $0x3F, v63;
	v32 =	vor.u32 v31, v48;
	v34 =	vld.idx.msk [tilespmem:v35+s10+$0x0], $0xffff  }
0x2c0: {  	v41 =	vor.u32 v14, v40;
	_ =	sdelay $0x2  }
0x2c1: {  	v33 =	vshll.u32 v63, $0x7  }
0x2c2: {  	v42 =	vand.u32 $0x1F80, v33;
	[tilespmem:v32+s13+$0x0] =	vst.idx.msk $0xffff, v34  }
0x2c3: {  	v44 =	vor.u32 v0, v42;
	v43 =	vld.idx.msk [tilespmem:v41+s10+$0x0], $0xffff  }
0x2c4: {  	v45 =	vor.u32 v18, v40;
	_ =	sdelay $0x3  }
0x2c5: {  	[tilespmem:v44+s13+$0x0] =	vst.idx.msk $0xffff, v43  }
0x2c6: {  	v46 =	vor.u32 v19, v42;
	v33 =	vld.idx.msk [tilespmem:v45+s10+$0x0], $0xffff  }
0x2c7: {  	v47 =	vor.u32 v20, v40;
	_ =	sdelay $0x3  }
0x2c8: {  	[tilespmem:v46+s13+$0x0] =	vst.idx.msk $0xffff, v33  }
0x2c9: {  	v48 =	vor.u32 v21, v42;
	v33 =	vld.idx.msk [tilespmem:v47+s10+$0x0], $0xffff  }
0x2ca: {  	v49 =	vor.u32 v22, v40;
	_ =	sdelay $0x3  }
0x2cb: {  	[tilespmem:v48+s13+$0x0] =	vst.idx.msk $0xffff, v33  }
0x2cc: {  	v50 =	vor.u32 v23, v42;
	v33 =	vld.idx.msk [tilespmem:v49+s10+$0x0], $0xffff  }
0x2cd: {  	v51 =	vor.u32 v24, v40;
	_ =	sdelay $0x3  }
0x2ce: {  	[tilespmem:v50+s13+$0x0] =	vst.idx.msk $0xffff, v33  }
0x2cf: {  	v52 =	vor.u32 v25, v42;
	v33 =	vld.idx.msk [tilespmem:v51+s10+$0x0], $0xffff  }
0x2d0: {  	v53 =	vor.u32 v26, v40;
	_ =	sdelay $0x3  }
0x2d1: {  	[tilespmem:v52+s13+$0x0] =	vst.idx.msk $0xffff, v33  }
0x2d2: {  	v54 =	vor.u32 v27, v42;
	v33 =	vld.idx.msk [tilespmem:v53+s10+$0x0], $0xffff  }
0x2d3: {  	v55 =	vor.u32 v28, v40;
	_ =	sdelay $0x3  }
0x2d4: {  	[tilespmem:v54+s13+$0x0] =	vst.idx.msk $0xffff, v33  }
0x2d5: {  	v56 =	vor.u32 v29, v42;
	v33 =	vld.idx.msk [tilespmem:v55+s10+$0x0], $0xffff  }
0x2d6: {  	v35 =	vor.u32 v30, v40;
	_ =	sdelay $0x2  }
0x2d7: {  	s28 =	sadd.s32 $0xFFFFFFFF, s24  }
0x2d8: {  	v57 =	vadd.s32 s28, v0;
	[tilespmem:v56+s13+$0x0] =	vst.idx.msk $0xffff, v33  }
0x2d9: {  	v58 =	vand.u32 $0x3F, v57;
	v32 =	vor.u32 v31, v42;
	v34 =	vld.idx.msk [tilespmem:v35+s10+$0x0], $0xffff  }
0x2da: {  	v59 =	vor.u32 v14, v58;
	_ =	sdelay $0x2  }
0x2db: {  	v33 =	vshll.u32 v57, $0x7  }
0x2dc: {  	v60 =	vand.u32 $0x1F80, v33;
	[tilespmem:v32+s13+$0x0] =	vst.idx.msk $0xffff, v34  }
0x2dd: {  	v62 =	vor.u32 v0, v60;
	v61 =	vld.idx.msk [tilespmem:v59+s10+$0x0], $0xffff  }
0x2de: {  	v63 =	vor.u32 v18, v58;
	_ =	sdelay $0x3  }
0x2df: {  	[tilespmem:v62+s13+$0x0] =	vst.idx.msk $0xffff, v61  }
0x2e0: {  	v40 =	vor.u32 v19, v60;
	v33 =	vld.idx.msk [tilespmem:v63+s10+$0x0], $0xffff  }
0x2e1: {  	v41 =	vor.u32 v20, v58;
	_ =	sdelay $0x3  }
0x2e2: {  	[tilespmem:v40+s13+$0x0] =	vst.idx.msk $0xffff, v33  }
0x2e3: {  	v42 =	vor.u32 v21, v60;
	v33 =	vld.idx.msk [tilespmem:v41+s10+$0x0], $0xffff  }
0x2e4: {  	v43 =	vor.u32 v22, v58;
	_ =	sdelay $0x3  }
0x2e5: {  	[tilespmem:v42+s13+$0x0] =	vst.idx.msk $0xffff, v33  }
0x2e6: {  	v44 =	vor.u32 v23, v60;
	v33 =	vld.idx.msk [tilespmem:v43+s10+$0x0], $0xffff  }
0x2e7: {  	v45 =	vor.u32 v24, v58;
	_ =	sdelay $0x3  }
0x2e8: {  	[tilespmem:v44+s13+$0x0] =	vst.idx.msk $0xffff, v33  }
0x2e9: {  	v46 =	vor.u32 v25, v60;
	v33 =	vld.idx.msk [tilespmem:v45+s10+$0x0], $0xffff  }
0x2ea: {  	v47 =	vor.u32 v26, v58;
	_ =	sdelay $0x3  }
0x2eb: {  	[tilespmem:v46+s13+$0x0] =	vst.idx.msk $0xffff, v33  }
0x2ec: {  	v48 =	vor.u32 v27, v60;
	v33 =	vld.idx.msk [tilespmem:v47+s10+$0x0], $0xffff  }
0x2ed: {  	v49 =	vor.u32 v28, v58;
	_ =	sdelay $0x3  }
0x2ee: {  	[tilespmem:v48+s13+$0x0] =	vst.idx.msk $0xffff, v33  }
0x2ef: {  	v50 =	vor.u32 v29, v60;
	v33 =	vld.idx.msk [tilespmem:v49+s10+$0x0], $0xffff  }
0x2f0: {  	v35 =	vor.u32 v30, v58;
	_ =	sdelay $0x3  }
0x2f1: {  	v51 =	vadd.s32 s24, v0;
	[tilespmem:v50+s13+$0x0] =	vst.idx.msk $0xffff, v33  }
0x2f2: {  	v52 =	vand.u32 $0x3F, v51;
	v32 =	vor.u32 v31, v60;
	v34 =	vld.idx.msk [tilespmem:v35+s10+$0x0], $0xffff  }
0x2f3: {  	v53 =	vor.u32 v14, v52;
	_ =	sdelay $0x2  }
0x2f4: {  	v33 =	vshll.u32 v51, $0x7  }
0x2f5: {  	v54 =	vand.u32 $0x1F80, v33;
	[tilespmem:v32+s13+$0x0] =	vst.idx.msk $0xffff, v34  }
0x2f6: {  	v56 =	vor.u32 v0, v54;
	v55 =	vld.idx.msk [tilespmem:v53+s10+$0x0], $0xffff  }
0x2f7: {  	v57 =	vor.u32 v18, v52;
	_ =	sdelay $0x3  }
0x2f8: {  	[tilespmem:v56+s13+$0x0] =	vst.idx.msk $0xffff, v55  }
0x2f9: {  	v58 =	vor.u32 v19, v54;
	v33 =	vld.idx.msk [tilespmem:v57+s10+$0x0], $0xffff  }
0x2fa: {  	v59 =	vor.u32 v20, v52;
	_ =	sdelay $0x3  }
0x2fb: {  	[tilespmem:v58+s13+$0x0] =	vst.idx.msk $0xffff, v33  }
0x2fc: {  	v60 =	vor.u32 v21, v54;
	v33 =	vld.idx.msk [tilespmem:v59+s10+$0x0], $0xffff  }
0x2fd: {  	v61 =	vor.u32 v22, v52;
	_ =	sdelay $0x3  }
0x2fe: {  	[tilespmem:v60+s13+$0x0] =	vst.idx.msk $0xffff, v33  }
0x2ff: {  	v62 =	vor.u32 v23, v54;
	v33 =	vld.idx.msk [tilespmem:v61+s10+$0x0], $0xffff  }
0x300: {  	v63 =	vor.u32 v24, v52;
	_ =	sdelay $0x3  }
0x301: {  	[tilespmem:v62+s13+$0x0] =	vst.idx.msk $0xffff, v33  }
0x302: {  	v40 =	vor.u32 v25, v54;
	v33 =	vld.idx.msk [tilespmem:v63+s10+$0x0], $0xffff  }
0x303: {  	v41 =	vor.u32 v26, v52;
	_ =	sdelay $0x3  }
0x304: {  	[tilespmem:v40+s13+$0x0] =	vst.idx.msk $0xffff, v33  }
0x305: {  	v42 =	vor.u32 v27, v54;
	v33 =	vld.idx.msk [tilespmem:v41+s10+$0x0], $0xffff  }
0x306: {  	v43 =	vor.u32 v28, v52;
	_ =	sdelay $0x3  }
0x307: {  	[tilespmem:v42+s13+$0x0] =	vst.idx.msk $0xffff, v33  }
0x308: {  	v44 =	vor.u32 v29, v54;
	v33 =	vld.idx.msk [tilespmem:v43+s10+$0x0], $0xffff  }
0x309: {  	v35 =	vor.u32 v30, v52;
	_ =	sdelay $0x3  }
0x30a: {  	s23 =	sadd.s32 s5, s23;
	[tilespmem:v44+s13+$0x0] =	vst.idx.msk $0xffff, v33  }
0x30b: {  	s29 =	sshrl.u32 s23, $0x7;
	v32 =	vor.u32 v31, v54;
	v33 =	vld.idx.msk [tilespmem:v35+s10+$0x0], $0xffff  }
0x30c: {  	s23 =	sshll.u32 s23, $0xA;
	s30 =	sshll.u32 s29, $0x11  }
0x30d: {  	s23 =	ssub.s32 s23, s30;
	s24 =	sshll.u32 s29, $0x14  }
0x30e: {  	s23 =	sadd.s32 s24, s23  }
0x30f: {  	p0 =	seq.s32 s21, $0x63;
	s23 =	sshrl.u32 s23, $0x3  }
0x310: {  	p1 =	seq.s32 @!p0 s21, $0x0;
	s23 =	sadd.s32 s2, s23;
	[tilespmem:v32+s13+$0x0] =	vst.idx.msk $0xffff, v33  }
0x311: {  	[hbm4b:s23+s14] =	stream.strided.scatter [tilespmem:s13], [sflag:$0x3], $0x2000, s15, s14, $0x38;
	[tilespmem:$0xE400] =	vst v63  }
0x312: {  	s31 =	simm.s32 $0x0;
	s23 =	sshll.u32 @!p0 s21, $0x8;
	_ =	swait.ge [sflag:s16], $0x2000  }
0x313: {  	s25 =	simm.s32 @!p0 $0x6400;
	v45 =	vadd.s32 s31, v0;
	s23 =	sand.u32 @!p0 $0x3FFFFF00, s23;
	[sflag:s16] =	ssyncset.done $0x0  }
0x314: {  	s24 =	simm.s32 @!p0 $0x80;
	v46 =	vand.u32 $0x38, v45;
	s23 =	sadd.s32 @!p0 $0x100, s23;
	[sflag:s16] =	ssyncadd.s32 $0xFFFFE000  }
0x315: {  	v47 =	vor.u32 v1, v46;
	[tilespmem:s25], [sflag:$0x1] =	stream.indirect.gather @!p0 [hbm4b:s4+s24], $0x40, s23, s24, $0xb8;
	[tilespmem:$0xE400] =	vst v63  }
0x316: {  	p0 =	por p0, !p1  }
0x317: {  	_ =	swait.ge @p0 [sflag:s19], $0x2000  }
0x318: {  	v32 =	vshll.u32 v45, $0x7;
	[sflag:s19] =	ssyncset.done @p0 $0x0  }
0x319: {  	v32 =	vand.u32 $0x1C00, v32;
	[sflag:s19] =	ssyncadd.s32 @p0 $0xFFFFE000  }
0x31a: {  	v48 =	vor.u32 v2, v32;
	v34 =	vld.idx.msk [tilespmem:v47+s12+$0x0], $0xffff  }
0x31b: {  	v49 =	vor.u32 v3, v46;
	_ =	sdelay $0x3  }
0x31c: {  	[tilespmem:v48+s17+$0x0] =	vst.idx.msk $0xffff, v34  }
0x31d: {  	v50 =	vor.u32 v4, v32;
	v34 =	vld.idx.msk [tilespmem:v49+s12+$0x0], $0xffff  }
0x31e: {  	v51 =	vor.u32 v5, v46;
	_ =	sdelay $0x3  }
0x31f: {  	[tilespmem:v50+s17+$0x0] =	vst.idx.msk $0xffff, v34  }
0x320: {  	v52 =	vor.u32 v6, v32;
	v34 =	vld.idx.msk [tilespmem:v51+s12+$0x0], $0xffff  }
0x321: {  	v53 =	vor.u32 v7, v46;
	_ =	sdelay $0x3  }
0x322: {  	[tilespmem:v52+s17+$0x0] =	vst.idx.msk $0xffff, v34  }
0x323: {  	v54 =	vor.u32 v8, v32;
	v34 =	vld.idx.msk [tilespmem:v53+s12+$0x0], $0xffff  }
0x324: {  	v55 =	vor.u32 v9, v46;
	_ =	sdelay $0x3  }
0x325: {  	[tilespmem:v54+s17+$0x0] =	vst.idx.msk $0xffff, v34  }
0x326: {  	v56 =	vor.u32 v10, v32;
	v34 =	vld.idx.msk [tilespmem:v55+s12+$0x0], $0xffff  }
0x327: {  	v57 =	vor.u32 v11, v46;
	_ =	sdelay $0x3  }
0x328: {  	[tilespmem:v56+s17+$0x0] =	vst.idx.msk $0xffff, v34  }
0x329: {  	v58 =	vor.u32 v12, v32;
	v34 =	vld.idx.msk [tilespmem:v57+s12+$0x0], $0xffff  }
0x32a: {  	v59 =	vor.u32 v13, v46;
	_ =	sdelay $0x3  }
0x32b: {  	[tilespmem:v58+s17+$0x0] =	vst.idx.msk $0xffff, v34  }
0x32c: {  	v60 =	vor.u32 v15, v32;
	v34 =	vld.idx.msk [tilespmem:v59+s12+$0x0], $0xffff  }
0x32d: {  	v33 =	vor.u32 v16, v46;
	_ =	sdelay $0x2  }
0x32e: {  	s24 =	simm.s32 $0x1  }
0x32f: {  	v61 =	vadd.s32 s24, v0;
	[tilespmem:v60+s17+$0x0] =	vst.idx.msk $0xffff, v34  }
0x330: {  	v32 =	vor.u32 v17, v32;
	v62 =	vand.u32 $0x3F, v61;
	v33 =	vld.idx.msk [tilespmem:v33+s12+$0x0], $0xffff  }
0x331: {  	v63 =	vor.u32 v14, v62;
	_ =	sdelay $0x2  }
0x332: {  	v34 =	vshll.u32 v61, $0x7  }
0x333: {  	v40 =	vand.u32 $0x1F80, v34;
	[tilespmem:v32+s17+$0x0] =	vst.idx.msk $0xffff, v33  }
0x334: {  	v34 =	vor.u32 v0, v40;
	v33 =	vld.idx.msk [tilespmem:v63+s12+$0x0], $0xffff  }
0x335: {  	v41 =	vor.u32 v18, v62;
	_ =	sdelay $0x3  }
0x336: {  	[tilespmem:v34+s17+$0x0] =	vst.idx.msk $0xffff, v33  }
0x337: {  	v42 =	vor.u32 v19, v40;
	v33 =	vld.idx.msk [tilespmem:v41+s12+$0x0], $0xffff  }
0x338: {  	v43 =	vor.u32 v20, v62;
	_ =	sdelay $0x3  }
0x339: {  	[tilespmem:v42+s17+$0x0] =	vst.idx.msk $0xffff, v33  }
0x33a: {  	v44 =	vor.u32 v21, v40;
	v33 =	vld.idx.msk [tilespmem:v43+s12+$0x0], $0xffff  }
0x33b: {  	v45 =	vor.u32 v22, v62;
	_ =	sdelay $0x3  }
0x33c: {  	[tilespmem:v44+s17+$0x0] =	vst.idx.msk $0xffff, v33  }
0x33d: {  	v46 =	vor.u32 v23, v40;
	v33 =	vld.idx.msk [tilespmem:v45+s12+$0x0], $0xffff  }
0x33e: {  	v47 =	vor.u32 v24, v62;
	_ =	sdelay $0x3  }
0x33f: {  	[tilespmem:v46+s17+$0x0] =	vst.idx.msk $0xffff, v33  }
0x340: {  	v48 =	vor.u32 v25, v40;
	v33 =	vld.idx.msk [tilespmem:v47+s12+$0x0], $0xffff  }
0x341: {  	v49 =	vor.u32 v26, v62;
	_ =	sdelay $0x3  }
0x342: {  	[tilespmem:v48+s17+$0x0] =	vst.idx.msk $0xffff, v33  }
0x343: {  	v50 =	vor.u32 v27, v40;
	v33 =	vld.idx.msk [tilespmem:v49+s12+$0x0], $0xffff  }
0x344: {  	v51 =	vor.u32 v28, v62;
	_ =	sdelay $0x3  }
0x345: {  	[tilespmem:v50+s17+$0x0] =	vst.idx.msk $0xffff, v33  }
0x346: {  	v52 =	vor.u32 v29, v40;
	v33 =	vld.idx.msk [tilespmem:v51+s12+$0x0], $0xffff  }
0x347: {  	v35 =	vor.u32 v30, v62;
	_ =	sdelay $0x2  }
0x348: {  	s25 =	simm.s32 $0x2  }
0x349: {  	v53 =	vadd.s32 s25, v0;
	[tilespmem:v52+s17+$0x0] =	vst.idx.msk $0xffff, v33  }
0x34a: {  	v54 =	vand.u32 $0x3F, v53;
	v32 =	vor.u32 v31, v40;
	v34 =	vld.idx.msk [tilespmem:v35+s12+$0x0], $0xffff  }
0x34b: {  	v55 =	vor.u32 v14, v54;
	_ =	sdelay $0x2  }
0x34c: {  	v33 =	vshll.u32 v53, $0x7  }
0x34d: {  	v56 =	vand.u32 $0x1F80, v33;
	[tilespmem:v32+s17+$0x0] =	vst.idx.msk $0xffff, v34  }
0x34e: {  	v58 =	vor.u32 v0, v56;
	v57 =	vld.idx.msk [tilespmem:v55+s12+$0x0], $0xffff  }
0x34f: {  	v59 =	vor.u32 v18, v54;
	_ =	sdelay $0x3  }
0x350: {  	[tilespmem:v58+s17+$0x0] =	vst.idx.msk $0xffff, v57  }
0x351: {  	v60 =	vor.u32 v19, v56;
	v33 =	vld.idx.msk [tilespmem:v59+s12+$0x0], $0xffff  }
0x352: {  	v61 =	vor.u32 v20, v54;
	_ =	sdelay $0x3  }
0x353: {  	[tilespmem:v60+s17+$0x0] =	vst.idx.msk $0xffff, v33  }
0x354: {  	v62 =	vor.u32 v21, v56;
	v33 =	vld.idx.msk [tilespmem:v61+s12+$0x0], $0xffff  }
0x355: {  	v63 =	vor.u32 v22, v54;
	_ =	sdelay $0x3  }
0x356: {  	[tilespmem:v62+s17+$0x0] =	vst.idx.msk $0xffff, v33  }
0x357: {  	v40 =	vor.u32 v23, v56;
	v33 =	vld.idx.msk [tilespmem:v63+s12+$0x0], $0xffff  }
0x358: {  	v41 =	vor.u32 v24, v54;
	_ =	sdelay $0x3  }
0x359: {  	[tilespmem:v40+s17+$0x0] =	vst.idx.msk $0xffff, v33  }
0x35a: {  	v42 =	vor.u32 v25, v56;
	v33 =	vld.idx.msk [tilespmem:v41+s12+$0x0], $0xffff  }
0x35b: {  	v43 =	vor.u32 v26, v54;
	_ =	sdelay $0x3  }
0x35c: {  	[tilespmem:v42+s17+$0x0] =	vst.idx.msk $0xffff, v33  }
0x35d: {  	v44 =	vor.u32 v27, v56;
	v33 =	vld.idx.msk [tilespmem:v43+s12+$0x0], $0xffff  }
0x35e: {  	v45 =	vor.u32 v28, v54;
	_ =	sdelay $0x3  }
0x35f: {  	[tilespmem:v44+s17+$0x0] =	vst.idx.msk $0xffff, v33  }
0x360: {  	v46 =	vor.u32 v29, v56;
	v33 =	vld.idx.msk [tilespmem:v45+s12+$0x0], $0xffff  }
0x361: {  	v35 =	vor.u32 v30, v54;
	_ =	sdelay $0x2  }
0x362: {  	s26 =	simm.s32 $0x3  }
0x363: {  	v47 =	vadd.s32 s26, v0;
	[tilespmem:v46+s17+$0x0] =	vst.idx.msk $0xffff, v33  }
0x364: {  	v48 =	vand.u32 $0x3F, v47;
	v32 =	vor.u32 v31, v56;
	v34 =	vld.idx.msk [tilespmem:v35+s12+$0x0], $0xffff  }
0x365: {  	v49 =	vor.u32 v14, v48;
	_ =	sdelay $0x2  }
0x366: {  	v33 =	vshll.u32 v47, $0x7  }
0x367: {  	v50 =	vand.u32 $0x1F80, v33;
	[tilespmem:v32+s17+$0x0] =	vst.idx.msk $0xffff, v34  }
0x368: {  	v52 =	vor.u32 v0, v50;
	v51 =	vld.idx.msk [tilespmem:v49+s12+$0x0], $0xffff  }
0x369: {  	v53 =	vor.u32 v18, v48;
	_ =	sdelay $0x3  }
0x36a: {  	[tilespmem:v52+s17+$0x0] =	vst.idx.msk $0xffff, v51  }
0x36b: {  	v54 =	vor.u32 v19, v50;
	v33 =	vld.idx.msk [tilespmem:v53+s12+$0x0], $0xffff  }
0x36c: {  	v55 =	vor.u32 v20, v48;
	_ =	sdelay $0x3  }
0x36d: {  	[tilespmem:v54+s17+$0x0] =	vst.idx.msk $0xffff, v33  }
0x36e: {  	v56 =	vor.u32 v21, v50;
	v33 =	vld.idx.msk [tilespmem:v55+s12+$0x0], $0xffff  }
0x36f: {  	v57 =	vor.u32 v22, v48;
	_ =	sdelay $0x3  }
0x370: {  	[tilespmem:v56+s17+$0x0] =	vst.idx.msk $0xffff, v33  }
0x371: {  	v58 =	vor.u32 v23, v50;
	v33 =	vld.idx.msk [tilespmem:v57+s12+$0x0], $0xffff  }
0x372: {  	v59 =	vor.u32 v24, v48;
	_ =	sdelay $0x3  }
0x373: {  	[tilespmem:v58+s17+$0x0] =	vst.idx.msk $0xffff, v33  }
0x374: {  	v60 =	vor.u32 v25, v50;
	v33 =	vld.idx.msk [tilespmem:v59+s12+$0x0], $0xffff  }
0x375: {  	v61 =	vor.u32 v26, v48;
	_ =	sdelay $0x3  }
0x376: {  	[tilespmem:v60+s17+$0x0] =	vst.idx.msk $0xffff, v33  }
0x377: {  	v62 =	vor.u32 v27, v50;
	v33 =	vld.idx.msk [tilespmem:v61+s12+$0x0], $0xffff  }
0x378: {  	v63 =	vor.u32 v28, v48;
	_ =	sdelay $0x3  }
0x379: {  	[tilespmem:v62+s17+$0x0] =	vst.idx.msk $0xffff, v33  }
0x37a: {  	v40 =	vor.u32 v29, v50;
	v33 =	vld.idx.msk [tilespmem:v63+s12+$0x0], $0xffff  }
0x37b: {  	v35 =	vor.u32 v30, v48;
	_ =	sdelay $0x2  }
0x37c: {  	s28 =	simm.s32 $0x4  }
0x37d: {  	v41 =	vadd.s32 s28, v0;
	[tilespmem:v40+s17+$0x0] =	vst.idx.msk $0xffff, v33  }
0x37e: {  	v42 =	vand.u32 $0x3F, v41;
	v32 =	vor.u32 v31, v50;
	v34 =	vld.idx.msk [tilespmem:v35+s12+$0x0], $0xffff  }
0x37f: {  	v43 =	vor.u32 v14, v42;
	_ =	sdelay $0x2  }
0x380: {  	v33 =	vshll.u32 v41, $0x7  }
0x381: {  	v44 =	vand.u32 $0x1F80, v33;
	[tilespmem:v32+s17+$0x0] =	vst.idx.msk $0xffff, v34  }
0x382: {  	v46 =	vor.u32 v0, v44;
	v45 =	vld.idx.msk [tilespmem:v43+s12+$0x0], $0xffff  }
0x383: {  	v47 =	vor.u32 v18, v42;
	_ =	sdelay $0x3  }
0x384: {  	[tilespmem:v46+s17+$0x0] =	vst.idx.msk $0xffff, v45  }
0x385: {  	v48 =	vor.u32 v19, v44;
	v33 =	vld.idx.msk [tilespmem:v47+s12+$0x0], $0xffff  }
0x386: {  	v49 =	vor.u32 v20, v42;
	_ =	sdelay $0x3  }
0x387: {  	[tilespmem:v48+s17+$0x0] =	vst.idx.msk $0xffff, v33  }
0x388: {  	v50 =	vor.u32 v21, v44;
	v33 =	vld.idx.msk [tilespmem:v49+s12+$0x0], $0xffff  }
0x389: {  	v51 =	vor.u32 v22, v42;
	_ =	sdelay $0x3  }
0x38a: {  	[tilespmem:v50+s17+$0x0] =	vst.idx.msk $0xffff, v33  }
0x38b: {  	v52 =	vor.u32 v23, v44;
	v33 =	vld.idx.msk [tilespmem:v51+s12+$0x0], $0xffff  }
0x38c: {  	v53 =	vor.u32 v24, v42;
	_ =	sdelay $0x3  }
0x38d: {  	[tilespmem:v52+s17+$0x0] =	vst.idx.msk $0xffff, v33  }
0x38e: {  	v54 =	vor.u32 v25, v44;
	v33 =	vld.idx.msk [tilespmem:v53+s12+$0x0], $0xffff  }
0x38f: {  	v55 =	vor.u32 v26, v42;
	_ =	sdelay $0x3  }
0x390: {  	[tilespmem:v54+s17+$0x0] =	vst.idx.msk $0xffff, v33  }
0x391: {  	v56 =	vor.u32 v27, v44;
	v33 =	vld.idx.msk [tilespmem:v55+s12+$0x0], $0xffff  }
0x392: {  	v57 =	vor.u32 v28, v42;
	_ =	sdelay $0x3  }
0x393: {  	[tilespmem:v56+s17+$0x0] =	vst.idx.msk $0xffff, v33  }
0x394: {  	v58 =	vor.u32 v29, v44;
	v33 =	vld.idx.msk [tilespmem:v57+s12+$0x0], $0xffff  }
0x395: {  	v35 =	vor.u32 v30, v42;
	_ =	sdelay $0x2  }
0x396: {  	s29 =	simm.s32 $0x5  }
0x397: {  	v59 =	vadd.s32 s29, v0;
	[tilespmem:v58+s17+$0x0] =	vst.idx.msk $0xffff, v33  }
0x398: {  	v60 =	vand.u32 $0x3F, v59;
	v32 =	vor.u32 v31, v44;
	v34 =	vld.idx.msk [tilespmem:v35+s12+$0x0], $0xffff  }
0x399: {  	v61 =	vor.u32 v14, v60;
	_ =	sdelay $0x2  }
0x39a: {  	v33 =	vshll.u32 v59, $0x7  }
0x39b: {  	v62 =	vand.u32 $0x1F80, v33;
	[tilespmem:v32+s17+$0x0] =	vst.idx.msk $0xffff, v34  }
0x39c: {  	v40 =	vor.u32 v0, v62;
	v63 =	vld.idx.msk [tilespmem:v61+s12+$0x0], $0xffff  }
0x39d: {  	v41 =	vor.u32 v18, v60;
	_ =	sdelay $0x3  }
0x39e: {  	[tilespmem:v40+s17+$0x0] =	vst.idx.msk $0xffff, v63  }
0x39f: {  	v42 =	vor.u32 v19, v62;
	v33 =	vld.idx.msk [tilespmem:v41+s12+$0x0], $0xffff  }
0x3a0: {  	v43 =	vor.u32 v20, v60;
	_ =	sdelay $0x3  }
0x3a1: {  	[tilespmem:v42+s17+$0x0] =	vst.idx.msk $0xffff, v33  }
0x3a2: {  	v44 =	vor.u32 v21, v62;
	v33 =	vld.idx.msk [tilespmem:v43+s12+$0x0], $0xffff  }
0x3a3: {  	v45 =	vor.u32 v22, v60;
	_ =	sdelay $0x3  }
0x3a4: {  	[tilespmem:v44+s17+$0x0] =	vst.idx.msk $0xffff, v33  }
0x3a5: {  	v46 =	vor.u32 v23, v62;
	v33 =	vld.idx.msk [tilespmem:v45+s12+$0x0], $0xffff  }
0x3a6: {  	v47 =	vor.u32 v24, v60;
	_ =	sdelay $0x3  }
0x3a7: {  	[tilespmem:v46+s17+$0x0] =	vst.idx.msk $0xffff, v33  }
0x3a8: {  	v48 =	vor.u32 v25, v62;
	v33 =	vld.idx.msk [tilespmem:v47+s12+$0x0], $0xffff  }
0x3a9: {  	v49 =	vor.u32 v26, v60;
	_ =	sdelay $0x3  }
0x3aa: {  	[tilespmem:v48+s17+$0x0] =	vst.idx.msk $0xffff, v33  }
0x3ab: {  	v50 =	vor.u32 v27, v62;
	v33 =	vld.idx.msk [tilespmem:v49+s12+$0x0], $0xffff  }
0x3ac: {  	v51 =	vor.u32 v28, v60;
	_ =	sdelay $0x3  }
0x3ad: {  	[tilespmem:v50+s17+$0x0] =	vst.idx.msk $0xffff, v33  }
0x3ae: {  	v52 =	vor.u32 v29, v62;
	v33 =	vld.idx.msk [tilespmem:v51+s12+$0x0], $0xffff  }
0x3af: {  	v35 =	vor.u32 v30, v60;
	_ =	sdelay $0x2  }
0x3b0: {  	s30 =	simm.s32 $0x6  }
0x3b1: {  	v53 =	vadd.s32 s30, v0;
	[tilespmem:v52+s17+$0x0] =	vst.idx.msk $0xffff, v33  }
0x3b2: {  	v54 =	vand.u32 $0x3F, v53;
	v32 =	vor.u32 v31, v62;
	v34 =	vld.idx.msk [tilespmem:v35+s12+$0x0], $0xffff  }
0x3b3: {  	v55 =	vor.u32 v14, v54;
	_ =	sdelay $0x2  }
0x3b4: {  	v33 =	vshll.u32 v53, $0x7  }
0x3b5: {  	v56 =	vand.u32 $0x1F80, v33;
	[tilespmem:v32+s17+$0x0] =	vst.idx.msk $0xffff, v34  }
0x3b6: {  	v58 =	vor.u32 v0, v56;
	v57 =	vld.idx.msk [tilespmem:v55+s12+$0x0], $0xffff  }
0x3b7: {  	v59 =	vor.u32 v18, v54;
	_ =	sdelay $0x3  }
0x3b8: {  	[tilespmem:v58+s17+$0x0] =	vst.idx.msk $0xffff, v57  }
0x3b9: {  	v60 =	vor.u32 v19, v56;
	v33 =	vld.idx.msk [tilespmem:v59+s12+$0x0], $0xffff  }
0x3ba: {  	v61 =	vor.u32 v20, v54;
	_ =	sdelay $0x3  }
0x3bb: {  	[tilespmem:v60+s17+$0x0] =	vst.idx.msk $0xffff, v33  }
0x3bc: {  	v62 =	vor.u32 v21, v56;
	v33 =	vld.idx.msk [tilespmem:v61+s12+$0x0], $0xffff  }
0x3bd: {  	v63 =	vor.u32 v22, v54;
	_ =	sdelay $0x3  }
0x3be: {  	[tilespmem:v62+s17+$0x0] =	vst.idx.msk $0xffff, v33  }
0x3bf: {  	v40 =	vor.u32 v23, v56;
	v33 =	vld.idx.msk [tilespmem:v63+s12+$0x0], $0xffff  }
0x3c0: {  	v41 =	vor.u32 v24, v54;
	_ =	sdelay $0x3  }
0x3c1: {  	[tilespmem:v40+s17+$0x0] =	vst.idx.msk $0xffff, v33  }
0x3c2: {  	v42 =	vor.u32 v25, v56;
	v33 =	vld.idx.msk [tilespmem:v41+s12+$0x0], $0xffff  }
0x3c3: {  	v43 =	vor.u32 v26, v54;
	_ =	sdelay $0x3  }
0x3c4: {  	[tilespmem:v42+s17+$0x0] =	vst.idx.msk $0xffff, v33  }
0x3c5: {  	v44 =	vor.u32 v27, v56;
	v33 =	vld.idx.msk [tilespmem:v43+s12+$0x0], $0xffff  }
0x3c6: {  	v45 =	vor.u32 v28, v54;
	_ =	sdelay $0x3  }
0x3c7: {  	[tilespmem:v44+s17+$0x0] =	vst.idx.msk $0xffff, v33  }
0x3c8: {  	v46 =	vor.u32 v29, v56;
	v33 =	vld.idx.msk [tilespmem:v45+s12+$0x0], $0xffff  }
0x3c9: {  	v35 =	vor.u32 v30, v54;
	_ =	sdelay $0x2  }
0x3ca: {  	s31 =	simm.s32 $0x7  }
0x3cb: {  	v47 =	vadd.s32 s31, v0;
	[tilespmem:v46+s17+$0x0] =	vst.idx.msk $0xffff, v33  }
0x3cc: {  	v48 =	vand.u32 $0x3F, v47;
	v32 =	vor.u32 v31, v56;
	v34 =	vld.idx.msk [tilespmem:v35+s12+$0x0], $0xffff  }
0x3cd: {  	v49 =	vor.u32 v14, v48;
	_ =	sdelay $0x2  }
0x3ce: {  	v33 =	vshll.u32 v47, $0x7  }
0x3cf: {  	[tilespmem:v32+s17+$0x0] =	vst.idx.msk $0xffff, v34;
	v32 =	vand.u32 $0x1F80, v33  }
0x3d0: {  	v50 =	vld.idx.msk [tilespmem:v49+s12+$0x0], $0xffff;
	v51 =	vor.u32 v0, v32  }
0x3d1: {  	v52 =	vor.u32 v18, v48;
	_ =	sdelay $0x3  }
0x3d2: {  	[tilespmem:v51+s17+$0x0] =	vst.idx.msk $0xffff, v50  }
0x3d3: {  	v53 =	vor.u32 v19, v32;
	v33 =	vld.idx.msk [tilespmem:v52+s12+$0x0], $0xffff  }
0x3d4: {  	v54 =	vor.u32 v20, v48;
	_ =	sdelay $0x3  }
0x3d5: {  	[tilespmem:v53+s17+$0x0] =	vst.idx.msk $0xffff, v33  }
0x3d6: {  	v55 =	vor.u32 v21, v32;
	v33 =	vld.idx.msk [tilespmem:v54+s12+$0x0], $0xffff  }
0x3d7: {  	v56 =	vor.u32 v22, v48;
	_ =	sdelay $0x3  }
0x3d8: {  	[tilespmem:v55+s17+$0x0] =	vst.idx.msk $0xffff, v33  }
0x3d9: {  	v57 =	vor.u32 v23, v32;
	v33 =	vld.idx.msk [tilespmem:v56+s12+$0x0], $0xffff  }
0x3da: {  	v58 =	vor.u32 v24, v48;
	_ =	sdelay $0x3  }
0x3db: {  	[tilespmem:v57+s17+$0x0] =	vst.idx.msk $0xffff, v33  }
0x3dc: {  	v59 =	vor.u32 v25, v32;
	v33 =	vld.idx.msk [tilespmem:v58+s12+$0x0], $0xffff  }
0x3dd: {  	v60 =	vor.u32 v26, v48;
	_ =	sdelay $0x3  }
0x3de: {  	[tilespmem:v59+s17+$0x0] =	vst.idx.msk $0xffff, v33  }
0x3df: {  	v61 =	vor.u32 v27, v32;
	v33 =	vld.idx.msk [tilespmem:v60+s12+$0x0], $0xffff  }
0x3e0: {  	v62 =	vor.u32 v28, v48;
	_ =	sdelay $0x3  }
0x3e1: {  	[tilespmem:v61+s17+$0x0] =	vst.idx.msk $0xffff, v33  }
0x3e2: {  	v63 =	vor.u32 v29, v32;
	v34 =	vld.idx.msk [tilespmem:v62+s12+$0x0], $0xffff  }
0x3e3: {  	v33 =	vor.u32 v30, v48;
	_ =	sdelay $0x3  }
0x3e4: {  	s23 =	simm.s32 $0xF;
	s24 =	simm.s32 $0x17;
	s25 =	simm.s32 $0x8;
	[tilespmem:v63+s17+$0x0] =	vst.idx.msk $0xffff, v34  }
.LBB2_5:
0x3e5: {  	p0 =	sne.s32 s24, $0x3F;
	v34 =	vadd.s32 s25, v0;
	v33 =	vld.idx.msk [tilespmem:v33+s12+$0x0], $0xffff  }
0x3e6: {  	v32 =	vor.u32 v31, v32;
	v35 =	vand.u32 $0x38, v34  }
0x3e7: {  	v36 =	vor.u32 v1, v35;
	_ =	sdelay $0x3  }
0x3e8: {  	v34 =	vshll.u32 v34, $0x7;
	[tilespmem:v32+s17+$0x0] =	vst.idx.msk $0xffff, v33  }
0x3e9: {  	v33 =	vand.u32 $0x1C00, v34;
	v32 =	vld.idx.msk [tilespmem:v36+s12+$0x0], $0xffff  }
0x3ea: {  	v34 =	vor.u32 v2, v33  }
0x3eb: {  	v36 =	vor.u32 v3, v35;
	_ =	sdelay $0x3  }
0x3ec: {  	[tilespmem:v34+s17+$0x0] =	vst.idx.msk $0xffff, v32  }
0x3ed: {  	v32 =	vld.idx.msk [tilespmem:v36+s12+$0x0], $0xffff  }
0x3ee: {  	v34 =	vor.u32 v4, v33  }
0x3ef: {  	v36 =	vor.u32 v5, v35;
	_ =	sdelay $0x3  }
0x3f0: {  	[tilespmem:v34+s17+$0x0] =	vst.idx.msk $0xffff, v32  }
0x3f1: {  	v32 =	vld.idx.msk [tilespmem:v36+s12+$0x0], $0xffff  }
0x3f2: {  	v34 =	vor.u32 v6, v33  }
0x3f3: {  	v36 =	vor.u32 v7, v35;
	_ =	sdelay $0x3  }
0x3f4: {  	[tilespmem:v34+s17+$0x0] =	vst.idx.msk $0xffff, v32  }
0x3f5: {  	v32 =	vld.idx.msk [tilespmem:v36+s12+$0x0], $0xffff  }
0x3f6: {  	v34 =	vor.u32 v8, v33  }
0x3f7: {  	v36 =	vor.u32 v9, v35;
	_ =	sdelay $0x3  }
0x3f8: {  	[tilespmem:v34+s17+$0x0] =	vst.idx.msk $0xffff, v32  }
0x3f9: {  	v32 =	vld.idx.msk [tilespmem:v36+s12+$0x0], $0xffff  }
0x3fa: {  	v34 =	vor.u32 v10, v33  }
0x3fb: {  	v36 =	vor.u32 v11, v35;
	_ =	sdelay $0x3  }
0x3fc: {  	[tilespmem:v34+s17+$0x0] =	vst.idx.msk $0xffff, v32  }
0x3fd: {  	v32 =	vld.idx.msk [tilespmem:v36+s12+$0x0], $0xffff  }
0x3fe: {  	v34 =	vor.u32 v12, v33  }
0x3ff: {  	v36 =	vor.u32 v13, v35;
	_ =	sdelay $0x3  }
0x400: {  	[tilespmem:v34+s17+$0x0] =	vst.idx.msk $0xffff, v32  }
0x401: {  	v32 =	vld.idx.msk [tilespmem:v36+s12+$0x0], $0xffff  }
0x402: {  	v34 =	vor.u32 v15, v33  }
0x403: {  	v35 =	vor.u32 v16, v35;
	_ =	sdelay $0x3  }
0x404: {  	s25 =	sadd.s32 $0xFFFFFFFA, s23;
	[tilespmem:v34+s17+$0x0] =	vst.idx.msk $0xffff, v32  }
0x405: {  	v34 =	vadd.s32 s25, v0;
	v32 =	vld.idx.msk [tilespmem:v35+s12+$0x0], $0xffff  }
0x406: {  	v33 =	vor.u32 v17, v33;
	v35 =	vand.u32 $0x3F, v34  }
0x407: {  	v36 =	vor.u32 v14, v35;
	_ =	sdelay $0x3  }
0x408: {  	[tilespmem:v33+s17+$0x0] =	vst.idx.msk $0xffff, v32;
	v32 =	vshll.u32 v34, $0x7  }
0x409: {  	v33 =	vld.idx.msk [tilespmem:v36+s12+$0x0], $0xffff;
	v32 =	vand.u32 $0x1F80, v32  }
0x40a: {  	v34 =	vor.u32 v0, v32  }
0x40b: {  	v36 =	vor.u32 v18, v35;
	_ =	sdelay $0x3  }
0x40c: {  	[tilespmem:v34+s17+$0x0] =	vst.idx.msk $0xffff, v33  }
0x40d: {  	v33 =	vld.idx.msk [tilespmem:v36+s12+$0x0], $0xffff  }
0x40e: {  	v34 =	vor.u32 v19, v32  }
0x40f: {  	v36 =	vor.u32 v20, v35;
	_ =	sdelay $0x3  }
0x410: {  	[tilespmem:v34+s17+$0x0] =	vst.idx.msk $0xffff, v33  }
0x411: {  	v33 =	vld.idx.msk [tilespmem:v36+s12+$0x0], $0xffff  }
0x412: {  	v34 =	vor.u32 v21, v32  }
0x413: {  	v36 =	vor.u32 v22, v35;
	_ =	sdelay $0x3  }
0x414: {  	[tilespmem:v34+s17+$0x0] =	vst.idx.msk $0xffff, v33  }
0x415: {  	v33 =	vld.idx.msk [tilespmem:v36+s12+$0x0], $0xffff  }
0x416: {  	v34 =	vor.u32 v23, v32  }
0x417: {  	v36 =	vor.u32 v24, v35;
	_ =	sdelay $0x3  }
0x418: {  	[tilespmem:v34+s17+$0x0] =	vst.idx.msk $0xffff, v33  }
0x419: {  	v33 =	vld.idx.msk [tilespmem:v36+s12+$0x0], $0xffff  }
0x41a: {  	v34 =	vor.u32 v25, v32  }
0x41b: {  	v36 =	vor.u32 v26, v35;
	_ =	sdelay $0x3  }
0x41c: {  	[tilespmem:v34+s17+$0x0] =	vst.idx.msk $0xffff, v33  }
0x41d: {  	v33 =	vld.idx.msk [tilespmem:v36+s12+$0x0], $0xffff  }
0x41e: {  	v34 =	vor.u32 v27, v32  }
0x41f: {  	v36 =	vor.u32 v28, v35;
	_ =	sdelay $0x3  }
0x420: {  	[tilespmem:v34+s17+$0x0] =	vst.idx.msk $0xffff, v33  }
0x421: {  	v33 =	vld.idx.msk [tilespmem:v36+s12+$0x0], $0xffff  }
0x422: {  	v34 =	vor.u32 v29, v32  }
0x423: {  	v35 =	vor.u32 v30, v35;
	_ =	sdelay $0x3  }
0x424: {  	s25 =	sadd.s32 $0xFFFFFFFB, s23;
	[tilespmem:v34+s17+$0x0] =	vst.idx.msk $0xffff, v33  }
0x425: {  	v34 =	vadd.s32 s25, v0;
	v33 =	vld.idx.msk [tilespmem:v35+s12+$0x0], $0xffff  }
0x426: {  	v32 =	vor.u32 v31, v32;
	v35 =	vand.u32 $0x3F, v34  }
0x427: {  	v36 =	vor.u32 v14, v35;
	_ =	sdelay $0x3  }
0x428: {  	[tilespmem:v32+s17+$0x0] =	vst.idx.msk $0xffff, v33;
	v32 =	vshll.u32 v34, $0x7  }
0x429: {  	v33 =	vld.idx.msk [tilespmem:v36+s12+$0x0], $0xffff;
	v32 =	vand.u32 $0x1F80, v32  }
0x42a: {  	v34 =	vor.u32 v0, v32  }
0x42b: {  	v36 =	vor.u32 v18, v35;
	_ =	sdelay $0x3  }
0x42c: {  	[tilespmem:v34+s17+$0x0] =	vst.idx.msk $0xffff, v33  }
0x42d: {  	v33 =	vld.idx.msk [tilespmem:v36+s12+$0x0], $0xffff  }
0x42e: {  	v34 =	vor.u32 v19, v32  }
0x42f: {  	v36 =	vor.u32 v20, v35;
	_ =	sdelay $0x3  }
0x430: {  	[tilespmem:v34+s17+$0x0] =	vst.idx.msk $0xffff, v33  }
0x431: {  	v33 =	vld.idx.msk [tilespmem:v36+s12+$0x0], $0xffff  }
0x432: {  	v34 =	vor.u32 v21, v32  }
0x433: {  	v36 =	vor.u32 v22, v35;
	_ =	sdelay $0x3  }
0x434: {  	[tilespmem:v34+s17+$0x0] =	vst.idx.msk $0xffff, v33  }
0x435: {  	v33 =	vld.idx.msk [tilespmem:v36+s12+$0x0], $0xffff  }
0x436: {  	v34 =	vor.u32 v23, v32  }
0x437: {  	v36 =	vor.u32 v24, v35;
	_ =	sdelay $0x3  }
0x438: {  	[tilespmem:v34+s17+$0x0] =	vst.idx.msk $0xffff, v33  }
0x439: {  	v33 =	vld.idx.msk [tilespmem:v36+s12+$0x0], $0xffff  }
0x43a: {  	v34 =	vor.u32 v25, v32  }
0x43b: {  	v36 =	vor.u32 v26, v35;
	_ =	sdelay $0x3  }
0x43c: {  	[tilespmem:v34+s17+$0x0] =	vst.idx.msk $0xffff, v33  }
0x43d: {  	v33 =	vld.idx.msk [tilespmem:v36+s12+$0x0], $0xffff  }
0x43e: {  	v34 =	vor.u32 v27, v32  }
0x43f: {  	v36 =	vor.u32 v28, v35;
	_ =	sdelay $0x3  }
0x440: {  	[tilespmem:v34+s17+$0x0] =	vst.idx.msk $0xffff, v33  }
0x441: {  	v33 =	vld.idx.msk [tilespmem:v36+s12+$0x0], $0xffff  }
0x442: {  	v34 =	vor.u32 v29, v32  }
0x443: {  	v35 =	vor.u32 v30, v35;
	_ =	sdelay $0x3  }
0x444: {  	s25 =	sadd.s32 $0xFFFFFFFC, s23;
	[tilespmem:v34+s17+$0x0] =	vst.idx.msk $0xffff, v33  }
0x445: {  	v34 =	vadd.s32 s25, v0;
	v33 =	vld.idx.msk [tilespmem:v35+s12+$0x0], $0xffff  }
0x446: {  	v32 =	vor.u32 v31, v32;
	v35 =	vand.u32 $0x3F, v34  }
0x447: {  	v36 =	vor.u32 v14, v35;
	_ =	sdelay $0x3  }
0x448: {  	[tilespmem:v32+s17+$0x0] =	vst.idx.msk $0xffff, v33;
	v32 =	vshll.u32 v34, $0x7  }
0x449: {  	v33 =	vld.idx.msk [tilespmem:v36+s12+$0x0], $0xffff;
	v32 =	vand.u32 $0x1F80, v32  }
0x44a: {  	v34 =	vor.u32 v0, v32  }
0x44b: {  	v36 =	vor.u32 v18, v35;
	_ =	sdelay $0x3  }
0x44c: {  	[tilespmem:v34+s17+$0x0] =	vst.idx.msk $0xffff, v33  }
0x44d: {  	v33 =	vld.idx.msk [tilespmem:v36+s12+$0x0], $0xffff  }
0x44e: {  	v34 =	vor.u32 v19, v32  }
0x44f: {  	v36 =	vor.u32 v20, v35;
	_ =	sdelay $0x3  }
0x450: {  	[tilespmem:v34+s17+$0x0] =	vst.idx.msk $0xffff, v33  }
0x451: {  	v33 =	vld.idx.msk [tilespmem:v36+s12+$0x0], $0xffff  }
0x452: {  	v34 =	vor.u32 v21, v32  }
0x453: {  	v36 =	vor.u32 v22, v35;
	_ =	sdelay $0x3  }
0x454: {  	[tilespmem:v34+s17+$0x0] =	vst.idx.msk $0xffff, v33  }
0x455: {  	v33 =	vld.idx.msk [tilespmem:v36+s12+$0x0], $0xffff  }
0x456: {  	v34 =	vor.u32 v23, v32  }
0x457: {  	v36 =	vor.u32 v24, v35;
	_ =	sdelay $0x3  }
0x458: {  	[tilespmem:v34+s17+$0x0] =	vst.idx.msk $0xffff, v33  }
0x459: {  	v33 =	vld.idx.msk [tilespmem:v36+s12+$0x0], $0xffff  }
0x45a: {  	v34 =	vor.u32 v25, v32  }
0x45b: {  	v36 =	vor.u32 v26, v35;
	_ =	sdelay $0x3  }
0x45c: {  	[tilespmem:v34+s17+$0x0] =	vst.idx.msk $0xffff, v33  }
0x45d: {  	v33 =	vld.idx.msk [tilespmem:v36+s12+$0x0], $0xffff  }
0x45e: {  	v34 =	vor.u32 v27, v32  }
0x45f: {  	v36 =	vor.u32 v28, v35;
	_ =	sdelay $0x3  }
0x460: {  	[tilespmem:v34+s17+$0x0] =	vst.idx.msk $0xffff, v33  }
0x461: {  	v33 =	vld.idx.msk [tilespmem:v36+s12+$0x0], $0xffff  }
0x462: {  	v34 =	vor.u32 v29, v32  }
0x463: {  	v35 =	vor.u32 v30, v35;
	_ =	sdelay $0x3  }
0x464: {  	s25 =	sadd.s32 $0xFFFFFFFD, s23;
	[tilespmem:v34+s17+$0x0] =	vst.idx.msk $0xffff, v33  }
0x465: {  	v34 =	vadd.s32 s25, v0;
	v33 =	vld.idx.msk [tilespmem:v35+s12+$0x0], $0xffff  }
0x466: {  	v32 =	vor.u32 v31, v32;
	v35 =	vand.u32 $0x3F, v34  }
0x467: {  	v36 =	vor.u32 v14, v35;
	_ =	sdelay $0x3  }
0x468: {  	[tilespmem:v32+s17+$0x0] =	vst.idx.msk $0xffff, v33;
	v32 =	vshll.u32 v34, $0x7  }
0x469: {  	v33 =	vld.idx.msk [tilespmem:v36+s12+$0x0], $0xffff;
	v32 =	vand.u32 $0x1F80, v32  }
0x46a: {  	v34 =	vor.u32 v0, v32  }
0x46b: {  	v36 =	vor.u32 v18, v35;
	_ =	sdelay $0x3  }
0x46c: {  	[tilespmem:v34+s17+$0x0] =	vst.idx.msk $0xffff, v33  }
0x46d: {  	v33 =	vld.idx.msk [tilespmem:v36+s12+$0x0], $0xffff  }
0x46e: {  	v34 =	vor.u32 v19, v32  }
0x46f: {  	v36 =	vor.u32 v20, v35;
	_ =	sdelay $0x3  }
0x470: {  	[tilespmem:v34+s17+$0x0] =	vst.idx.msk $0xffff, v33  }
0x471: {  	v33 =	vld.idx.msk [tilespmem:v36+s12+$0x0], $0xffff  }
0x472: {  	v34 =	vor.u32 v21, v32  }
0x473: {  	v36 =	vor.u32 v22, v35;
	_ =	sdelay $0x3  }
0x474: {  	[tilespmem:v34+s17+$0x0] =	vst.idx.msk $0xffff, v33  }
0x475: {  	v33 =	vld.idx.msk [tilespmem:v36+s12+$0x0], $0xffff  }
0x476: {  	v34 =	vor.u32 v23, v32  }
0x477: {  	v36 =	vor.u32 v24, v35;
	_ =	sdelay $0x3  }
0x478: {  	[tilespmem:v34+s17+$0x0] =	vst.idx.msk $0xffff, v33  }
0x479: {  	v33 =	vld.idx.msk [tilespmem:v36+s12+$0x0], $0xffff  }
0x47a: {  	v34 =	vor.u32 v25, v32  }
0x47b: {  	v36 =	vor.u32 v26, v35;
	_ =	sdelay $0x3  }
0x47c: {  	[tilespmem:v34+s17+$0x0] =	vst.idx.msk $0xffff, v33  }
0x47d: {  	v33 =	vld.idx.msk [tilespmem:v36+s12+$0x0], $0xffff  }
0x47e: {  	v34 =	vor.u32 v27, v32  }
0x47f: {  	v36 =	vor.u32 v28, v35;
	_ =	sdelay $0x3  }
0x480: {  	[tilespmem:v34+s17+$0x0] =	vst.idx.msk $0xffff, v33  }
0x481: {  	v33 =	vld.idx.msk [tilespmem:v36+s12+$0x0], $0xffff  }
0x482: {  	v34 =	vor.u32 v29, v32  }
0x483: {  	v35 =	vor.u32 v30, v35;
	_ =	sdelay $0x3  }
0x484: {  	s25 =	sadd.s32 $0xFFFFFFFE, s23;
	[tilespmem:v34+s17+$0x0] =	vst.idx.msk $0xffff, v33  }
0x485: {  	v34 =	vadd.s32 s25, v0;
	v33 =	vld.idx.msk [tilespmem:v35+s12+$0x0], $0xffff  }
0x486: {  	v32 =	vor.u32 v31, v32;
	v35 =	vand.u32 $0x3F, v34  }
0x487: {  	v36 =	vor.u32 v14, v35;
	_ =	sdelay $0x3  }
0x488: {  	[tilespmem:v32+s17+$0x0] =	vst.idx.msk $0xffff, v33;
	v32 =	vshll.u32 v34, $0x7  }
0x489: {  	v33 =	vld.idx.msk [tilespmem:v36+s12+$0x0], $0xffff;
	v32 =	vand.u32 $0x1F80, v32  }
0x48a: {  	v34 =	vor.u32 v0, v32  }
0x48b: {  	v36 =	vor.u32 v18, v35;
	_ =	sdelay $0x3  }
0x48c: {  	[tilespmem:v34+s17+$0x0] =	vst.idx.msk $0xffff, v33  }
0x48d: {  	v33 =	vld.idx.msk [tilespmem:v36+s12+$0x0], $0xffff  }
0x48e: {  	v34 =	vor.u32 v19, v32  }
0x48f: {  	v36 =	vor.u32 v20, v35;
	_ =	sdelay $0x3  }
0x490: {  	[tilespmem:v34+s17+$0x0] =	vst.idx.msk $0xffff, v33  }
0x491: {  	v33 =	vld.idx.msk [tilespmem:v36+s12+$0x0], $0xffff  }
0x492: {  	v34 =	vor.u32 v21, v32  }
0x493: {  	v36 =	vor.u32 v22, v35;
	_ =	sdelay $0x3  }
0x494: {  	[tilespmem:v34+s17+$0x0] =	vst.idx.msk $0xffff, v33  }
0x495: {  	v33 =	vld.idx.msk [tilespmem:v36+s12+$0x0], $0xffff  }
0x496: {  	v34 =	vor.u32 v23, v32  }
0x497: {  	v36 =	vor.u32 v24, v35;
	_ =	sdelay $0x3  }
0x498: {  	[tilespmem:v34+s17+$0x0] =	vst.idx.msk $0xffff, v33  }
0x499: {  	v33 =	vld.idx.msk [tilespmem:v36+s12+$0x0], $0xffff  }
0x49a: {  	v34 =	vor.u32 v25, v32  }
0x49b: {  	v36 =	vor.u32 v26, v35;
	_ =	sdelay $0x3  }
0x49c: {  	[tilespmem:v34+s17+$0x0] =	vst.idx.msk $0xffff, v33  }
0x49d: {  	v33 =	vld.idx.msk [tilespmem:v36+s12+$0x0], $0xffff  }
0x49e: {  	v34 =	vor.u32 v27, v32  }
0x49f: {  	v36 =	vor.u32 v28, v35;
	_ =	sdelay $0x3  }
0x4a0: {  	[tilespmem:v34+s17+$0x0] =	vst.idx.msk $0xffff, v33  }
0x4a1: {  	v33 =	vld.idx.msk [tilespmem:v36+s12+$0x0], $0xffff  }
0x4a2: {  	v34 =	vor.u32 v29, v32  }
0x4a3: {  	v35 =	vor.u32 v30, v35;
	_ =	sdelay $0x3  }
0x4a4: {  	s25 =	sadd.s32 $0xFFFFFFFF, s23;
	[tilespmem:v34+s17+$0x0] =	vst.idx.msk $0xffff, v33  }
0x4a5: {  	v34 =	vadd.s32 s25, v0;
	v33 =	vld.idx.msk [tilespmem:v35+s12+$0x0], $0xffff  }
0x4a6: {  	v32 =	vor.u32 v31, v32;
	v35 =	vand.u32 $0x3F, v34  }
0x4a7: {  	v36 =	vor.u32 v14, v35;
	_ =	sdelay $0x3  }
0x4a8: {  	[tilespmem:v32+s17+$0x0] =	vst.idx.msk $0xffff, v33;
	v32 =	vshll.u32 v34, $0x7  }
0x4a9: {  	v33 =	vld.idx.msk [tilespmem:v36+s12+$0x0], $0xffff;
	v32 =	vand.u32 $0x1F80, v32  }
0x4aa: {  	v34 =	vor.u32 v0, v32  }
0x4ab: {  	v36 =	vor.u32 v18, v35;
	_ =	sdelay $0x3  }
0x4ac: {  	[tilespmem:v34+s17+$0x0] =	vst.idx.msk $0xffff, v33  }
0x4ad: {  	v33 =	vld.idx.msk [tilespmem:v36+s12+$0x0], $0xffff  }
0x4ae: {  	v34 =	vor.u32 v19, v32  }
0x4af: {  	v36 =	vor.u32 v20, v35;
	_ =	sdelay $0x3  }
0x4b0: {  	[tilespmem:v34+s17+$0x0] =	vst.idx.msk $0xffff, v33  }
0x4b1: {  	v33 =	vld.idx.msk [tilespmem:v36+s12+$0x0], $0xffff  }
0x4b2: {  	v34 =	vor.u32 v21, v32  }
0x4b3: {  	v36 =	vor.u32 v22, v35;
	_ =	sdelay $0x3  }
0x4b4: {  	[tilespmem:v34+s17+$0x0] =	vst.idx.msk $0xffff, v33  }
0x4b5: {  	v33 =	vld.idx.msk [tilespmem:v36+s12+$0x0], $0xffff  }
0x4b6: {  	v34 =	vor.u32 v23, v32  }
0x4b7: {  	v36 =	vor.u32 v24, v35;
	_ =	sdelay $0x3  }
0x4b8: {  	[tilespmem:v34+s17+$0x0] =	vst.idx.msk $0xffff, v33  }
0x4b9: {  	v33 =	vld.idx.msk [tilespmem:v36+s12+$0x0], $0xffff  }
0x4ba: {  	v34 =	vor.u32 v25, v32  }
0x4bb: {  	v36 =	vor.u32 v26, v35;
	_ =	sdelay $0x3  }
0x4bc: {  	[tilespmem:v34+s17+$0x0] =	vst.idx.msk $0xffff, v33  }
0x4bd: {  	v33 =	vld.idx.msk [tilespmem:v36+s12+$0x0], $0xffff  }
0x4be: {  	v34 =	vor.u32 v27, v32  }
0x4bf: {  	v36 =	vor.u32 v28, v35;
	_ =	sdelay $0x3  }
0x4c0: {  	[tilespmem:v34+s17+$0x0] =	vst.idx.msk $0xffff, v33  }
0x4c1: {  	v33 =	vld.idx.msk [tilespmem:v36+s12+$0x0], $0xffff  }
0x4c2: {  	v34 =	vor.u32 v29, v32  }
0x4c3: {  	v35 =	vor.u32 v30, v35;
	_ =	sdelay $0x3  }
0x4c4: {  	[tilespmem:v34+s17+$0x0] =	vst.idx.msk $0xffff, v33  }
0x4c5: {  	v34 =	vadd.s32 s23, v0;
	s23 =	smov.u32 s24;
	v33 =	vld.idx.msk [tilespmem:v35+s12+$0x0], $0xffff  }
0x4c6: {  	v32 =	vor.u32 v31, v32;
	v35 =	vand.u32 $0x3F, v34  }
0x4c7: {  	v36 =	vor.u32 v14, v35;
	_ =	sdelay $0x3  }
0x4c8: {  	[tilespmem:v32+s17+$0x0] =	vst.idx.msk $0xffff, v33;
	v32 =	vshll.u32 v34, $0x7  }
0x4c9: {  	v33 =	vld.idx.msk [tilespmem:v36+s12+$0x0], $0xffff;
	v32 =	vand.u32 $0x1F80, v32  }
0x4ca: {  	v34 =	vor.u32 v0, v32  }
0x4cb: {  	v36 =	vor.u32 v18, v35;
	_ =	sdelay $0x3  }
0x4cc: {  	[tilespmem:v34+s17+$0x0] =	vst.idx.msk $0xffff, v33  }
0x4cd: {  	v33 =	vld.idx.msk [tilespmem:v36+s12+$0x0], $0xffff  }
0x4ce: {  	v34 =	vor.u32 v19, v32  }
0x4cf: {  	v36 =	vor.u32 v20, v35;
	_ =	sdelay $0x3  }
0x4d0: {  	[tilespmem:v34+s17+$0x0] =	vst.idx.msk $0xffff, v33  }
0x4d1: {  	v33 =	vld.idx.msk [tilespmem:v36+s12+$0x0], $0xffff  }
0x4d2: {  	v34 =	vor.u32 v21, v32  }
0x4d3: {  	v36 =	vor.u32 v22, v35;
	_ =	sdelay $0x3  }
0x4d4: {  	[tilespmem:v34+s17+$0x0] =	vst.idx.msk $0xffff, v33  }
0x4d5: {  	v33 =	vld.idx.msk [tilespmem:v36+s12+$0x0], $0xffff  }
0x4d6: {  	v34 =	vor.u32 v23, v32  }
0x4d7: {  	v36 =	vor.u32 v24, v35;
	_ =	sdelay $0x3  }
0x4d8: {  	[tilespmem:v34+s17+$0x0] =	vst.idx.msk $0xffff, v33  }
0x4d9: {  	v33 =	vld.idx.msk [tilespmem:v36+s12+$0x0], $0xffff  }
0x4da: {  	v34 =	vor.u32 v25, v32  }
0x4db: {  	v36 =	vor.u32 v26, v35;
	_ =	sdelay $0x3  }
0x4dc: {  	[tilespmem:v34+s17+$0x0] =	vst.idx.msk $0xffff, v33  }
0x4dd: {  	v33 =	vld.idx.msk [tilespmem:v36+s12+$0x0], $0xffff  }
0x4de: {  	v34 =	vor.u32 v27, v32  }
0x4df: {  	v36 =	vor.u32 v28, v35;
	_ =	sdelay $0x3  }
0x4e0: {  	[tilespmem:v34+s17+$0x0] =	vst.idx.msk $0xffff, v33  }
0x4e1: {  	v34 =	vld.idx.msk [tilespmem:v36+s12+$0x0], $0xffff  }
0x4e2: {  	v36 =	vor.u32 v29, v32  }
.Ltmp1:
0x4e3: {  	v33 =	vor.u32 v30, v35;
	(pc) =	sbr.rel @p0 .LBB2_5-.Ltmp1, $2  }
0x4e4: {  	_ =	sdelay $0x2  }
0x4e5: {  	s24 =	sadd.s32 $0x8, s24;
	s25 =	sadd.s32 $0xFFFFFFF9, s23;
	[tilespmem:v36+s17+$0x0] =	vst.idx.msk $0xffff, v34  }
0x4e6: {  	_ =	sdelay $0x2  }
0x4e7: {  	v34 =	vadd.s32 s25, v0  }
0x4e8: {  	v33 =	vld.idx.msk [tilespmem:v33+s12+$0x0], $0xffff;
	v32 =	vor.u32 v31, v32;
	v35 =	vand.u32 $0x38, v34  }
0x4e9: {  	v36 =	vor.u32 v1, v35;
	_ =	sdelay $0x2  }
0x4ea: {  	v34 =	vshll.u32 v34, $0x7  }
0x4eb: {  	v46 =	vand.u32 $0x1C00, v34;
	[tilespmem:v32+s17+$0x0] =	vst.idx.msk $0xffff, v33  }
0x4ec: {  	v34 =	vor.u32 v2, v46;
	v33 =	vld.idx.msk [tilespmem:v36+s12+$0x0], $0xffff  }
0x4ed: {  	v47 =	vor.u32 v3, v35;
	_ =	sdelay $0x3  }
0x4ee: {  	[tilespmem:v34+s17+$0x0] =	vst.idx.msk $0xffff, v33  }
0x4ef: {  	v48 =	vor.u32 v4, v46;
	v33 =	vld.idx.msk [tilespmem:v47+s12+$0x0], $0xffff  }
0x4f0: {  	v49 =	vor.u32 v5, v35;
	_ =	sdelay $0x3  }
0x4f1: {  	[tilespmem:v48+s17+$0x0] =	vst.idx.msk $0xffff, v33  }
0x4f2: {  	v50 =	vor.u32 v6, v46;
	v33 =	vld.idx.msk [tilespmem:v49+s12+$0x0], $0xffff  }
0x4f3: {  	v51 =	vor.u32 v7, v35;
	_ =	sdelay $0x3  }
0x4f4: {  	[tilespmem:v50+s17+$0x0] =	vst.idx.msk $0xffff, v33  }
0x4f5: {  	v52 =	vor.u32 v8, v46;
	v33 =	vld.idx.msk [tilespmem:v51+s12+$0x0], $0xffff  }
0x4f6: {  	v53 =	vor.u32 v9, v35;
	_ =	sdelay $0x3  }
0x4f7: {  	[tilespmem:v52+s17+$0x0] =	vst.idx.msk $0xffff, v33  }
0x4f8: {  	v54 =	vor.u32 v10, v46;
	v33 =	vld.idx.msk [tilespmem:v53+s12+$0x0], $0xffff  }
0x4f9: {  	v55 =	vor.u32 v11, v35;
	_ =	sdelay $0x3  }
0x4fa: {  	[tilespmem:v54+s17+$0x0] =	vst.idx.msk $0xffff, v33  }
0x4fb: {  	v56 =	vor.u32 v12, v46;
	v33 =	vld.idx.msk [tilespmem:v55+s12+$0x0], $0xffff  }
0x4fc: {  	v57 =	vor.u32 v13, v35;
	_ =	sdelay $0x3  }
0x4fd: {  	[tilespmem:v56+s17+$0x0] =	vst.idx.msk $0xffff, v33  }
0x4fe: {  	v58 =	vor.u32 v15, v46;
	v33 =	vld.idx.msk [tilespmem:v57+s12+$0x0], $0xffff  }
0x4ff: {  	v35 =	vor.u32 v16, v35;
	_ =	sdelay $0x2  }
0x500: {  	s24 =	sadd.s32 $0xFFFFFFFA, s23  }
0x501: {  	v59 =	vadd.s32 s24, v0;
	[tilespmem:v58+s17+$0x0] =	vst.idx.msk $0xffff, v33  }
0x502: {  	v60 =	vand.u32 $0x3F, v59;
	v32 =	vor.u32 v17, v46;
	v34 =	vld.idx.msk [tilespmem:v35+s12+$0x0], $0xffff  }
0x503: {  	v61 =	vor.u32 v14, v60;
	_ =	sdelay $0x2  }
0x504: {  	v33 =	vshll.u32 v59, $0x7  }
0x505: {  	v62 =	vand.u32 $0x1F80, v33;
	[tilespmem:v32+s17+$0x0] =	vst.idx.msk $0xffff, v34  }
0x506: {  	v40 =	vor.u32 v0, v62;
	v63 =	vld.idx.msk [tilespmem:v61+s12+$0x0], $0xffff  }
0x507: {  	v41 =	vor.u32 v18, v60;
	_ =	sdelay $0x3  }
0x508: {  	[tilespmem:v40+s17+$0x0] =	vst.idx.msk $0xffff, v63  }
0x509: {  	v42 =	vor.u32 v19, v62;
	v33 =	vld.idx.msk [tilespmem:v41+s12+$0x0], $0xffff  }
0x50a: {  	v43 =	vor.u32 v20, v60;
	_ =	sdelay $0x3  }
0x50b: {  	[tilespmem:v42+s17+$0x0] =	vst.idx.msk $0xffff, v33  }
0x50c: {  	v44 =	vor.u32 v21, v62;
	v33 =	vld.idx.msk [tilespmem:v43+s12+$0x0], $0xffff  }
0x50d: {  	v45 =	vor.u32 v22, v60;
	_ =	sdelay $0x3  }
0x50e: {  	[tilespmem:v44+s17+$0x0] =	vst.idx.msk $0xffff, v33  }
0x50f: {  	v46 =	vor.u32 v23, v62;
	v33 =	vld.idx.msk [tilespmem:v45+s12+$0x0], $0xffff  }
0x510: {  	v47 =	vor.u32 v24, v60;
	_ =	sdelay $0x3  }
0x511: {  	[tilespmem:v46+s17+$0x0] =	vst.idx.msk $0xffff, v33  }
0x512: {  	v48 =	vor.u32 v25, v62;
	v33 =	vld.idx.msk [tilespmem:v47+s12+$0x0], $0xffff  }
0x513: {  	v49 =	vor.u32 v26, v60;
	_ =	sdelay $0x3  }
0x514: {  	[tilespmem:v48+s17+$0x0] =	vst.idx.msk $0xffff, v33  }
0x515: {  	v50 =	vor.u32 v27, v62;
	v33 =	vld.idx.msk [tilespmem:v49+s12+$0x0], $0xffff  }
0x516: {  	v51 =	vor.u32 v28, v60;
	_ =	sdelay $0x3  }
0x517: {  	[tilespmem:v50+s17+$0x0] =	vst.idx.msk $0xffff, v33  }
0x518: {  	v52 =	vor.u32 v29, v62;
	v33 =	vld.idx.msk [tilespmem:v51+s12+$0x0], $0xffff  }
0x519: {  	v35 =	vor.u32 v30, v60;
	_ =	sdelay $0x2  }
0x51a: {  	s31 =	sadd.s32 $0xFFFFFFFB, s23  }
0x51b: {  	v53 =	vadd.s32 s31, v0;
	[tilespmem:v52+s17+$0x0] =	vst.idx.msk $0xffff, v33  }
0x51c: {  	v54 =	vand.u32 $0x3F, v53;
	v32 =	vor.u32 v31, v62;
	v34 =	vld.idx.msk [tilespmem:v35+s12+$0x0], $0xffff  }
0x51d: {  	v55 =	vor.u32 v14, v54;
	_ =	sdelay $0x2  }
0x51e: {  	v33 =	vshll.u32 v53, $0x7  }
0x51f: {  	v56 =	vand.u32 $0x1F80, v33;
	[tilespmem:v32+s17+$0x0] =	vst.idx.msk $0xffff, v34  }
0x520: {  	v58 =	vor.u32 v0, v56;
	v57 =	vld.idx.msk [tilespmem:v55+s12+$0x0], $0xffff  }
0x521: {  	v59 =	vor.u32 v18, v54;
	_ =	sdelay $0x3  }
0x522: {  	[tilespmem:v58+s17+$0x0] =	vst.idx.msk $0xffff, v57  }
0x523: {  	v60 =	vor.u32 v19, v56;
	v33 =	vld.idx.msk [tilespmem:v59+s12+$0x0], $0xffff  }
0x524: {  	v61 =	vor.u32 v20, v54;
	_ =	sdelay $0x3  }
0x525: {  	[tilespmem:v60+s17+$0x0] =	vst.idx.msk $0xffff, v33  }
0x526: {  	v62 =	vor.u32 v21, v56;
	v33 =	vld.idx.msk [tilespmem:v61+s12+$0x0], $0xffff  }
0x527: {  	v63 =	vor.u32 v22, v54;
	_ =	sdelay $0x3  }
0x528: {  	[tilespmem:v62+s17+$0x0] =	vst.idx.msk $0xffff, v33  }
0x529: {  	v40 =	vor.u32 v23, v56;
	v33 =	vld.idx.msk [tilespmem:v63+s12+$0x0], $0xffff  }
0x52a: {  	v41 =	vor.u32 v24, v54;
	_ =	sdelay $0x3  }
0x52b: {  	[tilespmem:v40+s17+$0x0] =	vst.idx.msk $0xffff, v33  }
0x52c: {  	v42 =	vor.u32 v25, v56;
	v33 =	vld.idx.msk [tilespmem:v41+s12+$0x0], $0xffff  }
0x52d: {  	v43 =	vor.u32 v26, v54;
	_ =	sdelay $0x3  }
0x52e: {  	[tilespmem:v42+s17+$0x0] =	vst.idx.msk $0xffff, v33  }
0x52f: {  	v44 =	vor.u32 v27, v56;
	v33 =	vld.idx.msk [tilespmem:v43+s12+$0x0], $0xffff  }
0x530: {  	v45 =	vor.u32 v28, v54;
	_ =	sdelay $0x3  }
0x531: {  	[tilespmem:v44+s17+$0x0] =	vst.idx.msk $0xffff, v33  }
0x532: {  	v46 =	vor.u32 v29, v56;
	v33 =	vld.idx.msk [tilespmem:v45+s12+$0x0], $0xffff  }
0x533: {  	v35 =	vor.u32 v30, v54;
	_ =	sdelay $0x2  }
0x534: {  	s25 =	sadd.s32 $0xFFFFFFFC, s23  }
0x535: {  	v47 =	vadd.s32 s25, v0;
	[tilespmem:v46+s17+$0x0] =	vst.idx.msk $0xffff, v33  }
0x536: {  	v48 =	vand.u32 $0x3F, v47;
	v32 =	vor.u32 v31, v56;
	v34 =	vld.idx.msk [tilespmem:v35+s12+$0x0], $0xffff  }
0x537: {  	v49 =	vor.u32 v14, v48;
	_ =	sdelay $0x2  }
0x538: {  	v33 =	vshll.u32 v47, $0x7  }
0x539: {  	v50 =	vand.u32 $0x1F80, v33;
	[tilespmem:v32+s17+$0x0] =	vst.idx.msk $0xffff, v34  }
0x53a: {  	v52 =	vor.u32 v0, v50;
	v51 =	vld.idx.msk [tilespmem:v49+s12+$0x0], $0xffff  }
0x53b: {  	v53 =	vor.u32 v18, v48;
	_ =	sdelay $0x3  }
0x53c: {  	[tilespmem:v52+s17+$0x0] =	vst.idx.msk $0xffff, v51  }
0x53d: {  	v54 =	vor.u32 v19, v50;
	v33 =	vld.idx.msk [tilespmem:v53+s12+$0x0], $0xffff  }
0x53e: {  	v55 =	vor.u32 v20, v48;
	_ =	sdelay $0x3  }
0x53f: {  	[tilespmem:v54+s17+$0x0] =	vst.idx.msk $0xffff, v33  }
0x540: {  	v56 =	vor.u32 v21, v50;
	v33 =	vld.idx.msk [tilespmem:v55+s12+$0x0], $0xffff  }
0x541: {  	v57 =	vor.u32 v22, v48;
	_ =	sdelay $0x3  }
0x542: {  	[tilespmem:v56+s17+$0x0] =	vst.idx.msk $0xffff, v33  }
0x543: {  	v58 =	vor.u32 v23, v50;
	v33 =	vld.idx.msk [tilespmem:v57+s12+$0x0], $0xffff  }
0x544: {  	v59 =	vor.u32 v24, v48;
	_ =	sdelay $0x3  }
0x545: {  	[tilespmem:v58+s17+$0x0] =	vst.idx.msk $0xffff, v33  }
0x546: {  	v60 =	vor.u32 v25, v50;
	v33 =	vld.idx.msk [tilespmem:v59+s12+$0x0], $0xffff  }
0x547: {  	v61 =	vor.u32 v26, v48;
	_ =	sdelay $0x3  }
0x548: {  	[tilespmem:v60+s17+$0x0] =	vst.idx.msk $0xffff, v33  }
0x549: {  	v62 =	vor.u32 v27, v50;
	v33 =	vld.idx.msk [tilespmem:v61+s12+$0x0], $0xffff  }
0x54a: {  	v63 =	vor.u32 v28, v48;
	_ =	sdelay $0x3  }
0x54b: {  	[tilespmem:v62+s17+$0x0] =	vst.idx.msk $0xffff, v33  }
0x54c: {  	v39 =	vor.u32 v29, v50;
	v33 =	vld.idx.msk [tilespmem:v63+s12+$0x0], $0xffff  }
0x54d: {  	v35 =	vor.u32 v30, v48;
	_ =	sdelay $0x2  }
0x54e: {  	s26 =	sadd.s32 $0xFFFFFFFD, s23  }
0x54f: {  	v40 =	vadd.s32 s26, v0;
	[tilespmem:v39+s17+$0x0] =	vst.idx.msk $0xffff, v33  }
0x550: {  	v41 =	vand.u32 $0x3F, v40;
	v32 =	vor.u32 v31, v50;
	v34 =	vld.idx.msk [tilespmem:v35+s12+$0x0], $0xffff  }
0x551: {  	v42 =	vor.u32 v14, v41;
	_ =	sdelay $0x2  }
0x552: {  	v33 =	vshll.u32 v40, $0x7  }
0x553: {  	v43 =	vand.u32 $0x1F80, v33;
	[tilespmem:v32+s17+$0x0] =	vst.idx.msk $0xffff, v34  }
0x554: {  	v45 =	vor.u32 v0, v43;
	v44 =	vld.idx.msk [tilespmem:v42+s12+$0x0], $0xffff  }
0x555: {  	v46 =	vor.u32 v18, v41;
	_ =	sdelay $0x3  }
0x556: {  	[tilespmem:v45+s17+$0x0] =	vst.idx.msk $0xffff, v44  }
0x557: {  	v47 =	vor.u32 v19, v43;
	v33 =	vld.idx.msk [tilespmem:v46+s12+$0x0], $0xffff  }
0x558: {  	v48 =	vor.u32 v20, v41;
	_ =	sdelay $0x3  }
0x559: {  	[tilespmem:v47+s17+$0x0] =	vst.idx.msk $0xffff, v33  }
0x55a: {  	v49 =	vor.u32 v21, v43;
	v33 =	vld.idx.msk [tilespmem:v48+s12+$0x0], $0xffff  }
0x55b: {  	v50 =	vor.u32 v22, v41;
	_ =	sdelay $0x3  }
0x55c: {  	[tilespmem:v49+s17+$0x0] =	vst.idx.msk $0xffff, v33  }
0x55d: {  	v51 =	vor.u32 v23, v43;
	v33 =	vld.idx.msk [tilespmem:v50+s12+$0x0], $0xffff  }
0x55e: {  	v52 =	vor.u32 v24, v41;
	_ =	sdelay $0x3  }
0x55f: {  	[tilespmem:v51+s17+$0x0] =	vst.idx.msk $0xffff, v33  }
0x560: {  	v53 =	vor.u32 v25, v43;
	v33 =	vld.idx.msk [tilespmem:v52+s12+$0x0], $0xffff  }
0x561: {  	v54 =	vor.u32 v26, v41;
	_ =	sdelay $0x3  }
0x562: {  	[tilespmem:v53+s17+$0x0] =	vst.idx.msk $0xffff, v33  }
0x563: {  	v55 =	vor.u32 v27, v43;
	v33 =	vld.idx.msk [tilespmem:v54+s12+$0x0], $0xffff  }
0x564: {  	v56 =	vor.u32 v28, v41;
	_ =	sdelay $0x3  }
0x565: {  	[tilespmem:v55+s17+$0x0] =	vst.idx.msk $0xffff, v33  }
0x566: {  	v57 =	vor.u32 v29, v43;
	v33 =	vld.idx.msk [tilespmem:v56+s12+$0x0], $0xffff  }
0x567: {  	v35 =	vor.u32 v30, v41;
	_ =	sdelay $0x2  }
0x568: {  	s28 =	sadd.s32 $0xFFFFFFFE, s23  }
0x569: {  	v58 =	vadd.s32 s28, v0;
	[tilespmem:v57+s17+$0x0] =	vst.idx.msk $0xffff, v33  }
0x56a: {  	v59 =	vand.u32 $0x3F, v58;
	v32 =	vor.u32 v31, v43;
	v34 =	vld.idx.msk [tilespmem:v35+s12+$0x0], $0xffff  }
0x56b: {  	v60 =	vor.u32 v14, v59;
	_ =	sdelay $0x2  }
0x56c: {  	v33 =	vshll.u32 v58, $0x7  }
0x56d: {  	v61 =	vand.u32 $0x1F80, v33;
	[tilespmem:v32+s17+$0x0] =	vst.idx.msk $0xffff, v34  }
0x56e: {  	v63 =	vor.u32 v0, v61;
	v62 =	vld.idx.msk [tilespmem:v60+s12+$0x0], $0xffff  }
0x56f: {  	v40 =	vor.u32 v18, v59;
	_ =	sdelay $0x3  }
0x570: {  	[tilespmem:v63+s17+$0x0] =	vst.idx.msk $0xffff, v62  }
0x571: {  	v41 =	vor.u32 v19, v61;
	v33 =	vld.idx.msk [tilespmem:v40+s12+$0x0], $0xffff  }
0x572: {  	v42 =	vor.u32 v20, v59;
	_ =	sdelay $0x3  }
0x573: {  	[tilespmem:v41+s17+$0x0] =	vst.idx.msk $0xffff, v33  }
0x574: {  	v43 =	vor.u32 v21, v61;
	v33 =	vld.idx.msk [tilespmem:v42+s12+$0x0], $0xffff  }
0x575: {  	v44 =	vor.u32 v22, v59;
	_ =	sdelay $0x3  }
0x576: {  	[tilespmem:v43+s17+$0x0] =	vst.idx.msk $0xffff, v33  }
0x577: {  	v45 =	vor.u32 v23, v61;
	v33 =	vld.idx.msk [tilespmem:v44+s12+$0x0], $0xffff  }
0x578: {  	v46 =	vor.u32 v24, v59;
	_ =	sdelay $0x3  }
0x579: {  	[tilespmem:v45+s17+$0x0] =	vst.idx.msk $0xffff, v33  }
0x57a: {  	v47 =	vor.u32 v25, v61;
	v33 =	vld.idx.msk [tilespmem:v46+s12+$0x0], $0xffff  }
0x57b: {  	v48 =	vor.u32 v26, v59;
	_ =	sdelay $0x3  }
0x57c: {  	[tilespmem:v47+s17+$0x0] =	vst.idx.msk $0xffff, v33  }
0x57d: {  	v49 =	vor.u32 v27, v61;
	v33 =	vld.idx.msk [tilespmem:v48+s12+$0x0], $0xffff  }
0x57e: {  	v50 =	vor.u32 v28, v59;
	_ =	sdelay $0x3  }
0x57f: {  	[tilespmem:v49+s17+$0x0] =	vst.idx.msk $0xffff, v33  }
0x580: {  	v51 =	vor.u32 v29, v61;
	v33 =	vld.idx.msk [tilespmem:v50+s12+$0x0], $0xffff  }
0x581: {  	v35 =	vor.u32 v30, v59;
	_ =	sdelay $0x2  }
0x582: {  	s29 =	sadd.s32 $0xFFFFFFFF, s23  }
0x583: {  	v52 =	vadd.s32 s29, v0;
	[tilespmem:v51+s17+$0x0] =	vst.idx.msk $0xffff, v33  }
0x584: {  	v53 =	vand.u32 $0x3F, v52;
	v32 =	vor.u32 v31, v61;
	v34 =	vld.idx.msk [tilespmem:v35+s12+$0x0], $0xffff  }
0x585: {  	v54 =	vor.u32 v14, v53;
	_ =	sdelay $0x2  }
0x586: {  	v33 =	vshll.u32 v52, $0x7  }
0x587: {  	v55 =	vand.u32 $0x1F80, v33;
	[tilespmem:v32+s17+$0x0] =	vst.idx.msk $0xffff, v34  }
0x588: {  	v57 =	vor.u32 v0, v55;
	v56 =	vld.idx.msk [tilespmem:v54+s12+$0x0], $0xffff  }
0x589: {  	v58 =	vor.u32 v18, v53;
	_ =	sdelay $0x3  }
0x58a: {  	[tilespmem:v57+s17+$0x0] =	vst.idx.msk $0xffff, v56  }
0x58b: {  	v59 =	vor.u32 v19, v55;
	v33 =	vld.idx.msk [tilespmem:v58+s12+$0x0], $0xffff  }
0x58c: {  	v60 =	vor.u32 v20, v53;
	_ =	sdelay $0x3  }
0x58d: {  	[tilespmem:v59+s17+$0x0] =	vst.idx.msk $0xffff, v33  }
0x58e: {  	v61 =	vor.u32 v21, v55;
	v33 =	vld.idx.msk [tilespmem:v60+s12+$0x0], $0xffff  }
0x58f: {  	v62 =	vor.u32 v22, v53;
	_ =	sdelay $0x3  }
0x590: {  	[tilespmem:v61+s17+$0x0] =	vst.idx.msk $0xffff, v33  }
0x591: {  	v63 =	vor.u32 v23, v55;
	v33 =	vld.idx.msk [tilespmem:v62+s12+$0x0], $0xffff  }
0x592: {  	v40 =	vor.u32 v24, v53;
	_ =	sdelay $0x3  }
0x593: {  	[tilespmem:v63+s17+$0x0] =	vst.idx.msk $0xffff, v33  }
0x594: {  	v41 =	vor.u32 v25, v55;
	v33 =	vld.idx.msk [tilespmem:v40+s12+$0x0], $0xffff  }
0x595: {  	v42 =	vor.u32 v26, v53;
	_ =	sdelay $0x3  }
0x596: {  	[tilespmem:v41+s17+$0x0] =	vst.idx.msk $0xffff, v33  }
0x597: {  	v43 =	vor.u32 v27, v55;
	v33 =	vld.idx.msk [tilespmem:v42+s12+$0x0], $0xffff  }
0x598: {  	v44 =	vor.u32 v28, v53;
	_ =	sdelay $0x3  }
0x599: {  	[tilespmem:v43+s17+$0x0] =	vst.idx.msk $0xffff, v33  }
0x59a: {  	v45 =	vor.u32 v29, v55;
	v33 =	vld.idx.msk [tilespmem:v44+s12+$0x0], $0xffff  }
0x59b: {  	v35 =	vor.u32 v30, v53;
	_ =	sdelay $0x3  }
0x59c: {  	v46 =	vadd.s32 s23, v0;
	[tilespmem:v45+s17+$0x0] =	vst.idx.msk $0xffff, v33  }
0x59d: {  	v47 =	vand.u32 $0x3F, v46;
	v32 =	vor.u32 v31, v55;
	v34 =	vld.idx.msk [tilespmem:v35+s12+$0x0], $0xffff  }
0x59e: {  	v48 =	vor.u32 v14, v47;
	_ =	sdelay $0x2  }
0x59f: {  	v33 =	vshll.u32 v46, $0x7  }
0x5a0: {  	v49 =	vand.u32 $0x1F80, v33;
	[tilespmem:v32+s17+$0x0] =	vst.idx.msk $0xffff, v34  }
0x5a1: {  	v51 =	vor.u32 v0, v49;
	v50 =	vld.idx.msk [tilespmem:v48+s12+$0x0], $0xffff  }
0x5a2: {  	v52 =	vor.u32 v18, v47;
	_ =	sdelay $0x3  }
0x5a3: {  	[tilespmem:v51+s17+$0x0] =	vst.idx.msk $0xffff, v50  }
0x5a4: {  	v53 =	vor.u32 v19, v49;
	v33 =	vld.idx.msk [tilespmem:v52+s12+$0x0], $0xffff  }
0x5a5: {  	v54 =	vor.u32 v20, v47;
	_ =	sdelay $0x3  }
0x5a6: {  	[tilespmem:v53+s17+$0x0] =	vst.idx.msk $0xffff, v33  }
0x5a7: {  	v55 =	vor.u32 v21, v49;
	v33 =	vld.idx.msk [tilespmem:v54+s12+$0x0], $0xffff  }
0x5a8: {  	v56 =	vor.u32 v22, v47;
	_ =	sdelay $0x3  }
0x5a9: {  	[tilespmem:v55+s17+$0x0] =	vst.idx.msk $0xffff, v33  }
0x5aa: {  	v57 =	vor.u32 v23, v49;
	v33 =	vld.idx.msk [tilespmem:v56+s12+$0x0], $0xffff  }
0x5ab: {  	v58 =	vor.u32 v24, v47;
	_ =	sdelay $0x3  }
0x5ac: {  	[tilespmem:v57+s17+$0x0] =	vst.idx.msk $0xffff, v33  }
0x5ad: {  	v59 =	vor.u32 v25, v49;
	v33 =	vld.idx.msk [tilespmem:v58+s12+$0x0], $0xffff  }
0x5ae: {  	v60 =	vor.u32 v26, v47;
	_ =	sdelay $0x3  }
0x5af: {  	[tilespmem:v59+s17+$0x0] =	vst.idx.msk $0xffff, v33  }
0x5b0: {  	v61 =	vor.u32 v27, v49;
	v33 =	vld.idx.msk [tilespmem:v60+s12+$0x0], $0xffff  }
0x5b1: {  	v62 =	vor.u32 v28, v47;
	_ =	sdelay $0x3  }
0x5b2: {  	[tilespmem:v61+s17+$0x0] =	vst.idx.msk $0xffff, v33  }
0x5b3: {  	v63 =	vor.u32 v29, v49;
	v33 =	vld.idx.msk [tilespmem:v62+s12+$0x0], $0xffff  }
0x5b4: {  	v35 =	vor.u32 v30, v47;
	_ =	sdelay $0x3  }
0x5b5: {  	s22 =	sadd.s32 s5, s22;
	[tilespmem:v63+s17+$0x0] =	vst.idx.msk $0xffff, v33  }
0x5b6: {  	s21 =	sadd.s32 $0x1, s21;
	s30 =	sshrl.u32 s22, $0x7;
	v32 =	vor.u32 v31, v49;
	v33 =	vld.idx.msk [tilespmem:v35+s12+$0x0], $0xffff  }
0x5b7: {  	s22 =	sshll.u32 s22, $0xA;
	p0 =	sne.s32 s21, $0x64;
	s31 =	sshll.u32 s30, $0x11  }
.Ltmp2:
0x5b8: {  	s22 =	ssub.s32 s22, s31;
	s23 =	sshll.u32 s30, $0x14;
	(pc) =	sbr.rel @p0 .LBB2_2-.Ltmp2, $4  }
0x5b9: {  	s22 =	sadd.s32 s23, s22  }
0x5ba: {  	s22 =	sshrl.u32 s22, $0x3  }
0x5bb: {  	s22 =	sadd.s32 s2, s22;
	[tilespmem:v32+s17+$0x0] =	vst.idx.msk $0xffff, v33  }
0x5bc: {  	[hbm4b:s22+s14] =	stream.strided.scatter [tilespmem:s17], [sflag:$0x4], $0x2000, s15, s14, $0x38;
	[tilespmem:$0xE400] =	vst v63  }
0x5bd: {  	s20 =	sadd.s32 $0x1, s20  }
0x5be: {  	_ =	swait.ge [sflag:s18], $0x2000;
	p0 =	sne.s32 s20, s7  }
.Ltmp3:
0x5bf: {  	[sflag:s18] =	ssyncset.done $0x0;
	(pc) =	sbr.rel @p0 .LBB2_1-.Ltmp3, $4  }
0x5c0: {  	[sflag:s18] =	ssyncadd.s32 $0xFFFFE000  }
0x5c1: {  	_ =	swait.ge [sflag:s19], $0x2000  }
0x5c2: {  	[sflag:s19] =	ssyncset.done $0x0  }
0x5c3: {  	[sflag:s19] =	ssyncadd.s32 $0xFFFFE000  }
0x5c4: {  	_ =	sfence.sel $0x180000  }
0x5c5: {  	[bflag:$0x0] =	sbarrier.arrive $0xFFFF  }
0x5c6: {  	p0 =	sne.s32 s0, $0x0;
	_ =	strace $0x90000047  }
0x5c7: {  	s0 =	sadd.s32 @!p0 $0x100000, s1;
	[bflag:$0x2] =	sbarrier.arrive $0xFFFF  }
0x5c8: {  	[sflag:s0] =	ssyncadd.tile.s32 @!p0 $0x1;
	_ =	shalt  }
.Lfunc_end2:
_tile_overlayer_lowered:
.L_overlay_start_2:
0x5c9: {  	(tag) =	ssettag $0x2  }
0x5ca: {  	s0 =	rddreg [dreg:$0x0];
	s2 =	stileid.u32  }
0x5cb: {  	s1 =	rddreg [dreg:$0x1];
	p0 =	sne.s32 s2, $0x0  }
0x5cc: {  	s3 =	rddreg [dreg:$0x2];
	[bflag:$0x3] =	sbarrier.arrive $0xFFFF;
	s2 =	simm.s32 @!p0 $0x1C05  }
0x5cd: {  	[timem:s3], [sflag:s2] =	dma.local @!p0 [hbm:s0], s1  }
0x5ce: {  	s0 =	simm.s32 @!p0 $0x5  }
0x5cf: {  	_ =	swait.ge @!p0 [sflag:s0], s1  }
0x5d0: {  	s1 =	ssub.s32 @!p0 $0x0, s1;
	[sflag:s0] =	ssyncset.done @!p0 $0x0  }
0x5d1: {  	[sflag:s0] =	ssyncadd.s32 @!p0 s1  }
0x5d2: {  	[bflag:$0x3] =	sbarrier.arrive $0xFFFF  }
0x5d3: {  	_ =	shalt  }

</sc_bundles>
